<compile_context>
chip_gen: v7x
topology: tpu7x:2x2x1
jax: 0.10.2.dev20260603
libtpu: 0.0.44.dev20260713+nightly
codegen_flags: <defaults>
</compile_context>

<pallas_src>
import jax
import jax.numpy as jnp
from jax import lax
from jax.experimental import pallas as pl
from jax.experimental.pallas import tpu as pltpu
from jax.experimental.pallas import tpu_sc as plsc

N_LABELS = 1000
N_DEPTHS = 3
BATCH = 16384
NC = 2
NS = 16
NW = NC * NS
L = 16
CT = (N_LABELS + 7) // 8
BT = BATCH // 128
CT_PER_W = (CT + NW - 1) // NW
BTCH = 32
NBTC = BT // BTCH


def _make_body(nd):
    def body(*args):
        tabs = args[:nd]
        leaf_hbm = args[nd]
        outs = args[nd + 1 : 2 * nd + 1]
        leaf_v, slab_v, ob0, ob1, sem0, sem1 = args[2 * nd + 1 :]
        wid = lax.axis_index("s") * NC + lax.axis_index("c")
        pltpu.sync_copy(leaf_hbm, leaf_v)
        srv = [jnp.full((L,), s * N_LABELS, jnp.int32) for s in range(8)]
        obufs = (ob0, ob1)
        sems = (sem0, sem1)

        def fill(btc, obuf):
            @plsc.parallel_loop(0, BTCH, unroll=2)
            def _(btl):
                for j in range(128 // L):
                    leaf16 = leaf_v[pl.ds((btc * BTCH + btl) * 128 + j * L, L)]
                    vs = [
                        plsc.load_gather(slab_v, [srv[s] + leaf16])
                        for s in range(8)
                    ]
                    for s in range(8):
                        obuf[btl, s, pl.ds(j * L, L)] = vs[s]

        def pair(p, _):
            for kb in range(2):
                g = p * 2 + kb
                d = g // (CT_PER_W * NBTC)
                k = (g // NBTC) % CT_PER_W
                btc = g % NBTC
                ct = wid + k * NW

                @pl.when(ct < CT)
                def _():
                    @pl.when(g >= 2)
                    def _():
                        pltpu.make_async_copy(
                            obufs[kb], outs[0].at[0, pl.ds(0, BTCH)], sems[kb]
                        ).wait()

                    for dd in range(nd):
                        @pl.when(d == dd)
                        def _(dd=dd):
                            @pl.when(btc == 0)
                            def _():
                                pltpu.sync_copy(
                                    tabs[dd].at[
                                        pl.ds(ct * (8 * N_LABELS), 8 * N_LABELS)
                                    ],
                                    slab_v,
                                )

                    fill(btc, obufs[kb])
                    for dd in range(nd):
                        @pl.when(d == dd)
                        def _(dd=dd):
                            pltpu.async_copy(
                                obufs[kb],
                                outs[dd].at[ct, pl.ds(btc * BTCH, BTCH)],
                                sems[kb],
                            )
            return 0

        lax.fori_loop(0, nd * CT_PER_W * NBTC // 2, pair, 0)
        for kb in range(2):
            pltpu.make_async_copy(
                obufs[kb], outs[0].at[0, pl.ds(0, BTCH)], sems[kb]
            ).wait()

    return body


def _make_run(nd):
    mesh = plsc.VectorSubcoreMesh(
        core_axis_name="c", subcore_axis_name="s", num_cores=NC, num_subcores=NS
    )
    out_sds = jax.ShapeDtypeStruct((CT, BT, 8, 128), jnp.float32)
    return pl.kernel(
        _make_body(nd),
        out_type=(out_sds,) * nd,
        mesh=mesh,
        scratch_types=[
            pltpu.VMEM((BATCH,), jnp.int32),
            pltpu.VMEM((8 * N_LABELS,), jnp.float32),
            pltpu.VMEM((BTCH, 8, 128), jnp.float32),
            pltpu.VMEM((BTCH, 8, 128), jnp.float32),
            pltpu.SemaphoreType.DMA,
            pltpu.SemaphoreType.DMA,
        ],
        compiler_params=pltpu.CompilerParams(
            use_tc_tiling_on_sc=False, needs_layout_passes=False
        ),
    )


@jax.jit
def kernel(labels, adversaries):
    leaf = labels[:, -1].astype(jnp.int32)
    def tp(d):
        return jnp.transpose(adversaries[d]).reshape(N_LABELS * N_LABELS)

    oa, ob, oc = _make_run(N_DEPTHS)(tp(0), tp(1), tp(2), leaf)
    return tuple(
        o.transpose(1, 3, 0, 2).reshape(BATCH, N_LABELS) for o in (oa, ob, oc)
    )

# --- scband reference (transcript-rebuilt; emitter-appended) ---
"""Pipeline reference for scband-hierarchical-label-masking-75462575391169 (READ-ONLY COPY).

The authoritative reference and input builder live on the scoring server;
editing this copy changes nothing except your own understanding.
"""

import jax, jax.numpy as jnp
import numpy as np

N_LABELS = 1000
N_DEPTHS = 3
BATCH = 16384

def setup_inputs(seed: int = 0) -> dict:
    key = jax.random.key(seed)
    k1, k2 = jax.random.split(key)
    labels = jax.random.randint(k1, (BATCH, N_DEPTHS), 0, N_LABELS, dtype=jnp.int32).astype(jnp.int64)
    # adversaries: per-depth [n_labels, n_labels] mask matrices (constant parameter from __init__)
    adversaries = jax.random.uniform(k2, (N_DEPTHS, N_LABELS, N_LABELS), dtype=jnp.float32)
    return {"labels": labels, "adversaries": adversaries}

def reference(labels, adversaries):
    # Faithful translation of HierarchicalLabelMasking.call
    label_leaf = labels[:, -1]  # [B]
    n_depths = labels.shape[1]
    masks = []
    for depth in range(n_depths):
        # tf.gather_nd(adversaries, [[depth, leaf], ...]) == adversaries[depth, leaf]
        masks.append(jnp.take(adversaries[depth], label_leaf, axis=0))  # [B, n_labels]
    return tuple(masks)

if __name__ == "__main__":
    import jax
    _d = setup_inputs()
    print(jax.jit(kernel)(*tuple(_d.values())))

</pallas_src>

<mosaic_0001>
#map = affine_map<(d0, d1) -> (0)>
#map1 = affine_map<(d0, d1) -> (0, 0, 0, 0)>
module attributes {stable_mosaic.version = 14 : i64} {
  func.func @body(%arg0: i32, %arg1: i32, %arg2: memref<1000000xf32, #tpu.memory_space<hbm>>, %arg3: memref<1000000xf32, #tpu.memory_space<hbm>>, %arg4: memref<1000000xf32, #tpu.memory_space<hbm>>, %arg5: memref<16384xi32, #tpu.memory_space<hbm>>, %arg6: memref<125x128x8x128xf32, #tpu.memory_space<hbm>>, %arg7: memref<125x128x8x128xf32, #tpu.memory_space<hbm>>, %arg8: memref<125x128x8x128xf32, #tpu.memory_space<hbm>>, %arg9: memref<16384xi32, #tpu.memory_space<vmem>>, %arg10: memref<8000xf32, #tpu.memory_space<vmem>>, %arg11: memref<32x8x128xf32, #tpu.memory_space<vmem>>, %arg12: memref<32x8x128xf32, #tpu.memory_space<vmem>>, %arg13: memref<!tpu.dma_semaphore, #tpu.memory_space<semaphore_mem>>, %arg14: memref<!tpu.dma_semaphore, #tpu.memory_space<semaphore_mem>>) attributes {dimension_semantics = [#tpu.dimension_semantics<core_parallel>, #tpu.dimension_semantics<subcore_parallel>], iteration_bounds = array<i64: 2, 16>, scalar_prefetch = 0 : i64, scratch_operands = 6 : i64, tpu.core_type = #tpu.core_type<sc_vector_subcore>, window_params = [{transform_indices = #map}, {transform_indices = #map}, {transform_indices = #map}, {transform_indices = #map}, {transform_indices = #map1}, {transform_indices = #map1}, {transform_indices = #map1}]} {
    %mul3A = arith.constant 2 : i32
    %mul3A_0 = arith.muli %arg1, %mul3A : i32
    %add3A = arith.addi %mul3A_0, %arg0 : i32
    "tpu.region"() ({
      %run_scoped3A = tpu.sem_alloc : memref<!tpu.dma_semaphore, #tpu.memory_space<semaphore_mem>>
      tpu.enqueue_dma source(%arg5 : memref<16384xi32, #tpu.memory_space<hbm>>) target(%arg9 : memref<16384xi32, #tpu.memory_space<vmem>>) target_semaphore(%run_scoped3A : memref<!tpu.dma_semaphore, #tpu.memory_space<semaphore_mem>>)
      tpu.wait_dma2 semaphore(%run_scoped3A : memref<!tpu.dma_semaphore, #tpu.memory_space<semaphore_mem>>) src(%arg5 : memref<16384xi32, #tpu.memory_space<hbm>>) dst(%arg9 : memref<16384xi32, #tpu.memory_space<vmem>>)
      tpu.yield
    }) : () -> ()
    %broadcast_in_dim3A = arith.constant 0 : i32
    %broadcast_in_dim3A_1 = vector.broadcast %broadcast_in_dim3A : i32 to vector<16xi32>
    %broadcast_in_dim3A_2 = arith.constant 1000 : i32
    %broadcast_in_dim3A_3 = vector.broadcast %broadcast_in_dim3A_2 : i32 to vector<16xi32>
    %broadcast_in_dim3A_4 = arith.constant 2000 : i32
    %broadcast_in_dim3A_5 = vector.broadcast %broadcast_in_dim3A_4 : i32 to vector<16xi32>
    %broadcast_in_dim3A_6 = arith.constant 3000 : i32
    %broadcast_in_dim3A_7 = vector.broadcast %broadcast_in_dim3A_6 : i32 to vector<16xi32>
    %broadcast_in_dim3A_8 = arith.constant 4000 : i32
    %broadcast_in_dim3A_9 = vector.broadcast %broadcast_in_dim3A_8 : i32 to vector<16xi32>
    %broadcast_in_dim3A_10 = arith.constant 5000 : i32
    %broadcast_in_dim3A_11 = vector.broadcast %broadcast_in_dim3A_10 : i32 to vector<16xi32>
    %broadcast_in_dim3A_12 = arith.constant 6000 : i32
    %broadcast_in_dim3A_13 = vector.broadcast %broadcast_in_dim3A_12 : i32 to vector<16xi32>
    %broadcast_in_dim3A_14 = arith.constant 7000 : i32
    %broadcast_in_dim3A_15 = vector.broadcast %broadcast_in_dim3A_14 : i32 to vector<16xi32>
    %scan3A = arith.constant 0 : i32
    %scan3A_16 = arith.constant 0 : i32
    %scan3A_17 = arith.constant 24 : i32
    %scan3A_18 = arith.addi %scan3A_16, %scan3A_17 : i32
    %scan3A_19 = arith.constant 1 : i32
    %scan3A_20 = scf.for %scan3A_43 = %scan3A_16 to %scan3A_18 step %scan3A_19 iter_args(%scan3A_44 = %scan3A) -> (i32)  : i32 {
      %mul3A_45 = arith.constant 2 : i32
      %mul3A_46 = arith.muli %scan3A_43, %mul3A_45 : i32
      %add3A_47 = arith.constant 0 : i32
      %add3A_48 = arith.addi %mul3A_46, %add3A_47 : i32
      %jit3A = arith.constant 16 : i32
      %div3A = arith.divsi %add3A_48, %jit3A : i32
      %sign3A = arith.constant 0 : i32
      %sign3A_49 = arith.cmpi sgt, %add3A_48, %sign3A : i32
      %sign3A_50 = arith.extui %sign3A_49 : i1 to i32
      %sign3A_51 = arith.constant 0 : i32
      %sign3A_52 = arith.cmpi slt, %add3A_48, %sign3A_51 : i32
      %sign3A_53 = arith.extui %sign3A_52 : i1 to i32
      %sign3A_54 = arith.subi %sign3A_50, %sign3A_53 : i32
      %sign3A_55 = arith.constant 0 : i32
      %sign3A_56 = arith.cmpi sgt, %jit3A, %sign3A_55 : i32
      %sign3A_57 = arith.extui %sign3A_56 : i1 to i32
      %sign3A_58 = arith.constant 0 : i32
      %sign3A_59 = arith.cmpi slt, %jit3A, %sign3A_58 : i32
      %sign3A_60 = arith.extui %sign3A_59 : i1 to i32
      %sign3A_61 = arith.subi %sign3A_57, %sign3A_60 : i32
      %ne3A = arith.cmpi ne, %sign3A_54, %sign3A_61 : i32
      %rem3A = arith.remsi %add3A_48, %jit3A : i32
      %ne3A_62 = arith.constant 0 : i32
      %ne3A_63 = arith.cmpi ne, %rem3A, %ne3A_62 : i32
      %and3A = arith.andi %ne3A, %ne3A_63 : i1
      %sub3A = arith.constant 1 : i32
      %sub3A_64 = arith.subi %div3A, %sub3A : i32
      %select_n3A = arith.select %and3A, %sub3A_64, %div3A : i32
      %jit3A_65 = arith.constant 4 : i32
      %div3A_66 = arith.divsi %add3A_48, %jit3A_65 : i32
      %sign3A_67 = arith.constant 0 : i32
      %sign3A_68 = arith.cmpi sgt, %add3A_48, %sign3A_67 : i32
      %sign3A_69 = arith.extui %sign3A_68 : i1 to i32
      %sign3A_70 = arith.constant 0 : i32
      %sign3A_71 = arith.cmpi slt, %add3A_48, %sign3A_70 : i32
      %sign3A_72 = arith.extui %sign3A_71 : i1 to i32
      %sign3A_73 = arith.subi %sign3A_69, %sign3A_72 : i32
      %sign3A_74 = arith.constant 0 : i32
      %sign3A_75 = arith.cmpi sgt, %jit3A_65, %sign3A_74 : i32
      %sign3A_76 = arith.extui %sign3A_75 : i1 to i32
      %sign3A_77 = arith.constant 0 : i32
      %sign3A_78 = arith.cmpi slt, %jit3A_65, %sign3A_77 : i32
      %sign3A_79 = arith.extui %sign3A_78 : i1 to i32
      %sign3A_80 = arith.subi %sign3A_76, %sign3A_79 : i32
      %ne3A_81 = arith.cmpi ne, %sign3A_73, %sign3A_80 : i32
      %rem3A_82 = arith.remsi %add3A_48, %jit3A_65 : i32
      %ne3A_83 = arith.constant 0 : i32
      %ne3A_84 = arith.cmpi ne, %rem3A_82, %ne3A_83 : i32
      %and3A_85 = arith.andi %ne3A_81, %ne3A_84 : i1
      %sub3A_86 = arith.constant 1 : i32
      %sub3A_87 = arith.subi %div3A_66, %sub3A_86 : i32
      %select_n3A_88 = arith.select %and3A_85, %sub3A_87, %div3A_66 : i32
      %jit3A_89 = arith.constant 4 : i32
      %eq3A = arith.constant 0 : i32
      %eq3A_90 = arith.cmpi eq, %jit3A_89, %eq3A : i32
      %jit3A_91 = arith.constant 1 : i32
      %select_n3A_92 = arith.select %eq3A_90, %jit3A_91, %jit3A_89 : i32
      %rem3A_93 = arith.remsi %select_n3A_88, %select_n3A_92 : i32
      %ne3A_94 = arith.constant 0 : i32
      %ne3A_95 = arith.cmpi ne, %rem3A_93, %ne3A_94 : i32
      %lt3A = arith.constant 0 : i32
      %lt3A_96 = arith.cmpi slt, %rem3A_93, %lt3A : i32
      %lt3A_97 = arith.constant 0 : i32
      %lt3A_98 = arith.cmpi slt, %select_n3A_92, %lt3A_97 : i32
      %ne3A_99 = arith.xori %lt3A_96, %lt3A_98 : i1
      %and3A_100 = arith.andi %ne3A_99, %ne3A_95 : i1
      %add3A_101 = arith.addi %rem3A_93, %select_n3A_92 : i32
      %select_n3A_102 = arith.select %and3A_100, %add3A_101, %rem3A_93 : i32
      %jit3A_103 = arith.constant 4 : i32
      %eq3A_104 = arith.constant 0 : i32
      %eq3A_105 = arith.cmpi eq, %jit3A_103, %eq3A_104 : i32
      %jit3A_106 = arith.constant 1 : i32
      %select_n3A_107 = arith.select %eq3A_105, %jit3A_106, %jit3A_103 : i32
      %rem3A_108 = arith.remsi %add3A_48, %select_n3A_107 : i32
      %ne3A_109 = arith.constant 0 : i32
      %ne3A_110 = arith.cmpi ne, %rem3A_108, %ne3A_109 : i32
      %lt3A_111 = arith.constant 0 : i32
      %lt3A_112 = arith.cmpi slt, %rem3A_108, %lt3A_111 : i32
      %lt3A_113 = arith.constant 0 : i32
      %lt3A_114 = arith.cmpi slt, %select_n3A_107, %lt3A_113 : i32
      %ne3A_115 = arith.xori %lt3A_112, %lt3A_114 : i1
      %and3A_116 = arith.andi %ne3A_115, %ne3A_110 : i1
      %add3A_117 = arith.addi %rem3A_108, %select_n3A_107 : i32
      %select_n3A_118 = arith.select %and3A_116, %add3A_117, %rem3A_108 : i32
      %mul3A_119 = arith.constant 32 : i32
      %mul3A_120 = arith.muli %select_n3A_102, %mul3A_119 : i32
      %add3A_121 = arith.addi %add3A, %mul3A_120 : i32
      %lt3A_122 = arith.constant 125 : i32
      %lt3A_123 = arith.cmpi slt, %add3A_121, %lt3A_122 : i32
      %convert_element_type3A = arith.extui %lt3A_123 : i1 to i32
      %cond3A = arith.constant 0 : i32
      %cond3A_124 = arith.cmpi ne, %convert_element_type3A, %cond3A : i32
      scf.if %cond3A_124 {
        %ge3A = arith.constant 2 : i32
        %ge3A_218 = arith.cmpi sge, %add3A_48, %ge3A : i32
        %convert_element_type3A_219 = arith.extui %ge3A_218 : i1 to i32
        %cond3A_220 = arith.constant 0 : i32
        %cond3A_221 = arith.cmpi ne, %convert_element_type3A_219, %cond3A_220 : i32
        scf.if %cond3A_221 {
          %dma_wait3A_254 = arith.constant 0 : i32
          %dma_wait3A_255 = arith.constant 0 : i32
          %dma_wait3A_256 = arith.constant 0 : i32
          %dma_wait3A_257 = arith.constant 0 : i32
          %dma_wait3A_258 = tpu.memref_slice %arg6[%dma_wait3A_254, %dma_wait3A_255, %dma_wait3A_256, %dma_wait3A_257] : memref<125x128x8x128xf32, #tpu.memory_space<hbm>> -> memref<1x32x8x128xf32, #tpu.memory_space<hbm>>
          %dma_wait3A_259 = tpu.memref_squeeze %dma_wait3A_258 : memref<1x32x8x128xf32, #tpu.memory_space<hbm>> -> memref<32x8x128xf32, #tpu.memory_space<hbm>>
          %dma_wait3A_260 = arith.constant 0 : i32
          %dma_wait3A_261 = arith.constant 0 : i32
          %dma_wait3A_262 = arith.constant 0 : i32
          %dma_wait3A_263 = tpu.memref_slice %arg6[%dma_wait3A_254, %dma_wait3A_260, %dma_wait3A_261, %dma_wait3A_262] : memref<125x128x8x128xf32, #tpu.memory_space<hbm>> -> memref<1x32x8x128xf32, #tpu.memory_space<hbm>>
          %dma_wait3A_264 = tpu.memref_squeeze %dma_wait3A_263 : memref<1x32x8x128xf32, #tpu.memory_space<hbm>> -> memref<32x8x128xf32, #tpu.memory_space<hbm>>
          tpu.wait_dma2 semaphore(%arg13 : memref<!tpu.dma_semaphore, #tpu.memory_space<semaphore_mem>>) src(%arg11 : memref<32x8x128xf32, #tpu.memory_space<vmem>>) dst(%dma_wait3A_264 : memref<32x8x128xf32, #tpu.memory_space<hbm>>)
        } else {
        }
        %eq3A_222 = arith.constant 0 : i32
        %eq3A_223 = arith.cmpi eq, %select_n3A, %eq3A_222 : i32
        %convert_element_type3A_224 = arith.extui %eq3A_223 : i1 to i32
        %cond3A_225 = arith.constant 0 : i32
        %cond3A_226 = arith.cmpi ne, %convert_element_type3A_224, %cond3A_225 : i32
        scf.if %cond3A_226 {
          %eq3A_254 = arith.constant 0 : i32
          %eq3A_255 = arith.cmpi eq, %select_n3A_118, %eq3A_254 : i32
          %convert_element_type3A_256 = arith.extui %eq3A_255 : i1 to i32
          %cond3A_257 = arith.constant 0 : i32
          %cond3A_258 = arith.cmpi ne, %convert_element_type3A_256, %cond3A_257 : i32
          scf.if %cond3A_258 {
            %mul3A_259 = arith.constant 8000 : i32
            %mul3A_260 = arith.muli %add3A_121, %mul3A_259 : i32
            "tpu.region"() ({
              %run_scoped3A = tpu.sem_alloc : memref<!tpu.dma_semaphore, #tpu.memory_space<semaphore_mem>>
              %dma_start3A = tpu.memref_slice %arg2[%mul3A_260] : memref<1000000xf32, #tpu.memory_space<hbm>> -> memref<8000xf32, #tpu.memory_space<hbm>>
              %dma_start3A_261 = tpu.memref_slice %arg2[%mul3A_260] : memref<1000000xf32, #tpu.memory_space<hbm>> -> memref<8000xf32, #tpu.memory_space<hbm>>
              tpu.enqueue_dma source(%dma_start3A_261 : memref<8000xf32, #tpu.memory_space<hbm>>) target(%arg10 : memref<8000xf32, #tpu.memory_space<vmem>>) target_semaphore(%run_scoped3A : memref<!tpu.dma_semaphore, #tpu.memory_space<semaphore_mem>>)
              %dma_wait3A_262 = tpu.memref_slice %arg2[%mul3A_260] : memref<1000000xf32, #tpu.memory_space<hbm>> -> memref<8000xf32, #tpu.memory_space<hbm>>
              %dma_wait3A_263 = tpu.memref_slice %arg2[%mul3A_260] : memref<1000000xf32, #tpu.memory_space<hbm>> -> memref<8000xf32, #tpu.memory_space<hbm>>
              tpu.wait_dma2 semaphore(%run_scoped3A : memref<!tpu.dma_semaphore, #tpu.memory_space<semaphore_mem>>) src(%dma_wait3A_263 : memref<8000xf32, #tpu.memory_space<hbm>>) dst(%arg10 : memref<8000xf32, #tpu.memory_space<vmem>>)
              tpu.yield
            }) : () -> ()
          } else {
          }
        } else {
        }
        %eq3A_227 = arith.constant 1 : i32
        %eq3A_228 = arith.cmpi eq, %select_n3A, %eq3A_227 : i32
        %convert_element_type3A_229 = arith.extui %eq3A_228 : i1 to i32
        %cond3A_230 = arith.constant 0 : i32
        %cond3A_231 = arith.cmpi ne, %convert_element_type3A_229, %cond3A_230 : i32
        scf.if %cond3A_231 {
          %eq3A_254 = arith.constant 0 : i32
          %eq3A_255 = arith.cmpi eq, %select_n3A_118, %eq3A_254 : i32
          %convert_element_type3A_256 = arith.extui %eq3A_255 : i1 to i32
          %cond3A_257 = arith.constant 0 : i32
          %cond3A_258 = arith.cmpi ne, %convert_element_type3A_256, %cond3A_257 : i32
          scf.if %cond3A_258 {
            %mul3A_259 = arith.constant 8000 : i32
            %mul3A_260 = arith.muli %add3A_121, %mul3A_259 : i32
            "tpu.region"() ({
              %run_scoped3A = tpu.sem_alloc : memref<!tpu.dma_semaphore, #tpu.memory_space<semaphore_mem>>
              %dma_start3A = tpu.memref_slice %arg3[%mul3A_260] : memref<1000000xf32, #tpu.memory_space<hbm>> -> memref<8000xf32, #tpu.memory_space<hbm>>
              %dma_start3A_261 = tpu.memref_slice %arg3[%mul3A_260] : memref<1000000xf32, #tpu.memory_space<hbm>> -> memref<8000xf32, #tpu.memory_space<hbm>>
              tpu.enqueue_dma source(%dma_start3A_261 : memref<8000xf32, #tpu.memory_space<hbm>>) target(%arg10 : memref<8000xf32, #tpu.memory_space<vmem>>) target_semaphore(%run_scoped3A : memref<!tpu.dma_semaphore, #tpu.memory_space<semaphore_mem>>)
              %dma_wait3A_262 = tpu.memref_slice %arg3[%mul3A_260] : memref<1000000xf32, #tpu.memory_space<hbm>> -> memref<8000xf32, #tpu.memory_space<hbm>>
              %dma_wait3A_263 = tpu.memref_slice %arg3[%mul3A_260] : memref<1000000xf32, #tpu.memory_space<hbm>> -> memref<8000xf32, #tpu.memory_space<hbm>>
              tpu.wait_dma2 semaphore(%run_scoped3A : memref<!tpu.dma_semaphore, #tpu.memory_space<semaphore_mem>>) src(%dma_wait3A_263 : memref<8000xf32, #tpu.memory_space<hbm>>) dst(%arg10 : memref<8000xf32, #tpu.memory_space<vmem>>)
              tpu.yield
            }) : () -> ()
          } else {
          }
        } else {
        }
        %eq3A_232 = arith.constant 2 : i32
        %eq3A_233 = arith.cmpi eq, %select_n3A, %eq3A_232 : i32
        %convert_element_type3A_234 = arith.extui %eq3A_233 : i1 to i32
        %cond3A_235 = arith.constant 0 : i32
        %cond3A_236 = arith.cmpi ne, %convert_element_type3A_234, %cond3A_235 : i32
        scf.if %cond3A_236 {
          %eq3A_254 = arith.constant 0 : i32
          %eq3A_255 = arith.cmpi eq, %select_n3A_118, %eq3A_254 : i32
          %convert_element_type3A_256 = arith.extui %eq3A_255 : i1 to i32
          %cond3A_257 = arith.constant 0 : i32
          %cond3A_258 = arith.cmpi ne, %convert_element_type3A_256, %cond3A_257 : i32
          scf.if %cond3A_258 {
            %mul3A_259 = arith.constant 8000 : i32
            %mul3A_260 = arith.muli %add3A_121, %mul3A_259 : i32
            "tpu.region"() ({
              %run_scoped3A = tpu.sem_alloc : memref<!tpu.dma_semaphore, #tpu.memory_space<semaphore_mem>>
              %dma_start3A = tpu.memref_slice %arg4[%mul3A_260] : memref<1000000xf32, #tpu.memory_space<hbm>> -> memref<8000xf32, #tpu.memory_space<hbm>>
              %dma_start3A_261 = tpu.memref_slice %arg4[%mul3A_260] : memref<1000000xf32, #tpu.memory_space<hbm>> -> memref<8000xf32, #tpu.memory_space<hbm>>
              tpu.enqueue_dma source(%dma_start3A_261 : memref<8000xf32, #tpu.memory_space<hbm>>) target(%arg10 : memref<8000xf32, #tpu.memory_space<vmem>>) target_semaphore(%run_scoped3A : memref<!tpu.dma_semaphore, #tpu.memory_space<semaphore_mem>>)
              %dma_wait3A_262 = tpu.memref_slice %arg4[%mul3A_260] : memref<1000000xf32, #tpu.memory_space<hbm>> -> memref<8000xf32, #tpu.memory_space<hbm>>
              %dma_wait3A_263 = tpu.memref_slice %arg4[%mul3A_260] : memref<1000000xf32, #tpu.memory_space<hbm>> -> memref<8000xf32, #tpu.memory_space<hbm>>
              tpu.wait_dma2 semaphore(%run_scoped3A : memref<!tpu.dma_semaphore, #tpu.memory_space<semaphore_mem>>) src(%dma_wait3A_263 : memref<8000xf32, #tpu.memory_space<hbm>>) dst(%arg10 : memref<8000xf32, #tpu.memory_space<vmem>>)
              tpu.yield
            }) : () -> ()
          } else {
          }
        } else {
        }
        %parallel_loop3A = arith.constant 0 : i32
        %parallel_loop3A_237 = arith.constant 32 : i32
        %parallel_loop3A_238 = arith.constant 1 : i32
        scf.for %parallel_loop3A_254 = %parallel_loop3A to %parallel_loop3A_237 step %parallel_loop3A_238  : i32 {
          %parallel_loop3A_255 = arith.constant 32 : i32
          %parallel_loop3A_256 = arith.muli %select_n3A_118, %parallel_loop3A_255 : i32
          %parallel_loop3A_257 = arith.addi %parallel_loop3A_256, %parallel_loop3A_254 : i32
          %parallel_loop3A_258 = arith.constant 128 : i32
          %parallel_loop3A_259 = arith.muli %parallel_loop3A_257, %parallel_loop3A_258 : i32
          %parallel_loop3A_260 = arith.constant 0 : i32
          %parallel_loop3A_261 = arith.addi %parallel_loop3A_259, %parallel_loop3A_260 : i32
          %parallel_loop3A_262 = arith.index_cast %parallel_loop3A_261 : i32 to index
          %parallel_loop3A_263 = tpu.vector_load %arg9[%parallel_loop3A_262] {strides = array<i32>} : memref<16384xi32, #tpu.memory_space<vmem>>, vector<16xi32>,
          %parallel_loop3A_264 = arith.addi %broadcast_in_dim3A_1, %parallel_loop3A_263 : vector<16xi32>
          %parallel_loop3A_265 = tpu.vector_load_idx %arg10[%parallel_loop3A_264] : memref<8000xf32, #tpu.memory_space<vmem>>[vector<16xi32>], vector<16xf32>,
          %parallel_loop3A_266 = arith.addi %broadcast_in_dim3A_3, %parallel_loop3A_263 : vector<16xi32>
          %parallel_loop3A_267 = tpu.vector_load_idx %arg10[%parallel_loop3A_266] : memref<8000xf32, #tpu.memory_space<vmem>>[vector<16xi32>], vector<16xf32>,
          %parallel_loop3A_268 = arith.addi %broadcast_in_dim3A_5, %parallel_loop3A_263 : vector<16xi32>
          %parallel_loop3A_269 = tpu.vector_load_idx %arg10[%parallel_loop3A_268] : memref<8000xf32, #tpu.memory_space<vmem>>[vector<16xi32>], vector<16xf32>,
          %parallel_loop3A_270 = arith.addi %broadcast_in_dim3A_7, %parallel_loop3A_263 : vector<16xi32>
          %parallel_loop3A_271 = tpu.vector_load_idx %arg10[%parallel_loop3A_270] : memref<8000xf32, #tpu.memory_space<vmem>>[vector<16xi32>], vector<16xf32>,
          %parallel_loop3A_272 = arith.addi %broadcast_in_dim3A_9, %parallel_loop3A_263 : vector<16xi32>
          %parallel_loop3A_273 = tpu.vector_load_idx %arg10[%parallel_loop3A_272] : memref<8000xf32, #tpu.memory_space<vmem>>[vector<16xi32>], vector<16xf32>,
          %parallel_loop3A_274 = arith.addi %broadcast_in_dim3A_11, %parallel_loop3A_263 : vector<16xi32>
          %parallel_loop3A_275 = tpu.vector_load_idx %arg10[%parallel_loop3A_274] : memref<8000xf32, #tpu.memory_space<vmem>>[vector<16xi32>], vector<16xf32>,
          %parallel_loop3A_276 = arith.addi %broadcast_in_dim3A_13, %parallel_loop3A_263 : vector<16xi32>
          %parallel_loop3A_277 = tpu.vector_load_idx %arg10[%parallel_loop3A_276] : memref<8000xf32, #tpu.memory_space<vmem>>[vector<16xi32>], vector<16xf32>,
          %parallel_loop3A_278 = arith.addi %broadcast_in_dim3A_15, %parallel_loop3A_263 : vector<16xi32>
          %parallel_loop3A_279 = tpu.vector_load_idx %arg10[%parallel_loop3A_278] : memref<8000xf32, #tpu.memory_space<vmem>>[vector<16xi32>], vector<16xf32>,
          %parallel_loop3A_280 = arith.constant 0 : i32
          %parallel_loop3A_281 = arith.index_cast %parallel_loop3A_254 : i32 to index
          %parallel_loop3A_282 = arith.index_cast %parallel_loop3A_280 : i32 to index
          %parallel_loop3A_283 = arith.constant 0 : index
          %parallel_loop3A_284 = tpu.vector_load %arg11[%parallel_loop3A_281, %parallel_loop3A_282, %parallel_loop3A_283] {strides = array<i32>} : memref<32x8x128xf32, #tpu.memory_space<vmem>>, vector<16xf32>,
          tpu.vector_store %arg11[%parallel_loop3A_281, %parallel_loop3A_282, %parallel_loop3A_283], %parallel_loop3A_265 {strides = array<i32>} : memref<32x8x128xf32, #tpu.memory_space<vmem>>, vector<16xf32>,
          %parallel_loop3A_285 = arith.constant 1 : i32
          %parallel_loop3A_286 = arith.index_cast %parallel_loop3A_254 : i32 to index
          %parallel_loop3A_287 = arith.index_cast %parallel_loop3A_285 : i32 to index
          %parallel_loop3A_288 = arith.constant 0 : index
          %parallel_loop3A_289 = tpu.vector_load %arg11[%parallel_loop3A_286, %parallel_loop3A_287, %parallel_loop3A_288] {strides = array<i32>} : memref<32x8x128xf32, #tpu.memory_space<vmem>>, vector<16xf32>,
          tpu.vector_store %arg11[%parallel_loop3A_286, %parallel_loop3A_287, %parallel_loop3A_288], %parallel_loop3A_267 {strides = array<i32>} : memref<32x8x128xf32, #tpu.memory_space<vmem>>, vector<16xf32>,
          %parallel_loop3A_290 = arith.constant 2 : i32
          %parallel_loop3A_291 = arith.index_cast %parallel_loop3A_254 : i32 to index
          %parallel_loop3A_292 = arith.index_cast %parallel_loop3A_290 : i32 to index
          %parallel_loop3A_293 = arith.constant 0 : index
          %parallel_loop3A_294 = tpu.vector_load %arg11[%parallel_loop3A_291, %parallel_loop3A_292, %parallel_loop3A_293] {strides = array<i32>} : memref<32x8x128xf32, #tpu.memory_space<vmem>>, vector<16xf32>,
          tpu.vector_store %arg11[%parallel_loop3A_291, %parallel_loop3A_292, %parallel_loop3A_293], %parallel_loop3A_269 {strides = array<i32>} : memref<32x8x128xf32, #tpu.memory_space<vmem>>, vector<16xf32>,
          %parallel_loop3A_295 = arith.constant 3 : i32
          %parallel_loop3A_296 = arith.index_cast %parallel_loop3A_254 : i32 to index
          %parallel_loop3A_297 = arith.index_cast %parallel_loop3A_295 : i32 to index
          %parallel_loop3A_298 = arith.constant 0 : index
          %parallel_loop3A_299 = tpu.vector_load %arg11[%parallel_loop3A_296, %parallel_loop3A_297, %parallel_loop3A_298] {strides = array<i32>} : memref<32x8x128xf32, #tpu.memory_space<vmem>>, vector<16xf32>,
          tpu.vector_store %arg11[%parallel_loop3A_296, %parallel_loop3A_297, %parallel_loop3A_298], %parallel_loop3A_271 {strides = array<i32>} : memref<32x8x128xf32, #tpu.memory_space<vmem>>, vector<16xf32>,
          %parallel_loop3A_300 = arith.constant 4 : i32
          %parallel_loop3A_301 = arith.index_cast %parallel_loop3A_254 : i32 to index
          %parallel_loop3A_302 = arith.index_cast %parallel_loop3A_300 : i32 to index
          %parallel_loop3A_303 = arith.constant 0 : index
          %parallel_loop3A_304 = tpu.vector_load %arg11[%parallel_loop3A_301, %parallel_loop3A_302, %parallel_loop3A_303] {strides = array<i32>} : memref<32x8x128xf32, #tpu.memory_space<vmem>>, vector<16xf32>,
          tpu.vector_store %arg11[%parallel_loop3A_301, %parallel_loop3A_302, %parallel_loop3A_303], %parallel_loop3A_273 {strides = array<i32>} : memref<32x8x128xf32, #tpu.memory_space<vmem>>, vector<16xf32>,
          %parallel_loop3A_305 = arith.constant 5 : i32
          %parallel_loop3A_306 = arith.index_cast %parallel_loop3A_254 : i32 to index
          %parallel_loop3A_307 = arith.index_cast %parallel_loop3A_305 : i32 to index
          %parallel_loop3A_308 = arith.constant 0 : index
          %parallel_loop3A_309 = tpu.vector_load %arg11[%parallel_loop3A_306, %parallel_loop3A_307, %parallel_loop3A_308] {strides = array<i32>} : memref<32x8x128xf32, #tpu.memory_space<vmem>>, vector<16xf32>,
          tpu.vector_store %arg11[%parallel_loop3A_306, %parallel_loop3A_307, %parallel_loop3A_308], %parallel_loop3A_275 {strides = array<i32>} : memref<32x8x128xf32, #tpu.memory_space<vmem>>, vector<16xf32>,
          %parallel_loop3A_310 = arith.constant 6 : i32
          %parallel_loop3A_311 = arith.index_cast %parallel_loop3A_254 : i32 to index
          %parallel_loop3A_312 = arith.index_cast %parallel_loop3A_310 : i32 to index
          %parallel_loop3A_313 = arith.constant 0 : index
          %parallel_loop3A_314 = tpu.vector_load %arg11[%parallel_loop3A_311, %parallel_loop3A_312, %parallel_loop3A_313] {strides = array<i32>} : memref<32x8x128xf32, #tpu.memory_space<vmem>>, vector<16xf32>,
          tpu.vector_store %arg11[%parallel_loop3A_311, %parallel_loop3A_312, %parallel_loop3A_313], %parallel_loop3A_277 {strides = array<i32>} : memref<32x8x128xf32, #tpu.memory_space<vmem>>, vector<16xf32>,
          %parallel_loop3A_315 = arith.constant 7 : i32
          %parallel_loop3A_316 = arith.index_cast %parallel_loop3A_254 : i32 to index
          %parallel_loop3A_317 = arith.index_cast %parallel_loop3A_315 : i32 to index
          %parallel_loop3A_318 = arith.constant 0 : index
          %parallel_loop3A_319 = tpu.vector_load %arg11[%parallel_loop3A_316, %parallel_loop3A_317, %parallel_loop3A_318] {strides = array<i32>} : memref<32x8x128xf32, #tpu.memory_space<vmem>>, vector<16xf32>,
          tpu.vector_store %arg11[%parallel_loop3A_316, %parallel_loop3A_317, %parallel_loop3A_318], %parallel_loop3A_279 {strides = array<i32>} : memref<32x8x128xf32, #tpu.memory_space<vmem>>, vector<16xf32>,
          %parallel_loop3A_320 = arith.constant 32 : i32
          %parallel_loop3A_321 = arith.muli %select_n3A_118, %parallel_loop3A_320 : i32
          %parallel_loop3A_322 = arith.addi %parallel_loop3A_321, %parallel_loop3A_254 : i32
          %parallel_loop3A_323 = arith.constant 128 : i32
          %parallel_loop3A_324 = arith.muli %parallel_loop3A_322, %parallel_loop3A_323 : i32
          %parallel_loop3A_325 = arith.constant 16 : i32
          %parallel_loop3A_326 = arith.addi %parallel_loop3A_324, %parallel_loop3A_325 : i32
          %parallel_loop3A_327 = arith.index_cast %parallel_loop3A_326 : i32 to index
          %parallel_loop3A_328 = tpu.vector_load %arg9[%parallel_loop3A_327] {strides = array<i32>} : memref<16384xi32, #tpu.memory_space<vmem>>, vector<16xi32>,
          %parallel_loop3A_329 = arith.addi %broadcast_in_dim3A_1, %parallel_loop3A_328 : vector<16xi32>
          %parallel_loop3A_330 = tpu.vector_load_idx %arg10[%parallel_loop3A_329] : memref<8000xf32, #tpu.memory_space<vmem>>[vector<16xi32>], vector<16xf32>,
          %parallel_loop3A_331 = arith.addi %broadcast_in_dim3A_3, %parallel_loop3A_328 : vector<16xi32>
          %parallel_loop3A_332 = tpu.vector_load_idx %arg10[%parallel_loop3A_331] : memref<8000xf32, #tpu.memory_space<vmem>>[vector<16xi32>], vector<16xf32>,
          %parallel_loop3A_333 = arith.addi %broadcast_in_dim3A_5, %parallel_loop3A_328 : vector<16xi32>
          %parallel_loop3A_334 = tpu.vector_load_idx %arg10[%parallel_loop3A_333] : memref<8000xf32, #tpu.memory_space<vmem>>[vector<16xi32>], vector<16xf32>,
          %parallel_loop3A_335 = arith.addi %broadcast_in_dim3A_7, %parallel_loop3A_328 : vector<16xi32>
          %parallel_loop3A_336 = tpu.vector_load_idx %arg10[%parallel_loop3A_335] : memref<8000xf32, #tpu.memory_space<vmem>>[vector<16xi32>], vector<16xf32>,
          %parallel_loop3A_337 = arith.addi %broadcast_in_dim3A_9, %parallel_loop3A_328 : vector<16xi32>
          %parallel_loop3A_338 = tpu.vector_load_idx %arg10[%parallel_loop3A_337] : memref<8000xf32, #tpu.memory_space<vmem>>[vector<16xi32>], vector<16xf32>,
          %parallel_loop3A_339 = arith.addi %broadcast_in_dim3A_11, %parallel_loop3A_328 : vector<16xi32>
          %parallel_loop3A_340 = tpu.vector_load_idx %arg10[%parallel_loop3A_339] : memref<8000xf32, #tpu.memory_space<vmem>>[vector<16xi32>], vector<16xf32>,
          %parallel_loop3A_341 = arith.addi %broadcast_in_dim3A_13, %parallel_loop3A_328 : vector<16xi32>
          %parallel_loop3A_342 = tpu.vector_load_idx %arg10[%parallel_loop3A_341] : memref<8000xf32, #tpu.memory_space<vmem>>[vector<16xi32>], vector<16xf32>,
          %parallel_loop3A_343 = arith.addi %broadcast_in_dim3A_15, %parallel_loop3A_328 : vector<16xi32>
          %parallel_loop3A_344 = tpu.vector_load_idx %arg10[%parallel_loop3A_343] : memref<8000xf32, #tpu.memory_space<vmem>>[vector<16xi32>], vector<16xf32>,
          %parallel_loop3A_345 = arith.constant 0 : i32
          %parallel_loop3A_346 = arith.index_cast %parallel_loop3A_254 : i32 to index
          %parallel_loop3A_347 = arith.index_cast %parallel_loop3A_345 : i32 to index
          %parallel_loop3A_348 = arith.constant 16 : index
          %parallel_loop3A_349 = tpu.vector_load %arg11[%parallel_loop3A_346, %parallel_loop3A_347, %parallel_loop3A_348] {strides = array<i32>} : memref<32x8x128xf32, #tpu.memory_space<vmem>>, vector<16xf32>,
          tpu.vector_store %arg11[%parallel_loop3A_346, %parallel_loop3A_347, %parallel_loop3A_348], %parallel_loop3A_330 {strides = array<i32>} : memref<32x8x128xf32, #tpu.memory_space<vmem>>, vector<16xf32>,
          %parallel_loop3A_350 = arith.constant 1 : i32
          %parallel_loop3A_351 = arith.index_cast %parallel_loop3A_254 : i32 to index
          %parallel_loop3A_352 = arith.index_cast %parallel_loop3A_350 : i32 to index
          %parallel_loop3A_353 = arith.constant 16 : index
          %parallel_loop3A_354 = tpu.vector_load %arg11[%parallel_loop3A_351, %parallel_loop3A_352, %parallel_loop3A_353] {strides = array<i32>} : memref<32x8x128xf32, #tpu.memory_space<vmem>>, vector<16xf32>,
          tpu.vector_store %arg11[%parallel_loop3A_351, %parallel_loop3A_352, %parallel_loop3A_353], %parallel_loop3A_332 {strides = array<i32>} : memref<32x8x128xf32, #tpu.memory_space<vmem>>, vector<16xf32>,
          %parallel_loop3A_355 = arith.constant 2 : i32
          %parallel_loop3A_356 = arith.index_cast %parallel_loop3A_254 : i32 to index
          %parallel_loop3A_357 = arith.index_cast %parallel_loop3A_355 : i32 to index
          %parallel_loop3A_358 = arith.constant 16 : index
          %parallel_loop3A_359 = tpu.vector_load %arg11[%parallel_loop3A_356, %parallel_loop3A_357, %parallel_loop3A_358] {strides = array<i32>} : memref<32x8x128xf32, #tpu.memory_space<vmem>>, vector<16xf32>,
          tpu.vector_store %arg11[%parallel_loop3A_356, %parallel_loop3A_357, %parallel_loop3A_358], %parallel_loop3A_334 {strides = array<i32>} : memref<32x8x128xf32, #tpu.memory_space<vmem>>, vector<16xf32>,
          %parallel_loop3A_360 = arith.constant 3 : i32
          %parallel_loop3A_361 = arith.index_cast %parallel_loop3A_254 : i32 to index
          %parallel_loop3A_362 = arith.index_cast %parallel_loop3A_360 : i32 to index
          %parallel_loop3A_363 = arith.constant 16 : index
          %parallel_loop3A_364 = tpu.vector_load %arg11[%parallel_loop3A_361, %parallel_loop3A_362, %parallel_loop3A_363] {strides = array<i32>} : memref<32x8x128xf32, #tpu.memory_space<vmem>>, vector<16xf32>,
          tpu.vector_store %arg11[%parallel_loop3A_361, %parallel_loop3A_362, %parallel_loop3A_363], %parallel_loop3A_336 {strides = array<i32>} : memref<32x8x128xf32, #tpu.memory_space<vmem>>, vector<16xf32>,
          %parallel_loop3A_365 = arith.constant 4 : i32
          %parallel_loop3A_366 = arith.index_cast %parallel_loop3A_254 : i32 to index
          %parallel_loop3A_367 = arith.index_cast %parallel_loop3A_365 : i32 to index
          %parallel_loop3A_368 = arith.constant 16 : index
          %parallel_loop3A_369 = tpu.vector_load %arg11[%parallel_loop3A_366, %parallel_loop3A_367, %parallel_loop3A_368] {strides = array<i32>} : memref<32x8x128xf32, #tpu.memory_space<vmem>>, vector<16xf32>,
          tpu.vector_store %arg11[%parallel_loop3A_366, %parallel_loop3A_367, %parallel_loop3A_368], %parallel_loop3A_338 {strides = array<i32>} : memref<32x8x128xf32, #tpu.memory_space<vmem>>, vector<16xf32>,
          %parallel_loop3A_370 = arith.constant 5 : i32
          %parallel_loop3A_371 = arith.index_cast %parallel_loop3A_254 : i32 to index
          %parallel_loop3A_372 = arith.index_cast %parallel_loop3A_370 : i32 to index
          %parallel_loop3A_373 = arith.constant 16 : index
          %parallel_loop3A_374 = tpu.vector_load %arg11[%parallel_loop3A_371, %parallel_loop3A_372, %parallel_loop3A_373] {strides = array<i32>} : memref<32x8x128xf32, #tpu.memory_space<vmem>>, vector<16xf32>,
          tpu.vector_store %arg11[%parallel_loop3A_371, %parallel_loop3A_372, %parallel_loop3A_373], %parallel_loop3A_340 {strides = array<i32>} : memref<32x8x128xf32, #tpu.memory_space<vmem>>, vector<16xf32>,
          %parallel_loop3A_375 = arith.constant 6 : i32
          %parallel_loop3A_376 = arith.index_cast %parallel_loop3A_254 : i32 to index
          %parallel_loop3A_377 = arith.index_cast %parallel_loop3A_375 : i32 to index
          %parallel_loop3A_378 = arith.constant 16 : index
          %parallel_loop3A_379 = tpu.vector_load %arg11[%parallel_loop3A_376, %parallel_loop3A_377, %parallel_loop3A_378] {strides = array<i32>} : memref<32x8x128xf32, #tpu.memory_space<vmem>>, vector<16xf32>,
          tpu.vector_store %arg11[%parallel_loop3A_376, %parallel_loop3A_377, %parallel_loop3A_378], %parallel_loop3A_342 {strides = array<i32>} : memref<32x8x128xf32, #tpu.memory_space<vmem>>, vector<16xf32>,
          %parallel_loop3A_380 = arith.constant 7 : i32
          %parallel_loop3A_381 = arith.index_cast %parallel_loop3A_254 : i32 to index
          %parallel_loop3A_382 = arith.index_cast %parallel_loop3A_380 : i32 to index
          %parallel_loop3A_383 = arith.constant 16 : index
          %parallel_loop3A_384 = tpu.vector_load %arg11[%parallel_loop3A_381, %parallel_loop3A_382, %parallel_loop3A_383] {strides = array<i32>} : memref<32x8x128xf32, #tpu.memory_space<vmem>>, vector<16xf32>,
          tpu.vector_store %arg11[%parallel_loop3A_381, %parallel_loop3A_382, %parallel_loop3A_383], %parallel_loop3A_344 {strides = array<i32>} : memref<32x8x128xf32, #tpu.memory_space<vmem>>, vector<16xf32>,
          %parallel_loop3A_385 = arith.constant 32 : i32
          %parallel_loop3A_386 = arith.muli %select_n3A_118, %parallel_loop3A_385 : i32
          %parallel_loop3A_387 = arith.addi %parallel_loop3A_386, %parallel_loop3A_254 : i32
          %parallel_loop3A_388 = arith.constant 128 : i32
          %parallel_loop3A_389 = arith.muli %parallel_loop3A_387, %parallel_loop3A_388 : i32
          %parallel_loop3A_390 = arith.constant 32 : i32
          %parallel_loop3A_391 = arith.addi %parallel_loop3A_389, %parallel_loop3A_390 : i32
          %parallel_loop3A_392 = arith.index_cast %parallel_loop3A_391 : i32 to index
          %parallel_loop3A_393 = tpu.vector_load %arg9[%parallel_loop3A_392] {strides = array<i32>} : memref<16384xi32, #tpu.memory_space<vmem>>, vector<16xi32>,
          %parallel_loop3A_394 = arith.addi %broadcast_in_dim3A_1, %parallel_loop3A_393 : vector<16xi32>
          %parallel_loop3A_395 = tpu.vector_load_idx %arg10[%parallel_loop3A_394] : memref<8000xf32, #tpu.memory_space<vmem>>[vector<16xi32>], vector<16xf32>,
          %parallel_loop3A_396 = arith.addi %broadcast_in_dim3A_3, %parallel_loop3A_393 : vector<16xi32>
          %parallel_loop3A_397 = tpu.vector_load_idx %arg10[%parallel_loop3A_396] : memref<8000xf32, #tpu.memory_space<vmem>>[vector<16xi32>], vector<16xf32>,
          %parallel_loop3A_398 = arith.addi %broadcast_in_dim3A_5, %parallel_loop3A_393 : vector<16xi32>
          %parallel_loop3A_399 = tpu.vector_load_idx %arg10[%parallel_loop3A_398] : memref<8000xf32, #tpu.memory_space<vmem>>[vector<16xi32>], vector<16xf32>,
          %parallel_loop3A_400 = arith.addi %broadcast_in_dim3A_7, %parallel_loop3A_393 : vector<16xi32>
          %parallel_loop3A_401 = tpu.vector_load_idx %arg10[%parallel_loop3A_400] : memref<8000xf32, #tpu.memory_space<vmem>>[vector<16xi32>], vector<16xf32>,
          %parallel_loop3A_402 = arith.addi %broadcast_in_dim3A_9, %parallel_loop3A_393 : vector<16xi32>
          %parallel_loop3A_403 = tpu.vector_load_idx %arg10[%parallel_loop3A_402] : memref<8000xf32, #tpu.memory_space<vmem>>[vector<16xi32>], vector<16xf32>,
          %parallel_loop3A_404 = arith.addi %broadcast_in_dim3A_11, %parallel_loop3A_393 : vector<16xi32>
          %parallel_loop3A_405 = tpu.vector_load_idx %arg10[%parallel_loop3A_404] : memref<8000xf32, #tpu.memory_space<vmem>>[vector<16xi32>], vector<16xf32>,
          %parallel_loop3A_406 = arith.addi %broadcast_in_dim3A_13, %parallel_loop3A_393 : vector<16xi32>
          %parallel_loop3A_407 = tpu.vector_load_idx %arg10[%parallel_loop3A_406] : memref<8000xf32, #tpu.memory_space<vmem>>[vector<16xi32>], vector<16xf32>,
          %parallel_loop3A_408 = arith.addi %broadcast_in_dim3A_15, %parallel_loop3A_393 : vector<16xi32>
          %parallel_loop3A_409 = tpu.vector_load_idx %arg10[%parallel_loop3A_408] : memref<8000xf32, #tpu.memory_space<vmem>>[vector<16xi32>], vector<16xf32>,
          %parallel_loop3A_410 = arith.constant 0 : i32
          %parallel_loop3A_411 = arith.index_cast %parallel_loop3A_254 : i32 to index
          %parallel_loop3A_412 = arith.index_cast %parallel_loop3A_410 : i32 to index
          %parallel_loop3A_413 = arith.constant 32 : index
          %parallel_loop3A_414 = tpu.vector_load %arg11[%parallel_loop3A_411, %parallel_loop3A_412, %parallel_loop3A_413] {strides = array<i32>} : memref<32x8x128xf32, #tpu.memory_space<vmem>>, vector<16xf32>,
          tpu.vector_store %arg11[%parallel_loop3A_411, %parallel_loop3A_412, %parallel_loop3A_413], %parallel_loop3A_395 {strides = array<i32>} : memref<32x8x128xf32, #tpu.memory_space<vmem>>, vector<16xf32>,
          %parallel_loop3A_415 = arith.constant 1 : i32
          %parallel_loop3A_416 = arith.index_cast %parallel_loop3A_254 : i32 to index
          %parallel_loop3A_417 = arith.index_cast %parallel_loop3A_415 : i32 to index
          %parallel_loop3A_418 = arith.constant 32 : index
          %parallel_loop3A_419 = tpu.vector_load %arg11[%parallel_loop3A_416, %parallel_loop3A_417, %parallel_loop3A_418] {strides = array<i32>} : memref<32x8x128xf32, #tpu.memory_space<vmem>>, vector<16xf32>,
          tpu.vector_store %arg11[%parallel_loop3A_416, %parallel_loop3A_417, %parallel_loop3A_418], %parallel_loop3A_397 {strides = array<i32>} : memref<32x8x128xf32, #tpu.memory_space<vmem>>, vector<16xf32>,
          %parallel_loop3A_420 = arith.constant 2 : i32
          %parallel_loop3A_421 = arith.index_cast %parallel_loop3A_254 : i32 to index
          %parallel_loop3A_422 = arith.index_cast %parallel_loop3A_420 : i32 to index
          %parallel_loop3A_423 = arith.constant 32 : index
          %parallel_loop3A_424 = tpu.vector_load %arg11[%parallel_loop3A_421, %parallel_loop3A_422, %parallel_loop3A_423] {strides = array<i32>} : memref<32x8x128xf32, #tpu.memory_space<vmem>>, vector<16xf32>,
          tpu.vector_store %arg11[%parallel_loop3A_421, %parallel_loop3A_422, %parallel_loop3A_423], %parallel_loop3A_399 {strides = array<i32>} : memref<32x8x128xf32, #tpu.memory_space<vmem>>, vector<16xf32>,
          %parallel_loop3A_425 = arith.constant 3 : i32
          %parallel_loop3A_426 = arith.index_cast %parallel_loop3A_254 : i32 to index
          %parallel_loop3A_427 = arith.index_cast %parallel_loop3A_425 : i32 to index
          %parallel_loop3A_428 = arith.constant 32 : index
          %parallel_loop3A_429 = tpu.vector_load %arg11[%parallel_loop3A_426, %parallel_loop3A_427, %parallel_loop3A_428] {strides = array<i32>} : memref<32x8x128xf32, #tpu.memory_space<vmem>>, vector<16xf32>,
          tpu.vector_store %arg11[%parallel_loop3A_426, %parallel_loop3A_427, %parallel_loop3A_428], %parallel_loop3A_401 {strides = array<i32>} : memref<32x8x128xf32, #tpu.memory_space<vmem>>, vector<16xf32>,
          %parallel_loop3A_430 = arith.constant 4 : i32
          %parallel_loop3A_431 = arith.index_cast %parallel_loop3A_254 : i32 to index
          %parallel_loop3A_432 = arith.index_cast %parallel_loop3A_430 : i32 to index
          %parallel_loop3A_433 = arith.constant 32 : index
          %parallel_loop3A_434 = tpu.vector_load %arg11[%parallel_loop3A_431, %parallel_loop3A_432, %parallel_loop3A_433] {strides = array<i32>} : memref<32x8x128xf32, #tpu.memory_space<vmem>>, vector<16xf32>,
          tpu.vector_store %arg11[%parallel_loop3A_431, %parallel_loop3A_432, %parallel_loop3A_433], %parallel_loop3A_403 {strides = array<i32>} : memref<32x8x128xf32, #tpu.memory_space<vmem>>, vector<16xf32>,
          %parallel_loop3A_435 = arith.constant 5 : i32
          %parallel_loop3A_436 = arith.index_cast %parallel_loop3A_254 : i32 to index
          %parallel_loop3A_437 = arith.index_cast %parallel_loop3A_435 : i32 to index
          %parallel_loop3A_438 = arith.constant 32 : index
          %parallel_loop3A_439 = tpu.vector_load %arg11[%parallel_loop3A_436, %parallel_loop3A_437, %parallel_loop3A_438] {strides = array<i32>} : memref<32x8x128xf32, #tpu.memory_space<vmem>>, vector<16xf32>,
          tpu.vector_store %arg11[%parallel_loop3A_436, %parallel_loop3A_437, %parallel_loop3A_438], %parallel_loop3A_405 {strides = array<i32>} : memref<32x8x128xf32, #tpu.memory_space<vmem>>, vector<16xf32>,
          %parallel_loop3A_440 = arith.constant 6 : i32
          %parallel_loop3A_441 = arith.index_cast %parallel_loop3A_254 : i32 to index
          %parallel_loop3A_442 = arith.index_cast %parallel_loop3A_440 : i32 to index
          %parallel_loop3A_443 = arith.constant 32 : index
          %parallel_loop3A_444 = tpu.vector_load %arg11[%parallel_loop3A_441, %parallel_loop3A_442, %parallel_loop3A_443] {strides = array<i32>} : memref<32x8x128xf32, #tpu.memory_space<vmem>>, vector<16xf32>,
          tpu.vector_store %arg11[%parallel_loop3A_441, %parallel_loop3A_442, %parallel_loop3A_443], %parallel_loop3A_407 {strides = array<i32>} : memref<32x8x128xf32, #tpu.memory_space<vmem>>, vector<16xf32>,
          %parallel_loop3A_445 = arith.constant 7 : i32
          %parallel_loop3A_446 = arith.index_cast %parallel_loop3A_254 : i32 to index
          %parallel_loop3A_447 = arith.index_cast %parallel_loop3A_445 : i32 to index
          %parallel_loop3A_448 = arith.constant 32 : index
          %parallel_loop3A_449 = tpu.vector_load %arg11[%parallel_loop3A_446, %parallel_loop3A_447, %parallel_loop3A_448] {strides = array<i32>} : memref<32x8x128xf32, #tpu.memory_space<vmem>>, vector<16xf32>,
          tpu.vector_store %arg11[%parallel_loop3A_446, %parallel_loop3A_447, %parallel_loop3A_448], %parallel_loop3A_409 {strides = array<i32>} : memref<32x8x128xf32, #tpu.memory_space<vmem>>, vector<16xf32>,
          %parallel_loop3A_450 = arith.constant 32 : i32
          %parallel_loop3A_451 = arith.muli %select_n3A_118, %parallel_loop3A_450 : i32
          %parallel_loop3A_452 = arith.addi %parallel_loop3A_451, %parallel_loop3A_254 : i32
          %parallel_loop3A_453 = arith.constant 128 : i32
          %parallel_loop3A_454 = arith.muli %parallel_loop3A_452, %parallel_loop3A_453 : i32
          %parallel_loop3A_455 = arith.constant 48 : i32
          %parallel_loop3A_456 = arith.addi %parallel_loop3A_454, %parallel_loop3A_455 : i32
          %parallel_loop3A_457 = arith.index_cast %parallel_loop3A_456 : i32 to index
          %parallel_loop3A_458 = tpu.vector_load %arg9[%parallel_loop3A_457] {strides = array<i32>} : memref<16384xi32, #tpu.memory_space<vmem>>, vector<16xi32>,
          %parallel_loop3A_459 = arith.addi %broadcast_in_dim3A_1, %parallel_loop3A_458 : vector<16xi32>
          %parallel_loop3A_460 = tpu.vector_load_idx %arg10[%parallel_loop3A_459] : memref<8000xf32, #tpu.memory_space<vmem>>[vector<16xi32>], vector<16xf32>,
          %parallel_loop3A_461 = arith.addi %broadcast_in_dim3A_3, %parallel_loop3A_458 : vector<16xi32>
          %parallel_loop3A_462 = tpu.vector_load_idx %arg10[%parallel_loop3A_461] : memref<8000xf32, #tpu.memory_space<vmem>>[vector<16xi32>], vector<16xf32>,
          %parallel_loop3A_463 = arith.addi %broadcast_in_dim3A_5, %parallel_loop3A_458 : vector<16xi32>
          %parallel_loop3A_464 = tpu.vector_load_idx %arg10[%parallel_loop3A_463] : memref<8000xf32, #tpu.memory_space<vmem>>[vector<16xi32>], vector<16xf32>,
          %parallel_loop3A_465 = arith.addi %broadcast_in_dim3A_7, %parallel_loop3A_458 : vector<16xi32>
          %parallel_loop3A_466 = tpu.vector_load_idx %arg10[%parallel_loop3A_465] : memref<8000xf32, #tpu.memory_space<vmem>>[vector<16xi32>], vector<16xf32>,
          %parallel_loop3A_467 = arith.addi %broadcast_in_dim3A_9, %parallel_loop3A_458 : vector<16xi32>
          %parallel_loop3A_468 = tpu.vector_load_idx %arg10[%parallel_loop3A_467] : memref<8000xf32, #tpu.memory_space<vmem>>[vector<16xi32>], vector<16xf32>,
          %parallel_loop3A_469 = arith.addi %broadcast_in_dim3A_11, %parallel_loop3A_458 : vector<16xi32>
          %parallel_loop3A_470 = tpu.vector_load_idx %arg10[%parallel_loop3A_469] : memref<8000xf32, #tpu.memory_space<vmem>>[vector<16xi32>], vector<16xf32>,
          %parallel_loop3A_471 = arith.addi %broadcast_in_dim3A_13, %parallel_loop3A_458 : vector<16xi32>
          %parallel_loop3A_472 = tpu.vector_load_idx %arg10[%parallel_loop3A_471] : memref<8000xf32, #tpu.memory_space<vmem>>[vector<16xi32>], vector<16xf32>,
          %parallel_loop3A_473 = arith.addi %broadcast_in_dim3A_15, %parallel_loop3A_458 : vector<16xi32>
          %parallel_loop3A_474 = tpu.vector_load_idx %arg10[%parallel_loop3A_473] : memref<8000xf32, #tpu.memory_space<vmem>>[vector<16xi32>], vector<16xf32>,
          %parallel_loop3A_475 = arith.constant 0 : i32
          %parallel_loop3A_476 = arith.index_cast %parallel_loop3A_254 : i32 to index
          %parallel_loop3A_477 = arith.index_cast %parallel_loop3A_475 : i32 to index
          %parallel_loop3A_478 = arith.constant 48 : index
          %parallel_loop3A_479 = tpu.vector_load %arg11[%parallel_loop3A_476, %parallel_loop3A_477, %parallel_loop3A_478] {strides = array<i32>} : memref<32x8x128xf32, #tpu.memory_space<vmem>>, vector<16xf32>,
          tpu.vector_store %arg11[%parallel_loop3A_476, %parallel_loop3A_477, %parallel_loop3A_478], %parallel_loop3A_460 {strides = array<i32>} : memref<32x8x128xf32, #tpu.memory_space<vmem>>, vector<16xf32>,
          %parallel_loop3A_480 = arith.constant 1 : i32
          %parallel_loop3A_481 = arith.index_cast %parallel_loop3A_254 : i32 to index
          %parallel_loop3A_482 = arith.index_cast %parallel_loop3A_480 : i32 to index
          %parallel_loop3A_483 = arith.constant 48 : index
          %parallel_loop3A_484 = tpu.vector_load %arg11[%parallel_loop3A_481, %parallel_loop3A_482, %parallel_loop3A_483] {strides = array<i32>} : memref<32x8x128xf32, #tpu.memory_space<vmem>>, vector<16xf32>,
          tpu.vector_store %arg11[%parallel_loop3A_481, %parallel_loop3A_482, %parallel_loop3A_483], %parallel_loop3A_462 {strides = array<i32>} : memref<32x8x128xf32, #tpu.memory_space<vmem>>, vector<16xf32>,
          %parallel_loop3A_485 = arith.constant 2 : i32
          %parallel_loop3A_486 = arith.index_cast %parallel_loop3A_254 : i32 to index
          %parallel_loop3A_487 = arith.index_cast %parallel_loop3A_485 : i32 to index
          %parallel_loop3A_488 = arith.constant 48 : index
          %parallel_loop3A_489 = tpu.vector_load %arg11[%parallel_loop3A_486, %parallel_loop3A_487, %parallel_loop3A_488] {strides = array<i32>} : memref<32x8x128xf32, #tpu.memory_space<vmem>>, vector<16xf32>,
          tpu.vector_store %arg11[%parallel_loop3A_486, %parallel_loop3A_487, %parallel_loop3A_488], %parallel_loop3A_464 {strides = array<i32>} : memref<32x8x128xf32, #tpu.memory_space<vmem>>, vector<16xf32>,
          %parallel_loop3A_490 = arith.constant 3 : i32
          %parallel_loop3A_491 = arith.index_cast %parallel_loop3A_254 : i32 to index
          %parallel_loop3A_492 = arith.index_cast %parallel_loop3A_490 : i32 to index
          %parallel_loop3A_493 = arith.constant 48 : index
          %parallel_loop3A_494 = tpu.vector_load %arg11[%parallel_loop3A_491, %parallel_loop3A_492, %parallel_loop3A_493] {strides = array<i32>} : memref<32x8x128xf32, #tpu.memory_space<vmem>>, vector<16xf32>,
          tpu.vector_store %arg11[%parallel_loop3A_491, %parallel_loop3A_492, %parallel_loop3A_493], %parallel_loop3A_466 {strides = array<i32>} : memref<32x8x128xf32, #tpu.memory_space<vmem>>, vector<16xf32>,
          %parallel_loop3A_495 = arith.constant 4 : i32
          %parallel_loop3A_496 = arith.index_cast %parallel_loop3A_254 : i32 to index
          %parallel_loop3A_497 = arith.index_cast %parallel_loop3A_495 : i32 to index
          %parallel_loop3A_498 = arith.constant 48 : index
          %parallel_loop3A_499 = tpu.vector_load %arg11[%parallel_loop3A_496, %parallel_loop3A_497, %parallel_loop3A_498] {strides = array<i32>} : memref<32x8x128xf32, #tpu.memory_space<vmem>>, vector<16xf32>,
          tpu.vector_store %arg11[%parallel_loop3A_496, %parallel_loop3A_497, %parallel_loop3A_498], %parallel_loop3A_468 {strides = array<i32>} : memref<32x8x128xf32, #tpu.memory_space<vmem>>, vector<16xf32>,
          %parallel_loop3A_500 = arith.constant 5 : i32
          %parallel_loop3A_501 = arith.index_cast %parallel_loop3A_254 : i32 to index
          %parallel_loop3A_502 = arith.index_cast %parallel_loop3A_500 : i32 to index
          %parallel_loop3A_503 = arith.constant 48 : index
          %parallel_loop3A_504 = tpu.vector_load %arg11[%parallel_loop3A_501, %parallel_loop3A_502, %parallel_loop3A_503] {strides = array<i32>} : memref<32x8x128xf32, #tpu.memory_space<vmem>>, vector<16xf32>,
          tpu.vector_store %arg11[%parallel_loop3A_501, %parallel_loop3A_502, %parallel_loop3A_503], %parallel_loop3A_470 {strides = array<i32>} : memref<32x8x128xf32, #tpu.memory_space<vmem>>, vector<16xf32>,
          %parallel_loop3A_505 = arith.constant 6 : i32
          %parallel_loop3A_506 = arith.index_cast %parallel_loop3A_254 : i32 to index
          %parallel_loop3A_507 = arith.index_cast %parallel_loop3A_505 : i32 to index
          %parallel_loop3A_508 = arith.constant 48 : index
          %parallel_loop3A_509 = tpu.vector_load %arg11[%parallel_loop3A_506, %parallel_loop3A_507, %parallel_loop3A_508] {strides = array<i32>} : memref<32x8x128xf32, #tpu.memory_space<vmem>>, vector<16xf32>,
          tpu.vector_store %arg11[%parallel_loop3A_506, %parallel_loop3A_507, %parallel_loop3A_508], %parallel_loop3A_472 {strides = array<i32>} : memref<32x8x128xf32, #tpu.memory_space<vmem>>, vector<16xf32>,
          %parallel_loop3A_510 = arith.constant 7 : i32
          %parallel_loop3A_511 = arith.index_cast %parallel_loop3A_254 : i32 to index
          %parallel_loop3A_512 = arith.index_cast %parallel_loop3A_510 : i32 to index
          %parallel_loop3A_513 = arith.constant 48 : index
          %parallel_loop3A_514 = tpu.vector_load %arg11[%parallel_loop3A_511, %parallel_loop3A_512, %parallel_loop3A_513] {strides = array<i32>} : memref<32x8x128xf32, #tpu.memory_space<vmem>>, vector<16xf32>,
          tpu.vector_store %arg11[%parallel_loop3A_511, %parallel_loop3A_512, %parallel_loop3A_513], %parallel_loop3A_474 {strides = array<i32>} : memref<32x8x128xf32, #tpu.memory_space<vmem>>, vector<16xf32>,
          %parallel_loop3A_515 = arith.constant 32 : i32
          %parallel_loop3A_516 = arith.muli %select_n3A_118, %parallel_loop3A_515 : i32
          %parallel_loop3A_517 = arith.addi %parallel_loop3A_516, %parallel_loop3A_254 : i32
          %parallel_loop3A_518 = arith.constant 128 : i32
          %parallel_loop3A_519 = arith.muli %parallel_loop3A_517, %parallel_loop3A_518 : i32
          %parallel_loop3A_520 = arith.constant 64 : i32
          %parallel_loop3A_521 = arith.addi %parallel_loop3A_519, %parallel_loop3A_520 : i32
          %parallel_loop3A_522 = arith.index_cast %parallel_loop3A_521 : i32 to index
          %parallel_loop3A_523 = tpu.vector_load %arg9[%parallel_loop3A_522] {strides = array<i32>} : memref<16384xi32, #tpu.memory_space<vmem>>, vector<16xi32>,
          %parallel_loop3A_524 = arith.addi %broadcast_in_dim3A_1, %parallel_loop3A_523 : vector<16xi32>
          %parallel_loop3A_525 = tpu.vector_load_idx %arg10[%parallel_loop3A_524] : memref<8000xf32, #tpu.memory_space<vmem>>[vector<16xi32>], vector<16xf32>,
          %parallel_loop3A_526 = arith.addi %broadcast_in_dim3A_3, %parallel_loop3A_523 : vector<16xi32>
          %parallel_loop3A_527 = tpu.vector_load_idx %arg10[%parallel_loop3A_526] : memref<8000xf32, #tpu.memory_space<vmem>>[vector<16xi32>], vector<16xf32>,
          %parallel_loop3A_528 = arith.addi %broadcast_in_dim3A_5, %parallel_loop3A_523 : vector<16xi32>
          %parallel_loop3A_529 = tpu.vector_load_idx %arg10[%parallel_loop3A_528] : memref<8000xf32, #tpu.memory_space<vmem>>[vector<16xi32>], vector<16xf32>,
          %parallel_loop3A_530 = arith.addi %broadcast_in_dim3A_7, %parallel_loop3A_523 : vector<16xi32>
          %parallel_loop3A_531 = tpu.vector_load_idx %arg10[%parallel_loop3A_530] : memref<8000xf32, #tpu.memory_space<vmem>>[vector<16xi32>], vector<16xf32>,
          %parallel_loop3A_532 = arith.addi %broadcast_in_dim3A_9, %parallel_loop3A_523 : vector<16xi32>
          %parallel_loop3A_533 = tpu.vector_load_idx %arg10[%parallel_loop3A_532] : memref<8000xf32, #tpu.memory_space<vmem>>[vector<16xi32>], vector<16xf32>,
          %parallel_loop3A_534 = arith.addi %broadcast_in_dim3A_11, %parallel_loop3A_523 : vector<16xi32>
          %parallel_loop3A_535 = tpu.vector_load_idx %arg10[%parallel_loop3A_534] : memref<8000xf32, #tpu.memory_space<vmem>>[vector<16xi32>], vector<16xf32>,
          %parallel_loop3A_536 = arith.addi %broadcast_in_dim3A_13, %parallel_loop3A_523 : vector<16xi32>
          %parallel_loop3A_537 = tpu.vector_load_idx %arg10[%parallel_loop3A_536] : memref<8000xf32, #tpu.memory_space<vmem>>[vector<16xi32>], vector<16xf32>,
          %parallel_loop3A_538 = arith.addi %broadcast_in_dim3A_15, %parallel_loop3A_523 : vector<16xi32>
          %parallel_loop3A_539 = tpu.vector_load_idx %arg10[%parallel_loop3A_538] : memref<8000xf32, #tpu.memory_space<vmem>>[vector<16xi32>], vector<16xf32>,
          %parallel_loop3A_540 = arith.constant 0 : i32
          %parallel_loop3A_541 = arith.index_cast %parallel_loop3A_254 : i32 to index
          %parallel_loop3A_542 = arith.index_cast %parallel_loop3A_540 : i32 to index
          %parallel_loop3A_543 = arith.constant 64 : index
          %parallel_loop3A_544 = tpu.vector_load %arg11[%parallel_loop3A_541, %parallel_loop3A_542, %parallel_loop3A_543] {strides = array<i32>} : memref<32x8x128xf32, #tpu.memory_space<vmem>>, vector<16xf32>,
          tpu.vector_store %arg11[%parallel_loop3A_541, %parallel_loop3A_542, %parallel_loop3A_543], %parallel_loop3A_525 {strides = array<i32>} : memref<32x8x128xf32, #tpu.memory_space<vmem>>, vector<16xf32>,
          %parallel_loop3A_545 = arith.constant 1 : i32
          %parallel_loop3A_546 = arith.index_cast %parallel_loop3A_254 : i32 to index
          %parallel_loop3A_547 = arith.index_cast %parallel_loop3A_545 : i32 to index
          %parallel_loop3A_548 = arith.constant 64 : index
          %parallel_loop3A_549 = tpu.vector_load %arg11[%parallel_loop3A_546, %parallel_loop3A_547, %parallel_loop3A_548] {strides = array<i32>} : memref<32x8x128xf32, #tpu.memory_space<vmem>>, vector<16xf32>,
          tpu.vector_store %arg11[%parallel_loop3A_546, %parallel_loop3A_547, %parallel_loop3A_548], %parallel_loop3A_527 {strides = array<i32>} : memref<32x8x128xf32, #tpu.memory_space<vmem>>, vector<16xf32>,
          %parallel_loop3A_550 = arith.constant 2 : i32
          %parallel_loop3A_551 = arith.index_cast %parallel_loop3A_254 : i32 to index
          %parallel_loop3A_552 = arith.index_cast %parallel_loop3A_550 : i32 to index
          %parallel_loop3A_553 = arith.constant 64 : index
          %parallel_loop3A_554 = tpu.vector_load %arg11[%parallel_loop3A_551, %parallel_loop3A_552, %parallel_loop3A_553] {strides = array<i32>} : memref<32x8x128xf32, #tpu.memory_space<vmem>>, vector<16xf32>,
          tpu.vector_store %arg11[%parallel_loop3A_551, %parallel_loop3A_552, %parallel_loop3A_553], %parallel_loop3A_529 {strides = array<i32>} : memref<32x8x128xf32, #tpu.memory_space<vmem>>, vector<16xf32>,
          %parallel_loop3A_555 = arith.constant 3 : i32
          %parallel_loop3A_556 = arith.index_cast %parallel_loop3A_254 : i32 to index
          %parallel_loop3A_557 = arith.index_cast %parallel_loop3A_555 : i32 to index
          %parallel_loop3A_558 = arith.constant 64 : index
          %parallel_loop3A_559 = tpu.vector_load %arg11[%parallel_loop3A_556, %parallel_loop3A_557, %parallel_loop3A_558] {strides = array<i32>} : memref<32x8x128xf32, #tpu.memory_space<vmem>>, vector<16xf32>,
          tpu.vector_store %arg11[%parallel_loop3A_556, %parallel_loop3A_557, %parallel_loop3A_558], %parallel_loop3A_531 {strides = array<i32>} : memref<32x8x128xf32, #tpu.memory_space<vmem>>, vector<16xf32>,
          %parallel_loop3A_560 = arith.constant 4 : i32
          %parallel_loop3A_561 = arith.index_cast %parallel_loop3A_254 : i32 to index
          %parallel_loop3A_562 = arith.index_cast %parallel_loop3A_560 : i32 to index
          %parallel_loop3A_563 = arith.constant 64 : index
          %parallel_loop3A_564 = tpu.vector_load %arg11[%parallel_loop3A_561, %parallel_loop3A_562, %parallel_loop3A_563] {strides = array<i32>} : memref<32x8x128xf32, #tpu.memory_space<vmem>>, vector<16xf32>,
          tpu.vector_store %arg11[%parallel_loop3A_561, %parallel_loop3A_562, %parallel_loop3A_563], %parallel_loop3A_533 {strides = array<i32>} : memref<32x8x128xf32, #tpu.memory_space<vmem>>, vector<16xf32>,
          %parallel_loop3A_565 = arith.constant 5 : i32
          %parallel_loop3A_566 = arith.index_cast %parallel_loop3A_254 : i32 to index
          %parallel_loop3A_567 = arith.index_cast %parallel_loop3A_565 : i32 to index
          %parallel_loop3A_568 = arith.constant 64 : index
          %parallel_loop3A_569 = tpu.vector_load %arg11[%parallel_loop3A_566, %parallel_loop3A_567, %parallel_loop3A_568] {strides = array<i32>} : memref<32x8x128xf32, #tpu.memory_space<vmem>>, vector<16xf32>,
          tpu.vector_store %arg11[%parallel_loop3A_566, %parallel_loop3A_567, %parallel_loop3A_568], %parallel_loop3A_535 {strides = array<i32>} : memref<32x8x128xf32, #tpu.memory_space<vmem>>, vector<16xf32>,
          %parallel_loop3A_570 = arith.constant 6 : i32
          %parallel_loop3A_571 = arith.index_cast %parallel_loop3A_254 : i32 to index
          %parallel_loop3A_572 = arith.index_cast %parallel_loop3A_570 : i32 to index
          %parallel_loop3A_573 = arith.constant 64 : index
          %parallel_loop3A_574 = tpu.vector_load %arg11[%parallel_loop3A_571, %parallel_loop3A_572, %parallel_loop3A_573] {strides = array<i32>} : memref<32x8x128xf32, #tpu.memory_space<vmem>>, vector<16xf32>,
          tpu.vector_store %arg11[%parallel_loop3A_571, %parallel_loop3A_572, %parallel_loop3A_573], %parallel_loop3A_537 {strides = array<i32>} : memref<32x8x128xf32, #tpu.memory_space<vmem>>, vector<16xf32>,
          %parallel_loop3A_575 = arith.constant 7 : i32
          %parallel_loop3A_576 = arith.index_cast %parallel_loop3A_254 : i32 to index
          %parallel_loop3A_577 = arith.index_cast %parallel_loop3A_575 : i32 to index
          %parallel_loop3A_578 = arith.constant 64 : index
          %parallel_loop3A_579 = tpu.vector_load %arg11[%parallel_loop3A_576, %parallel_loop3A_577, %parallel_loop3A_578] {strides = array<i32>} : memref<32x8x128xf32, #tpu.memory_space<vmem>>, vector<16xf32>,
          tpu.vector_store %arg11[%parallel_loop3A_576, %parallel_loop3A_577, %parallel_loop3A_578], %parallel_loop3A_539 {strides = array<i32>} : memref<32x8x128xf32, #tpu.memory_space<vmem>>, vector<16xf32>,
          %parallel_loop3A_580 = arith.constant 32 : i32
          %parallel_loop3A_581 = arith.muli %select_n3A_118, %parallel_loop3A_580 : i32
          %parallel_loop3A_582 = arith.addi %parallel_loop3A_581, %parallel_loop3A_254 : i32
          %parallel_loop3A_583 = arith.constant 128 : i32
          %parallel_loop3A_584 = arith.muli %parallel_loop3A_582, %parallel_loop3A_583 : i32
          %parallel_loop3A_585 = arith.constant 80 : i32
          %parallel_loop3A_586 = arith.addi %parallel_loop3A_584, %parallel_loop3A_585 : i32
          %parallel_loop3A_587 = arith.index_cast %parallel_loop3A_586 : i32 to index
          %parallel_loop3A_588 = tpu.vector_load %arg9[%parallel_loop3A_587] {strides = array<i32>} : memref<16384xi32, #tpu.memory_space<vmem>>, vector<16xi32>,
          %parallel_loop3A_589 = arith.addi %broadcast_in_dim3A_1, %parallel_loop3A_588 : vector<16xi32>
          %parallel_loop3A_590 = tpu.vector_load_idx %arg10[%parallel_loop3A_589] : memref<8000xf32, #tpu.memory_space<vmem>>[vector<16xi32>], vector<16xf32>,
          %parallel_loop3A_591 = arith.addi %broadcast_in_dim3A_3, %parallel_loop3A_588 : vector<16xi32>
          %parallel_loop3A_592 = tpu.vector_load_idx %arg10[%parallel_loop3A_591] : memref<8000xf32, #tpu.memory_space<vmem>>[vector<16xi32>], vector<16xf32>,
          %parallel_loop3A_593 = arith.addi %broadcast_in_dim3A_5, %parallel_loop3A_588 : vector<16xi32>
          %parallel_loop3A_594 = tpu.vector_load_idx %arg10[%parallel_loop3A_593] : memref<8000xf32, #tpu.memory_space<vmem>>[vector<16xi32>], vector<16xf32>,
          %parallel_loop3A_595 = arith.addi %broadcast_in_dim3A_7, %parallel_loop3A_588 : vector<16xi32>
          %parallel_loop3A_596 = tpu.vector_load_idx %arg10[%parallel_loop3A_595] : memref<8000xf32, #tpu.memory_space<vmem>>[vector<16xi32>], vector<16xf32>,
          %parallel_loop3A_597 = arith.addi %broadcast_in_dim3A_9, %parallel_loop3A_588 : vector<16xi32>
          %parallel_loop3A_598 = tpu.vector_load_idx %arg10[%parallel_loop3A_597] : memref<8000xf32, #tpu.memory_space<vmem>>[vector<16xi32>], vector<16xf32>,
          %parallel_loop3A_599 = arith.addi %broadcast_in_dim3A_11, %parallel_loop3A_588 : vector<16xi32>
          %parallel_loop3A_600 = tpu.vector_load_idx %arg10[%parallel_loop3A_599] : memref<8000xf32, #tpu.memory_space<vmem>>[vector<16xi32>], vector<16xf32>,
          %parallel_loop3A_601 = arith.addi %broadcast_in_dim3A_13, %parallel_loop3A_588 : vector<16xi32>
          %parallel_loop3A_602 = tpu.vector_load_idx %arg10[%parallel_loop3A_601] : memref<8000xf32, #tpu.memory_space<vmem>>[vector<16xi32>], vector<16xf32>,
          %parallel_loop3A_603 = arith.addi %broadcast_in_dim3A_15, %parallel_loop3A_588 : vector<16xi32>
          %parallel_loop3A_604 = tpu.vector_load_idx %arg10[%parallel_loop3A_603] : memref<8000xf32, #tpu.memory_space<vmem>>[vector<16xi32>], vector<16xf32>,
          %parallel_loop3A_605 = arith.constant 0 : i32
          %parallel_loop3A_606 = arith.index_cast %parallel_loop3A_254 : i32 to index
          %parallel_loop3A_607 = arith.index_cast %parallel_loop3A_605 : i32 to index
          %parallel_loop3A_608 = arith.constant 80 : index
          %parallel_loop3A_609 = tpu.vector_load %arg11[%parallel_loop3A_606, %parallel_loop3A_607, %parallel_loop3A_608] {strides = array<i32>} : memref<32x8x128xf32, #tpu.memory_space<vmem>>, vector<16xf32>,
          tpu.vector_store %arg11[%parallel_loop3A_606, %parallel_loop3A_607, %parallel_loop3A_608], %parallel_loop3A_590 {strides = array<i32>} : memref<32x8x128xf32, #tpu.memory_space<vmem>>, vector<16xf32>,
          %parallel_loop3A_610 = arith.constant 1 : i32
          %parallel_loop3A_611 = arith.index_cast %parallel_loop3A_254 : i32 to index
          %parallel_loop3A_612 = arith.index_cast %parallel_loop3A_610 : i32 to index
          %parallel_loop3A_613 = arith.constant 80 : index
          %parallel_loop3A_614 = tpu.vector_load %arg11[%parallel_loop3A_611, %parallel_loop3A_612, %parallel_loop3A_613] {strides = array<i32>} : memref<32x8x128xf32, #tpu.memory_space<vmem>>, vector<16xf32>,
          tpu.vector_store %arg11[%parallel_loop3A_611, %parallel_loop3A_612, %parallel_loop3A_613], %parallel_loop3A_592 {strides = array<i32>} : memref<32x8x128xf32, #tpu.memory_space<vmem>>, vector<16xf32>,
          %parallel_loop3A_615 = arith.constant 2 : i32
          %parallel_loop3A_616 = arith.index_cast %parallel_loop3A_254 : i32 to index
          %parallel_loop3A_617 = arith.index_cast %parallel_loop3A_615 : i32 to index
          %parallel_loop3A_618 = arith.constant 80 : index
          %parallel_loop3A_619 = tpu.vector_load %arg11[%parallel_loop3A_616, %parallel_loop3A_617, %parallel_loop3A_618] {strides = array<i32>} : memref<32x8x128xf32, #tpu.memory_space<vmem>>, vector<16xf32>,
          tpu.vector_store %arg11[%parallel_loop3A_616, %parallel_loop3A_617, %parallel_loop3A_618], %parallel_loop3A_594 {strides = array<i32>} : memref<32x8x128xf32, #tpu.memory_space<vmem>>, vector<16xf32>,
          %parallel_loop3A_620 = arith.constant 3 : i32
          %parallel_loop3A_621 = arith.index_cast %parallel_loop3A_254 : i32 to index
          %parallel_loop3A_622 = arith.index_cast %parallel_loop3A_620 : i32 to index
          %parallel_loop3A_623 = arith.constant 80 : index
          %parallel_loop3A_624 = tpu.vector_load %arg11[%parallel_loop3A_621, %parallel_loop3A_622, %parallel_loop3A_623] {strides = array<i32>} : memref<32x8x128xf32, #tpu.memory_space<vmem>>, vector<16xf32>,
          tpu.vector_store %arg11[%parallel_loop3A_621, %parallel_loop3A_622, %parallel_loop3A_623], %parallel_loop3A_596 {strides = array<i32>} : memref<32x8x128xf32, #tpu.memory_space<vmem>>, vector<16xf32>,
          %parallel_loop3A_625 = arith.constant 4 : i32
          %parallel_loop3A_626 = arith.index_cast %parallel_loop3A_254 : i32 to index
          %parallel_loop3A_627 = arith.index_cast %parallel_loop3A_625 : i32 to index
          %parallel_loop3A_628 = arith.constant 80 : index
          %parallel_loop3A_629 = tpu.vector_load %arg11[%parallel_loop3A_626, %parallel_loop3A_627, %parallel_loop3A_628] {strides = array<i32>} : memref<32x8x128xf32, #tpu.memory_space<vmem>>, vector<16xf32>,
          tpu.vector_store %arg11[%parallel_loop3A_626, %parallel_loop3A_627, %parallel_loop3A_628], %parallel_loop3A_598 {strides = array<i32>} : memref<32x8x128xf32, #tpu.memory_space<vmem>>, vector<16xf32>,
          %parallel_loop3A_630 = arith.constant 5 : i32
          %parallel_loop3A_631 = arith.index_cast %parallel_loop3A_254 : i32 to index
          %parallel_loop3A_632 = arith.index_cast %parallel_loop3A_630 : i32 to index
          %parallel_loop3A_633 = arith.constant 80 : index
          %parallel_loop3A_634 = tpu.vector_load %arg11[%parallel_loop3A_631, %parallel_loop3A_632, %parallel_loop3A_633] {strides = array<i32>} : memref<32x8x128xf32, #tpu.memory_space<vmem>>, vector<16xf32>,
          tpu.vector_store %arg11[%parallel_loop3A_631, %parallel_loop3A_632, %parallel_loop3A_633], %parallel_loop3A_600 {strides = array<i32>} : memref<32x8x128xf32, #tpu.memory_space<vmem>>, vector<16xf32>,
          %parallel_loop3A_635 = arith.constant 6 : i32
          %parallel_loop3A_636 = arith.index_cast %parallel_loop3A_254 : i32 to index
          %parallel_loop3A_637 = arith.index_cast %parallel_loop3A_635 : i32 to index
          %parallel_loop3A_638 = arith.constant 80 : index
          %parallel_loop3A_639 = tpu.vector_load %arg11[%parallel_loop3A_636, %parallel_loop3A_637, %parallel_loop3A_638] {strides = array<i32>} : memref<32x8x128xf32, #tpu.memory_space<vmem>>, vector<16xf32>,
          tpu.vector_store %arg11[%parallel_loop3A_636, %parallel_loop3A_637, %parallel_loop3A_638], %parallel_loop3A_602 {strides = array<i32>} : memref<32x8x128xf32, #tpu.memory_space<vmem>>, vector<16xf32>,
          %parallel_loop3A_640 = arith.constant 7 : i32
          %parallel_loop3A_641 = arith.index_cast %parallel_loop3A_254 : i32 to index
          %parallel_loop3A_642 = arith.index_cast %parallel_loop3A_640 : i32 to index
          %parallel_loop3A_643 = arith.constant 80 : index
          %parallel_loop3A_644 = tpu.vector_load %arg11[%parallel_loop3A_641, %parallel_loop3A_642, %parallel_loop3A_643] {strides = array<i32>} : memref<32x8x128xf32, #tpu.memory_space<vmem>>, vector<16xf32>,
          tpu.vector_store %arg11[%parallel_loop3A_641, %parallel_loop3A_642, %parallel_loop3A_643], %parallel_loop3A_604 {strides = array<i32>} : memref<32x8x128xf32, #tpu.memory_space<vmem>>, vector<16xf32>,
          %parallel_loop3A_645 = arith.constant 32 : i32
          %parallel_loop3A_646 = arith.muli %select_n3A_118, %parallel_loop3A_645 : i32
          %parallel_loop3A_647 = arith.addi %parallel_loop3A_646, %parallel_loop3A_254 : i32
          %parallel_loop3A_648 = arith.constant 128 : i32
          %parallel_loop3A_649 = arith.muli %parallel_loop3A_647, %parallel_loop3A_648 : i32
          %parallel_loop3A_650 = arith.constant 96 : i32
          %parallel_loop3A_651 = arith.addi %parallel_loop3A_649, %parallel_loop3A_650 : i32
          %parallel_loop3A_652 = arith.index_cast %parallel_loop3A_651 : i32 to index
          %parallel_loop3A_653 = tpu.vector_load %arg9[%parallel_loop3A_652] {strides = array<i32>} : memref<16384xi32, #tpu.memory_space<vmem>>, vector<16xi32>,
          %parallel_loop3A_654 = arith.addi %broadcast_in_dim3A_1, %parallel_loop3A_653 : vector<16xi32>
          %parallel_loop3A_655 = tpu.vector_load_idx %arg10[%parallel_loop3A_654] : memref<8000xf32, #tpu.memory_space<vmem>>[vector<16xi32>], vector<16xf32>,
          %parallel_loop3A_656 = arith.addi %broadcast_in_dim3A_3, %parallel_loop3A_653 : vector<16xi32>
          %parallel_loop3A_657 = tpu.vector_load_idx %arg10[%parallel_loop3A_656] : memref<8000xf32, #tpu.memory_space<vmem>>[vector<16xi32>], vector<16xf32>,
          %parallel_loop3A_658 = arith.addi %broadcast_in_dim3A_5, %parallel_loop3A_653 : vector<16xi32>
          %parallel_loop3A_659 = tpu.vector_load_idx %arg10[%parallel_loop3A_658] : memref<8000xf32, #tpu.memory_space<vmem>>[vector<16xi32>], vector<16xf32>,
          %parallel_loop3A_660 = arith.addi %broadcast_in_dim3A_7, %parallel_loop3A_653 : vector<16xi32>
          %parallel_loop3A_661 = tpu.vector_load_idx %arg10[%parallel_loop3A_660] : memref<8000xf32, #tpu.memory_space<vmem>>[vector<16xi32>], vector<16xf32>,
          %parallel_loop3A_662 = arith.addi %broadcast_in_dim3A_9, %parallel_loop3A_653 : vector<16xi32>
          %parallel_loop3A_663 = tpu.vector_load_idx %arg10[%parallel_loop3A_662] : memref<8000xf32, #tpu.memory_space<vmem>>[vector<16xi32>], vector<16xf32>,
          %parallel_loop3A_664 = arith.addi %broadcast_in_dim3A_11, %parallel_loop3A_653 : vector<16xi32>
          %parallel_loop3A_665 = tpu.vector_load_idx %arg10[%parallel_loop3A_664] : memref<8000xf32, #tpu.memory_space<vmem>>[vector<16xi32>], vector<16xf32>,
          %parallel_loop3A_666 = arith.addi %broadcast_in_dim3A_13, %parallel_loop3A_653 : vector<16xi32>
          %parallel_loop3A_667 = tpu.vector_load_idx %arg10[%parallel_loop3A_666] : memref<8000xf32, #tpu.memory_space<vmem>>[vector<16xi32>], vector<16xf32>,
          %parallel_loop3A_668 = arith.addi %broadcast_in_dim3A_15, %parallel_loop3A_653 : vector<16xi32>
          %parallel_loop3A_669 = tpu.vector_load_idx %arg10[%parallel_loop3A_668] : memref<8000xf32, #tpu.memory_space<vmem>>[vector<16xi32>], vector<16xf32>,
          %parallel_loop3A_670 = arith.constant 0 : i32
          %parallel_loop3A_671 = arith.index_cast %parallel_loop3A_254 : i32 to index
          %parallel_loop3A_672 = arith.index_cast %parallel_loop3A_670 : i32 to index
          %parallel_loop3A_673 = arith.constant 96 : index
          %parallel_loop3A_674 = tpu.vector_load %arg11[%parallel_loop3A_671, %parallel_loop3A_672, %parallel_loop3A_673] {strides = array<i32>} : memref<32x8x128xf32, #tpu.memory_space<vmem>>, vector<16xf32>,
          tpu.vector_store %arg11[%parallel_loop3A_671, %parallel_loop3A_672, %parallel_loop3A_673], %parallel_loop3A_655 {strides = array<i32>} : memref<32x8x128xf32, #tpu.memory_space<vmem>>, vector<16xf32>,
          %parallel_loop3A_675 = arith.constant 1 : i32
          %parallel_loop3A_676 = arith.index_cast %parallel_loop3A_254 : i32 to index
          %parallel_loop3A_677 = arith.index_cast %parallel_loop3A_675 : i32 to index
          %parallel_loop3A_678 = arith.constant 96 : index
          %parallel_loop3A_679 = tpu.vector_load %arg11[%parallel_loop3A_676, %parallel_loop3A_677, %parallel_loop3A_678] {strides = array<i32>} : memref<32x8x128xf32, #tpu.memory_space<vmem>>, vector<16xf32>,
          tpu.vector_store %arg11[%parallel_loop3A_676, %parallel_loop3A_677, %parallel_loop3A_678], %parallel_loop3A_657 {strides = array<i32>} : memref<32x8x128xf32, #tpu.memory_space<vmem>>, vector<16xf32>,
          %parallel_loop3A_680 = arith.constant 2 : i32
          %parallel_loop3A_681 = arith.index_cast %parallel_loop3A_254 : i32 to index
          %parallel_loop3A_682 = arith.index_cast %parallel_loop3A_680 : i32 to index
          %parallel_loop3A_683 = arith.constant 96 : index
          %parallel_loop3A_684 = tpu.vector_load %arg11[%parallel_loop3A_681, %parallel_loop3A_682, %parallel_loop3A_683] {strides = array<i32>} : memref<32x8x128xf32, #tpu.memory_space<vmem>>, vector<16xf32>,
          tpu.vector_store %arg11[%parallel_loop3A_681, %parallel_loop3A_682, %parallel_loop3A_683], %parallel_loop3A_659 {strides = array<i32>} : memref<32x8x128xf32, #tpu.memory_space<vmem>>, vector<16xf32>,
          %parallel_loop3A_685 = arith.constant 3 : i32
          %parallel_loop3A_686 = arith.index_cast %parallel_loop3A_254 : i32 to index
          %parallel_loop3A_687 = arith.index_cast %parallel_loop3A_685 : i32 to index
          %parallel_loop3A_688 = arith.constant 96 : index
          %parallel_loop3A_689 = tpu.vector_load %arg11[%parallel_loop3A_686, %parallel_loop3A_687, %parallel_loop3A_688] {strides = array<i32>} : memref<32x8x128xf32, #tpu.memory_space<vmem>>, vector<16xf32>,
          tpu.vector_store %arg11[%parallel_loop3A_686, %parallel_loop3A_687, %parallel_loop3A_688], %parallel_loop3A_661 {strides = array<i32>} : memref<32x8x128xf32, #tpu.memory_space<vmem>>, vector<16xf32>,
          %parallel_loop3A_690 = arith.constant 4 : i32
          %parallel_loop3A_691 = arith.index_cast %parallel_loop3A_254 : i32 to index
          %parallel_loop3A_692 = arith.index_cast %parallel_loop3A_690 : i32 to index
          %parallel_loop3A_693 = arith.constant 96 : index
          %parallel_loop3A_694 = tpu.vector_load %arg11[%parallel_loop3A_691, %parallel_loop3A_692, %parallel_loop3A_693] {strides = array<i32>} : memref<32x8x128xf32, #tpu.memory_space<vmem>>, vector<16xf32>,
          tpu.vector_store %arg11[%parallel_loop3A_691, %parallel_loop3A_692, %parallel_loop3A_693], %parallel_loop3A_663 {strides = array<i32>} : memref<32x8x128xf32, #tpu.memory_space<vmem>>, vector<16xf32>,
          %parallel_loop3A_695 = arith.constant 5 : i32
          %parallel_loop3A_696 = arith.index_cast %parallel_loop3A_254 : i32 to index
          %parallel_loop3A_697 = arith.index_cast %parallel_loop3A_695 : i32 to index
          %parallel_loop3A_698 = arith.constant 96 : index
          %parallel_loop3A_699 = tpu.vector_load %arg11[%parallel_loop3A_696, %parallel_loop3A_697, %parallel_loop3A_698] {strides = array<i32>} : memref<32x8x128xf32, #tpu.memory_space<vmem>>, vector<16xf32>,
          tpu.vector_store %arg11[%parallel_loop3A_696, %parallel_loop3A_697, %parallel_loop3A_698], %parallel_loop3A_665 {strides = array<i32>} : memref<32x8x128xf32, #tpu.memory_space<vmem>>, vector<16xf32>,
          %parallel_loop3A_700 = arith.constant 6 : i32
          %parallel_loop3A_701 = arith.index_cast %parallel_loop3A_254 : i32 to index
          %parallel_loop3A_702 = arith.index_cast %parallel_loop3A_700 : i32 to index
          %parallel_loop3A_703 = arith.constant 96 : index
          %parallel_loop3A_704 = tpu.vector_load %arg11[%parallel_loop3A_701, %parallel_loop3A_702, %parallel_loop3A_703] {strides = array<i32>} : memref<32x8x128xf32, #tpu.memory_space<vmem>>, vector<16xf32>,
          tpu.vector_store %arg11[%parallel_loop3A_701, %parallel_loop3A_702, %parallel_loop3A_703], %parallel_loop3A_667 {strides = array<i32>} : memref<32x8x128xf32, #tpu.memory_space<vmem>>, vector<16xf32>,
          %parallel_loop3A_705 = arith.constant 7 : i32
          %parallel_loop3A_706 = arith.index_cast %parallel_loop3A_254 : i32 to index
          %parallel_loop3A_707 = arith.index_cast %parallel_loop3A_705 : i32 to index
          %parallel_loop3A_708 = arith.constant 96 : index
          %parallel_loop3A_709 = tpu.vector_load %arg11[%parallel_loop3A_706, %parallel_loop3A_707, %parallel_loop3A_708] {strides = array<i32>} : memref<32x8x128xf32, #tpu.memory_space<vmem>>, vector<16xf32>,
          tpu.vector_store %arg11[%parallel_loop3A_706, %parallel_loop3A_707, %parallel_loop3A_708], %parallel_loop3A_669 {strides = array<i32>} : memref<32x8x128xf32, #tpu.memory_space<vmem>>, vector<16xf32>,
          %parallel_loop3A_710 = arith.constant 32 : i32
          %parallel_loop3A_711 = arith.muli %select_n3A_118, %parallel_loop3A_710 : i32
          %parallel_loop3A_712 = arith.addi %parallel_loop3A_711, %parallel_loop3A_254 : i32
          %parallel_loop3A_713 = arith.constant 128 : i32
          %parallel_loop3A_714 = arith.muli %parallel_loop3A_712, %parallel_loop3A_713 : i32
          %parallel_loop3A_715 = arith.constant 112 : i32
          %parallel_loop3A_716 = arith.addi %parallel_loop3A_714, %parallel_loop3A_715 : i32
          %parallel_loop3A_717 = arith.index_cast %parallel_loop3A_716 : i32 to index
          %parallel_loop3A_718 = tpu.vector_load %arg9[%parallel_loop3A_717] {strides = array<i32>} : memref<16384xi32, #tpu.memory_space<vmem>>, vector<16xi32>,
          %parallel_loop3A_719 = arith.addi %broadcast_in_dim3A_1, %parallel_loop3A_718 : vector<16xi32>
          %parallel_loop3A_720 = tpu.vector_load_idx %arg10[%parallel_loop3A_719] : memref<8000xf32, #tpu.memory_space<vmem>>[vector<16xi32>], vector<16xf32>,
          %parallel_loop3A_721 = arith.addi %broadcast_in_dim3A_3, %parallel_loop3A_718 : vector<16xi32>
          %parallel_loop3A_722 = tpu.vector_load_idx %arg10[%parallel_loop3A_721] : memref<8000xf32, #tpu.memory_space<vmem>>[vector<16xi32>], vector<16xf32>,
          %parallel_loop3A_723 = arith.addi %broadcast_in_dim3A_5, %parallel_loop3A_718 : vector<16xi32>
          %parallel_loop3A_724 = tpu.vector_load_idx %arg10[%parallel_loop3A_723] : memref<8000xf32, #tpu.memory_space<vmem>>[vector<16xi32>], vector<16xf32>,
          %parallel_loop3A_725 = arith.addi %broadcast_in_dim3A_7, %parallel_loop3A_718 : vector<16xi32>
          %parallel_loop3A_726 = tpu.vector_load_idx %arg10[%parallel_loop3A_725] : memref<8000xf32, #tpu.memory_space<vmem>>[vector<16xi32>], vector<16xf32>,
          %parallel_loop3A_727 = arith.addi %broadcast_in_dim3A_9, %parallel_loop3A_718 : vector<16xi32>
          %parallel_loop3A_728 = tpu.vector_load_idx %arg10[%parallel_loop3A_727] : memref<8000xf32, #tpu.memory_space<vmem>>[vector<16xi32>], vector<16xf32>,
          %parallel_loop3A_729 = arith.addi %broadcast_in_dim3A_11, %parallel_loop3A_718 : vector<16xi32>
          %parallel_loop3A_730 = tpu.vector_load_idx %arg10[%parallel_loop3A_729] : memref<8000xf32, #tpu.memory_space<vmem>>[vector<16xi32>], vector<16xf32>,
          %parallel_loop3A_731 = arith.addi %broadcast_in_dim3A_13, %parallel_loop3A_718 : vector<16xi32>
          %parallel_loop3A_732 = tpu.vector_load_idx %arg10[%parallel_loop3A_731] : memref<8000xf32, #tpu.memory_space<vmem>>[vector<16xi32>], vector<16xf32>,
          %parallel_loop3A_733 = arith.addi %broadcast_in_dim3A_15, %parallel_loop3A_718 : vector<16xi32>
          %parallel_loop3A_734 = tpu.vector_load_idx %arg10[%parallel_loop3A_733] : memref<8000xf32, #tpu.memory_space<vmem>>[vector<16xi32>], vector<16xf32>,
          %parallel_loop3A_735 = arith.constant 0 : i32
          %parallel_loop3A_736 = arith.index_cast %parallel_loop3A_254 : i32 to index
          %parallel_loop3A_737 = arith.index_cast %parallel_loop3A_735 : i32 to index
          %parallel_loop3A_738 = arith.constant 112 : index
          %parallel_loop3A_739 = tpu.vector_load %arg11[%parallel_loop3A_736, %parallel_loop3A_737, %parallel_loop3A_738] {strides = array<i32>} : memref<32x8x128xf32, #tpu.memory_space<vmem>>, vector<16xf32>,
          tpu.vector_store %arg11[%parallel_loop3A_736, %parallel_loop3A_737, %parallel_loop3A_738], %parallel_loop3A_720 {strides = array<i32>} : memref<32x8x128xf32, #tpu.memory_space<vmem>>, vector<16xf32>,
          %parallel_loop3A_740 = arith.constant 1 : i32
          %parallel_loop3A_741 = arith.index_cast %parallel_loop3A_254 : i32 to index
          %parallel_loop3A_742 = arith.index_cast %parallel_loop3A_740 : i32 to index
          %parallel_loop3A_743 = arith.constant 112 : index
          %parallel_loop3A_744 = tpu.vector_load %arg11[%parallel_loop3A_741, %parallel_loop3A_742, %parallel_loop3A_743] {strides = array<i32>} : memref<32x8x128xf32, #tpu.memory_space<vmem>>, vector<16xf32>,
          tpu.vector_store %arg11[%parallel_loop3A_741, %parallel_loop3A_742, %parallel_loop3A_743], %parallel_loop3A_722 {strides = array<i32>} : memref<32x8x128xf32, #tpu.memory_space<vmem>>, vector<16xf32>,
          %parallel_loop3A_745 = arith.constant 2 : i32
          %parallel_loop3A_746 = arith.index_cast %parallel_loop3A_254 : i32 to index
          %parallel_loop3A_747 = arith.index_cast %parallel_loop3A_745 : i32 to index
          %parallel_loop3A_748 = arith.constant 112 : index
          %parallel_loop3A_749 = tpu.vector_load %arg11[%parallel_loop3A_746, %parallel_loop3A_747, %parallel_loop3A_748] {strides = array<i32>} : memref<32x8x128xf32, #tpu.memory_space<vmem>>, vector<16xf32>,
          tpu.vector_store %arg11[%parallel_loop3A_746, %parallel_loop3A_747, %parallel_loop3A_748], %parallel_loop3A_724 {strides = array<i32>} : memref<32x8x128xf32, #tpu.memory_space<vmem>>, vector<16xf32>,
          %parallel_loop3A_750 = arith.constant 3 : i32
          %parallel_loop3A_751 = arith.index_cast %parallel_loop3A_254 : i32 to index
          %parallel_loop3A_752 = arith.index_cast %parallel_loop3A_750 : i32 to index
          %parallel_loop3A_753 = arith.constant 112 : index
          %parallel_loop3A_754 = tpu.vector_load %arg11[%parallel_loop3A_751, %parallel_loop3A_752, %parallel_loop3A_753] {strides = array<i32>} : memref<32x8x128xf32, #tpu.memory_space<vmem>>, vector<16xf32>,
          tpu.vector_store %arg11[%parallel_loop3A_751, %parallel_loop3A_752, %parallel_loop3A_753], %parallel_loop3A_726 {strides = array<i32>} : memref<32x8x128xf32, #tpu.memory_space<vmem>>, vector<16xf32>,
          %parallel_loop3A_755 = arith.constant 4 : i32
          %parallel_loop3A_756 = arith.index_cast %parallel_loop3A_254 : i32 to index
          %parallel_loop3A_757 = arith.index_cast %parallel_loop3A_755 : i32 to index
          %parallel_loop3A_758 = arith.constant 112 : index
          %parallel_loop3A_759 = tpu.vector_load %arg11[%parallel_loop3A_756, %parallel_loop3A_757, %parallel_loop3A_758] {strides = array<i32>} : memref<32x8x128xf32, #tpu.memory_space<vmem>>, vector<16xf32>,
          tpu.vector_store %arg11[%parallel_loop3A_756, %parallel_loop3A_757, %parallel_loop3A_758], %parallel_loop3A_728 {strides = array<i32>} : memref<32x8x128xf32, #tpu.memory_space<vmem>>, vector<16xf32>,
          %parallel_loop3A_760 = arith.constant 5 : i32
          %parallel_loop3A_761 = arith.index_cast %parallel_loop3A_254 : i32 to index
          %parallel_loop3A_762 = arith.index_cast %parallel_loop3A_760 : i32 to index
          %parallel_loop3A_763 = arith.constant 112 : index
          %parallel_loop3A_764 = tpu.vector_load %arg11[%parallel_loop3A_761, %parallel_loop3A_762, %parallel_loop3A_763] {strides = array<i32>} : memref<32x8x128xf32, #tpu.memory_space<vmem>>, vector<16xf32>,
          tpu.vector_store %arg11[%parallel_loop3A_761, %parallel_loop3A_762, %parallel_loop3A_763], %parallel_loop3A_730 {strides = array<i32>} : memref<32x8x128xf32, #tpu.memory_space<vmem>>, vector<16xf32>,
          %parallel_loop3A_765 = arith.constant 6 : i32
          %parallel_loop3A_766 = arith.index_cast %parallel_loop3A_254 : i32 to index
          %parallel_loop3A_767 = arith.index_cast %parallel_loop3A_765 : i32 to index
          %parallel_loop3A_768 = arith.constant 112 : index
          %parallel_loop3A_769 = tpu.vector_load %arg11[%parallel_loop3A_766, %parallel_loop3A_767, %parallel_loop3A_768] {strides = array<i32>} : memref<32x8x128xf32, #tpu.memory_space<vmem>>, vector<16xf32>,
          tpu.vector_store %arg11[%parallel_loop3A_766, %parallel_loop3A_767, %parallel_loop3A_768], %parallel_loop3A_732 {strides = array<i32>} : memref<32x8x128xf32, #tpu.memory_space<vmem>>, vector<16xf32>,
          %parallel_loop3A_770 = arith.constant 7 : i32
          %parallel_loop3A_771 = arith.index_cast %parallel_loop3A_254 : i32 to index
          %parallel_loop3A_772 = arith.index_cast %parallel_loop3A_770 : i32 to index
          %parallel_loop3A_773 = arith.constant 112 : index
          %parallel_loop3A_774 = tpu.vector_load %arg11[%parallel_loop3A_771, %parallel_loop3A_772, %parallel_loop3A_773] {strides = array<i32>} : memref<32x8x128xf32, #tpu.memory_space<vmem>>, vector<16xf32>,
          tpu.vector_store %arg11[%parallel_loop3A_771, %parallel_loop3A_772, %parallel_loop3A_773], %parallel_loop3A_734 {strides = array<i32>} : memref<32x8x128xf32, #tpu.memory_space<vmem>>, vector<16xf32>,
        } {sc.loop_unroll_factor = 2 : i64, sc.parallel_access}
        %eq3A_239 = arith.constant 0 : i32
        %eq3A_240 = arith.cmpi eq, %select_n3A, %eq3A_239 : i32
        %convert_element_type3A_241 = arith.extui %eq3A_240 : i1 to i32
        %cond3A_242 = arith.constant 0 : i32
        %cond3A_243 = arith.cmpi ne, %convert_element_type3A_241, %cond3A_242 : i32
        scf.if %cond3A_243 {
          %mul3A_254 = arith.constant 32 : i32
          %mul3A_255 = arith.muli %select_n3A_118, %mul3A_254 : i32
          %dma_start3A = arith.constant 0 : i32
          %dma_start3A_256 = arith.constant 0 : i32
          %dma_start3A_257 = tpu.memref_slice %arg6[%add3A_121, %mul3A_255, %dma_start3A, %dma_start3A_256] : memref<125x128x8x128xf32, #tpu.memory_space<hbm>> -> memref<1x32x8x128xf32, #tpu.memory_space<hbm>>
          %dma_start3A_258 = tpu.memref_squeeze %dma_start3A_257 : memref<1x32x8x128xf32, #tpu.memory_space<hbm>> -> memref<32x8x128xf32, #tpu.memory_space<hbm>>
          %dma_start3A_259 = arith.constant 0 : i32
          %dma_start3A_260 = arith.constant 0 : i32
          %dma_start3A_261 = tpu.memref_slice %arg6[%add3A_121, %mul3A_255, %dma_start3A_259, %dma_start3A_260] : memref<125x128x8x128xf32, #tpu.memory_space<hbm>> -> memref<1x32x8x128xf32, #tpu.memory_space<hbm>>
          %dma_start3A_262 = tpu.memref_squeeze %dma_start3A_261 : memref<1x32x8x128xf32, #tpu.memory_space<hbm>> -> memref<32x8x128xf32, #tpu.memory_space<hbm>>
          tpu.enqueue_dma source(%arg11 : memref<32x8x128xf32, #tpu.memory_space<vmem>>) target(%dma_start3A_262 : memref<32x8x128xf32, #tpu.memory_space<hbm>>) target_semaphore(%arg13 : memref<!tpu.dma_semaphore, #tpu.memory_space<semaphore_mem>>)
        } else {
        }
        %eq3A_244 = arith.constant 1 : i32
        %eq3A_245 = arith.cmpi eq, %select_n3A, %eq3A_244 : i32
        %convert_element_type3A_246 = arith.extui %eq3A_245 : i1 to i32
        %cond3A_247 = arith.constant 0 : i32
        %cond3A_248 = arith.cmpi ne, %convert_element_type3A_246, %cond3A_247 : i32
        scf.if %cond3A_248 {
          %mul3A_254 = arith.constant 32 : i32
          %mul3A_255 = arith.muli %select_n3A_118, %mul3A_254 : i32
          %dma_start3A = arith.constant 0 : i32
          %dma_start3A_256 = arith.constant 0 : i32
          %dma_start3A_257 = tpu.memref_slice %arg7[%add3A_121, %mul3A_255, %dma_start3A, %dma_start3A_256] : memref<125x128x8x128xf32, #tpu.memory_space<hbm>> -> memref<1x32x8x128xf32, #tpu.memory_space<hbm>>
          %dma_start3A_258 = tpu.memref_squeeze %dma_start3A_257 : memref<1x32x8x128xf32, #tpu.memory_space<hbm>> -> memref<32x8x128xf32, #tpu.memory_space<hbm>>
          %dma_start3A_259 = arith.constant 0 : i32
          %dma_start3A_260 = arith.constant 0 : i32
          %dma_start3A_261 = tpu.memref_slice %arg7[%add3A_121, %mul3A_255, %dma_start3A_259, %dma_start3A_260] : memref<125x128x8x128xf32, #tpu.memory_space<hbm>> -> memref<1x32x8x128xf32, #tpu.memory_space<hbm>>
          %dma_start3A_262 = tpu.memref_squeeze %dma_start3A_261 : memref<1x32x8x128xf32, #tpu.memory_space<hbm>> -> memref<32x8x128xf32, #tpu.memory_space<hbm>>
          tpu.enqueue_dma source(%arg11 : memref<32x8x128xf32, #tpu.memory_space<vmem>>) target(%dma_start3A_262 : memref<32x8x128xf32, #tpu.memory_space<hbm>>) target_semaphore(%arg13 : memref<!tpu.dma_semaphore, #tpu.memory_space<semaphore_mem>>)
        } else {
        }
        %eq3A_249 = arith.constant 2 : i32
        %eq3A_250 = arith.cmpi eq, %select_n3A, %eq3A_249 : i32
        %convert_element_type3A_251 = arith.extui %eq3A_250 : i1 to i32
        %cond3A_252 = arith.constant 0 : i32
        %cond3A_253 = arith.cmpi ne, %convert_element_type3A_251, %cond3A_252 : i32
        scf.if %cond3A_253 {
          %mul3A_254 = arith.constant 32 : i32
          %mul3A_255 = arith.muli %select_n3A_118, %mul3A_254 : i32
          %dma_start3A = arith.constant 0 : i32
          %dma_start3A_256 = arith.constant 0 : i32
          %dma_start3A_257 = tpu.memref_slice %arg8[%add3A_121, %mul3A_255, %dma_start3A, %dma_start3A_256] : memref<125x128x8x128xf32, #tpu.memory_space<hbm>> -> memref<1x32x8x128xf32, #tpu.memory_space<hbm>>
          %dma_start3A_258 = tpu.memref_squeeze %dma_start3A_257 : memref<1x32x8x128xf32, #tpu.memory_space<hbm>> -> memref<32x8x128xf32, #tpu.memory_space<hbm>>
          %dma_start3A_259 = arith.constant 0 : i32
          %dma_start3A_260 = arith.constant 0 : i32
          %dma_start3A_261 = tpu.memref_slice %arg8[%add3A_121, %mul3A_255, %dma_start3A_259, %dma_start3A_260] : memref<125x128x8x128xf32, #tpu.memory_space<hbm>> -> memref<1x32x8x128xf32, #tpu.memory_space<hbm>>
          %dma_start3A_262 = tpu.memref_squeeze %dma_start3A_261 : memref<1x32x8x128xf32, #tpu.memory_space<hbm>> -> memref<32x8x128xf32, #tpu.memory_space<hbm>>
          tpu.enqueue_dma source(%arg11 : memref<32x8x128xf32, #tpu.memory_space<vmem>>) target(%dma_start3A_262 : memref<32x8x128xf32, #tpu.memory_space<hbm>>) target_semaphore(%arg13 : memref<!tpu.dma_semaphore, #tpu.memory_space<semaphore_mem>>)
        } else {
        }
      } else {
      }
      %mul3A_125 = arith.constant 2 : i32
      %mul3A_126 = arith.muli %scan3A_43, %mul3A_125 : i32
      %add3A_127 = arith.constant 1 : i32
      %add3A_128 = arith.addi %mul3A_126, %add3A_127 : i32
      %jit3A_129 = arith.constant 16 : i32
      %div3A_130 = arith.divsi %add3A_128, %jit3A_129 : i32
      %sign3A_131 = arith.constant 0 : i32
      %sign3A_132 = arith.cmpi sgt, %add3A_128, %sign3A_131 : i32
      %sign3A_133 = arith.extui %sign3A_132 : i1 to i32
      %sign3A_134 = arith.constant 0 : i32
      %sign3A_135 = arith.cmpi slt, %add3A_128, %sign3A_134 : i32
      %sign3A_136 = arith.extui %sign3A_135 : i1 to i32
      %sign3A_137 = arith.subi %sign3A_133, %sign3A_136 : i32
      %sign3A_138 = arith.constant 0 : i32
      %sign3A_139 = arith.cmpi sgt, %jit3A_129, %sign3A_138 : i32
      %sign3A_140 = arith.extui %sign3A_139 : i1 to i32
      %sign3A_141 = arith.constant 0 : i32
      %sign3A_142 = arith.cmpi slt, %jit3A_129, %sign3A_141 : i32
      %sign3A_143 = arith.extui %sign3A_142 : i1 to i32
      %sign3A_144 = arith.subi %sign3A_140, %sign3A_143 : i32
      %ne3A_145 = arith.cmpi ne, %sign3A_137, %sign3A_144 : i32
      %rem3A_146 = arith.remsi %add3A_128, %jit3A_129 : i32
      %ne3A_147 = arith.constant 0 : i32
      %ne3A_148 = arith.cmpi ne, %rem3A_146, %ne3A_147 : i32
      %and3A_149 = arith.andi %ne3A_145, %ne3A_148 : i1
      %sub3A_150 = arith.constant 1 : i32
      %sub3A_151 = arith.subi %div3A_130, %sub3A_150 : i32
      %select_n3A_152 = arith.select %and3A_149, %sub3A_151, %div3A_130 : i32
      %jit3A_153 = arith.constant 4 : i32
      %div3A_154 = arith.divsi %add3A_128, %jit3A_153 : i32
      %sign3A_155 = arith.constant 0 : i32
      %sign3A_156 = arith.cmpi sgt, %add3A_128, %sign3A_155 : i32
      %sign3A_157 = arith.extui %sign3A_156 : i1 to i32
      %sign3A_158 = arith.constant 0 : i32
      %sign3A_159 = arith.cmpi slt, %add3A_128, %sign3A_158 : i32
      %sign3A_160 = arith.extui %sign3A_159 : i1 to i32
      %sign3A_161 = arith.subi %sign3A_157, %sign3A_160 : i32
      %sign3A_162 = arith.constant 0 : i32
      %sign3A_163 = arith.cmpi sgt, %jit3A_153, %sign3A_162 : i32
      %sign3A_164 = arith.extui %sign3A_163 : i1 to i32
      %sign3A_165 = arith.constant 0 : i32
      %sign3A_166 = arith.cmpi slt, %jit3A_153, %sign3A_165 : i32
      %sign3A_167 = arith.extui %sign3A_166 : i1 to i32
      %sign3A_168 = arith.subi %sign3A_164, %sign3A_167 : i32
      %ne3A_169 = arith.cmpi ne, %sign3A_161, %sign3A_168 : i32
      %rem3A_170 = arith.remsi %add3A_128, %jit3A_153 : i32
      %ne3A_171 = arith.constant 0 : i32
      %ne3A_172 = arith.cmpi ne, %rem3A_170, %ne3A_171 : i32
      %and3A_173 = arith.andi %ne3A_169, %ne3A_172 : i1
      %sub3A_174 = arith.constant 1 : i32
      %sub3A_175 = arith.subi %div3A_154, %sub3A_174 : i32
      %select_n3A_176 = arith.select %and3A_173, %sub3A_175, %div3A_154 : i32
      %jit3A_177 = arith.constant 4 : i32
      %eq3A_178 = arith.constant 0 : i32
      %eq3A_179 = arith.cmpi eq, %jit3A_177, %eq3A_178 : i32
      %jit3A_180 = arith.constant 1 : i32
      %select_n3A_181 = arith.select %eq3A_179, %jit3A_180, %jit3A_177 : i32
      %rem3A_182 = arith.remsi %select_n3A_176, %select_n3A_181 : i32
      %ne3A_183 = arith.constant 0 : i32
      %ne3A_184 = arith.cmpi ne, %rem3A_182, %ne3A_183 : i32
      %lt3A_185 = arith.constant 0 : i32
      %lt3A_186 = arith.cmpi slt, %rem3A_182, %lt3A_185 : i32
      %lt3A_187 = arith.constant 0 : i32
      %lt3A_188 = arith.cmpi slt, %select_n3A_181, %lt3A_187 : i32
      %ne3A_189 = arith.xori %lt3A_186, %lt3A_188 : i1
      %and3A_190 = arith.andi %ne3A_189, %ne3A_184 : i1
      %add3A_191 = arith.addi %rem3A_182, %select_n3A_181 : i32
      %select_n3A_192 = arith.select %and3A_190, %add3A_191, %rem3A_182 : i32
      %jit3A_193 = arith.constant 4 : i32
      %eq3A_194 = arith.constant 0 : i32
      %eq3A_195 = arith.cmpi eq, %jit3A_193, %eq3A_194 : i32
      %jit3A_196 = arith.constant 1 : i32
      %select_n3A_197 = arith.select %eq3A_195, %jit3A_196, %jit3A_193 : i32
      %rem3A_198 = arith.remsi %add3A_128, %select_n3A_197 : i32
      %ne3A_199 = arith.constant 0 : i32
      %ne3A_200 = arith.cmpi ne, %rem3A_198, %ne3A_199 : i32
      %lt3A_201 = arith.constant 0 : i32
      %lt3A_202 = arith.cmpi slt, %rem3A_198, %lt3A_201 : i32
      %lt3A_203 = arith.constant 0 : i32
      %lt3A_204 = arith.cmpi slt, %select_n3A_197, %lt3A_203 : i32
      %ne3A_205 = arith.xori %lt3A_202, %lt3A_204 : i1
      %and3A_206 = arith.andi %ne3A_205, %ne3A_200 : i1
      %add3A_207 = arith.addi %rem3A_198, %select_n3A_197 : i32
      %select_n3A_208 = arith.select %and3A_206, %add3A_207, %rem3A_198 : i32
      %mul3A_209 = arith.constant 32 : i32
      %mul3A_210 = arith.muli %select_n3A_192, %mul3A_209 : i32
      %add3A_211 = arith.addi %add3A, %mul3A_210 : i32
      %lt3A_212 = arith.constant 125 : i32
      %lt3A_213 = arith.cmpi slt, %add3A_211, %lt3A_212 : i32
      %convert_element_type3A_214 = arith.extui %lt3A_213 : i1 to i32
      %cond3A_215 = arith.constant 0 : i32
      %cond3A_216 = arith.cmpi ne, %convert_element_type3A_214, %cond3A_215 : i32
      scf.if %cond3A_216 {
        %ge3A = arith.constant 2 : i32
        %ge3A_218 = arith.cmpi sge, %add3A_128, %ge3A : i32
        %convert_element_type3A_219 = arith.extui %ge3A_218 : i1 to i32
        %cond3A_220 = arith.constant 0 : i32
        %cond3A_221 = arith.cmpi ne, %convert_element_type3A_219, %cond3A_220 : i32
        scf.if %cond3A_221 {
          %dma_wait3A_254 = arith.constant 0 : i32
          %dma_wait3A_255 = arith.constant 0 : i32
          %dma_wait3A_256 = arith.constant 0 : i32
          %dma_wait3A_257 = arith.constant 0 : i32
          %dma_wait3A_258 = tpu.memref_slice %arg6[%dma_wait3A_254, %dma_wait3A_255, %dma_wait3A_256, %dma_wait3A_257] : memref<125x128x8x128xf32, #tpu.memory_space<hbm>> -> memref<1x32x8x128xf32, #tpu.memory_space<hbm>>
          %dma_wait3A_259 = tpu.memref_squeeze %dma_wait3A_258 : memref<1x32x8x128xf32, #tpu.memory_space<hbm>> -> memref<32x8x128xf32, #tpu.memory_space<hbm>>
          %dma_wait3A_260 = arith.constant 0 : i32
          %dma_wait3A_261 = arith.constant 0 : i32
          %dma_wait3A_262 = arith.constant 0 : i32
          %dma_wait3A_263 = tpu.memref_slice %arg6[%dma_wait3A_254, %dma_wait3A_260, %dma_wait3A_261, %dma_wait3A_262] : memref<125x128x8x128xf32, #tpu.memory_space<hbm>> -> memref<1x32x8x128xf32, #tpu.memory_space<hbm>>
          %dma_wait3A_264 = tpu.memref_squeeze %dma_wait3A_263 : memref<1x32x8x128xf32, #tpu.memory_space<hbm>> -> memref<32x8x128xf32, #tpu.memory_space<hbm>>
          tpu.wait_dma2 semaphore(%arg14 : memref<!tpu.dma_semaphore, #tpu.memory_space<semaphore_mem>>) src(%arg12 : memref<32x8x128xf32, #tpu.memory_space<vmem>>) dst(%dma_wait3A_264 : memref<32x8x128xf32, #tpu.memory_space<hbm>>)
        } else {
        }
        %eq3A_222 = arith.constant 0 : i32
        %eq3A_223 = arith.cmpi eq, %select_n3A_152, %eq3A_222 : i32
        %convert_element_type3A_224 = arith.extui %eq3A_223 : i1 to i32
        %cond3A_225 = arith.constant 0 : i32
        %cond3A_226 = arith.cmpi ne, %convert_element_type3A_224, %cond3A_225 : i32
        scf.if %cond3A_226 {
          %eq3A_254 = arith.constant 0 : i32
          %eq3A_255 = arith.cmpi eq, %select_n3A_208, %eq3A_254 : i32
          %convert_element_type3A_256 = arith.extui %eq3A_255 : i1 to i32
          %cond3A_257 = arith.constant 0 : i32
          %cond3A_258 = arith.cmpi ne, %convert_element_type3A_256, %cond3A_257 : i32
          scf.if %cond3A_258 {
            %mul3A_259 = arith.constant 8000 : i32
            %mul3A_260 = arith.muli %add3A_211, %mul3A_259 : i32
            "tpu.region"() ({
              %run_scoped3A = tpu.sem_alloc : memref<!tpu.dma_semaphore, #tpu.memory_space<semaphore_mem>>
              %dma_start3A = tpu.memref_slice %arg2[%mul3A_260] : memref<1000000xf32, #tpu.memory_space<hbm>> -> memref<8000xf32, #tpu.memory_space<hbm>>
              %dma_start3A_261 = tpu.memref_slice %arg2[%mul3A_260] : memref<1000000xf32, #tpu.memory_space<hbm>> -> memref<8000xf32, #tpu.memory_space<hbm>>
              tpu.enqueue_dma source(%dma_start3A_261 : memref<8000xf32, #tpu.memory_space<hbm>>) target(%arg10 : memref<8000xf32, #tpu.memory_space<vmem>>) target_semaphore(%run_scoped3A : memref<!tpu.dma_semaphore, #tpu.memory_space<semaphore_mem>>)
              %dma_wait3A_262 = tpu.memref_slice %arg2[%mul3A_260] : memref<1000000xf32, #tpu.memory_space<hbm>> -> memref<8000xf32, #tpu.memory_space<hbm>>
              %dma_wait3A_263 = tpu.memref_slice %arg2[%mul3A_260] : memref<1000000xf32, #tpu.memory_space<hbm>> -> memref<8000xf32, #tpu.memory_space<hbm>>
              tpu.wait_dma2 semaphore(%run_scoped3A : memref<!tpu.dma_semaphore, #tpu.memory_space<semaphore_mem>>) src(%dma_wait3A_263 : memref<8000xf32, #tpu.memory_space<hbm>>) dst(%arg10 : memref<8000xf32, #tpu.memory_space<vmem>>)
              tpu.yield
            }) : () -> ()
          } else {
          }
        } else {
        }
        %eq3A_227 = arith.constant 1 : i32
        %eq3A_228 = arith.cmpi eq, %select_n3A_152, %eq3A_227 : i32
        %convert_element_type3A_229 = arith.extui %eq3A_228 : i1 to i32
        %cond3A_230 = arith.constant 0 : i32
        %cond3A_231 = arith.cmpi ne, %convert_element_type3A_229, %cond3A_230 : i32
        scf.if %cond3A_231 {
          %eq3A_254 = arith.constant 0 : i32
          %eq3A_255 = arith.cmpi eq, %select_n3A_208, %eq3A_254 : i32
          %convert_element_type3A_256 = arith.extui %eq3A_255 : i1 to i32
          %cond3A_257 = arith.constant 0 : i32
          %cond3A_258 = arith.cmpi ne, %convert_element_type3A_256, %cond3A_257 : i32
          scf.if %cond3A_258 {
            %mul3A_259 = arith.constant 8000 : i32
            %mul3A_260 = arith.muli %add3A_211, %mul3A_259 : i32
            "tpu.region"() ({
              %run_scoped3A = tpu.sem_alloc : memref<!tpu.dma_semaphore, #tpu.memory_space<semaphore_mem>>
              %dma_start3A = tpu.memref_slice %arg3[%mul3A_260] : memref<1000000xf32, #tpu.memory_space<hbm>> -> memref<8000xf32, #tpu.memory_space<hbm>>
              %dma_start3A_261 = tpu.memref_slice %arg3[%mul3A_260] : memref<1000000xf32, #tpu.memory_space<hbm>> -> memref<8000xf32, #tpu.memory_space<hbm>>
              tpu.enqueue_dma source(%dma_start3A_261 : memref<8000xf32, #tpu.memory_space<hbm>>) target(%arg10 : memref<8000xf32, #tpu.memory_space<vmem>>) target_semaphore(%run_scoped3A : memref<!tpu.dma_semaphore, #tpu.memory_space<semaphore_mem>>)
              %dma_wait3A_262 = tpu.memref_slice %arg3[%mul3A_260] : memref<1000000xf32, #tpu.memory_space<hbm>> -> memref<8000xf32, #tpu.memory_space<hbm>>
              %dma_wait3A_263 = tpu.memref_slice %arg3[%mul3A_260] : memref<1000000xf32, #tpu.memory_space<hbm>> -> memref<8000xf32, #tpu.memory_space<hbm>>
              tpu.wait_dma2 semaphore(%run_scoped3A : memref<!tpu.dma_semaphore, #tpu.memory_space<semaphore_mem>>) src(%dma_wait3A_263 : memref<8000xf32, #tpu.memory_space<hbm>>) dst(%arg10 : memref<8000xf32, #tpu.memory_space<vmem>>)
              tpu.yield
            }) : () -> ()
          } else {
          }
        } else {
        }
        %eq3A_232 = arith.constant 2 : i32
        %eq3A_233 = arith.cmpi eq, %select_n3A_152, %eq3A_232 : i32
        %convert_element_type3A_234 = arith.extui %eq3A_233 : i1 to i32
        %cond3A_235 = arith.constant 0 : i32
        %cond3A_236 = arith.cmpi ne, %convert_element_type3A_234, %cond3A_235 : i32
        scf.if %cond3A_236 {
          %eq3A_254 = arith.constant 0 : i32
          %eq3A_255 = arith.cmpi eq, %select_n3A_208, %eq3A_254 : i32
          %convert_element_type3A_256 = arith.extui %eq3A_255 : i1 to i32
          %cond3A_257 = arith.constant 0 : i32
          %cond3A_258 = arith.cmpi ne, %convert_element_type3A_256, %cond3A_257 : i32
          scf.if %cond3A_258 {
            %mul3A_259 = arith.constant 8000 : i32
            %mul3A_260 = arith.muli %add3A_211, %mul3A_259 : i32
            "tpu.region"() ({
              %run_scoped3A = tpu.sem_alloc : memref<!tpu.dma_semaphore, #tpu.memory_space<semaphore_mem>>
              %dma_start3A = tpu.memref_slice %arg4[%mul3A_260] : memref<1000000xf32, #tpu.memory_space<hbm>> -> memref<8000xf32, #tpu.memory_space<hbm>>
              %dma_start3A_261 = tpu.memref_slice %arg4[%mul3A_260] : memref<1000000xf32, #tpu.memory_space<hbm>> -> memref<8000xf32, #tpu.memory_space<hbm>>
              tpu.enqueue_dma source(%dma_start3A_261 : memref<8000xf32, #tpu.memory_space<hbm>>) target(%arg10 : memref<8000xf32, #tpu.memory_space<vmem>>) target_semaphore(%run_scoped3A : memref<!tpu.dma_semaphore, #tpu.memory_space<semaphore_mem>>)
              %dma_wait3A_262 = tpu.memref_slice %arg4[%mul3A_260] : memref<1000000xf32, #tpu.memory_space<hbm>> -> memref<8000xf32, #tpu.memory_space<hbm>>
              %dma_wait3A_263 = tpu.memref_slice %arg4[%mul3A_260] : memref<1000000xf32, #tpu.memory_space<hbm>> -> memref<8000xf32, #tpu.memory_space<hbm>>
              tpu.wait_dma2 semaphore(%run_scoped3A : memref<!tpu.dma_semaphore, #tpu.memory_space<semaphore_mem>>) src(%dma_wait3A_263 : memref<8000xf32, #tpu.memory_space<hbm>>) dst(%arg10 : memref<8000xf32, #tpu.memory_space<vmem>>)
              tpu.yield
            }) : () -> ()
          } else {
          }
        } else {
        }
        %parallel_loop3A = arith.constant 0 : i32
        %parallel_loop3A_237 = arith.constant 32 : i32
        %parallel_loop3A_238 = arith.constant 1 : i32
        scf.for %parallel_loop3A_254 = %parallel_loop3A to %parallel_loop3A_237 step %parallel_loop3A_238  : i32 {
          %parallel_loop3A_255 = arith.constant 32 : i32
          %parallel_loop3A_256 = arith.muli %select_n3A_208, %parallel_loop3A_255 : i32
          %parallel_loop3A_257 = arith.addi %parallel_loop3A_256, %parallel_loop3A_254 : i32
          %parallel_loop3A_258 = arith.constant 128 : i32
          %parallel_loop3A_259 = arith.muli %parallel_loop3A_257, %parallel_loop3A_258 : i32
          %parallel_loop3A_260 = arith.constant 0 : i32
          %parallel_loop3A_261 = arith.addi %parallel_loop3A_259, %parallel_loop3A_260 : i32
          %parallel_loop3A_262 = arith.index_cast %parallel_loop3A_261 : i32 to index
          %parallel_loop3A_263 = tpu.vector_load %arg9[%parallel_loop3A_262] {strides = array<i32>} : memref<16384xi32, #tpu.memory_space<vmem>>, vector<16xi32>,
          %parallel_loop3A_264 = arith.addi %broadcast_in_dim3A_1, %parallel_loop3A_263 : vector<16xi32>
          %parallel_loop3A_265 = tpu.vector_load_idx %arg10[%parallel_loop3A_264] : memref<8000xf32, #tpu.memory_space<vmem>>[vector<16xi32>], vector<16xf32>,
          %parallel_loop3A_266 = arith.addi %broadcast_in_dim3A_3, %parallel_loop3A_263 : vector<16xi32>
          %parallel_loop3A_267 = tpu.vector_load_idx %arg10[%parallel_loop3A_266] : memref<8000xf32, #tpu.memory_space<vmem>>[vector<16xi32>], vector<16xf32>,
          %parallel_loop3A_268 = arith.addi %broadcast_in_dim3A_5, %parallel_loop3A_263 : vector<16xi32>
          %parallel_loop3A_269 = tpu.vector_load_idx %arg10[%parallel_loop3A_268] : memref<8000xf32, #tpu.memory_space<vmem>>[vector<16xi32>], vector<16xf32>,
          %parallel_loop3A_270 = arith.addi %broadcast_in_dim3A_7, %parallel_loop3A_263 : vector<16xi32>
          %parallel_loop3A_271 = tpu.vector_load_idx %arg10[%parallel_loop3A_270] : memref<8000xf32, #tpu.memory_space<vmem>>[vector<16xi32>], vector<16xf32>,
          %parallel_loop3A_272 = arith.addi %broadcast_in_dim3A_9, %parallel_loop3A_263 : vector<16xi32>
          %parallel_loop3A_273 = tpu.vector_load_idx %arg10[%parallel_loop3A_272] : memref<8000xf32, #tpu.memory_space<vmem>>[vector<16xi32>], vector<16xf32>,
          %parallel_loop3A_274 = arith.addi %broadcast_in_dim3A_11, %parallel_loop3A_263 : vector<16xi32>
          %parallel_loop3A_275 = tpu.vector_load_idx %arg10[%parallel_loop3A_274] : memref<8000xf32, #tpu.memory_space<vmem>>[vector<16xi32>], vector<16xf32>,
          %parallel_loop3A_276 = arith.addi %broadcast_in_dim3A_13, %parallel_loop3A_263 : vector<16xi32>
          %parallel_loop3A_277 = tpu.vector_load_idx %arg10[%parallel_loop3A_276] : memref<8000xf32, #tpu.memory_space<vmem>>[vector<16xi32>], vector<16xf32>,
          %parallel_loop3A_278 = arith.addi %broadcast_in_dim3A_15, %parallel_loop3A_263 : vector<16xi32>
          %parallel_loop3A_279 = tpu.vector_load_idx %arg10[%parallel_loop3A_278] : memref<8000xf32, #tpu.memory_space<vmem>>[vector<16xi32>], vector<16xf32>,
          %parallel_loop3A_280 = arith.constant 0 : i32
          %parallel_loop3A_281 = arith.index_cast %parallel_loop3A_254 : i32 to index
          %parallel_loop3A_282 = arith.index_cast %parallel_loop3A_280 : i32 to index
          %parallel_loop3A_283 = arith.constant 0 : index
          %parallel_loop3A_284 = tpu.vector_load %arg12[%parallel_loop3A_281, %parallel_loop3A_282, %parallel_loop3A_283] {strides = array<i32>} : memref<32x8x128xf32, #tpu.memory_space<vmem>>, vector<16xf32>,
          tpu.vector_store %arg12[%parallel_loop3A_281, %parallel_loop3A_282, %parallel_loop3A_283], %parallel_loop3A_265 {strides = array<i32>} : memref<32x8x128xf32, #tpu.memory_space<vmem>>, vector<16xf32>,
          %parallel_loop3A_285 = arith.constant 1 : i32
          %parallel_loop3A_286 = arith.index_cast %parallel_loop3A_254 : i32 to index
          %parallel_loop3A_287 = arith.index_cast %parallel_loop3A_285 : i32 to index
          %parallel_loop3A_288 = arith.constant 0 : index
          %parallel_loop3A_289 = tpu.vector_load %arg12[%parallel_loop3A_286, %parallel_loop3A_287, %parallel_loop3A_288] {strides = array<i32>} : memref<32x8x128xf32, #tpu.memory_space<vmem>>, vector<16xf32>,
          tpu.vector_store %arg12[%parallel_loop3A_286, %parallel_loop3A_287, %parallel_loop3A_288], %parallel_loop3A_267 {strides = array<i32>} : memref<32x8x128xf32, #tpu.memory_space<vmem>>, vector<16xf32>,
          %parallel_loop3A_290 = arith.constant 2 : i32
          %parallel_loop3A_291 = arith.index_cast %parallel_loop3A_254 : i32 to index
          %parallel_loop3A_292 = arith.index_cast %parallel_loop3A_290 : i32 to index
          %parallel_loop3A_293 = arith.constant 0 : index
          %parallel_loop3A_294 = tpu.vector_load %arg12[%parallel_loop3A_291, %parallel_loop3A_292, %parallel_loop3A_293] {strides = array<i32>} : memref<32x8x128xf32, #tpu.memory_space<vmem>>, vector<16xf32>,
          tpu.vector_store %arg12[%parallel_loop3A_291, %parallel_loop3A_292, %parallel_loop3A_293], %parallel_loop3A_269 {strides = array<i32>} : memref<32x8x128xf32, #tpu.memory_space<vmem>>, vector<16xf32>,
          %parallel_loop3A_295 = arith.constant 3 : i32
          %parallel_loop3A_296 = arith.index_cast %parallel_loop3A_254 : i32 to index
          %parallel_loop3A_297 = arith.index_cast %parallel_loop3A_295 : i32 to index
          %parallel_loop3A_298 = arith.constant 0 : index
          %parallel_loop3A_299 = tpu.vector_load %arg12[%parallel_loop3A_296, %parallel_loop3A_297, %parallel_loop3A_298] {strides = array<i32>} : memref<32x8x128xf32, #tpu.memory_space<vmem>>, vector<16xf32>,
          tpu.vector_store %arg12[%parallel_loop3A_296, %parallel_loop3A_297, %parallel_loop3A_298], %parallel_loop3A_271 {strides = array<i32>} : memref<32x8x128xf32, #tpu.memory_space<vmem>>, vector<16xf32>,
          %parallel_loop3A_300 = arith.constant 4 : i32
          %parallel_loop3A_301 = arith.index_cast %parallel_loop3A_254 : i32 to index
          %parallel_loop3A_302 = arith.index_cast %parallel_loop3A_300 : i32 to index
          %parallel_loop3A_303 = arith.constant 0 : index
          %parallel_loop3A_304 = tpu.vector_load %arg12[%parallel_loop3A_301, %parallel_loop3A_302, %parallel_loop3A_303] {strides = array<i32>} : memref<32x8x128xf32, #tpu.memory_space<vmem>>, vector<16xf32>,
          tpu.vector_store %arg12[%parallel_loop3A_301, %parallel_loop3A_302, %parallel_loop3A_303], %parallel_loop3A_273 {strides = array<i32>} : memref<32x8x128xf32, #tpu.memory_space<vmem>>, vector<16xf32>,
          %parallel_loop3A_305 = arith.constant 5 : i32
          %parallel_loop3A_306 = arith.index_cast %parallel_loop3A_254 : i32 to index
          %parallel_loop3A_307 = arith.index_cast %parallel_loop3A_305 : i32 to index
          %parallel_loop3A_308 = arith.constant 0 : index
          %parallel_loop3A_309 = tpu.vector_load %arg12[%parallel_loop3A_306, %parallel_loop3A_307, %parallel_loop3A_308] {strides = array<i32>} : memref<32x8x128xf32, #tpu.memory_space<vmem>>, vector<16xf32>,
          tpu.vector_store %arg12[%parallel_loop3A_306, %parallel_loop3A_307, %parallel_loop3A_308], %parallel_loop3A_275 {strides = array<i32>} : memref<32x8x128xf32, #tpu.memory_space<vmem>>, vector<16xf32>,
          %parallel_loop3A_310 = arith.constant 6 : i32
          %parallel_loop3A_311 = arith.index_cast %parallel_loop3A_254 : i32 to index
          %parallel_loop3A_312 = arith.index_cast %parallel_loop3A_310 : i32 to index
          %parallel_loop3A_313 = arith.constant 0 : index
          %parallel_loop3A_314 = tpu.vector_load %arg12[%parallel_loop3A_311, %parallel_loop3A_312, %parallel_loop3A_313] {strides = array<i32>} : memref<32x8x128xf32, #tpu.memory_space<vmem>>, vector<16xf32>,
          tpu.vector_store %arg12[%parallel_loop3A_311, %parallel_loop3A_312, %parallel_loop3A_313], %parallel_loop3A_277 {strides = array<i32>} : memref<32x8x128xf32, #tpu.memory_space<vmem>>, vector<16xf32>,
          %parallel_loop3A_315 = arith.constant 7 : i32
          %parallel_loop3A_316 = arith.index_cast %parallel_loop3A_254 : i32 to index
          %parallel_loop3A_317 = arith.index_cast %parallel_loop3A_315 : i32 to index
          %parallel_loop3A_318 = arith.constant 0 : index
          %parallel_loop3A_319 = tpu.vector_load %arg12[%parallel_loop3A_316, %parallel_loop3A_317, %parallel_loop3A_318] {strides = array<i32>} : memref<32x8x128xf32, #tpu.memory_space<vmem>>, vector<16xf32>,
          tpu.vector_store %arg12[%parallel_loop3A_316, %parallel_loop3A_317, %parallel_loop3A_318], %parallel_loop3A_279 {strides = array<i32>} : memref<32x8x128xf32, #tpu.memory_space<vmem>>, vector<16xf32>,
          %parallel_loop3A_320 = arith.constant 32 : i32
          %parallel_loop3A_321 = arith.muli %select_n3A_208, %parallel_loop3A_320 : i32
          %parallel_loop3A_322 = arith.addi %parallel_loop3A_321, %parallel_loop3A_254 : i32
          %parallel_loop3A_323 = arith.constant 128 : i32
          %parallel_loop3A_324 = arith.muli %parallel_loop3A_322, %parallel_loop3A_323 : i32
          %parallel_loop3A_325 = arith.constant 16 : i32
          %parallel_loop3A_326 = arith.addi %parallel_loop3A_324, %parallel_loop3A_325 : i32
          %parallel_loop3A_327 = arith.index_cast %parallel_loop3A_326 : i32 to index
          %parallel_loop3A_328 = tpu.vector_load %arg9[%parallel_loop3A_327] {strides = array<i32>} : memref<16384xi32, #tpu.memory_space<vmem>>, vector<16xi32>,
          %parallel_loop3A_329 = arith.addi %broadcast_in_dim3A_1, %parallel_loop3A_328 : vector<16xi32>
          %parallel_loop3A_330 = tpu.vector_load_idx %arg10[%parallel_loop3A_329] : memref<8000xf32, #tpu.memory_space<vmem>>[vector<16xi32>], vector<16xf32>,
          %parallel_loop3A_331 = arith.addi %broadcast_in_dim3A_3, %parallel_loop3A_328 : vector<16xi32>
          %parallel_loop3A_332 = tpu.vector_load_idx %arg10[%parallel_loop3A_331] : memref<8000xf32, #tpu.memory_space<vmem>>[vector<16xi32>], vector<16xf32>,
          %parallel_loop3A_333 = arith.addi %broadcast_in_dim3A_5, %parallel_loop3A_328 : vector<16xi32>
          %parallel_loop3A_334 = tpu.vector_load_idx %arg10[%parallel_loop3A_333] : memref<8000xf32, #tpu.memory_space<vmem>>[vector<16xi32>], vector<16xf32>,
          %parallel_loop3A_335 = arith.addi %broadcast_in_dim3A_7, %parallel_loop3A_328 : vector<16xi32>
          %parallel_loop3A_336 = tpu.vector_load_idx %arg10[%parallel_loop3A_335] : memref<8000xf32, #tpu.memory_space<vmem>>[vector<16xi32>], vector<16xf32>,
          %parallel_loop3A_337 = arith.addi %broadcast_in_dim3A_9, %parallel_loop3A_328 : vector<16xi32>
          %parallel_loop3A_338 = tpu.vector_load_idx %arg10[%parallel_loop3A_337] : memref<8000xf32, #tpu.memory_space<vmem>>[vector<16xi32>], vector<16xf32>,
          %parallel_loop3A_339 = arith.addi %broadcast_in_dim3A_11, %parallel_loop3A_328 : vector<16xi32>
          %parallel_loop3A_340 = tpu.vector_load_idx %arg10[%parallel_loop3A_339] : memref<8000xf32, #tpu.memory_space<vmem>>[vector<16xi32>], vector<16xf32>,
          %parallel_loop3A_341 = arith.addi %broadcast_in_dim3A_13, %parallel_loop3A_328 : vector<16xi32>
          %parallel_loop3A_342 = tpu.vector_load_idx %arg10[%parallel_loop3A_341] : memref<8000xf32, #tpu.memory_space<vmem>>[vector<16xi32>], vector<16xf32>,
          %parallel_loop3A_343 = arith.addi %broadcast_in_dim3A_15, %parallel_loop3A_328 : vector<16xi32>
          %parallel_loop3A_344 = tpu.vector_load_idx %arg10[%parallel_loop3A_343] : memref<8000xf32, #tpu.memory_space<vmem>>[vector<16xi32>], vector<16xf32>,
          %parallel_loop3A_345 = arith.constant 0 : i32
          %parallel_loop3A_346 = arith.index_cast %parallel_loop3A_254 : i32 to index
          %parallel_loop3A_347 = arith.index_cast %parallel_loop3A_345 : i32 to index
          %parallel_loop3A_348 = arith.constant 16 : index
          %parallel_loop3A_349 = tpu.vector_load %arg12[%parallel_loop3A_346, %parallel_loop3A_347, %parallel_loop3A_348] {strides = array<i32>} : memref<32x8x128xf32, #tpu.memory_space<vmem>>, vector<16xf32>,
          tpu.vector_store %arg12[%parallel_loop3A_346, %parallel_loop3A_347, %parallel_loop3A_348], %parallel_loop3A_330 {strides = array<i32>} : memref<32x8x128xf32, #tpu.memory_space<vmem>>, vector<16xf32>,
          %parallel_loop3A_350 = arith.constant 1 : i32
          %parallel_loop3A_351 = arith.index_cast %parallel_loop3A_254 : i32 to index
          %parallel_loop3A_352 = arith.index_cast %parallel_loop3A_350 : i32 to index
          %parallel_loop3A_353 = arith.constant 16 : index
          %parallel_loop3A_354 = tpu.vector_load %arg12[%parallel_loop3A_351, %parallel_loop3A_352, %parallel_loop3A_353] {strides = array<i32>} : memref<32x8x128xf32, #tpu.memory_space<vmem>>, vector<16xf32>,
          tpu.vector_store %arg12[%parallel_loop3A_351, %parallel_loop3A_352, %parallel_loop3A_353], %parallel_loop3A_332 {strides = array<i32>} : memref<32x8x128xf32, #tpu.memory_space<vmem>>, vector<16xf32>,
          %parallel_loop3A_355 = arith.constant 2 : i32
          %parallel_loop3A_356 = arith.index_cast %parallel_loop3A_254 : i32 to index
          %parallel_loop3A_357 = arith.index_cast %parallel_loop3A_355 : i32 to index
          %parallel_loop3A_358 = arith.constant 16 : index
          %parallel_loop3A_359 = tpu.vector_load %arg12[%parallel_loop3A_356, %parallel_loop3A_357, %parallel_loop3A_358] {strides = array<i32>} : memref<32x8x128xf32, #tpu.memory_space<vmem>>, vector<16xf32>,
          tpu.vector_store %arg12[%parallel_loop3A_356, %parallel_loop3A_357, %parallel_loop3A_358], %parallel_loop3A_334 {strides = array<i32>} : memref<32x8x128xf32, #tpu.memory_space<vmem>>, vector<16xf32>,
          %parallel_loop3A_360 = arith.constant 3 : i32
          %parallel_loop3A_361 = arith.index_cast %parallel_loop3A_254 : i32 to index
          %parallel_loop3A_362 = arith.index_cast %parallel_loop3A_360 : i32 to index
          %parallel_loop3A_363 = arith.constant 16 : index
          %parallel_loop3A_364 = tpu.vector_load %arg12[%parallel_loop3A_361, %parallel_loop3A_362, %parallel_loop3A_363] {strides = array<i32>} : memref<32x8x128xf32, #tpu.memory_space<vmem>>, vector<16xf32>,
          tpu.vector_store %arg12[%parallel_loop3A_361, %parallel_loop3A_362, %parallel_loop3A_363], %parallel_loop3A_336 {strides = array<i32>} : memref<32x8x128xf32, #tpu.memory_space<vmem>>, vector<16xf32>,
          %parallel_loop3A_365 = arith.constant 4 : i32
          %parallel_loop3A_366 = arith.index_cast %parallel_loop3A_254 : i32 to index
          %parallel_loop3A_367 = arith.index_cast %parallel_loop3A_365 : i32 to index
          %parallel_loop3A_368 = arith.constant 16 : index
          %parallel_loop3A_369 = tpu.vector_load %arg12[%parallel_loop3A_366, %parallel_loop3A_367, %parallel_loop3A_368] {strides = array<i32>} : memref<32x8x128xf32, #tpu.memory_space<vmem>>, vector<16xf32>,
          tpu.vector_store %arg12[%parallel_loop3A_366, %parallel_loop3A_367, %parallel_loop3A_368], %parallel_loop3A_338 {strides = array<i32>} : memref<32x8x128xf32, #tpu.memory_space<vmem>>, vector<16xf32>,
          %parallel_loop3A_370 = arith.constant 5 : i32
          %parallel_loop3A_371 = arith.index_cast %parallel_loop3A_254 : i32 to index
          %parallel_loop3A_372 = arith.index_cast %parallel_loop3A_370 : i32 to index
          %parallel_loop3A_373 = arith.constant 16 : index
          %parallel_loop3A_374 = tpu.vector_load %arg12[%parallel_loop3A_371, %parallel_loop3A_372, %parallel_loop3A_373] {strides = array<i32>} : memref<32x8x128xf32, #tpu.memory_space<vmem>>, vector<16xf32>,
          tpu.vector_store %arg12[%parallel_loop3A_371, %parallel_loop3A_372, %parallel_loop3A_373], %parallel_loop3A_340 {strides = array<i32>} : memref<32x8x128xf32, #tpu.memory_space<vmem>>, vector<16xf32>,
          %parallel_loop3A_375 = arith.constant 6 : i32
          %parallel_loop3A_376 = arith.index_cast %parallel_loop3A_254 : i32 to index
          %parallel_loop3A_377 = arith.index_cast %parallel_loop3A_375 : i32 to index
          %parallel_loop3A_378 = arith.constant 16 : index
          %parallel_loop3A_379 = tpu.vector_load %arg12[%parallel_loop3A_376, %parallel_loop3A_377, %parallel_loop3A_378] {strides = array<i32>} : memref<32x8x128xf32, #tpu.memory_space<vmem>>, vector<16xf32>,
          tpu.vector_store %arg12[%parallel_loop3A_376, %parallel_loop3A_377, %parallel_loop3A_378], %parallel_loop3A_342 {strides = array<i32>} : memref<32x8x128xf32, #tpu.memory_space<vmem>>, vector<16xf32>,
          %parallel_loop3A_380 = arith.constant 7 : i32
          %parallel_loop3A_381 = arith.index_cast %parallel_loop3A_254 : i32 to index
          %parallel_loop3A_382 = arith.index_cast %parallel_loop3A_380 : i32 to index
          %parallel_loop3A_383 = arith.constant 16 : index
          %parallel_loop3A_384 = tpu.vector_load %arg12[%parallel_loop3A_381, %parallel_loop3A_382, %parallel_loop3A_383] {strides = array<i32>} : memref<32x8x128xf32, #tpu.memory_space<vmem>>, vector<16xf32>,
          tpu.vector_store %arg12[%parallel_loop3A_381, %parallel_loop3A_382, %parallel_loop3A_383], %parallel_loop3A_344 {strides = array<i32>} : memref<32x8x128xf32, #tpu.memory_space<vmem>>, vector<16xf32>,
          %parallel_loop3A_385 = arith.constant 32 : i32
          %parallel_loop3A_386 = arith.muli %select_n3A_208, %parallel_loop3A_385 : i32
          %parallel_loop3A_387 = arith.addi %parallel_loop3A_386, %parallel_loop3A_254 : i32
          %parallel_loop3A_388 = arith.constant 128 : i32
          %parallel_loop3A_389 = arith.muli %parallel_loop3A_387, %parallel_loop3A_388 : i32
          %parallel_loop3A_390 = arith.constant 32 : i32
          %parallel_loop3A_391 = arith.addi %parallel_loop3A_389, %parallel_loop3A_390 : i32
          %parallel_loop3A_392 = arith.index_cast %parallel_loop3A_391 : i32 to index
          %parallel_loop3A_393 = tpu.vector_load %arg9[%parallel_loop3A_392] {strides = array<i32>} : memref<16384xi32, #tpu.memory_space<vmem>>, vector<16xi32>,
          %parallel_loop3A_394 = arith.addi %broadcast_in_dim3A_1, %parallel_loop3A_393 : vector<16xi32>
          %parallel_loop3A_395 = tpu.vector_load_idx %arg10[%parallel_loop3A_394] : memref<8000xf32, #tpu.memory_space<vmem>>[vector<16xi32>], vector<16xf32>,
          %parallel_loop3A_396 = arith.addi %broadcast_in_dim3A_3, %parallel_loop3A_393 : vector<16xi32>
          %parallel_loop3A_397 = tpu.vector_load_idx %arg10[%parallel_loop3A_396] : memref<8000xf32, #tpu.memory_space<vmem>>[vector<16xi32>], vector<16xf32>,
          %parallel_loop3A_398 = arith.addi %broadcast_in_dim3A_5, %parallel_loop3A_393 : vector<16xi32>
          %parallel_loop3A_399 = tpu.vector_load_idx %arg10[%parallel_loop3A_398] : memref<8000xf32, #tpu.memory_space<vmem>>[vector<16xi32>], vector<16xf32>,
          %parallel_loop3A_400 = arith.addi %broadcast_in_dim3A_7, %parallel_loop3A_393 : vector<16xi32>
          %parallel_loop3A_401 = tpu.vector_load_idx %arg10[%parallel_loop3A_400] : memref<8000xf32, #tpu.memory_space<vmem>>[vector<16xi32>], vector<16xf32>,
          %parallel_loop3A_402 = arith.addi %broadcast_in_dim3A_9, %parallel_loop3A_393 : vector<16xi32>
          %parallel_loop3A_403 = tpu.vector_load_idx %arg10[%parallel_loop3A_402] : memref<8000xf32, #tpu.memory_space<vmem>>[vector<16xi32>], vector<16xf32>,
          %parallel_loop3A_404 = arith.addi %broadcast_in_dim3A_11, %parallel_loop3A_393 : vector<16xi32>
          %parallel_loop3A_405 = tpu.vector_load_idx %arg10[%parallel_loop3A_404] : memref<8000xf32, #tpu.memory_space<vmem>>[vector<16xi32>], vector<16xf32>,
          %parallel_loop3A_406 = arith.addi %broadcast_in_dim3A_13, %parallel_loop3A_393 : vector<16xi32>
          %parallel_loop3A_407 = tpu.vector_load_idx %arg10[%parallel_loop3A_406] : memref<8000xf32, #tpu.memory_space<vmem>>[vector<16xi32>], vector<16xf32>,
          %parallel_loop3A_408 = arith.addi %broadcast_in_dim3A_15, %parallel_loop3A_393 : vector<16xi32>
          %parallel_loop3A_409 = tpu.vector_load_idx %arg10[%parallel_loop3A_408] : memref<8000xf32, #tpu.memory_space<vmem>>[vector<16xi32>], vector<16xf32>,
          %parallel_loop3A_410 = arith.constant 0 : i32
          %parallel_loop3A_411 = arith.index_cast %parallel_loop3A_254 : i32 to index
          %parallel_loop3A_412 = arith.index_cast %parallel_loop3A_410 : i32 to index
          %parallel_loop3A_413 = arith.constant 32 : index
          %parallel_loop3A_414 = tpu.vector_load %arg12[%parallel_loop3A_411, %parallel_loop3A_412, %parallel_loop3A_413] {strides = array<i32>} : memref<32x8x128xf32, #tpu.memory_space<vmem>>, vector<16xf32>,
          tpu.vector_store %arg12[%parallel_loop3A_411, %parallel_loop3A_412, %parallel_loop3A_413], %parallel_loop3A_395 {strides = array<i32>} : memref<32x8x128xf32, #tpu.memory_space<vmem>>, vector<16xf32>,
          %parallel_loop3A_415 = arith.constant 1 : i32
          %parallel_loop3A_416 = arith.index_cast %parallel_loop3A_254 : i32 to index
          %parallel_loop3A_417 = arith.index_cast %parallel_loop3A_415 : i32 to index
          %parallel_loop3A_418 = arith.constant 32 : index
          %parallel_loop3A_419 = tpu.vector_load %arg12[%parallel_loop3A_416, %parallel_loop3A_417, %parallel_loop3A_418] {strides = array<i32>} : memref<32x8x128xf32, #tpu.memory_space<vmem>>, vector<16xf32>,
          tpu.vector_store %arg12[%parallel_loop3A_416, %parallel_loop3A_417, %parallel_loop3A_418], %parallel_loop3A_397 {strides = array<i32>} : memref<32x8x128xf32, #tpu.memory_space<vmem>>, vector<16xf32>,
          %parallel_loop3A_420 = arith.constant 2 : i32
          %parallel_loop3A_421 = arith.index_cast %parallel_loop3A_254 : i32 to index
          %parallel_loop3A_422 = arith.index_cast %parallel_loop3A_420 : i32 to index
          %parallel_loop3A_423 = arith.constant 32 : index
          %parallel_loop3A_424 = tpu.vector_load %arg12[%parallel_loop3A_421, %parallel_loop3A_422, %parallel_loop3A_423] {strides = array<i32>} : memref<32x8x128xf32, #tpu.memory_space<vmem>>, vector<16xf32>,
          tpu.vector_store %arg12[%parallel_loop3A_421, %parallel_loop3A_422, %parallel_loop3A_423], %parallel_loop3A_399 {strides = array<i32>} : memref<32x8x128xf32, #tpu.memory_space<vmem>>, vector<16xf32>,
          %parallel_loop3A_425 = arith.constant 3 : i32
          %parallel_loop3A_426 = arith.index_cast %parallel_loop3A_254 : i32 to index
          %parallel_loop3A_427 = arith.index_cast %parallel_loop3A_425 : i32 to index
          %parallel_loop3A_428 = arith.constant 32 : index
          %parallel_loop3A_429 = tpu.vector_load %arg12[%parallel_loop3A_426, %parallel_loop3A_427, %parallel_loop3A_428] {strides = array<i32>} : memref<32x8x128xf32, #tpu.memory_space<vmem>>, vector<16xf32>,
          tpu.vector_store %arg12[%parallel_loop3A_426, %parallel_loop3A_427, %parallel_loop3A_428], %parallel_loop3A_401 {strides = array<i32>} : memref<32x8x128xf32, #tpu.memory_space<vmem>>, vector<16xf32>,
          %parallel_loop3A_430 = arith.constant 4 : i32
          %parallel_loop3A_431 = arith.index_cast %parallel_loop3A_254 : i32 to index
          %parallel_loop3A_432 = arith.index_cast %parallel_loop3A_430 : i32 to index
          %parallel_loop3A_433 = arith.constant 32 : index
          %parallel_loop3A_434 = tpu.vector_load %arg12[%parallel_loop3A_431, %parallel_loop3A_432, %parallel_loop3A_433] {strides = array<i32>} : memref<32x8x128xf32, #tpu.memory_space<vmem>>, vector<16xf32>,
          tpu.vector_store %arg12[%parallel_loop3A_431, %parallel_loop3A_432, %parallel_loop3A_433], %parallel_loop3A_403 {strides = array<i32>} : memref<32x8x128xf32, #tpu.memory_space<vmem>>, vector<16xf32>,
          %parallel_loop3A_435 = arith.constant 5 : i32
          %parallel_loop3A_436 = arith.index_cast %parallel_loop3A_254 : i32 to index
          %parallel_loop3A_437 = arith.index_cast %parallel_loop3A_435 : i32 to index
          %parallel_loop3A_438 = arith.constant 32 : index
          %parallel_loop3A_439 = tpu.vector_load %arg12[%parallel_loop3A_436, %parallel_loop3A_437, %parallel_loop3A_438] {strides = array<i32>} : memref<32x8x128xf32, #tpu.memory_space<vmem>>, vector<16xf32>,
          tpu.vector_store %arg12[%parallel_loop3A_436, %parallel_loop3A_437, %parallel_loop3A_438], %parallel_loop3A_405 {strides = array<i32>} : memref<32x8x128xf32, #tpu.memory_space<vmem>>, vector<16xf32>,
          %parallel_loop3A_440 = arith.constant 6 : i32
          %parallel_loop3A_441 = arith.index_cast %parallel_loop3A_254 : i32 to index
          %parallel_loop3A_442 = arith.index_cast %parallel_loop3A_440 : i32 to index
          %parallel_loop3A_443 = arith.constant 32 : index
          %parallel_loop3A_444 = tpu.vector_load %arg12[%parallel_loop3A_441, %parallel_loop3A_442, %parallel_loop3A_443] {strides = array<i32>} : memref<32x8x128xf32, #tpu.memory_space<vmem>>, vector<16xf32>,
          tpu.vector_store %arg12[%parallel_loop3A_441, %parallel_loop3A_442, %parallel_loop3A_443], %parallel_loop3A_407 {strides = array<i32>} : memref<32x8x128xf32, #tpu.memory_space<vmem>>, vector<16xf32>,
          %parallel_loop3A_445 = arith.constant 7 : i32
          %parallel_loop3A_446 = arith.index_cast %parallel_loop3A_254 : i32 to index
          %parallel_loop3A_447 = arith.index_cast %parallel_loop3A_445 : i32 to index
          %parallel_loop3A_448 = arith.constant 32 : index
          %parallel_loop3A_449 = tpu.vector_load %arg12[%parallel_loop3A_446, %parallel_loop3A_447, %parallel_loop3A_448] {strides = array<i32>} : memref<32x8x128xf32, #tpu.memory_space<vmem>>, vector<16xf32>,
          tpu.vector_store %arg12[%parallel_loop3A_446, %parallel_loop3A_447, %parallel_loop3A_448], %parallel_loop3A_409 {strides = array<i32>} : memref<32x8x128xf32, #tpu.memory_space<vmem>>, vector<16xf32>,
          %parallel_loop3A_450 = arith.constant 32 : i32
          %parallel_loop3A_451 = arith.muli %select_n3A_208, %parallel_loop3A_450 : i32
          %parallel_loop3A_452 = arith.addi %parallel_loop3A_451, %parallel_loop3A_254 : i32
          %parallel_loop3A_453 = arith.constant 128 : i32
          %parallel_loop3A_454 = arith.muli %parallel_loop3A_452, %parallel_loop3A_453 : i32
          %parallel_loop3A_455 = arith.constant 48 : i32
          %parallel_loop3A_456 = arith.addi %parallel_loop3A_454, %parallel_loop3A_455 : i32
          %parallel_loop3A_457 = arith.index_cast %parallel_loop3A_456 : i32 to index
          %parallel_loop3A_458 = tpu.vector_load %arg9[%parallel_loop3A_457] {strides = array<i32>} : memref<16384xi32, #tpu.memory_space<vmem>>, vector<16xi32>,
          %parallel_loop3A_459 = arith.addi %broadcast_in_dim3A_1, %parallel_loop3A_458 : vector<16xi32>
          %parallel_loop3A_460 = tpu.vector_load_idx %arg10[%parallel_loop3A_459] : memref<8000xf32, #tpu.memory_space<vmem>>[vector<16xi32>], vector<16xf32>,
          %parallel_loop3A_461 = arith.addi %broadcast_in_dim3A_3, %parallel_loop3A_458 : vector<16xi32>
          %parallel_loop3A_462 = tpu.vector_load_idx %arg10[%parallel_loop3A_461] : memref<8000xf32, #tpu.memory_space<vmem>>[vector<16xi32>], vector<16xf32>,
          %parallel_loop3A_463 = arith.addi %broadcast_in_dim3A_5, %parallel_loop3A_458 : vector<16xi32>
          %parallel_loop3A_464 = tpu.vector_load_idx %arg10[%parallel_loop3A_463] : memref<8000xf32, #tpu.memory_space<vmem>>[vector<16xi32>], vector<16xf32>,
          %parallel_loop3A_465 = arith.addi %broadcast_in_dim3A_7, %parallel_loop3A_458 : vector<16xi32>
          %parallel_loop3A_466 = tpu.vector_load_idx %arg10[%parallel_loop3A_465] : memref<8000xf32, #tpu.memory_space<vmem>>[vector<16xi32>], vector<16xf32>,
          %parallel_loop3A_467 = arith.addi %broadcast_in_dim3A_9, %parallel_loop3A_458 : vector<16xi32>
          %parallel_loop3A_468 = tpu.vector_load_idx %arg10[%parallel_loop3A_467] : memref<8000xf32, #tpu.memory_space<vmem>>[vector<16xi32>], vector<16xf32>,
          %parallel_loop3A_469 = arith.addi %broadcast_in_dim3A_11, %parallel_loop3A_458 : vector<16xi32>
          %parallel_loop3A_470 = tpu.vector_load_idx %arg10[%parallel_loop3A_469] : memref<8000xf32, #tpu.memory_space<vmem>>[vector<16xi32>], vector<16xf32>,
          %parallel_loop3A_471 = arith.addi %broadcast_in_dim3A_13, %parallel_loop3A_458 : vector<16xi32>
          %parallel_loop3A_472 = tpu.vector_load_idx %arg10[%parallel_loop3A_471] : memref<8000xf32, #tpu.memory_space<vmem>>[vector<16xi32>], vector<16xf32>,
          %parallel_loop3A_473 = arith.addi %broadcast_in_dim3A_15, %parallel_loop3A_458 : vector<16xi32>
          %parallel_loop3A_474 = tpu.vector_load_idx %arg10[%parallel_loop3A_473] : memref<8000xf32, #tpu.memory_space<vmem>>[vector<16xi32>], vector<16xf32>,
          %parallel_loop3A_475 = arith.constant 0 : i32
          %parallel_loop3A_476 = arith.index_cast %parallel_loop3A_254 : i32 to index
          %parallel_loop3A_477 = arith.index_cast %parallel_loop3A_475 : i32 to index
          %parallel_loop3A_478 = arith.constant 48 : index
          %parallel_loop3A_479 = tpu.vector_load %arg12[%parallel_loop3A_476, %parallel_loop3A_477, %parallel_loop3A_478] {strides = array<i32>} : memref<32x8x128xf32, #tpu.memory_space<vmem>>, vector<16xf32>,
          tpu.vector_store %arg12[%parallel_loop3A_476, %parallel_loop3A_477, %parallel_loop3A_478], %parallel_loop3A_460 {strides = array<i32>} : memref<32x8x128xf32, #tpu.memory_space<vmem>>, vector<16xf32>,
          %parallel_loop3A_480 = arith.constant 1 : i32
          %parallel_loop3A_481 = arith.index_cast %parallel_loop3A_254 : i32 to index
          %parallel_loop3A_482 = arith.index_cast %parallel_loop3A_480 : i32 to index
          %parallel_loop3A_483 = arith.constant 48 : index
          %parallel_loop3A_484 = tpu.vector_load %arg12[%parallel_loop3A_481, %parallel_loop3A_482, %parallel_loop3A_483] {strides = array<i32>} : memref<32x8x128xf32, #tpu.memory_space<vmem>>, vector<16xf32>,
          tpu.vector_store %arg12[%parallel_loop3A_481, %parallel_loop3A_482, %parallel_loop3A_483], %parallel_loop3A_462 {strides = array<i32>} : memref<32x8x128xf32, #tpu.memory_space<vmem>>, vector<16xf32>,
          %parallel_loop3A_485 = arith.constant 2 : i32
          %parallel_loop3A_486 = arith.index_cast %parallel_loop3A_254 : i32 to index
          %parallel_loop3A_487 = arith.index_cast %parallel_loop3A_485 : i32 to index
          %parallel_loop3A_488 = arith.constant 48 : index
          %parallel_loop3A_489 = tpu.vector_load %arg12[%parallel_loop3A_486, %parallel_loop3A_487, %parallel_loop3A_488] {strides = array<i32>} : memref<32x8x128xf32, #tpu.memory_space<vmem>>, vector<16xf32>,
          tpu.vector_store %arg12[%parallel_loop3A_486, %parallel_loop3A_487, %parallel_loop3A_488], %parallel_loop3A_464 {strides = array<i32>} : memref<32x8x128xf32, #tpu.memory_space<vmem>>, vector<16xf32>,
          %parallel_loop3A_490 = arith.constant 3 : i32
          %parallel_loop3A_491 = arith.index_cast %parallel_loop3A_254 : i32 to index
          %parallel_loop3A_492 = arith.index_cast %parallel_loop3A_490 : i32 to index
          %parallel_loop3A_493 = arith.constant 48 : index
          %parallel_loop3A_494 = tpu.vector_load %arg12[%parallel_loop3A_491, %parallel_loop3A_492, %parallel_loop3A_493] {strides = array<i32>} : memref<32x8x128xf32, #tpu.memory_space<vmem>>, vector<16xf32>,
          tpu.vector_store %arg12[%parallel_loop3A_491, %parallel_loop3A_492, %parallel_loop3A_493], %parallel_loop3A_466 {strides = array<i32>} : memref<32x8x128xf32, #tpu.memory_space<vmem>>, vector<16xf32>,
          %parallel_loop3A_495 = arith.constant 4 : i32
          %parallel_loop3A_496 = arith.index_cast %parallel_loop3A_254 : i32 to index
          %parallel_loop3A_497 = arith.index_cast %parallel_loop3A_495 : i32 to index
          %parallel_loop3A_498 = arith.constant 48 : index
          %parallel_loop3A_499 = tpu.vector_load %arg12[%parallel_loop3A_496, %parallel_loop3A_497, %parallel_loop3A_498] {strides = array<i32>} : memref<32x8x128xf32, #tpu.memory_space<vmem>>, vector<16xf32>,
          tpu.vector_store %arg12[%parallel_loop3A_496, %parallel_loop3A_497, %parallel_loop3A_498], %parallel_loop3A_468 {strides = array<i32>} : memref<32x8x128xf32, #tpu.memory_space<vmem>>, vector<16xf32>,
          %parallel_loop3A_500 = arith.constant 5 : i32
          %parallel_loop3A_501 = arith.index_cast %parallel_loop3A_254 : i32 to index
          %parallel_loop3A_502 = arith.index_cast %parallel_loop3A_500 : i32 to index
          %parallel_loop3A_503 = arith.constant 48 : index
          %parallel_loop3A_504 = tpu.vector_load %arg12[%parallel_loop3A_501, %parallel_loop3A_502, %parallel_loop3A_503] {strides = array<i32>} : memref<32x8x128xf32, #tpu.memory_space<vmem>>, vector<16xf32>,
          tpu.vector_store %arg12[%parallel_loop3A_501, %parallel_loop3A_502, %parallel_loop3A_503], %parallel_loop3A_470 {strides = array<i32>} : memref<32x8x128xf32, #tpu.memory_space<vmem>>, vector<16xf32>,
          %parallel_loop3A_505 = arith.constant 6 : i32
          %parallel_loop3A_506 = arith.index_cast %parallel_loop3A_254 : i32 to index
          %parallel_loop3A_507 = arith.index_cast %parallel_loop3A_505 : i32 to index
          %parallel_loop3A_508 = arith.constant 48 : index
          %parallel_loop3A_509 = tpu.vector_load %arg12[%parallel_loop3A_506, %parallel_loop3A_507, %parallel_loop3A_508] {strides = array<i32>} : memref<32x8x128xf32, #tpu.memory_space<vmem>>, vector<16xf32>,
          tpu.vector_store %arg12[%parallel_loop3A_506, %parallel_loop3A_507, %parallel_loop3A_508], %parallel_loop3A_472 {strides = array<i32>} : memref<32x8x128xf32, #tpu.memory_space<vmem>>, vector<16xf32>,
          %parallel_loop3A_510 = arith.constant 7 : i32
          %parallel_loop3A_511 = arith.index_cast %parallel_loop3A_254 : i32 to index
          %parallel_loop3A_512 = arith.index_cast %parallel_loop3A_510 : i32 to index
          %parallel_loop3A_513 = arith.constant 48 : index
          %parallel_loop3A_514 = tpu.vector_load %arg12[%parallel_loop3A_511, %parallel_loop3A_512, %parallel_loop3A_513] {strides = array<i32>} : memref<32x8x128xf32, #tpu.memory_space<vmem>>, vector<16xf32>,
          tpu.vector_store %arg12[%parallel_loop3A_511, %parallel_loop3A_512, %parallel_loop3A_513], %parallel_loop3A_474 {strides = array<i32>} : memref<32x8x128xf32, #tpu.memory_space<vmem>>, vector<16xf32>,
          %parallel_loop3A_515 = arith.constant 32 : i32
          %parallel_loop3A_516 = arith.muli %select_n3A_208, %parallel_loop3A_515 : i32
          %parallel_loop3A_517 = arith.addi %parallel_loop3A_516, %parallel_loop3A_254 : i32
          %parallel_loop3A_518 = arith.constant 128 : i32
          %parallel_loop3A_519 = arith.muli %parallel_loop3A_517, %parallel_loop3A_518 : i32
          %parallel_loop3A_520 = arith.constant 64 : i32
          %parallel_loop3A_521 = arith.addi %parallel_loop3A_519, %parallel_loop3A_520 : i32
          %parallel_loop3A_522 = arith.index_cast %parallel_loop3A_521 : i32 to index
          %parallel_loop3A_523 = tpu.vector_load %arg9[%parallel_loop3A_522] {strides = array<i32>} : memref<16384xi32, #tpu.memory_space<vmem>>, vector<16xi32>,
          %parallel_loop3A_524 = arith.addi %broadcast_in_dim3A_1, %parallel_loop3A_523 : vector<16xi32>
          %parallel_loop3A_525 = tpu.vector_load_idx %arg10[%parallel_loop3A_524] : memref<8000xf32, #tpu.memory_space<vmem>>[vector<16xi32>], vector<16xf32>,
          %parallel_loop3A_526 = arith.addi %broadcast_in_dim3A_3, %parallel_loop3A_523 : vector<16xi32>
          %parallel_loop3A_527 = tpu.vector_load_idx %arg10[%parallel_loop3A_526] : memref<8000xf32, #tpu.memory_space<vmem>>[vector<16xi32>], vector<16xf32>,
          %parallel_loop3A_528 = arith.addi %broadcast_in_dim3A_5, %parallel_loop3A_523 : vector<16xi32>
          %parallel_loop3A_529 = tpu.vector_load_idx %arg10[%parallel_loop3A_528] : memref<8000xf32, #tpu.memory_space<vmem>>[vector<16xi32>], vector<16xf32>,
          %parallel_loop3A_530 = arith.addi %broadcast_in_dim3A_7, %parallel_loop3A_523 : vector<16xi32>
          %parallel_loop3A_531 = tpu.vector_load_idx %arg10[%parallel_loop3A_530] : memref<8000xf32, #tpu.memory_space<vmem>>[vector<16xi32>], vector<16xf32>,
          %parallel_loop3A_532 = arith.addi %broadcast_in_dim3A_9, %parallel_loop3A_523 : vector<16xi32>
          %parallel_loop3A_533 = tpu.vector_load_idx %arg10[%parallel_loop3A_532] : memref<8000xf32, #tpu.memory_space<vmem>>[vector<16xi32>], vector<16xf32>,
          %parallel_loop3A_534 = arith.addi %broadcast_in_dim3A_11, %parallel_loop3A_523 : vector<16xi32>
          %parallel_loop3A_535 = tpu.vector_load_idx %arg10[%parallel_loop3A_534] : memref<8000xf32, #tpu.memory_space<vmem>>[vector<16xi32>], vector<16xf32>,
          %parallel_loop3A_536 = arith.addi %broadcast_in_dim3A_13, %parallel_loop3A_523 : vector<16xi32>
          %parallel_loop3A_537 = tpu.vector_load_idx %arg10[%parallel_loop3A_536] : memref<8000xf32, #tpu.memory_space<vmem>>[vector<16xi32>], vector<16xf32>,
          %parallel_loop3A_538 = arith.addi %broadcast_in_dim3A_15, %parallel_loop3A_523 : vector<16xi32>
          %parallel_loop3A_539 = tpu.vector_load_idx %arg10[%parallel_loop3A_538] : memref<8000xf32, #tpu.memory_space<vmem>>[vector<16xi32>], vector<16xf32>,
          %parallel_loop3A_540 = arith.constant 0 : i32
          %parallel_loop3A_541 = arith.index_cast %parallel_loop3A_254 : i32 to index
          %parallel_loop3A_542 = arith.index_cast %parallel_loop3A_540 : i32 to index
          %parallel_loop3A_543 = arith.constant 64 : index
          %parallel_loop3A_544 = tpu.vector_load %arg12[%parallel_loop3A_541, %parallel_loop3A_542, %parallel_loop3A_543] {strides = array<i32>} : memref<32x8x128xf32, #tpu.memory_space<vmem>>, vector<16xf32>,
          tpu.vector_store %arg12[%parallel_loop3A_541, %parallel_loop3A_542, %parallel_loop3A_543], %parallel_loop3A_525 {strides = array<i32>} : memref<32x8x128xf32, #tpu.memory_space<vmem>>, vector<16xf32>,
          %parallel_loop3A_545 = arith.constant 1 : i32
          %parallel_loop3A_546 = arith.index_cast %parallel_loop3A_254 : i32 to index
          %parallel_loop3A_547 = arith.index_cast %parallel_loop3A_545 : i32 to index
          %parallel_loop3A_548 = arith.constant 64 : index
          %parallel_loop3A_549 = tpu.vector_load %arg12[%parallel_loop3A_546, %parallel_loop3A_547, %parallel_loop3A_548] {strides = array<i32>} : memref<32x8x128xf32, #tpu.memory_space<vmem>>, vector<16xf32>,
          tpu.vector_store %arg12[%parallel_loop3A_546, %parallel_loop3A_547, %parallel_loop3A_548], %parallel_loop3A_527 {strides = array<i32>} : memref<32x8x128xf32, #tpu.memory_space<vmem>>, vector<16xf32>,
          %parallel_loop3A_550 = arith.constant 2 : i32
          %parallel_loop3A_551 = arith.index_cast %parallel_loop3A_254 : i32 to index
          %parallel_loop3A_552 = arith.index_cast %parallel_loop3A_550 : i32 to index
          %parallel_loop3A_553 = arith.constant 64 : index
          %parallel_loop3A_554 = tpu.vector_load %arg12[%parallel_loop3A_551, %parallel_loop3A_552, %parallel_loop3A_553] {strides = array<i32>} : memref<32x8x128xf32, #tpu.memory_space<vmem>>, vector<16xf32>,
          tpu.vector_store %arg12[%parallel_loop3A_551, %parallel_loop3A_552, %parallel_loop3A_553], %parallel_loop3A_529 {strides = array<i32>} : memref<32x8x128xf32, #tpu.memory_space<vmem>>, vector<16xf32>,
          %parallel_loop3A_555 = arith.constant 3 : i32
          %parallel_loop3A_556 = arith.index_cast %parallel_loop3A_254 : i32 to index
          %parallel_loop3A_557 = arith.index_cast %parallel_loop3A_555 : i32 to index
          %parallel_loop3A_558 = arith.constant 64 : index
          %parallel_loop3A_559 = tpu.vector_load %arg12[%parallel_loop3A_556, %parallel_loop3A_557, %parallel_loop3A_558] {strides = array<i32>} : memref<32x8x128xf32, #tpu.memory_space<vmem>>, vector<16xf32>,
          tpu.vector_store %arg12[%parallel_loop3A_556, %parallel_loop3A_557, %parallel_loop3A_558], %parallel_loop3A_531 {strides = array<i32>} : memref<32x8x128xf32, #tpu.memory_space<vmem>>, vector<16xf32>,
          %parallel_loop3A_560 = arith.constant 4 : i32
          %parallel_loop3A_561 = arith.index_cast %parallel_loop3A_254 : i32 to index
          %parallel_loop3A_562 = arith.index_cast %parallel_loop3A_560 : i32 to index
          %parallel_loop3A_563 = arith.constant 64 : index
          %parallel_loop3A_564 = tpu.vector_load %arg12[%parallel_loop3A_561, %parallel_loop3A_562, %parallel_loop3A_563] {strides = array<i32>} : memref<32x8x128xf32, #tpu.memory_space<vmem>>, vector<16xf32>,
          tpu.vector_store %arg12[%parallel_loop3A_561, %parallel_loop3A_562, %parallel_loop3A_563], %parallel_loop3A_533 {strides = array<i32>} : memref<32x8x128xf32, #tpu.memory_space<vmem>>, vector<16xf32>,
          %parallel_loop3A_565 = arith.constant 5 : i32
          %parallel_loop3A_566 = arith.index_cast %parallel_loop3A_254 : i32 to index
          %parallel_loop3A_567 = arith.index_cast %parallel_loop3A_565 : i32 to index
          %parallel_loop3A_568 = arith.constant 64 : index
          %parallel_loop3A_569 = tpu.vector_load %arg12[%parallel_loop3A_566, %parallel_loop3A_567, %parallel_loop3A_568] {strides = array<i32>} : memref<32x8x128xf32, #tpu.memory_space<vmem>>, vector<16xf32>,
          tpu.vector_store %arg12[%parallel_loop3A_566, %parallel_loop3A_567, %parallel_loop3A_568], %parallel_loop3A_535 {strides = array<i32>} : memref<32x8x128xf32, #tpu.memory_space<vmem>>, vector<16xf32>,
          %parallel_loop3A_570 = arith.constant 6 : i32
          %parallel_loop3A_571 = arith.index_cast %parallel_loop3A_254 : i32 to index
          %parallel_loop3A_572 = arith.index_cast %parallel_loop3A_570 : i32 to index
          %parallel_loop3A_573 = arith.constant 64 : index
          %parallel_loop3A_574 = tpu.vector_load %arg12[%parallel_loop3A_571, %parallel_loop3A_572, %parallel_loop3A_573] {strides = array<i32>} : memref<32x8x128xf32, #tpu.memory_space<vmem>>, vector<16xf32>,
          tpu.vector_store %arg12[%parallel_loop3A_571, %parallel_loop3A_572, %parallel_loop3A_573], %parallel_loop3A_537 {strides = array<i32>} : memref<32x8x128xf32, #tpu.memory_space<vmem>>, vector<16xf32>,
          %parallel_loop3A_575 = arith.constant 7 : i32
          %parallel_loop3A_576 = arith.index_cast %parallel_loop3A_254 : i32 to index
          %parallel_loop3A_577 = arith.index_cast %parallel_loop3A_575 : i32 to index
          %parallel_loop3A_578 = arith.constant 64 : index
          %parallel_loop3A_579 = tpu.vector_load %arg12[%parallel_loop3A_576, %parallel_loop3A_577, %parallel_loop3A_578] {strides = array<i32>} : memref<32x8x128xf32, #tpu.memory_space<vmem>>, vector<16xf32>,
          tpu.vector_store %arg12[%parallel_loop3A_576, %parallel_loop3A_577, %parallel_loop3A_578], %parallel_loop3A_539 {strides = array<i32>} : memref<32x8x128xf32, #tpu.memory_space<vmem>>, vector<16xf32>,
          %parallel_loop3A_580 = arith.constant 32 : i32
          %parallel_loop3A_581 = arith.muli %select_n3A_208, %parallel_loop3A_580 : i32
          %parallel_loop3A_582 = arith.addi %parallel_loop3A_581, %parallel_loop3A_254 : i32
          %parallel_loop3A_583 = arith.constant 128 : i32
          %parallel_loop3A_584 = arith.muli %parallel_loop3A_582, %parallel_loop3A_583 : i32
          %parallel_loop3A_585 = arith.constant 80 : i32
          %parallel_loop3A_586 = arith.addi %parallel_loop3A_584, %parallel_loop3A_585 : i32
          %parallel_loop3A_587 = arith.index_cast %parallel_loop3A_586 : i32 to index
          %parallel_loop3A_588 = tpu.vector_load %arg9[%parallel_loop3A_587] {strides = array<i32>} : memref<16384xi32, #tpu.memory_space<vmem>>, vector<16xi32>,
          %parallel_loop3A_589 = arith.addi %broadcast_in_dim3A_1, %parallel_loop3A_588 : vector<16xi32>
          %parallel_loop3A_590 = tpu.vector_load_idx %arg10[%parallel_loop3A_589] : memref<8000xf32, #tpu.memory_space<vmem>>[vector<16xi32>], vector<16xf32>,
          %parallel_loop3A_591 = arith.addi %broadcast_in_dim3A_3, %parallel_loop3A_588 : vector<16xi32>
          %parallel_loop3A_592 = tpu.vector_load_idx %arg10[%parallel_loop3A_591] : memref<8000xf32, #tpu.memory_space<vmem>>[vector<16xi32>], vector<16xf32>,
          %parallel_loop3A_593 = arith.addi %broadcast_in_dim3A_5, %parallel_loop3A_588 : vector<16xi32>
          %parallel_loop3A_594 = tpu.vector_load_idx %arg10[%parallel_loop3A_593] : memref<8000xf32, #tpu.memory_space<vmem>>[vector<16xi32>], vector<16xf32>,
          %parallel_loop3A_595 = arith.addi %broadcast_in_dim3A_7, %parallel_loop3A_588 : vector<16xi32>
          %parallel_loop3A_596 = tpu.vector_load_idx %arg10[%parallel_loop3A_595] : memref<8000xf32, #tpu.memory_space<vmem>>[vector<16xi32>], vector<16xf32>,
          %parallel_loop3A_597 = arith.addi %broadcast_in_dim3A_9, %parallel_loop3A_588 : vector<16xi32>
          %parallel_loop3A_598 = tpu.vector_load_idx %arg10[%parallel_loop3A_597] : memref<8000xf32, #tpu.memory_space<vmem>>[vector<16xi32>], vector<16xf32>,
          %parallel_loop3A_599 = arith.addi %broadcast_in_dim3A_11, %parallel_loop3A_588 : vector<16xi32>
          %parallel_loop3A_600 = tpu.vector_load_idx %arg10[%parallel_loop3A_599] : memref<8000xf32, #tpu.memory_space<vmem>>[vector<16xi32>], vector<16xf32>,
          %parallel_loop3A_601 = arith.addi %broadcast_in_dim3A_13, %parallel_loop3A_588 : vector<16xi32>
          %parallel_loop3A_602 = tpu.vector_load_idx %arg10[%parallel_loop3A_601] : memref<8000xf32, #tpu.memory_space<vmem>>[vector<16xi32>], vector<16xf32>,
          %parallel_loop3A_603 = arith.addi %broadcast_in_dim3A_15, %parallel_loop3A_588 : vector<16xi32>
          %parallel_loop3A_604 = tpu.vector_load_idx %arg10[%parallel_loop3A_603] : memref<8000xf32, #tpu.memory_space<vmem>>[vector<16xi32>], vector<16xf32>,
          %parallel_loop3A_605 = arith.constant 0 : i32
          %parallel_loop3A_606 = arith.index_cast %parallel_loop3A_254 : i32 to index
          %parallel_loop3A_607 = arith.index_cast %parallel_loop3A_605 : i32 to index
          %parallel_loop3A_608 = arith.constant 80 : index
          %parallel_loop3A_609 = tpu.vector_load %arg12[%parallel_loop3A_606, %parallel_loop3A_607, %parallel_loop3A_608] {strides = array<i32>} : memref<32x8x128xf32, #tpu.memory_space<vmem>>, vector<16xf32>,
          tpu.vector_store %arg12[%parallel_loop3A_606, %parallel_loop3A_607, %parallel_loop3A_608], %parallel_loop3A_590 {strides = array<i32>} : memref<32x8x128xf32, #tpu.memory_space<vmem>>, vector<16xf32>,
          %parallel_loop3A_610 = arith.constant 1 : i32
          %parallel_loop3A_611 = arith.index_cast %parallel_loop3A_254 : i32 to index
          %parallel_loop3A_612 = arith.index_cast %parallel_loop3A_610 : i32 to index
          %parallel_loop3A_613 = arith.constant 80 : index
          %parallel_loop3A_614 = tpu.vector_load %arg12[%parallel_loop3A_611, %parallel_loop3A_612, %parallel_loop3A_613] {strides = array<i32>} : memref<32x8x128xf32, #tpu.memory_space<vmem>>, vector<16xf32>,
          tpu.vector_store %arg12[%parallel_loop3A_611, %parallel_loop3A_612, %parallel_loop3A_613], %parallel_loop3A_592 {strides = array<i32>} : memref<32x8x128xf32, #tpu.memory_space<vmem>>, vector<16xf32>,
          %parallel_loop3A_615 = arith.constant 2 : i32
          %parallel_loop3A_616 = arith.index_cast %parallel_loop3A_254 : i32 to index
          %parallel_loop3A_617 = arith.index_cast %parallel_loop3A_615 : i32 to index
          %parallel_loop3A_618 = arith.constant 80 : index
          %parallel_loop3A_619 = tpu.vector_load %arg12[%parallel_loop3A_616, %parallel_loop3A_617, %parallel_loop3A_618] {strides = array<i32>} : memref<32x8x128xf32, #tpu.memory_space<vmem>>, vector<16xf32>,
          tpu.vector_store %arg12[%parallel_loop3A_616, %parallel_loop3A_617, %parallel_loop3A_618], %parallel_loop3A_594 {strides = array<i32>} : memref<32x8x128xf32, #tpu.memory_space<vmem>>, vector<16xf32>,
          %parallel_loop3A_620 = arith.constant 3 : i32
          %parallel_loop3A_621 = arith.index_cast %parallel_loop3A_254 : i32 to index
          %parallel_loop3A_622 = arith.index_cast %parallel_loop3A_620 : i32 to index
          %parallel_loop3A_623 = arith.constant 80 : index
          %parallel_loop3A_624 = tpu.vector_load %arg12[%parallel_loop3A_621, %parallel_loop3A_622, %parallel_loop3A_623] {strides = array<i32>} : memref<32x8x128xf32, #tpu.memory_space<vmem>>, vector<16xf32>,
          tpu.vector_store %arg12[%parallel_loop3A_621, %parallel_loop3A_622, %parallel_loop3A_623], %parallel_loop3A_596 {strides = array<i32>} : memref<32x8x128xf32, #tpu.memory_space<vmem>>, vector<16xf32>,
          %parallel_loop3A_625 = arith.constant 4 : i32
          %parallel_loop3A_626 = arith.index_cast %parallel_loop3A_254 : i32 to index
          %parallel_loop3A_627 = arith.index_cast %parallel_loop3A_625 : i32 to index
          %parallel_loop3A_628 = arith.constant 80 : index
          %parallel_loop3A_629 = tpu.vector_load %arg12[%parallel_loop3A_626, %parallel_loop3A_627, %parallel_loop3A_628] {strides = array<i32>} : memref<32x8x128xf32, #tpu.memory_space<vmem>>, vector<16xf32>,
          tpu.vector_store %arg12[%parallel_loop3A_626, %parallel_loop3A_627, %parallel_loop3A_628], %parallel_loop3A_598 {strides = array<i32>} : memref<32x8x128xf32, #tpu.memory_space<vmem>>, vector<16xf32>,
          %parallel_loop3A_630 = arith.constant 5 : i32
          %parallel_loop3A_631 = arith.index_cast %parallel_loop3A_254 : i32 to index
          %parallel_loop3A_632 = arith.index_cast %parallel_loop3A_630 : i32 to index
          %parallel_loop3A_633 = arith.constant 80 : index
          %parallel_loop3A_634 = tpu.vector_load %arg12[%parallel_loop3A_631, %parallel_loop3A_632, %parallel_loop3A_633] {strides = array<i32>} : memref<32x8x128xf32, #tpu.memory_space<vmem>>, vector<16xf32>,
          tpu.vector_store %arg12[%parallel_loop3A_631, %parallel_loop3A_632, %parallel_loop3A_633], %parallel_loop3A_600 {strides = array<i32>} : memref<32x8x128xf32, #tpu.memory_space<vmem>>, vector<16xf32>,
          %parallel_loop3A_635 = arith.constant 6 : i32
          %parallel_loop3A_636 = arith.index_cast %parallel_loop3A_254 : i32 to index
          %parallel_loop3A_637 = arith.index_cast %parallel_loop3A_635 : i32 to index
          %parallel_loop3A_638 = arith.constant 80 : index
          %parallel_loop3A_639 = tpu.vector_load %arg12[%parallel_loop3A_636, %parallel_loop3A_637, %parallel_loop3A_638] {strides = array<i32>} : memref<32x8x128xf32, #tpu.memory_space<vmem>>, vector<16xf32>,
          tpu.vector_store %arg12[%parallel_loop3A_636, %parallel_loop3A_637, %parallel_loop3A_638], %parallel_loop3A_602 {strides = array<i32>} : memref<32x8x128xf32, #tpu.memory_space<vmem>>, vector<16xf32>,
          %parallel_loop3A_640 = arith.constant 7 : i32
          %parallel_loop3A_641 = arith.index_cast %parallel_loop3A_254 : i32 to index
          %parallel_loop3A_642 = arith.index_cast %parallel_loop3A_640 : i32 to index
          %parallel_loop3A_643 = arith.constant 80 : index
          %parallel_loop3A_644 = tpu.vector_load %arg12[%parallel_loop3A_641, %parallel_loop3A_642, %parallel_loop3A_643] {strides = array<i32>} : memref<32x8x128xf32, #tpu.memory_space<vmem>>, vector<16xf32>,
          tpu.vector_store %arg12[%parallel_loop3A_641, %parallel_loop3A_642, %parallel_loop3A_643], %parallel_loop3A_604 {strides = array<i32>} : memref<32x8x128xf32, #tpu.memory_space<vmem>>, vector<16xf32>,
          %parallel_loop3A_645 = arith.constant 32 : i32
          %parallel_loop3A_646 = arith.muli %select_n3A_208, %parallel_loop3A_645 : i32
          %parallel_loop3A_647 = arith.addi %parallel_loop3A_646, %parallel_loop3A_254 : i32
          %parallel_loop3A_648 = arith.constant 128 : i32
          %parallel_loop3A_649 = arith.muli %parallel_loop3A_647, %parallel_loop3A_648 : i32
          %parallel_loop3A_650 = arith.constant 96 : i32
          %parallel_loop3A_651 = arith.addi %parallel_loop3A_649, %parallel_loop3A_650 : i32
          %parallel_loop3A_652 = arith.index_cast %parallel_loop3A_651 : i32 to index
          %parallel_loop3A_653 = tpu.vector_load %arg9[%parallel_loop3A_652] {strides = array<i32>} : memref<16384xi32, #tpu.memory_space<vmem>>, vector<16xi32>,
          %parallel_loop3A_654 = arith.addi %broadcast_in_dim3A_1, %parallel_loop3A_653 : vector<16xi32>
          %parallel_loop3A_655 = tpu.vector_load_idx %arg10[%parallel_loop3A_654] : memref<8000xf32, #tpu.memory_space<vmem>>[vector<16xi32>], vector<16xf32>,
          %parallel_loop3A_656 = arith.addi %broadcast_in_dim3A_3, %parallel_loop3A_653 : vector<16xi32>
          %parallel_loop3A_657 = tpu.vector_load_idx %arg10[%parallel_loop3A_656] : memref<8000xf32, #tpu.memory_space<vmem>>[vector<16xi32>], vector<16xf32>,
          %parallel_loop3A_658 = arith.addi %broadcast_in_dim3A_5, %parallel_loop3A_653 : vector<16xi32>
          %parallel_loop3A_659 = tpu.vector_load_idx %arg10[%parallel_loop3A_658] : memref<8000xf32, #tpu.memory_space<vmem>>[vector<16xi32>], vector<16xf32>,
          %parallel_loop3A_660 = arith.addi %broadcast_in_dim3A_7, %parallel_loop3A_653 : vector<16xi32>
          %parallel_loop3A_661 = tpu.vector_load_idx %arg10[%parallel_loop3A_660] : memref<8000xf32, #tpu.memory_space<vmem>>[vector<16xi32>], vector<16xf32>,
          %parallel_loop3A_662 = arith.addi %broadcast_in_dim3A_9, %parallel_loop3A_653 : vector<16xi32>
          %parallel_loop3A_663 = tpu.vector_load_idx %arg10[%parallel_loop3A_662] : memref<8000xf32, #tpu.memory_space<vmem>>[vector<16xi32>], vector<16xf32>,
          %parallel_loop3A_664 = arith.addi %broadcast_in_dim3A_11, %parallel_loop3A_653 : vector<16xi32>
          %parallel_loop3A_665 = tpu.vector_load_idx %arg10[%parallel_loop3A_664] : memref<8000xf32, #tpu.memory_space<vmem>>[vector<16xi32>], vector<16xf32>,
          %parallel_loop3A_666 = arith.addi %broadcast_in_dim3A_13, %parallel_loop3A_653 : vector<16xi32>
          %parallel_loop3A_667 = tpu.vector_load_idx %arg10[%parallel_loop3A_666] : memref<8000xf32, #tpu.memory_space<vmem>>[vector<16xi32>], vector<16xf32>,
          %parallel_loop3A_668 = arith.addi %broadcast_in_dim3A_15, %parallel_loop3A_653 : vector<16xi32>
          %parallel_loop3A_669 = tpu.vector_load_idx %arg10[%parallel_loop3A_668] : memref<8000xf32, #tpu.memory_space<vmem>>[vector<16xi32>], vector<16xf32>,
          %parallel_loop3A_670 = arith.constant 0 : i32
          %parallel_loop3A_671 = arith.index_cast %parallel_loop3A_254 : i32 to index
          %parallel_loop3A_672 = arith.index_cast %parallel_loop3A_670 : i32 to index
          %parallel_loop3A_673 = arith.constant 96 : index
          %parallel_loop3A_674 = tpu.vector_load %arg12[%parallel_loop3A_671, %parallel_loop3A_672, %parallel_loop3A_673] {strides = array<i32>} : memref<32x8x128xf32, #tpu.memory_space<vmem>>, vector<16xf32>,
          tpu.vector_store %arg12[%parallel_loop3A_671, %parallel_loop3A_672, %parallel_loop3A_673], %parallel_loop3A_655 {strides = array<i32>} : memref<32x8x128xf32, #tpu.memory_space<vmem>>, vector<16xf32>,
          %parallel_loop3A_675 = arith.constant 1 : i32
          %parallel_loop3A_676 = arith.index_cast %parallel_loop3A_254 : i32 to index
          %parallel_loop3A_677 = arith.index_cast %parallel_loop3A_675 : i32 to index
          %parallel_loop3A_678 = arith.constant 96 : index
          %parallel_loop3A_679 = tpu.vector_load %arg12[%parallel_loop3A_676, %parallel_loop3A_677, %parallel_loop3A_678] {strides = array<i32>} : memref<32x8x128xf32, #tpu.memory_space<vmem>>, vector<16xf32>,
          tpu.vector_store %arg12[%parallel_loop3A_676, %parallel_loop3A_677, %parallel_loop3A_678], %parallel_loop3A_657 {strides = array<i32>} : memref<32x8x128xf32, #tpu.memory_space<vmem>>, vector<16xf32>,
          %parallel_loop3A_680 = arith.constant 2 : i32
          %parallel_loop3A_681 = arith.index_cast %parallel_loop3A_254 : i32 to index
          %parallel_loop3A_682 = arith.index_cast %parallel_loop3A_680 : i32 to index
          %parallel_loop3A_683 = arith.constant 96 : index
          %parallel_loop3A_684 = tpu.vector_load %arg12[%parallel_loop3A_681, %parallel_loop3A_682, %parallel_loop3A_683] {strides = array<i32>} : memref<32x8x128xf32, #tpu.memory_space<vmem>>, vector<16xf32>,
          tpu.vector_store %arg12[%parallel_loop3A_681, %parallel_loop3A_682, %parallel_loop3A_683], %parallel_loop3A_659 {strides = array<i32>} : memref<32x8x128xf32, #tpu.memory_space<vmem>>, vector<16xf32>,
          %parallel_loop3A_685 = arith.constant 3 : i32
          %parallel_loop3A_686 = arith.index_cast %parallel_loop3A_254 : i32 to index
          %parallel_loop3A_687 = arith.index_cast %parallel_loop3A_685 : i32 to index
          %parallel_loop3A_688 = arith.constant 96 : index
          %parallel_loop3A_689 = tpu.vector_load %arg12[%parallel_loop3A_686, %parallel_loop3A_687, %parallel_loop3A_688] {strides = array<i32>} : memref<32x8x128xf32, #tpu.memory_space<vmem>>, vector<16xf32>,
          tpu.vector_store %arg12[%parallel_loop3A_686, %parallel_loop3A_687, %parallel_loop3A_688], %parallel_loop3A_661 {strides = array<i32>} : memref<32x8x128xf32, #tpu.memory_space<vmem>>, vector<16xf32>,
          %parallel_loop3A_690 = arith.constant 4 : i32
          %parallel_loop3A_691 = arith.index_cast %parallel_loop3A_254 : i32 to index
          %parallel_loop3A_692 = arith.index_cast %parallel_loop3A_690 : i32 to index
          %parallel_loop3A_693 = arith.constant 96 : index
          %parallel_loop3A_694 = tpu.vector_load %arg12[%parallel_loop3A_691, %parallel_loop3A_692, %parallel_loop3A_693] {strides = array<i32>} : memref<32x8x128xf32, #tpu.memory_space<vmem>>, vector<16xf32>,
          tpu.vector_store %arg12[%parallel_loop3A_691, %parallel_loop3A_692, %parallel_loop3A_693], %parallel_loop3A_663 {strides = array<i32>} : memref<32x8x128xf32, #tpu.memory_space<vmem>>, vector<16xf32>,
          %parallel_loop3A_695 = arith.constant 5 : i32
          %parallel_loop3A_696 = arith.index_cast %parallel_loop3A_254 : i32 to index
          %parallel_loop3A_697 = arith.index_cast %parallel_loop3A_695 : i32 to index
          %parallel_loop3A_698 = arith.constant 96 : index
          %parallel_loop3A_699 = tpu.vector_load %arg12[%parallel_loop3A_696, %parallel_loop3A_697, %parallel_loop3A_698] {strides = array<i32>} : memref<32x8x128xf32, #tpu.memory_space<vmem>>, vector<16xf32>,
          tpu.vector_store %arg12[%parallel_loop3A_696, %parallel_loop3A_697, %parallel_loop3A_698], %parallel_loop3A_665 {strides = array<i32>} : memref<32x8x128xf32, #tpu.memory_space<vmem>>, vector<16xf32>,
          %parallel_loop3A_700 = arith.constant 6 : i32
          %parallel_loop3A_701 = arith.index_cast %parallel_loop3A_254 : i32 to index
          %parallel_loop3A_702 = arith.index_cast %parallel_loop3A_700 : i32 to index
          %parallel_loop3A_703 = arith.constant 96 : index
          %parallel_loop3A_704 = tpu.vector_load %arg12[%parallel_loop3A_701, %parallel_loop3A_702, %parallel_loop3A_703] {strides = array<i32>} : memref<32x8x128xf32, #tpu.memory_space<vmem>>, vector<16xf32>,
          tpu.vector_store %arg12[%parallel_loop3A_701, %parallel_loop3A_702, %parallel_loop3A_703], %parallel_loop3A_667 {strides = array<i32>} : memref<32x8x128xf32, #tpu.memory_space<vmem>>, vector<16xf32>,
          %parallel_loop3A_705 = arith.constant 7 : i32
          %parallel_loop3A_706 = arith.index_cast %parallel_loop3A_254 : i32 to index
          %parallel_loop3A_707 = arith.index_cast %parallel_loop3A_705 : i32 to index
          %parallel_loop3A_708 = arith.constant 96 : index
          %parallel_loop3A_709 = tpu.vector_load %arg12[%parallel_loop3A_706, %parallel_loop3A_707, %parallel_loop3A_708] {strides = array<i32>} : memref<32x8x128xf32, #tpu.memory_space<vmem>>, vector<16xf32>,
          tpu.vector_store %arg12[%parallel_loop3A_706, %parallel_loop3A_707, %parallel_loop3A_708], %parallel_loop3A_669 {strides = array<i32>} : memref<32x8x128xf32, #tpu.memory_space<vmem>>, vector<16xf32>,
          %parallel_loop3A_710 = arith.constant 32 : i32
          %parallel_loop3A_711 = arith.muli %select_n3A_208, %parallel_loop3A_710 : i32
          %parallel_loop3A_712 = arith.addi %parallel_loop3A_711, %parallel_loop3A_254 : i32
          %parallel_loop3A_713 = arith.constant 128 : i32
          %parallel_loop3A_714 = arith.muli %parallel_loop3A_712, %parallel_loop3A_713 : i32
          %parallel_loop3A_715 = arith.constant 112 : i32
          %parallel_loop3A_716 = arith.addi %parallel_loop3A_714, %parallel_loop3A_715 : i32
          %parallel_loop3A_717 = arith.index_cast %parallel_loop3A_716 : i32 to index
          %parallel_loop3A_718 = tpu.vector_load %arg9[%parallel_loop3A_717] {strides = array<i32>} : memref<16384xi32, #tpu.memory_space<vmem>>, vector<16xi32>,
          %parallel_loop3A_719 = arith.addi %broadcast_in_dim3A_1, %parallel_loop3A_718 : vector<16xi32>
          %parallel_loop3A_720 = tpu.vector_load_idx %arg10[%parallel_loop3A_719] : memref<8000xf32, #tpu.memory_space<vmem>>[vector<16xi32>], vector<16xf32>,
          %parallel_loop3A_721 = arith.addi %broadcast_in_dim3A_3, %parallel_loop3A_718 : vector<16xi32>
          %parallel_loop3A_722 = tpu.vector_load_idx %arg10[%parallel_loop3A_721] : memref<8000xf32, #tpu.memory_space<vmem>>[vector<16xi32>], vector<16xf32>,
          %parallel_loop3A_723 = arith.addi %broadcast_in_dim3A_5, %parallel_loop3A_718 : vector<16xi32>
          %parallel_loop3A_724 = tpu.vector_load_idx %arg10[%parallel_loop3A_723] : memref<8000xf32, #tpu.memory_space<vmem>>[vector<16xi32>], vector<16xf32>,
          %parallel_loop3A_725 = arith.addi %broadcast_in_dim3A_7, %parallel_loop3A_718 : vector<16xi32>
          %parallel_loop3A_726 = tpu.vector_load_idx %arg10[%parallel_loop3A_725] : memref<8000xf32, #tpu.memory_space<vmem>>[vector<16xi32>], vector<16xf32>,
          %parallel_loop3A_727 = arith.addi %broadcast_in_dim3A_9, %parallel_loop3A_718 : vector<16xi32>
          %parallel_loop3A_728 = tpu.vector_load_idx %arg10[%parallel_loop3A_727] : memref<8000xf32, #tpu.memory_space<vmem>>[vector<16xi32>], vector<16xf32>,
          %parallel_loop3A_729 = arith.addi %broadcast_in_dim3A_11, %parallel_loop3A_718 : vector<16xi32>
          %parallel_loop3A_730 = tpu.vector_load_idx %arg10[%parallel_loop3A_729] : memref<8000xf32, #tpu.memory_space<vmem>>[vector<16xi32>], vector<16xf32>,
          %parallel_loop3A_731 = arith.addi %broadcast_in_dim3A_13, %parallel_loop3A_718 : vector<16xi32>
          %parallel_loop3A_732 = tpu.vector_load_idx %arg10[%parallel_loop3A_731] : memref<8000xf32, #tpu.memory_space<vmem>>[vector<16xi32>], vector<16xf32>,
          %parallel_loop3A_733 = arith.addi %broadcast_in_dim3A_15, %parallel_loop3A_718 : vector<16xi32>
          %parallel_loop3A_734 = tpu.vector_load_idx %arg10[%parallel_loop3A_733] : memref<8000xf32, #tpu.memory_space<vmem>>[vector<16xi32>], vector<16xf32>,
          %parallel_loop3A_735 = arith.constant 0 : i32
          %parallel_loop3A_736 = arith.index_cast %parallel_loop3A_254 : i32 to index
          %parallel_loop3A_737 = arith.index_cast %parallel_loop3A_735 : i32 to index
          %parallel_loop3A_738 = arith.constant 112 : index
          %parallel_loop3A_739 = tpu.vector_load %arg12[%parallel_loop3A_736, %parallel_loop3A_737, %parallel_loop3A_738] {strides = array<i32>} : memref<32x8x128xf32, #tpu.memory_space<vmem>>, vector<16xf32>,
          tpu.vector_store %arg12[%parallel_loop3A_736, %parallel_loop3A_737, %parallel_loop3A_738], %parallel_loop3A_720 {strides = array<i32>} : memref<32x8x128xf32, #tpu.memory_space<vmem>>, vector<16xf32>,
          %parallel_loop3A_740 = arith.constant 1 : i32
          %parallel_loop3A_741 = arith.index_cast %parallel_loop3A_254 : i32 to index
          %parallel_loop3A_742 = arith.index_cast %parallel_loop3A_740 : i32 to index
          %parallel_loop3A_743 = arith.constant 112 : index
          %parallel_loop3A_744 = tpu.vector_load %arg12[%parallel_loop3A_741, %parallel_loop3A_742, %parallel_loop3A_743] {strides = array<i32>} : memref<32x8x128xf32, #tpu.memory_space<vmem>>, vector<16xf32>,
          tpu.vector_store %arg12[%parallel_loop3A_741, %parallel_loop3A_742, %parallel_loop3A_743], %parallel_loop3A_722 {strides = array<i32>} : memref<32x8x128xf32, #tpu.memory_space<vmem>>, vector<16xf32>,
          %parallel_loop3A_745 = arith.constant 2 : i32
          %parallel_loop3A_746 = arith.index_cast %parallel_loop3A_254 : i32 to index
          %parallel_loop3A_747 = arith.index_cast %parallel_loop3A_745 : i32 to index
          %parallel_loop3A_748 = arith.constant 112 : index
          %parallel_loop3A_749 = tpu.vector_load %arg12[%parallel_loop3A_746, %parallel_loop3A_747, %parallel_loop3A_748] {strides = array<i32>} : memref<32x8x128xf32, #tpu.memory_space<vmem>>, vector<16xf32>,
          tpu.vector_store %arg12[%parallel_loop3A_746, %parallel_loop3A_747, %parallel_loop3A_748], %parallel_loop3A_724 {strides = array<i32>} : memref<32x8x128xf32, #tpu.memory_space<vmem>>, vector<16xf32>,
          %parallel_loop3A_750 = arith.constant 3 : i32
          %parallel_loop3A_751 = arith.index_cast %parallel_loop3A_254 : i32 to index
          %parallel_loop3A_752 = arith.index_cast %parallel_loop3A_750 : i32 to index
          %parallel_loop3A_753 = arith.constant 112 : index
          %parallel_loop3A_754 = tpu.vector_load %arg12[%parallel_loop3A_751, %parallel_loop3A_752, %parallel_loop3A_753] {strides = array<i32>} : memref<32x8x128xf32, #tpu.memory_space<vmem>>, vector<16xf32>,
          tpu.vector_store %arg12[%parallel_loop3A_751, %parallel_loop3A_752, %parallel_loop3A_753], %parallel_loop3A_726 {strides = array<i32>} : memref<32x8x128xf32, #tpu.memory_space<vmem>>, vector<16xf32>,
          %parallel_loop3A_755 = arith.constant 4 : i32
          %parallel_loop3A_756 = arith.index_cast %parallel_loop3A_254 : i32 to index
          %parallel_loop3A_757 = arith.index_cast %parallel_loop3A_755 : i32 to index
          %parallel_loop3A_758 = arith.constant 112 : index
          %parallel_loop3A_759 = tpu.vector_load %arg12[%parallel_loop3A_756, %parallel_loop3A_757, %parallel_loop3A_758] {strides = array<i32>} : memref<32x8x128xf32, #tpu.memory_space<vmem>>, vector<16xf32>,
          tpu.vector_store %arg12[%parallel_loop3A_756, %parallel_loop3A_757, %parallel_loop3A_758], %parallel_loop3A_728 {strides = array<i32>} : memref<32x8x128xf32, #tpu.memory_space<vmem>>, vector<16xf32>,
          %parallel_loop3A_760 = arith.constant 5 : i32
          %parallel_loop3A_761 = arith.index_cast %parallel_loop3A_254 : i32 to index
          %parallel_loop3A_762 = arith.index_cast %parallel_loop3A_760 : i32 to index
          %parallel_loop3A_763 = arith.constant 112 : index
          %parallel_loop3A_764 = tpu.vector_load %arg12[%parallel_loop3A_761, %parallel_loop3A_762, %parallel_loop3A_763] {strides = array<i32>} : memref<32x8x128xf32, #tpu.memory_space<vmem>>, vector<16xf32>,
          tpu.vector_store %arg12[%parallel_loop3A_761, %parallel_loop3A_762, %parallel_loop3A_763], %parallel_loop3A_730 {strides = array<i32>} : memref<32x8x128xf32, #tpu.memory_space<vmem>>, vector<16xf32>,
          %parallel_loop3A_765 = arith.constant 6 : i32
          %parallel_loop3A_766 = arith.index_cast %parallel_loop3A_254 : i32 to index
          %parallel_loop3A_767 = arith.index_cast %parallel_loop3A_765 : i32 to index
          %parallel_loop3A_768 = arith.constant 112 : index
          %parallel_loop3A_769 = tpu.vector_load %arg12[%parallel_loop3A_766, %parallel_loop3A_767, %parallel_loop3A_768] {strides = array<i32>} : memref<32x8x128xf32, #tpu.memory_space<vmem>>, vector<16xf32>,
          tpu.vector_store %arg12[%parallel_loop3A_766, %parallel_loop3A_767, %parallel_loop3A_768], %parallel_loop3A_732 {strides = array<i32>} : memref<32x8x128xf32, #tpu.memory_space<vmem>>, vector<16xf32>,
          %parallel_loop3A_770 = arith.constant 7 : i32
          %parallel_loop3A_771 = arith.index_cast %parallel_loop3A_254 : i32 to index
          %parallel_loop3A_772 = arith.index_cast %parallel_loop3A_770 : i32 to index
          %parallel_loop3A_773 = arith.constant 112 : index
          %parallel_loop3A_774 = tpu.vector_load %arg12[%parallel_loop3A_771, %parallel_loop3A_772, %parallel_loop3A_773] {strides = array<i32>} : memref<32x8x128xf32, #tpu.memory_space<vmem>>, vector<16xf32>,
          tpu.vector_store %arg12[%parallel_loop3A_771, %parallel_loop3A_772, %parallel_loop3A_773], %parallel_loop3A_734 {strides = array<i32>} : memref<32x8x128xf32, #tpu.memory_space<vmem>>, vector<16xf32>,
        } {sc.loop_unroll_factor = 2 : i64, sc.parallel_access}
        %eq3A_239 = arith.constant 0 : i32
        %eq3A_240 = arith.cmpi eq, %select_n3A_152, %eq3A_239 : i32
        %convert_element_type3A_241 = arith.extui %eq3A_240 : i1 to i32
        %cond3A_242 = arith.constant 0 : i32
        %cond3A_243 = arith.cmpi ne, %convert_element_type3A_241, %cond3A_242 : i32
        scf.if %cond3A_243 {
          %mul3A_254 = arith.constant 32 : i32
          %mul3A_255 = arith.muli %select_n3A_208, %mul3A_254 : i32
          %dma_start3A = arith.constant 0 : i32
          %dma_start3A_256 = arith.constant 0 : i32
          %dma_start3A_257 = tpu.memref_slice %arg6[%add3A_211, %mul3A_255, %dma_start3A, %dma_start3A_256] : memref<125x128x8x128xf32, #tpu.memory_space<hbm>> -> memref<1x32x8x128xf32, #tpu.memory_space<hbm>>
          %dma_start3A_258 = tpu.memref_squeeze %dma_start3A_257 : memref<1x32x8x128xf32, #tpu.memory_space<hbm>> -> memref<32x8x128xf32, #tpu.memory_space<hbm>>
          %dma_start3A_259 = arith.constant 0 : i32
          %dma_start3A_260 = arith.constant 0 : i32
          %dma_start3A_261 = tpu.memref_slice %arg6[%add3A_211, %mul3A_255, %dma_start3A_259, %dma_start3A_260] : memref<125x128x8x128xf32, #tpu.memory_space<hbm>> -> memref<1x32x8x128xf32, #tpu.memory_space<hbm>>
          %dma_start3A_262 = tpu.memref_squeeze %dma_start3A_261 : memref<1x32x8x128xf32, #tpu.memory_space<hbm>> -> memref<32x8x128xf32, #tpu.memory_space<hbm>>
          tpu.enqueue_dma source(%arg12 : memref<32x8x128xf32, #tpu.memory_space<vmem>>) target(%dma_start3A_262 : memref<32x8x128xf32, #tpu.memory_space<hbm>>) target_semaphore(%arg14 : memref<!tpu.dma_semaphore, #tpu.memory_space<semaphore_mem>>)
        } else {
        }
        %eq3A_244 = arith.constant 1 : i32
        %eq3A_245 = arith.cmpi eq, %select_n3A_152, %eq3A_244 : i32
        %convert_element_type3A_246 = arith.extui %eq3A_245 : i1 to i32
        %cond3A_247 = arith.constant 0 : i32
        %cond3A_248 = arith.cmpi ne, %convert_element_type3A_246, %cond3A_247 : i32
        scf.if %cond3A_248 {
          %mul3A_254 = arith.constant 32 : i32
          %mul3A_255 = arith.muli %select_n3A_208, %mul3A_254 : i32
          %dma_start3A = arith.constant 0 : i32
          %dma_start3A_256 = arith.constant 0 : i32
          %dma_start3A_257 = tpu.memref_slice %arg7[%add3A_211, %mul3A_255, %dma_start3A, %dma_start3A_256] : memref<125x128x8x128xf32, #tpu.memory_space<hbm>> -> memref<1x32x8x128xf32, #tpu.memory_space<hbm>>
          %dma_start3A_258 = tpu.memref_squeeze %dma_start3A_257 : memref<1x32x8x128xf32, #tpu.memory_space<hbm>> -> memref<32x8x128xf32, #tpu.memory_space<hbm>>
          %dma_start3A_259 = arith.constant 0 : i32
          %dma_start3A_260 = arith.constant 0 : i32
          %dma_start3A_261 = tpu.memref_slice %arg7[%add3A_211, %mul3A_255, %dma_start3A_259, %dma_start3A_260] : memref<125x128x8x128xf32, #tpu.memory_space<hbm>> -> memref<1x32x8x128xf32, #tpu.memory_space<hbm>>
          %dma_start3A_262 = tpu.memref_squeeze %dma_start3A_261 : memref<1x32x8x128xf32, #tpu.memory_space<hbm>> -> memref<32x8x128xf32, #tpu.memory_space<hbm>>
          tpu.enqueue_dma source(%arg12 : memref<32x8x128xf32, #tpu.memory_space<vmem>>) target(%dma_start3A_262 : memref<32x8x128xf32, #tpu.memory_space<hbm>>) target_semaphore(%arg14 : memref<!tpu.dma_semaphore, #tpu.memory_space<semaphore_mem>>)
        } else {
        }
        %eq3A_249 = arith.constant 2 : i32
        %eq3A_250 = arith.cmpi eq, %select_n3A_152, %eq3A_249 : i32
        %convert_element_type3A_251 = arith.extui %eq3A_250 : i1 to i32
        %cond3A_252 = arith.constant 0 : i32
        %cond3A_253 = arith.cmpi ne, %convert_element_type3A_251, %cond3A_252 : i32
        scf.if %cond3A_253 {
          %mul3A_254 = arith.constant 32 : i32
          %mul3A_255 = arith.muli %select_n3A_208, %mul3A_254 : i32
          %dma_start3A = arith.constant 0 : i32
          %dma_start3A_256 = arith.constant 0 : i32
          %dma_start3A_257 = tpu.memref_slice %arg8[%add3A_211, %mul3A_255, %dma_start3A, %dma_start3A_256] : memref<125x128x8x128xf32, #tpu.memory_space<hbm>> -> memref<1x32x8x128xf32, #tpu.memory_space<hbm>>
          %dma_start3A_258 = tpu.memref_squeeze %dma_start3A_257 : memref<1x32x8x128xf32, #tpu.memory_space<hbm>> -> memref<32x8x128xf32, #tpu.memory_space<hbm>>
          %dma_start3A_259 = arith.constant 0 : i32
          %dma_start3A_260 = arith.constant 0 : i32
          %dma_start3A_261 = tpu.memref_slice %arg8[%add3A_211, %mul3A_255, %dma_start3A_259, %dma_start3A_260] : memref<125x128x8x128xf32, #tpu.memory_space<hbm>> -> memref<1x32x8x128xf32, #tpu.memory_space<hbm>>
          %dma_start3A_262 = tpu.memref_squeeze %dma_start3A_261 : memref<1x32x8x128xf32, #tpu.memory_space<hbm>> -> memref<32x8x128xf32, #tpu.memory_space<hbm>>
          tpu.enqueue_dma source(%arg12 : memref<32x8x128xf32, #tpu.memory_space<vmem>>) target(%dma_start3A_262 : memref<32x8x128xf32, #tpu.memory_space<hbm>>) target_semaphore(%arg14 : memref<!tpu.dma_semaphore, #tpu.memory_space<semaphore_mem>>)
        } else {
        }
      } else {
      }
      %scan3A_217 = arith.constant 0 : i32
      scf.yield %scan3A_217 : i32
    }
    %scan3A_21 = arith.constant 24 : i32
    %dma_wait3A = arith.constant 0 : i32
    %dma_wait3A_22 = arith.constant 0 : i32
    %dma_wait3A_23 = arith.constant 0 : i32
    %dma_wait3A_24 = arith.constant 0 : i32
    %dma_wait3A_25 = tpu.memref_slice %arg6[%dma_wait3A, %dma_wait3A_22, %dma_wait3A_23, %dma_wait3A_24] : memref<125x128x8x128xf32, #tpu.memory_space<hbm>> -> memref<1x32x8x128xf32, #tpu.memory_space<hbm>>
    %dma_wait3A_26 = tpu.memref_squeeze %dma_wait3A_25 : memref<1x32x8x128xf32, #tpu.memory_space<hbm>> -> memref<32x8x128xf32, #tpu.memory_space<hbm>>
    %dma_wait3A_27 = arith.constant 0 : i32
    %dma_wait3A_28 = arith.constant 0 : i32
    %dma_wait3A_29 = arith.constant 0 : i32
    %dma_wait3A_30 = tpu.memref_slice %arg6[%dma_wait3A, %dma_wait3A_27, %dma_wait3A_28, %dma_wait3A_29] : memref<125x128x8x128xf32, #tpu.memory_space<hbm>> -> memref<1x32x8x128xf32, #tpu.memory_space<hbm>>
    %dma_wait3A_31 = tpu.memref_squeeze %dma_wait3A_30 : memref<1x32x8x128xf32, #tpu.memory_space<hbm>> -> memref<32x8x128xf32, #tpu.memory_space<hbm>>
    tpu.wait_dma2 semaphore(%arg13 : memref<!tpu.dma_semaphore, #tpu.memory_space<semaphore_mem>>) src(%arg11 : memref<32x8x128xf32, #tpu.memory_space<vmem>>) dst(%dma_wait3A_31 : memref<32x8x128xf32, #tpu.memory_space<hbm>>)
    %dma_wait3A_32 = arith.constant 0 : i32
    %dma_wait3A_33 = arith.constant 0 : i32
    %dma_wait3A_34 = arith.constant 0 : i32
    %dma_wait3A_35 = arith.constant 0 : i32
    %dma_wait3A_36 = tpu.memref_slice %arg6[%dma_wait3A_32, %dma_wait3A_33, %dma_wait3A_34, %dma_wait3A_35] : memref<125x128x8x128xf32, #tpu.memory_space<hbm>> -> memref<1x32x8x128xf32, #tpu.memory_space<hbm>>
    %dma_wait3A_37 = tpu.memref_squeeze %dma_wait3A_36 : memref<1x32x8x128xf32, #tpu.memory_space<hbm>> -> memref<32x8x128xf32, #tpu.memory_space<hbm>>
    %dma_wait3A_38 = arith.constant 0 : i32
    %dma_wait3A_39 = arith.constant 0 : i32
    %dma_wait3A_40 = arith.constant 0 : i32
    %dma_wait3A_41 = tpu.memref_slice %arg6[%dma_wait3A_32, %dma_wait3A_38, %dma_wait3A_39, %dma_wait3A_40] : memref<125x128x8x128xf32, #tpu.memory_space<hbm>> -> memref<1x32x8x128xf32, #tpu.memory_space<hbm>>
    %dma_wait3A_42 = tpu.memref_squeeze %dma_wait3A_41 : memref<1x32x8x128xf32, #tpu.memory_space<hbm>> -> memref<32x8x128xf32, #tpu.memory_space<hbm>>
    tpu.wait_dma2 semaphore(%arg14 : memref<!tpu.dma_semaphore, #tpu.memory_space<semaphore_mem>>) src(%arg12 : memref<32x8x128xf32, #tpu.memory_space<vmem>>) dst(%dma_wait3A_42 : memref<32x8x128xf32, #tpu.memory_space<hbm>>)
    return
  }
}

</mosaic_0001>

<sc_bundles>
// kernel: kernel.3.cloned.1.call-start
scs
__scs_entry_jumppad:
0x0: {  	(pc) =	sbr.rel $0x88, $3  }
0x1: {  	(tag) =	ssettag $0x0;
	lr =	simm.s32 $0x1  }
0x2: {  	[smem:$0x3F9F] =	sst lr;
	_ =	strace $0xD0000000  }
0x3: {  	_ = 	snop  }
0x4: {  	_ = 	snop  }
0x5: {  	_ = 	snop  }
0x6: {  	_ = 	snop  }
0x7: {  	_ = 	snop  }
__scs_overlays_trampoline_lowered:
0x8: {  	[smem:$0x3FAE] =	sst s0  }
0x9: {  	[smem:$0x3FAF] =	sst s1  }
0xa: {  	[smem:$0x3FB0] =	sst s2  }
0xb: {  	[smem:$0x3FB1] =	sst s3  }
0xc: {  	[smem:$0x3FB2] =	sst s4  }
0xd: {  	[smem:$0x3FB3] =	sst s5  }
0xe: {  	[smem:$0x3FB4] =	sst s6  }
0xf: {  	[smem:$0x3FB5] =	sst s7  }
0x10: {  	[smem:$0x3FB6] =	sst s8  }
0x11: {  	[smem:$0x3FB7] =	sst s9;
	s0 =	simm.s32 @!p0 $0x0  }
0x12: {  	s1 =	sld [smem:$0x3F9D];
	s0 =	simm.s32 @p0 $0x1  }
0x13: {  	[smem:$0x3FB8] =	sst s0;
	s0 =	simm.s32 @!p1 $0x0  }
0x14: {  	s2 =	sld [smem:$0x3F9C];
	s0 =	simm.s32 @p1 $0x1  }
0x15: {  	[smem:$0x3FB9] =	sst s0;
	s0 =	simm.s32 @!p2 $0x0  }
0x16: {  	s3 =	sld [smem:$0x3FDB];
	s0 =	simm.s32 @p2 $0x1  }
0x17: {  	s4 =	simm.s32 $0x1BF5;
	[smem:$0x3FBB] =	sst s0  }
0x18: {  	s0 =	sld [smem:$0x3F9E];
	_ =	swait.ge [sflag:s4], $0x0  }
0x19: {  	s7 =	sld [smem:$0x3F9F]  }
0x1a: {  	s8 =	sadd.s32 $0xFFFFE003, lr  }
0x1b: {  	s9 =	sadd.s32 $0xFFFFFEF7, lr;
	s5 =	simm.s32 $0xFFFFFFFF;
	p2 =	slt.u32 s8, $0xFFFFF086  }
0x1c: {  	p1 =	slt.u32 s9, $0xF7A;
	s5 =	simm.s32 @!p2 $0x0  }
0x1d: {  	s5 =	simm.s32 @p1 $0x1;
	p0 =	seq.s32 s7, s2  }
0x1e: {  	s7 =	smul.u32 @!p0 $0xF7A, s2;
	p2 =	seq.s32 @!p0 s5, $0x0  }
0x1f: {  	s9 =	smul.u32 $0xF7A, s1;
	s8 =	simm.s32 @!p0 $0x1BF5;
	p2 =	por !p2, p0  }
0x20: {  	[sflag:s8] =	ssyncset.s32 @!p0 $0xFFFFF086;
	s6 =	sadd.s32 @!p0 s3, s7;
	s7 =	simm.s32 @!p0 $0x108  }
0x21: {  	s3 =	sadd.s32 s3, s9;
	s6 =	sadd.s32 @!p0 $0x88, s6;
	s7 =	simm.s32 @p2 $0x1082  }
0x22: {  	[simem:s7], [sflag:s8] =	dma.local @!p0 [hbm:s6], $0xF7A  }
0x23: {  	s9 =	sor.u32 $0xD0000000, s2;
	s6 =	simm.s32 $0x108;
	_ =	swait.ge @!p0 [sflag:s8], $0x0  }
0x24: {  	s3 =	sadd.s32 $0x88, s3;
	s6 =	simm.s32 @!p1 $0x1082;
	[sflag:s4] =	ssyncset.s32 $0xFFFFF086  }
0x25: {  	[simem:s6], [sflag:s4] =	dma.local [hbm:s3], $0xF7A  }
0x26: {  	[smem:$0x3F9F] =	sst s1;
	(tag) =	ssettag s2;
	_ =	strace s9  }
0x27: {  	s1 =	sld [smem:$0x3FAF]  }
0x28: {  	s2 =	sld [smem:$0x3FB0]  }
0x29: {  	s4 =	sld [smem:$0x3FB2]  }
0x2a: {  	p0 =	seq.s32 s5, $0x0;
	s5 =	sld [smem:$0x3FB3]  }
0x2b: {  	s6 =	sld [smem:$0x3FB4]  }
0x2c: {  	s7 =	sld [smem:$0x3FB5]  }
0x2d: {  	s3 =	simm.s32 $0x108;
	s8 =	sld [smem:$0x3FB6]  }
0x2e: {  	s3 =	simm.s32 @!p0 $0x1082;
	s9 =	sld [smem:$0x3FB7]  }
0x2f: {  	lr =	sadd.s32 s0, s3;
	s0 =	sld [smem:$0x3FAE]  }
0x30: {  	s3 =	sld [smem:$0x3FB1]  }
0x31: {  	[smem:$0x3FBA] =	sst s10  }
0x32: {  	s10 =	sld [smem:$0x3FB8];
	_ =	sdelay $0x3  }
0x33: {  	p0 =	seq.s32 s10, $0x1;
	s10 =	sld [smem:$0x3FBA];
	_ =	sdelay $0x3  }
0x34: {  	[smem:$0x3FBA] =	sst s10  }
0x35: {  	s10 =	sld [smem:$0x3FB9];
	_ =	sdelay $0x3  }
0x36: {  	p1 =	seq.s32 s10, $0x1;
	s10 =	sld [smem:$0x3FBA];
	_ =	sdelay $0x3  }
0x37: {  	[smem:$0x3FBA] =	sst s10  }
0x38: {  	s10 =	sld [smem:$0x3FBB]  }
0x39: {  	_ = 	snop;
	(pc) =	sbr.ind lr, $3  }
0x3a: {  	_ = 	snop  }
0x3b: {  	_ = 	snop  }
0x3c: {  	p2 =	seq.s32 s10, $0x1;
	s10 =	sld [smem:$0x3FBA]  }
0x3d: {  	_ =	shalt  }
0x3e: {  	_ =	shalt  }
0x3f: {  	_ =	shalt  }
0x40: {  	_ =	shalt  }
0x41: {  	_ =	shalt  }
0x42: {  	_ =	shalt  }
0x43: {  	_ =	shalt  }
0x44: {  	_ =	shalt  }
0x45: {  	_ =	shalt  }
0x46: {  	_ =	shalt  }
0x47: {  	_ =	shalt  }
0x48: {  	_ =	shalt  }
0x49: {  	_ =	shalt  }
0x4a: {  	_ =	shalt  }
0x4b: {  	_ =	shalt  }
0x4c: {  	_ =	shalt  }
0x4d: {  	_ =	shalt  }
0x4e: {  	_ =	shalt  }
0x4f: {  	_ =	shalt  }
0x50: {  	_ =	shalt  }
0x51: {  	_ =	shalt  }
0x52: {  	_ =	shalt  }
0x53: {  	_ =	shalt  }
0x54: {  	_ =	shalt  }
0x55: {  	_ =	shalt  }
0x56: {  	_ =	shalt  }
0x57: {  	_ =	shalt  }
0x58: {  	_ =	shalt  }
0x59: {  	_ =	shalt  }
0x5a: {  	_ =	shalt  }
0x5b: {  	_ =	shalt  }
0x5c: {  	_ =	shalt  }
0x5d: {  	_ =	shalt  }
0x5e: {  	_ =	shalt  }
0x5f: {  	_ =	shalt  }
0x60: {  	_ =	shalt  }
0x61: {  	_ =	shalt  }
0x62: {  	_ =	shalt  }
0x63: {  	_ =	shalt  }
0x64: {  	_ =	shalt  }
0x65: {  	_ =	shalt  }
0x66: {  	_ =	shalt  }
0x67: {  	_ =	shalt  }
0x68: {  	_ =	shalt  }
0x69: {  	_ =	shalt  }
0x6a: {  	_ =	shalt  }
0x6b: {  	_ =	shalt  }
0x6c: {  	_ =	shalt  }
0x6d: {  	_ =	shalt  }
0x6e: {  	_ =	shalt  }
0x6f: {  	_ =	shalt  }
0x70: {  	_ =	shalt  }
0x71: {  	_ =	shalt  }
0x72: {  	_ =	shalt  }
0x73: {  	_ =	shalt  }
0x74: {  	_ =	shalt  }
0x75: {  	_ =	shalt  }
0x76: {  	_ =	shalt  }
0x77: {  	_ =	shalt  }
0x78: {  	_ =	shalt  }
0x79: {  	_ =	shalt  }
0x7a: {  	_ =	shalt  }
0x7b: {  	_ =	shalt  }
0x7c: {  	_ =	shalt  }
0x7d: {  	_ =	shalt  }
0x7e: {  	_ =	shalt  }
0x7f: {  	_ =	shalt  }
0x80: {  	_ =	shalt  }
0x81: {  	_ =	shalt  }
0x82: {  	_ =	shalt  }
0x83: {  	_ =	shalt  }
0x84: {  	_ =	shalt  }
0x85: {  	_ =	shalt  }
0x86: {  	_ =	shalt  }
0x87: {  	_ =	shalt  }
.Lfunc_end0:
.L_simem_size_0:
called_computation_lowered:
.L_overlay_start_0:
0x88: {  	s2 =	sld [smem:$0x3FD9]  }
0x89: {  	s3 =	sld [smem:$0x3FFE];
	_ =	sdelay $0x1  }
0x8a: {  	s1 =	srdreg.scid  }
0x8b: {  	s0 =	sand.u32 $0x1, s1  }
0x8c: {  	s14 =	sshll.u32 s0, $0xA;
	s2 =	sadd.s32 s3, s2  }
0x8d: {  	s2 =	sadd.s32 s2, s14  }
0x8e: {  	[smem:$0x3FC6] =	sst s2  }
0x8f: {  	_ = 	snop  }
0x90: {  	s2 =	sld [smem:$0x3FD0];
	_ =	sdelay $0x2  }
0x91: {  	s15 =	simm.s32 $0xA;
	s4 =	simm.s32 $0x10  }
0x92: {  	[smem:s4], [sflag:s15] =	dma.local [hbm:s2], $0x1  }
0x93: {  	_ =	swait.eq [sflag:s15], $0x1  }
0x94: {  	s16 =	sld [smem:$0x10];
	[sflag:s15] =	ssyncset.done $0x0  }
0x95: {  	s17 =	sld [smem:$0x11];
	[sflag:s15] =	ssyncadd.s32 $0xFFFFFFFF  }
0x96: {  	s18 =	sld [smem:$0x12];
	(tm) =	ssettm $0x1  }
0x97: {  	s5 =	sld [smem:$0x3FFB];
	_ =	sdelay $0x3  }
0x98: {  	_ =	strace s5  }
0x99: {  	s5 =	sld [smem:$0x3FFC];
	_ =	sdelay $0x3  }
0x9a: {  	_ =	strace s5  }
0x9b: {  	s5 =	sld [smem:$0x3FFD];
	_ =	sdelay $0x3  }
0x9c: {  	_ =	strace s5  }
0x9d: {  	_ =	strace $0x8FFFFFFF  }
0x9e: {  	s19 =	sld [smem:$0x3FDB];
	_ =	sdelay $0x1  }
0x9f: {  	s6 =	simm.s32 $_scs_section_size  }
0xa0: {  	s7 =	simm.s32 $_size__tile_overlayer_lowered;
	s8 =	simm.s32 $_tile_overlayer_lowered  }
0xa1: {  	s22 =	simm.s32 $0x1BFF;
	s21 =	sshll.u32 s8, $0x1;
	s5 =	sadd.s32 s6, s19  }
0xa2: {  	s9 =	simm.s32 $0x0;
	s20 =	sshll.u32 s7, $0x1;
	s7 =	sadd.s32 s21, s5  }
0xa3: {  	[timem:s9], [sflag:s22] =	dma.local [hbm:s7], s20  }
0xa4: {  	_ =	swait.ge [sflag:s22], s20  }
0xa5: {  	s6 =	ssub.s32 $0x0, s20;
	[sflag:s22] =	ssyncset.done $0x0  }
0xa6: {  	[sflag:s22] =	ssyncadd.s32 s6;
	_ =	sdelay $0x1  }
0xa7: {  	s23 =	simm.s32 $0x1B8B  }
0xa8: {  	_ =	swait.ge [sflag:s23], $0x1  }
0xa9: {  	[sflag:s23] =	ssyncset.done $0x0  }
0xaa: {  	s25 =	simm.s32 $0x1B8E;
	s24 =	sld [smem:$0x3FFE];
	[sflag:s23] =	ssyncadd.s32 $0xFFFFFFFF  }
0xab: {  	s26 =	simm.s32 $execute0_lowered;
	[smem:$0x3FD2] =	sst s25  }
0xac: {  	s7 =	sshll.u32 s26, $0x1;
	_ =	strace $0x80000046;
	[dreg:$0x1] =	wrdreg $0xFFFFFFFF  }
0xad: {  	s28 =	simm.s32 $_size_execute0_lowered;
	s5 =	sadd.s32 s5, s7;
	[dreg:$0x0] =	wrdreg $0x0  }
0xae: {  	s7 =	sshll.u32 s28, $0x1;
	[dreg:$0x2] =	wrdreg s5  }
0xaf: {  	[dreg:$0x3] =	wrdreg s7  }
0xb0: {  	[dreg:$0x4] =	wrdreg $0xC0  }
0xb1: {  	_ =	task [dreg:s9], $0x5FFFF  }
0xb2: {  	[dreg:$0x1] =	wrdreg $0xFFFFFFFF  }
0xb3: {  	[dreg:$0x0] =	wrdreg $0x60  }
0xb4: {  	[dreg:$0x2] =	wrdreg s24  }
0xb5: {  	[dreg:$0x3] =	wrdreg s16  }
0xb6: {  	[dreg:$0x4] =	wrdreg s17  }
0xb7: {  	[dreg:$0x5] =	wrdreg s18  }
0xb8: {  	[dreg:$0x6] =	wrdreg $0x9  }
0xb9: {  	_ =	task.clear_ibuf [dreg:s9], $0x7FFFF;
	_ =	strace $0x90000046  }
0xba: {  	s29 =	simm.s32 $0x9;
	_ =	strace $0x80000048  }
0xbb: {  	_ =	swait.ge [sflag:s29], $0x1  }
0xbc: {  	[sflag:s29] =	ssyncadd.s32 $0xFFFFFFFF  }
0xbd: {  	_ =	strace $0x90000048  }
0xbe: {  	_ =	sfence  }
0xbf: {  	s30 =	sld [smem:$0x0];
	_ =	sdelay $0x2  }
0xc0: {  	s31 =	sshll.u32 s1, $0xD;
	s1 =	sshrl.u32 s1, $0x2  }
0xc1: {  	s3 =	sand.u32 $0x4000, s31;
	s1 =	sadd.s32 s1, s30  }
0xc2: {  	s0 =	sor.u32 s3, s0;
	s1 =	sshll.u32 s1, $0x11  }
0xc3: {  	s0 =	sor.u32 s1, s0  }
0xc4: {  	s0 =	sadd.s32 $0x8F2B, s0  }
0xc5: {  	[sflag:s0] =	ssyncadd.remote.s32 $0x1  }
0xc6: {  	_ =	sfence.sel $0xFFFF  }
0xc7: {  	[dreg:$0x0] =	wrdreg $0xFFFFFFFF;
	(pc) =	sbr.abs _section_cstart, $3  }
0xc8: {  	[dreg:$0x1] =	wrdreg $0xFFFFFFFF  }
0xc9: {  	_ =	task.clear_ibuf [dreg:s9], $0x2FFFF;
	_ =	strace $0x9FFFFFFF  }
0xca: {  	(tm) =	ssettm $0x7FFFFFFF  }
0xcb: {  	_ =	shalt  }
tec
execute0_lowered:
.L_overlay_start_1:
0x0: {  	(tag) =	ssettag $0x1  }
0x1: {  	s0 =	rddreg [dreg:$0x0]  }
0x2: {  	s1 =	rddreg [dreg:$0x1]  }
0x3: {  	s2 =	rddreg [dreg:$0x2]  }
0x4: {  	s3 =	rddreg [dreg:$0x3];
	s4 =	simm.s32 $0x0;
	s5 =	srdreg.scid  }
0x5: {  	s11 =	stileid.u32;
	s13 =	simm.s32 $0x3;
	s15 =	simm.s32 $0x4000  }
0x6: {  	s16 =	simm.s32 $0xDF40;
	s17 =	simm.s32 $0x2;
	s5 =	sand.u32 $0x1, s5  }
.Ltmp0:
0x7: {  	[smem:$0x7FF] =	sst s4;
	s6 =	ssub.s32 $0x2, s5;
	(pc) =	sbr.rel .LBB2_1-.Ltmp0, $4  }
0x8: {  	s7 =	sadd.s32 $0x3E600, s0;
	s8 =	sadd.s32 $0x1FC00, s0;
	s10 =	sshrl.u32 s6, $0x1  }
0x9: {  	s9 =	sadd.s32 $0x1200, s0;
	s0 =	sadd.s32 $0xA00, s0;
	s6 =	ssub.s32 s6, s10  }
0xa: {  	_ =	strace $0x80000047;
	[dreg:$0x5] =	wrdreg s0;
	s31 =	smax.u32 s6, $0x1  }
0xb: {  	s18 =	simm.s32 $0x0;
	s11 =	sshll.u32 s11, $0x1;
	[dreg:$0x6] =	wrdreg s31  }
.LBB2_16:
0xc: {  	s0 =	simm.s32 $0x1  }
0xd: {  	_ =	swait.ge [sflag:s0], $0x8000  }
0xe: {  	[sflag:s0] =	ssyncset.done $0x0  }
0xf: {  	[sflag:s0] =	ssyncadd.s32 $0xFFFF8000  }
0x10: {  	_ =	swait.ge [sflag:s17], $0x8000  }
0x11: {  	s18 =	sadd.s32 $0x1, s18;
	s31 =	rddreg [dreg:$0x6]  }
0x12: {  	p0 =	sne.s32 s18, s31  }
.Ltmp1:
0x13: {  	_ = 	snop;
	(pc) =	sbr.rel @!p0 .LBB2_17-.Ltmp1, $3  }
0x14: {  	_ =	sdelay $0x1  }
0x15: {  	[sflag:s17] =	ssyncset.done $0x0  }
0x16: {  	[sflag:s17] =	ssyncadd.s32 $0xFFFF8000  }
.LBB2_1:
.Ltmp2:
0x17: {  	s0 =	rddreg [dreg:$0x5];
	(pc) =	sbr.rel .LBB2_2-.Ltmp2, $4  }
0x18: {  	[tilespmem:s4], [sflag:$0x3] =	stream.linear.gather [hbm4b:s0+s4], $0x4000, $0x38;
	[tilespmem:$0x15F40] =	vst v63  }
0x19: {  	_ =	swait.ge [sflag:s13], $0x4000  }
0x1a: {  	[sflag:s13] =	ssyncset.done $0x0  }
0x1b: {  	p0 =	por $0x0, $0x0;
	s19 =	simm.s32 $0x0;
	[sflag:s13] =	ssyncadd.s32 $0xFFFFC000  }
.LBB2_13:
0x1c: {  	s0 =	smov.u32 s3  }
.LBB2_14:
0x1d: {  	s6 =	sshll.u32 s22, $0xC  }
0x1e: {  	s10 =	sshll.u32 s20, $0xE;
	s0 =	sadd.s32 s0, s6  }
0x1f: {  	s0 =	sadd.s32 s10, s0  }
0x20: {  	[hbm4b:s0+s4] =	stream.linear.scatter [tilespmem:s16], [sflag:$0x2], $0x8000, $0x38;
	[tilespmem:$0x15F40] =	vst v63  }
.LBB2_15:
0x21: {  	s19 =	sadd.s32 $0x1, s19  }
0x22: {  	p1 =	sne.s32 s19, $0x18  }
.Ltmp3:
0x23: {  	_ = 	snop;
	(pc) =	sbr.rel @!p1 .LBB2_16-.Ltmp3, $2  }
0x24: {  	_ =	sdelay $0x2  }
0x25: {  	p0 =	por !p0, !p0  }
.LBB2_2:
0x26: {  	s0 =	sshll.u32 s19, $0x4  }
0x27: {  	s0 =	sand.u32 $0x60, s0  }
0x28: {  	s0 =	sor.u32 s0, s11  }
0x29: {  	s20 =	sor.u32 s5, s0  }
0x2a: {  	p1 =	sgt.u32 s20, $0x7C  }
.Ltmp4:
0x2b: {  	_ = 	snop;
	(pc) =	sbr.rel @p1 .LBB2_15-.Ltmp4, $1  }
0x2c: {  	_ =	sdelay $0x3  }
0x2d: {  	s0 =	sshll.u32 s19, $0x1;
	p1 =	seq.s32 s19, $0x0  }
0x2e: {  	s21 =	sshrl.u32 s19, $0x3;
	s22 =	sand.u32 $0x2, s0;
	s0 =	simm.s32 @!p1 $0x1  }
0x2f: {  	p4 =	seq.s32 s21, $0x1;
	s6 =	sor.u32 s21, s22;
	p3 =	seq.s32 s22, $0x0  }
0x30: {  	_ =	swait.ge @!p1 [sflag:s0], $0x8000;
	p2 =	sne.s32 s6, $0x0;
	p3 =	por !p4, !p3  }
0x31: {  	[sflag:s0] =	ssyncset.done @!p1 $0x0;
	s6 =	smul.u32 @!p2 $0x3E8, s20;
	p3 =	por !p3, !p3  }
0x32: {  	[sflag:s0] =	ssyncadd.s32 @!p1 $0xFFFF8000;
	s10 =	simm.s32 @!p2 $0x4000;
	p4 =	sne.s32 @!p3 s21, $0x2  }
0x33: {  	s0 =	sadd.s32 @!p2 s7, s6;
	s6 =	simm.s32 @!p2 $0x0;
	p5 =	por p4, p3  }
0x34: {  	[tilespmem:s10], [sflag:$0x3] =	stream.linear.gather @!p2 [hbm4b:s0+s6], $0x1F40, $0x38;
	[tilespmem:$0x15F40] =	vst v63  }
0x35: {  	p5 =	sne.s32 @!p5 s22, $0x0  }
0x36: {  	p5 =	por @!p3 p4, p5  }
0x37: {  	p5 =	por p3, !p5  }
.Ltmp5:
0x38: {  	_ = 	snop;
	(pc) =	sbr.rel @!p5 .LBB2_4-.Ltmp5, $4  }
0x39: {  	s0 =	simm.s32 @!p2 $0x3  }
0x3a: {  	_ =	swait.ge @!p2 [sflag:s0], $0x1F40  }
0x3b: {  	[sflag:s0] =	ssyncset.done @!p2 $0x0  }
0x3c: {  	[sflag:s0] =	ssyncadd.s32 @!p2 $0xFFFFE0C0  }
0x3d: {  	s0 =	smov.u32 s9;
	s6 =	smul.u32 $0x3E8, s20  }
0x3e: {  	s0 =	smov.u32 @p3 s8  }
.Ltmp6:
0x3f: {  	s0 =	sadd.s32 s0, s6;
	(pc) =	sbr.rel .LBB2_6-.Ltmp6, $4  }
0x40: {  	[tilespmem:s15], [sflag:$0x3] =	stream.linear.gather [hbm4b:s0+s4], $0x1F40, $0x38;
	[tilespmem:$0x15F40] =	vst v63  }
0x41: {  	_ =	swait.ge [sflag:s13], $0x1F40  }
0x42: {  	[sflag:s13] =	ssyncset.done $0x0  }
0x43: {  	p2 =	por !p3, !p3;
	[sflag:s13] =	ssyncadd.s32 $0xFFFFE0C0  }
.LBB2_4:
0x44: {  	p2 =	seq.s32 @!p3 s21, $0x2;
	p3 =	por !p4, p3  }
0x45: {  	p2 =	por @!p3 p2, p2  }
.LBB2_6:
0x46: {  	s0 =	simm.s32 $0x1  }
0x47: {  	s0 =	simm.s32 @!p0 $0x0  }
0x48: {  	s25 =	sshll.u32 s0, $0xD  }
0x49: {  	s10 =	sor.u32 $0x80, s25  }
0x4a: {  	v0 =	vld [tilespmem:s10+$0x0];
	_ =	sdelay $0x4  }
0x4b: {  	v1 =	vadd.s32 $0x3E8, v0  }
0x4c: {  	v2 =	vadd.s32 $0x7D0, v0  }
0x4d: {  	v3 =	vadd.s32 $0xBB8, v0  }
0x4e: {  	v4 =	vadd.s32 $0xFA0, v0  }
0x4f: {  	v6 =	vadd.s32 $0x1388, v0;
	v5 =	vld.idx.msk [tilespmem:v0+s15+$0x0], $0xffff  }
0x50: {  	v7 =	vadd.s32 $0x1770, v0;
	v1 =	vld.idx.msk [tilespmem:v1+s15+$0x0], $0xffff  }
0x51: {  	v0 =	vadd.s32 $0x1B58, v0;
	v2 =	vld.idx.msk [tilespmem:v2+s15+$0x0], $0xffff  }
0x52: {  	v3 =	vld.idx.msk [tilespmem:v3+s15+$0x0], $0xffff  }
0x53: {  	v4 =	vld.idx.msk [tilespmem:v4+s15+$0x0], $0xffff  }
0x54: {  	v6 =	vld.idx.msk [tilespmem:v6+s15+$0x0], $0xffff  }
0x55: {  	s23 =	simm.s32 $0x6340;
	v7 =	vld.idx.msk [tilespmem:v7+s15+$0x0], $0xffff  }
0x56: {  	v0 =	vld.idx.msk [tilespmem:v0+s15+$0x0], $0xffff;
	[tilespmem:s23+$0x0] =	vst v5  }
0x57: {  	[tilespmem:s23+$0x80] =	vst v1  }
0x58: {  	[tilespmem:s23+$0x100] =	vst v2  }
0x59: {  	[tilespmem:s23+$0x180] =	vst v3  }
0x5a: {  	[tilespmem:s23+$0x200] =	vst v4  }
0x5b: {  	[tilespmem:s23+$0x280] =	vst v6  }
0x5c: {  	[tilespmem:s23+$0x300] =	vst v7  }
0x5d: {  	[tilespmem:s23+$0x380] =	vst v0  }
0x5e: {  	v0 =	vld [tilespmem:s10+$0x10];
	_ =	sdelay $0x4  }
0x5f: {  	v1 =	vadd.s32 $0x3E8, v0  }
0x60: {  	v2 =	vadd.s32 $0x7D0, v0  }
0x61: {  	v3 =	vadd.s32 $0xBB8, v0  }
0x62: {  	v4 =	vld [tilespmem:s10+$0xFFFFFF80];
	v5 =	vadd.s32 $0xFA0, v0  }
0x63: {  	v7 =	vadd.s32 $0x1388, v0;
	v6 =	vld.idx.msk [tilespmem:v0+s15+$0x0], $0xffff  }
0x64: {  	v8 =	vadd.s32 $0x1770, v0;
	v1 =	vld.idx.msk [tilespmem:v1+s15+$0x0], $0xffff  }
0x65: {  	v0 =	vadd.s32 $0x1B58, v0;
	v2 =	vld.idx.msk [tilespmem:v2+s15+$0x0], $0xffff  }
0x66: {  	v3 =	vld.idx.msk [tilespmem:v3+s15+$0x0], $0xffff  }
0x67: {  	v5 =	vld.idx.msk [tilespmem:v5+s15+$0x0], $0xffff  }
0x68: {  	v7 =	vld.idx.msk [tilespmem:v7+s15+$0x0], $0xffff  }
0x69: {  	v8 =	vld.idx.msk [tilespmem:v8+s15+$0x0], $0xffff  }
0x6a: {  	v0 =	vld.idx.msk [tilespmem:v0+s15+$0x0], $0xffff;
	[tilespmem:s23+$0x10] =	vst v6  }
0x6b: {  	[tilespmem:s23+$0x90] =	vst v1  }
0x6c: {  	[tilespmem:s23+$0x110] =	vst v2  }
0x6d: {  	[tilespmem:s23+$0x190] =	vst v3  }
0x6e: {  	[tilespmem:s23+$0x210] =	vst v5  }
0x6f: {  	v1 =	vadd.s32 $0x3E8, v4;
	[tilespmem:s23+$0x290] =	vst v7  }
0x70: {  	v2 =	vadd.s32 $0x7D0, v4;
	[tilespmem:s23+$0x310] =	vst v8  }
0x71: {  	v3 =	vadd.s32 $0xBB8, v4;
	[tilespmem:s23+$0x390] =	vst v0  }
0x72: {  	v5 =	vadd.s32 $0xFA0, v4;
	v6 =	vld [tilespmem:s10+$0x20]  }
0x73: {  	v7 =	vadd.s32 $0x1770, v4;
	v8 =	vadd.s32 $0x1B58, v4;
	v0 =	vadd.s32 $0x1388, v4;
	v4 =	vld.idx.msk [tilespmem:v4+s15+$0x0], $0xffff  }
0x74: {  	v1 =	vld.idx.msk [tilespmem:v1+s15+$0x0], $0xffff  }
0x75: {  	v2 =	vld.idx.msk [tilespmem:v2+s15+$0x0], $0xffff  }
0x76: {  	v3 =	vld.idx.msk [tilespmem:v3+s15+$0x0], $0xffff  }
0x77: {  	v5 =	vld.idx.msk [tilespmem:v5+s15+$0x0], $0xffff;
	v9 =	vadd.s32 $0x3E8, v6  }
0x78: {  	v7 =	vld.idx.msk [tilespmem:v7+s15+$0x0], $0xffff;
	v10 =	vadd.s32 $0x7D0, v6  }
0x79: {  	v8 =	vld.idx.msk [tilespmem:v8+s15+$0x0], $0xffff;
	v11 =	vadd.s32 $0xBB8, v6  }
0x7a: {  	v0 =	vld.idx.msk [tilespmem:v0+s15+$0x0], $0xffff;
	v12 =	vadd.s32 $0xFA0, v6  }
0x7b: {  	v13 =	vadd.s32 $0x1388, v6;
	[tilespmem:s23+$0xFFFFFC80] =	vst v1;
	v1 =	vld.idx.msk [tilespmem:v6+s15+$0x0], $0xffff  }
0x7c: {  	[tilespmem:s23+$0xFFFFFD00] =	vst v2;
	v2 =	vld.idx.msk [tilespmem:v9+s15+$0x0], $0xffff;
	v9 =	vadd.s32 $0x1770, v6  }
0x7d: {  	[tilespmem:s23+$0xFFFFFD80] =	vst v3;
	v3 =	vld.idx.msk [tilespmem:v10+s15+$0x0], $0xffff;
	v6 =	vadd.s32 $0x1B58, v6  }
0x7e: {  	[tilespmem:s23+$0xFFFFFE00] =	vst v5;
	v5 =	vld.idx.msk [tilespmem:v11+s15+$0x0], $0xffff  }
0x7f: {  	[tilespmem:s23+$0xFFFFFE80] =	vst v0;
	v0 =	vld.idx.msk [tilespmem:v12+s15+$0x0], $0xffff  }
0x80: {  	[tilespmem:s23+$0xFFFFFF00] =	vst v7;
	v7 =	vld.idx.msk [tilespmem:v13+s15+$0x0], $0xffff  }
0x81: {  	[tilespmem:s23+$0xFFFFFF80] =	vst v8;
	v8 =	vld.idx.msk [tilespmem:v9+s15+$0x0], $0xffff  }
0x82: {  	[tilespmem:s23+$0xFFFFFC00] =	vst v4;
	v4 =	vld.idx.msk [tilespmem:v6+s15+$0x0], $0xffff  }
0x83: {  	v6 =	vld [tilespmem:s10+$0xFFFFFF90];
	[tilespmem:s23+$0x20] =	vst v1  }
0x84: {  	[tilespmem:s23+$0xA0] =	vst v2  }
0x85: {  	[tilespmem:s23+$0x120] =	vst v3  }
0x86: {  	[tilespmem:s23+$0x1A0] =	vst v5  }
0x87: {  	[tilespmem:s23+$0x220] =	vst v0  }
0x88: {  	[tilespmem:s23+$0x2A0] =	vst v7;
	v0 =	vadd.s32 $0x3E8, v6  }
0x89: {  	v1 =	vadd.s32 $0x7D0, v6;
	[tilespmem:s23+$0x320] =	vst v8  }
0x8a: {  	v2 =	vadd.s32 $0xBB8, v6;
	[tilespmem:s23+$0x3A0] =	vst v4  }
0x8b: {  	v3 =	vadd.s32 $0xFA0, v6;
	v4 =	vld [tilespmem:s10+$0x30]  }
0x8c: {  	v5 =	vadd.s32 $0x1388, v6;
	v7 =	vld.idx.msk [tilespmem:v6+s15+$0x0], $0xffff  }
0x8d: {  	v8 =	vadd.s32 $0x1770, v6;
	v0 =	vld.idx.msk [tilespmem:v0+s15+$0x0], $0xffff  }
0x8e: {  	v6 =	vadd.s32 $0x1B58, v6;
	v1 =	vld.idx.msk [tilespmem:v1+s15+$0x0], $0xffff  }
0x8f: {  	v2 =	vld.idx.msk [tilespmem:v2+s15+$0x0], $0xffff  }
0x90: {  	v3 =	vld.idx.msk [tilespmem:v3+s15+$0x0], $0xffff  }
0x91: {  	v5 =	vld.idx.msk [tilespmem:v5+s15+$0x0], $0xffff;
	v9 =	vadd.s32 $0x3E8, v4  }
0x92: {  	v8 =	vld.idx.msk [tilespmem:v8+s15+$0x0], $0xffff;
	v10 =	vadd.s32 $0x7D0, v4  }
0x93: {  	v11 =	vadd.s32 $0xBB8, v4;
	v6 =	vld.idx.msk [tilespmem:v6+s15+$0x0], $0xffff;
	[tilespmem:s23+$0xFFFFFC10] =	vst v7  }
0x94: {  	v12 =	vadd.s32 $0xFA0, v4;
	[tilespmem:s23+$0xFFFFFC90] =	vst v0  }
0x95: {  	v13 =	vadd.s32 $0x1388, v4;
	v0 =	vld.idx.msk [tilespmem:v4+s15+$0x0], $0xffff;
	[tilespmem:s23+$0xFFFFFD10] =	vst v1  }
0x96: {  	[tilespmem:s23+$0xFFFFFD90] =	vst v2;
	v1 =	vld.idx.msk [tilespmem:v9+s15+$0x0], $0xffff  }
0x97: {  	[tilespmem:s23+$0xFFFFFE10] =	vst v3;
	v9 =	vadd.s32 $0x1770, v4;
	v2 =	vld.idx.msk [tilespmem:v10+s15+$0x0], $0xffff  }
0x98: {  	[tilespmem:s23+$0xFFFFFE90] =	vst v5;
	v4 =	vadd.s32 $0x1B58, v4;
	v3 =	vld.idx.msk [tilespmem:v11+s15+$0x0], $0xffff  }
0x99: {  	[tilespmem:s23+$0xFFFFFF10] =	vst v8;
	v5 =	vld.idx.msk [tilespmem:v12+s15+$0x0], $0xffff  }
0x9a: {  	v8 =	vld.idx.msk [tilespmem:v13+s15+$0x0], $0xffff;
	[tilespmem:s23+$0xFFFFFF90] =	vst v6  }
0x9b: {  	v7 =	vld [tilespmem:s10+$0xFFFFFFA0]  }
0x9c: {  	v6 =	vld.idx.msk [tilespmem:v9+s15+$0x0], $0xffff  }
0x9d: {  	v4 =	vld.idx.msk [tilespmem:v4+s15+$0x0], $0xffff;
	[tilespmem:s23+$0x30] =	vst v0  }
0x9e: {  	[tilespmem:s23+$0xB0] =	vst v1  }
0x9f: {  	[tilespmem:s23+$0x130] =	vst v2  }
0xa0: {  	[tilespmem:s23+$0x1B0] =	vst v3  }
0xa1: {  	[tilespmem:s23+$0x230] =	vst v5  }
0xa2: {  	[tilespmem:s23+$0x2B0] =	vst v8;
	v0 =	vadd.s32 $0x3E8, v7  }
0xa3: {  	v1 =	vadd.s32 $0x7D0, v7;
	[tilespmem:s23+$0x330] =	vst v6  }
0xa4: {  	v2 =	vadd.s32 $0xBB8, v7;
	[tilespmem:s23+$0x3B0] =	vst v4  }
0xa5: {  	v3 =	vadd.s32 $0xFA0, v7;
	v4 =	vld [tilespmem:s10+$0x40]  }
0xa6: {  	v5 =	vadd.s32 $0x1388, v7;
	v6 =	vld.idx.msk [tilespmem:v7+s15+$0x0], $0xffff  }
0xa7: {  	v8 =	vadd.s32 $0x1770, v7;
	v0 =	vld.idx.msk [tilespmem:v0+s15+$0x0], $0xffff  }
0xa8: {  	v7 =	vadd.s32 $0x1B58, v7;
	v1 =	vld.idx.msk [tilespmem:v1+s15+$0x0], $0xffff  }
0xa9: {  	v2 =	vld.idx.msk [tilespmem:v2+s15+$0x0], $0xffff  }
0xaa: {  	v3 =	vld.idx.msk [tilespmem:v3+s15+$0x0], $0xffff;
	v9 =	vadd.s32 $0x3E8, v4  }
0xab: {  	v5 =	vld.idx.msk [tilespmem:v5+s15+$0x0], $0xffff;
	v10 =	vadd.s32 $0x7D0, v4  }
0xac: {  	v8 =	vld.idx.msk [tilespmem:v8+s15+$0x0], $0xffff;
	v11 =	vadd.s32 $0xBB8, v4  }
0xad: {  	v7 =	vld.idx.msk [tilespmem:v7+s15+$0x0], $0xffff;
	v12 =	vadd.s32 $0xFA0, v4  }
0xae: {  	v14 =	vadd.s32 $0x1388, v4;
	v13 =	vld.idx.msk [tilespmem:v4+s15+$0x0], $0xffff  }
0xaf: {  	v15 =	vadd.s32 $0x1770, v4;
	v9 =	vld.idx.msk [tilespmem:v9+s15+$0x0], $0xffff  }
0xb0: {  	v4 =	vadd.s32 $0x1B58, v4;
	v10 =	vld.idx.msk [tilespmem:v10+s15+$0x0], $0xffff  }
0xb1: {  	v11 =	vld.idx.msk [tilespmem:v11+s15+$0x0], $0xffff  }
0xb2: {  	v12 =	vld.idx.msk [tilespmem:v12+s15+$0x0], $0xffff  }
0xb3: {  	[tilespmem:s23+$0xFFFFFCA0] =	vst v0;
	v14 =	vld.idx.msk [tilespmem:v14+s15+$0x0], $0xffff  }
0xb4: {  	[tilespmem:s23+$0xFFFFFD20] =	vst v1;
	v0 =	vld.idx.msk [tilespmem:v15+s15+$0x0], $0xffff  }
0xb5: {  	v1 =	vld.idx.msk [tilespmem:v4+s15+$0x0], $0xffff;
	[tilespmem:s23+$0x40] =	vst v13  }
0xb6: {  	[tilespmem:s23+$0xC0] =	vst v9  }
0xb7: {  	[tilespmem:s23+$0x140] =	vst v10  }
0xb8: {  	[tilespmem:s23+$0x1C0] =	vst v11  }
0xb9: {  	[tilespmem:s23+$0x240] =	vst v12  }
0xba: {  	[tilespmem:s23+$0x2C0] =	vst v14  }
0xbb: {  	[tilespmem:s23+$0x340] =	vst v0  }
0xbc: {  	[tilespmem:s23+$0x3C0] =	vst v1  }
0xbd: {  	v0 =	vld [tilespmem:s10+$0x50]  }
0xbe: {  	[tilespmem:s23+$0xFFFFFC20] =	vst v6  }
0xbf: {  	[tilespmem:s23+$0xFFFFFDA0] =	vst v2  }
0xc0: {  	[tilespmem:s23+$0xFFFFFE20] =	vst v3  }
0xc1: {  	[tilespmem:s23+$0xFFFFFEA0] =	vst v5  }
0xc2: {  	s31 =	sadd.s32 $0x100, s10;
	[tilespmem:s23+$0xFFFFFF20] =	vst v8;
	v1 =	vadd.s32 $0x3E8, v0  }
0xc3: {  	v6 =	vld [tilespmem:s31+$0xFFFFFF80];
	[tilespmem:s23+$0xFFFFFFA0] =	vst v7;
	v3 =	vadd.s32 $0x7D0, v0  }
0xc4: {  	v2 =	vld [tilespmem:s10+$0xFFFFFFB0];
	v5 =	vadd.s32 $0xBB8, v0  }
0xc5: {  	v4 =	vld [tilespmem:s31+$0x0];
	v7 =	vadd.s32 $0xFA0, v0  }
0xc6: {  	v9 =	vadd.s32 $0x1388, v0;
	v8 =	vld.idx.msk [tilespmem:v0+s15+$0x0], $0xffff  }
0xc7: {  	v10 =	vadd.s32 $0x1770, v0;
	v1 =	vld.idx.msk [tilespmem:v1+s15+$0x0], $0xffff  }
0xc8: {  	v0 =	vadd.s32 $0x1B58, v0;
	v3 =	vld.idx.msk [tilespmem:v3+s15+$0x0], $0xffff  }
0xc9: {  	v5 =	vld.idx.msk [tilespmem:v5+s15+$0x0], $0xffff  }
0xca: {  	v11 =	vadd.s32 $0x3E8, v4;
	v7 =	vld.idx.msk [tilespmem:v7+s15+$0x0], $0xffff  }
0xcb: {  	v12 =	vadd.s32 $0x7D0, v4;
	v9 =	vld.idx.msk [tilespmem:v9+s15+$0x0], $0xffff  }
0xcc: {  	v13 =	vadd.s32 $0xBB8, v4;
	v10 =	vld.idx.msk [tilespmem:v10+s15+$0x0], $0xffff  }
0xcd: {  	v14 =	vadd.s32 $0xFA0, v4;
	v0 =	vld.idx.msk [tilespmem:v0+s15+$0x0], $0xffff;
	[tilespmem:s23+$0x50] =	vst v8  }
0xce: {  	v16 =	vadd.s32 $0x1388, v4;
	v15 =	vld.idx.msk [tilespmem:v4+s15+$0x0], $0xffff;
	[tilespmem:s23+$0xD0] =	vst v1  }
0xcf: {  	v8 =	vld.idx.msk [tilespmem:v11+s15+$0x0], $0xffff;
	v11 =	vadd.s32 $0x1770, v4;
	[tilespmem:s23+$0x150] =	vst v3  }
0xd0: {  	v4 =	vadd.s32 $0x1B58, v4;
	v1 =	vld.idx.msk [tilespmem:v12+s15+$0x0], $0xffff;
	[tilespmem:s23+$0x1D0] =	vst v5  }
0xd1: {  	v3 =	vld.idx.msk [tilespmem:v13+s15+$0x0], $0xffff;
	[tilespmem:s23+$0x250] =	vst v7  }
0xd2: {  	v12 =	vld.idx.msk [tilespmem:v14+s15+$0x0], $0xffff;
	[tilespmem:s23+$0x2D0] =	vst v9  }
0xd3: {  	v5 =	vadd.s32 $0x3E8, v6;
	v13 =	vld.idx.msk [tilespmem:v16+s15+$0x0], $0xffff;
	[tilespmem:s23+$0x350] =	vst v10  }
0xd4: {  	s24 =	simm.s32 $0x6B40;
	v7 =	vadd.s32 $0x7D0, v6;
	v11 =	vld.idx.msk [tilespmem:v11+s15+$0x0], $0xffff;
	[tilespmem:s23+$0x3D0] =	vst v0  }
0xd5: {  	v9 =	vadd.s32 $0xBB8, v6;
	v10 =	vadd.s32 $0xFA0, v6;
	v4 =	vld.idx.msk [tilespmem:v4+s15+$0x0], $0xffff;
	[tilespmem:s24+$0x0] =	vst v15  }
0xd6: {  	v0 =	vadd.s32 $0x1388, v6;
	v15 =	vadd.s32 $0x1770, v6;
	[tilespmem:s24+$0x80] =	vst v8;
	v8 =	vadd.s32 $0x1B58, v6;
	v6 =	vld.idx.msk [tilespmem:v6+s15+$0x0], $0xffff  }
0xd7: {  	v14 =	vld [tilespmem:s10+$0x60]  }
0xd8: {  	v5 =	vld.idx.msk [tilespmem:v5+s15+$0x0], $0xffff  }
0xd9: {  	v7 =	vld.idx.msk [tilespmem:v7+s15+$0x0], $0xffff;
	[tilespmem:s24+$0x100] =	vst v1  }
0xda: {  	v1 =	vld.idx.msk [tilespmem:v9+s15+$0x0], $0xffff;
	[tilespmem:s24+$0x180] =	vst v3  }
0xdb: {  	v3 =	vld.idx.msk [tilespmem:v10+s15+$0x0], $0xffff;
	[tilespmem:s24+$0x200] =	vst v12  }
0xdc: {  	[tilespmem:s24+$0x280] =	vst v13;
	v0 =	vld.idx.msk [tilespmem:v0+s15+$0x0], $0xffff;
	v9 =	vadd.s32 $0x3E8, v14  }
0xdd: {  	v10 =	vld.idx.msk [tilespmem:v15+s15+$0x0], $0xffff;
	[tilespmem:s24+$0x300] =	vst v11;
	v11 =	vadd.s32 $0x7D0, v14  }
0xde: {  	v8 =	vld.idx.msk [tilespmem:v8+s15+$0x0], $0xffff;
	[tilespmem:s24+$0x380] =	vst v4;
	v4 =	vadd.s32 $0xBB8, v14  }
0xdf: {  	v12 =	vld [tilespmem:s31+$0x10];
	v13 =	vadd.s32 $0xFA0, v14  }
0xe0: {  	v16 =	vadd.s32 $0x1388, v14;
	v15 =	vld.idx.msk [tilespmem:v14+s15+$0x0], $0xffff  }
0xe1: {  	v17 =	vadd.s32 $0x1770, v14;
	v9 =	vld.idx.msk [tilespmem:v9+s15+$0x0], $0xffff  }
0xe2: {  	[tilespmem:s24+$0xFFFFFC00] =	vst v6;
	v14 =	vadd.s32 $0x1B58, v14;
	v11 =	vld.idx.msk [tilespmem:v11+s15+$0x0], $0xffff  }
0xe3: {  	[tilespmem:s24+$0xFFFFFC80] =	vst v5;
	v4 =	vld.idx.msk [tilespmem:v4+s15+$0x0], $0xffff  }
0xe4: {  	[tilespmem:s24+$0xFFFFFD00] =	vst v7;
	v13 =	vld.idx.msk [tilespmem:v13+s15+$0x0], $0xffff;
	v18 =	vadd.s32 $0x3E8, v12  }
0xe5: {  	[tilespmem:s24+$0xFFFFFD80] =	vst v1;
	v16 =	vld.idx.msk [tilespmem:v16+s15+$0x0], $0xffff;
	v19 =	vadd.s32 $0x7D0, v12  }
0xe6: {  	[tilespmem:s24+$0xFFFFFE00] =	vst v3;
	v17 =	vld.idx.msk [tilespmem:v17+s15+$0x0], $0xffff;
	v20 =	vadd.s32 $0xBB8, v12  }
0xe7: {  	[tilespmem:s24+$0xFFFFFE80] =	vst v0;
	v21 =	vadd.s32 $0x1388, v12;
	v14 =	vld.idx.msk [tilespmem:v14+s15+$0x0], $0xffff  }
0xe8: {  	[tilespmem:s23+$0x60] =	vst v15;
	v15 =	vadd.s32 $0xFA0, v12;
	v5 =	vld.idx.msk [tilespmem:v12+s15+$0x0], $0xffff  }
0xe9: {  	[tilespmem:s24+$0xFFFFFF00] =	vst v10;
	v7 =	vld.idx.msk [tilespmem:v18+s15+$0x0], $0xffff;
	v18 =	vadd.s32 $0x1770, v12  }
0xea: {  	[tilespmem:s24+$0xFFFFFF80] =	vst v8;
	v1 =	vld.idx.msk [tilespmem:v19+s15+$0x0], $0xffff;
	v12 =	vadd.s32 $0x1B58, v12  }
0xeb: {  	v3 =	vld.idx.msk [tilespmem:v20+s15+$0x0], $0xffff;
	[tilespmem:s23+$0xE0] =	vst v9  }
0xec: {  	v10 =	vld.idx.msk [tilespmem:v21+s15+$0x0], $0xffff;
	[tilespmem:s23+$0x160] =	vst v11  }
0xed: {  	[tilespmem:s23+$0x1E0] =	vst v4;
	v0 =	vld.idx.msk [tilespmem:v15+s15+$0x0], $0xffff  }
0xee: {  	[tilespmem:s23+$0x260] =	vst v13;
	v8 =	vld.idx.msk [tilespmem:v18+s15+$0x0], $0xffff  }
0xef: {  	v6 =	vld.idx.msk [tilespmem:v12+s15+$0x0], $0xffff;
	[tilespmem:s24+$0x10] =	vst v5  }
0xf0: {  	[tilespmem:s24+$0x90] =	vst v7  }
0xf1: {  	v5 =	vadd.s32 $0x3E8, v2;
	[tilespmem:s24+$0x110] =	vst v1  }
0xf2: {  	s28 =	sadd.s32 $0x100, s31;
	[tilespmem:s24+$0x190] =	vst v3  }
0xf3: {  	v24 =	vld [tilespmem:s28+$0xFFFFFF80];
	v1 =	vadd.s32 $0x7D0, v2;
	[tilespmem:s24+$0x290] =	vst v10  }
0xf4: {  	v3 =	vld.idx.msk [tilespmem:v2+s15+$0x0], $0xffff;
	v7 =	vadd.s32 $0xFA0, v2;
	[tilespmem:s24+$0x210] =	vst v0  }
0xf5: {  	v10 =	vld [tilespmem:s31+$0xFFFFFF90];
	[tilespmem:s24+$0x310] =	vst v8  }
0xf6: {  	v0 =	vadd.s32 $0xBB8, v2;
	v5 =	vld.idx.msk [tilespmem:v5+s15+$0x0], $0xffff;
	[tilespmem:s24+$0x390] =	vst v6  }
0xf7: {  	[tilespmem:s23+$0x2E0] =	vst v16;
	v8 =	vadd.s32 $0x1388, v2;
	v9 =	vld [tilespmem:s31+$0x20]  }
0xf8: {  	[tilespmem:s23+$0x360] =	vst v17;
	v12 =	vld.idx.msk [tilespmem:v1+s15+$0x0], $0xffff  }
0xf9: {  	[tilespmem:s23+$0x3E0] =	vst v14;
	v6 =	vadd.s32 $0x1770, v2;
	v4 =	vld.idx.msk [tilespmem:v7+s15+$0x0], $0xffff  }
0xfa: {  	v2 =	vadd.s32 $0x1B58, v2;
	v1 =	vld [tilespmem:s10+$0x70]  }
0xfb: {  	v0 =	vld.idx.msk [tilespmem:v0+s15+$0x0], $0xffff  }
0xfc: {  	v7 =	vld.idx.msk [tilespmem:v8+s15+$0x0], $0xffff;
	v8 =	vadd.s32 $0x3E8, v9  }
0xfd: {  	v19 =	vld.idx.msk [tilespmem:v10+s15+$0x0], $0xffff;
	v11 =	vadd.s32 $0x7D0, v9  }
0xfe: {  	v6 =	vld.idx.msk [tilespmem:v6+s15+$0x0], $0xffff;
	v13 =	vadd.s32 $0xBB8, v9  }
0xff: {  	v2 =	vld.idx.msk [tilespmem:v2+s15+$0x0], $0xffff;
	[tilespmem:s23+$0xFFFFFCB0] =	vst v5;
	v14 =	vadd.s32 $0xFA0, v9  }
0x100: {  	[tilespmem:s23+$0xFFFFFD30] =	vst v12;
	v15 =	vadd.s32 $0x1388, v9;
	v5 =	vld.idx.msk [tilespmem:v9+s15+$0x0], $0xffff  }
0x101: {  	[tilespmem:s23+$0xFFFFFE30] =	vst v4;
	v12 =	vadd.s32 $0x1770, v9;
	v8 =	vld.idx.msk [tilespmem:v8+s15+$0x0], $0xffff  }
0x102: {  	[tilespmem:s23+$0xFFFFFDB0] =	vst v0;
	v0 =	vld.idx.msk [tilespmem:v11+s15+$0x0], $0xffff  }
0x103: {  	[tilespmem:s23+$0xFFFFFC30] =	vst v3;
	v9 =	vadd.s32 $0x1B58, v9;
	v4 =	vld.idx.msk [tilespmem:v13+s15+$0x0], $0xffff  }
0x104: {  	[tilespmem:s23+$0xFFFFFEB0] =	vst v7;
	v7 =	vadd.s32 $0x3E8, v10;
	v11 =	vld.idx.msk [tilespmem:v14+s15+$0x0], $0xffff  }
0x105: {  	[tilespmem:s23+$0xFFFFFF30] =	vst v6;
	v6 =	vadd.s32 $0x7D0, v10;
	v13 =	vld.idx.msk [tilespmem:v15+s15+$0x0], $0xffff  }
0x106: {  	[tilespmem:s23+$0xFFFFFFB0] =	vst v2;
	v2 =	vadd.s32 $0xBB8, v10;
	v12 =	vld.idx.msk [tilespmem:v12+s15+$0x0], $0xffff  }
0x107: {  	v14 =	vadd.s32 $0xFA0, v10;
	v20 =	vld [tilespmem:s10+$0xFFFFFFC0]  }
0x108: {  	v3 =	vld.idx.msk [tilespmem:v9+s15+$0x0], $0xffff  }
0x109: {  	v9 =	vadd.s32 $0x1388, v10;
	[tilespmem:s24+$0x20] =	vst v5;
	v7 =	vld.idx.msk [tilespmem:v7+s15+$0x0], $0xffff  }
0x10a: {  	v5 =	vadd.s32 $0x1770, v10;
	v6 =	vld.idx.msk [tilespmem:v6+s15+$0x0], $0xffff;
	[tilespmem:s24+$0xA0] =	vst v8  }
0x10b: {  	v8 =	vadd.s32 $0x1B58, v10;
	[tilespmem:s24+$0x120] =	vst v0;
	v0 =	vld.idx.msk [tilespmem:v2+s15+$0x0], $0xffff  }
0x10c: {  	[tilespmem:s24+$0x1A0] =	vst v4;
	v4 =	vld.idx.msk [tilespmem:v14+s15+$0x0], $0xffff  }
0x10d: {  	[tilespmem:s24+$0x220] =	vst v11;
	v10 =	vadd.s32 $0x1B58, v1;
	v2 =	vld.idx.msk [tilespmem:v1+s15+$0x0], $0xffff  }
0x10e: {  	[tilespmem:s24+$0x320] =	vst v12;
	v12 =	vadd.s32 $0x7D0, v1;
	v9 =	vld.idx.msk [tilespmem:v9+s15+$0x0], $0xffff  }
0x10f: {  	[tilespmem:s24+$0x2A0] =	vst v13;
	v11 =	vadd.s32 $0x3E8, v1;
	v5 =	vld.idx.msk [tilespmem:v5+s15+$0x0], $0xffff  }
0x110: {  	v13 =	vadd.s32 $0xFA0, v1;
	[tilespmem:s24+$0x3A0] =	vst v3;
	v8 =	vld.idx.msk [tilespmem:v8+s15+$0x0], $0xffff  }
0x111: {  	v3 =	vadd.s32 $0xBB8, v1;
	[tilespmem:s24+$0xFFFFFC90] =	vst v7;
	v7 =	vld [tilespmem:s31+$0x30]  }
0x112: {  	[tilespmem:s24+$0xFFFFFD10] =	vst v6;
	v17 =	vld.idx.msk [tilespmem:v10+s15+$0x0], $0xffff;
	v6 =	vadd.s32 $0x3E8, v20  }
0x113: {  	[tilespmem:s24+$0xFFFFFD90] =	vst v0;
	v15 =	vld.idx.msk [tilespmem:v12+s15+$0x0], $0xffff;
	v12 =	vadd.s32 $0x7D0, v20  }
0x114: {  	v18 =	vld.idx.msk [tilespmem:v11+s15+$0x0], $0xffff;
	[tilespmem:s24+$0xFFFFFE10] =	vst v4  }
0x115: {  	v16 =	vld.idx.msk [tilespmem:v13+s15+$0x0], $0xffff;
	[tilespmem:s24+$0xFFFFFC10] =	vst v19  }
0x116: {  	[tilespmem:s24+$0xFFFFFE90] =	vst v9;
	v14 =	vld.idx.msk [tilespmem:v3+s15+$0x0], $0xffff;
	v0 =	vadd.s32 $0x3E8, v7  }
0x117: {  	[tilespmem:s24+$0xFFFFFF10] =	vst v5;
	v3 =	vadd.s32 $0x7D0, v7;
	v4 =	vld.idx.msk [tilespmem:v6+s15+$0x0], $0xffff  }
0x118: {  	[tilespmem:s24+$0xFFFFFF90] =	vst v8;
	v5 =	vadd.s32 $0xBB8, v7;
	v12 =	vld.idx.msk [tilespmem:v12+s15+$0x0], $0xffff  }
0x119: {  	v8 =	vadd.s32 $0xFA0, v7;
	v6 =	vld [tilespmem:s31+$0xFFFFFFA0]  }
0x11a: {  	v10 =	vadd.s32 $0x1388, v7;
	v9 =	vld.idx.msk [tilespmem:v7+s15+$0x0], $0xffff  }
0x11b: {  	v11 =	vadd.s32 $0x1770, v7;
	v0 =	vld.idx.msk [tilespmem:v0+s15+$0x0], $0xffff  }
0x11c: {  	v7 =	vadd.s32 $0x1B58, v7;
	v3 =	vld.idx.msk [tilespmem:v3+s15+$0x0], $0xffff  }
0x11d: {  	v13 =	vadd.s32 $0xBB8, v20;
	v5 =	vld.idx.msk [tilespmem:v5+s15+$0x0], $0xffff  }
0x11e: {  	v19 =	vadd.s32 $0xFA0, v20;
	v8 =	vld.idx.msk [tilespmem:v8+s15+$0x0], $0xffff  }
0x11f: {  	v21 =	vadd.s32 $0x1388, v20;
	v10 =	vld.idx.msk [tilespmem:v10+s15+$0x0], $0xffff  }
0x120: {  	v22 =	vadd.s32 $0x1770, v20;
	v11 =	vld.idx.msk [tilespmem:v11+s15+$0x0], $0xffff  }
0x121: {  	v23 =	vadd.s32 $0x1B58, v20;
	v7 =	vld.idx.msk [tilespmem:v7+s15+$0x0], $0xffff;
	[tilespmem:s24+$0x30] =	vst v9  }
0x122: {  	v9 =	vld.idx.msk [tilespmem:v13+s15+$0x0], $0xffff;
	[tilespmem:s24+$0xB0] =	vst v0  }
0x123: {  	v0 =	vld.idx.msk [tilespmem:v19+s15+$0x0], $0xffff;
	[tilespmem:s24+$0x130] =	vst v3  }
0x124: {  	v3 =	vld.idx.msk [tilespmem:v21+s15+$0x0], $0xffff;
	[tilespmem:s24+$0x1B0] =	vst v5  }
0x125: {  	v13 =	vadd.s32 $0x3E8, v6;
	v5 =	vld.idx.msk [tilespmem:v22+s15+$0x0], $0xffff;
	[tilespmem:s24+$0x230] =	vst v8  }
0x126: {  	v8 =	vld.idx.msk [tilespmem:v23+s15+$0x0], $0xffff;
	v19 =	vadd.s32 $0x7D0, v6;
	[tilespmem:s24+$0x2B0] =	vst v10  }
0x127: {  	v10 =	vld.idx.msk [tilespmem:v20+s15+$0x0], $0xffff;
	v20 =	vadd.s32 $0xBB8, v6;
	[tilespmem:s24+$0x330] =	vst v11  }
0x128: {  	v11 =	vadd.s32 $0xFA0, v6;
	v21 =	vld.idx.msk [tilespmem:v6+s15+$0x0], $0xffff;
	[tilespmem:s24+$0x3B0] =	vst v7  }
0x129: {  	[tilespmem:s23+$0xFFFFFCC0] =	vst v4;
	v4 =	vadd.s32 $0x1388, v6;
	v7 =	vld [tilespmem:s31+$0x40]  }
0x12a: {  	[tilespmem:s23+$0xFFFFFD40] =	vst v12;
	v12 =	vadd.s32 $0x1770, v6;
	v13 =	vld.idx.msk [tilespmem:v13+s15+$0x0], $0xffff  }
0x12b: {  	v6 =	vadd.s32 $0x1B58, v6;
	[tilespmem:s23+$0xFFFFFDC0] =	vst v9;
	v9 =	vld.idx.msk [tilespmem:v19+s15+$0x0], $0xffff  }
0x12c: {  	[tilespmem:s23+$0xFFFFFE40] =	vst v0;
	v19 =	vld.idx.msk [tilespmem:v20+s15+$0x0], $0xffff  }
0x12d: {  	[tilespmem:s23+$0xFFFFFEC0] =	vst v3;
	v3 =	vld.idx.msk [tilespmem:v11+s15+$0x0], $0xffff  }
0x12e: {  	[tilespmem:s23+$0xFFFFFF40] =	vst v5;
	v4 =	vld.idx.msk [tilespmem:v4+s15+$0x0], $0xffff;
	v5 =	vadd.s32 $0x3E8, v7  }
0x12f: {  	[tilespmem:s23+$0xFFFFFFC0] =	vst v8;
	v8 =	vld.idx.msk [tilespmem:v12+s15+$0x0], $0xffff;
	v11 =	vadd.s32 $0x7D0, v7  }
0x130: {  	[tilespmem:s23+$0xFFFFFC40] =	vst v10;
	v6 =	vld.idx.msk [tilespmem:v6+s15+$0x0], $0xffff;
	v10 =	vadd.s32 $0xBB8, v7  }
0x131: {  	v0 =	vld [tilespmem:s10+$0xFFFFFFD0];
	[tilespmem:s24+$0xFFFFFCA0] =	vst v13;
	v12 =	vadd.s32 $0xFA0, v7  }
0x132: {  	v20 =	vadd.s32 $0x1388, v7;
	[tilespmem:s24+$0xFFFFFD20] =	vst v9;
	v13 =	vld.idx.msk [tilespmem:v7+s15+$0x0], $0xffff  }
0x133: {  	v9 =	vadd.s32 $0x1770, v7;
	[tilespmem:s24+$0xFFFFFDA0] =	vst v19;
	v5 =	vld.idx.msk [tilespmem:v5+s15+$0x0], $0xffff  }
0x134: {  	[tilespmem:s24+$0xFFFFFE20] =	vst v3;
	v7 =	vadd.s32 $0x1B58, v7;
	v19 =	vld.idx.msk [tilespmem:v11+s15+$0x0], $0xffff  }
0x135: {  	[tilespmem:s24+$0xFFFFFEA0] =	vst v4;
	v11 =	vadd.s32 $0x1388, v1;
	v3 =	vld.idx.msk [tilespmem:v10+s15+$0x0], $0xffff  }
0x136: {  	[tilespmem:s24+$0xFFFFFF20] =	vst v8;
	v4 =	vld.idx.msk [tilespmem:v12+s15+$0x0], $0xffff  }
0x137: {  	[tilespmem:s24+$0xFFFFFFA0] =	vst v6;
	v6 =	vadd.s32 $0x3E8, v0;
	v8 =	vld.idx.msk [tilespmem:v20+s15+$0x0], $0xffff  }
0x138: {  	[tilespmem:s24+$0xFFFFFC20] =	vst v21;
	v1 =	vadd.s32 $0x1770, v1;
	v12 =	vld.idx.msk [tilespmem:v9+s15+$0x0], $0xffff  }
0x139: {  	v10 =	vadd.s32 $0x7D0, v0;
	v20 =	vld.idx.msk [tilespmem:v7+s15+$0x0], $0xffff;
	[tilespmem:s24+$0x40] =	vst v13  }
0x13a: {  	v7 =	vadd.s32 $0xBB8, v0;
	v21 =	vld.idx.msk [tilespmem:v11+s15+$0x0], $0xffff;
	[tilespmem:s24+$0xC0] =	vst v5  }
0x13b: {  	v11 =	vld [tilespmem:s31+$0xFFFFFFB0];
	[tilespmem:s24+$0x140] =	vst v19  }
0x13c: {  	v9 =	vld.idx.msk [tilespmem:v6+s15+$0x0], $0xffff;
	[tilespmem:s24+$0x1C0] =	vst v3  }
0x13d: {  	v22 =	vld.idx.msk [tilespmem:v1+s15+$0x0], $0xffff;
	v5 =	vadd.s32 $0x1388, v0;
	[tilespmem:s24+$0x240] =	vst v4  }
0x13e: {  	v1 =	vadd.s32 $0xFA0, v0;
	v10 =	vld.idx.msk [tilespmem:v10+s15+$0x0], $0xffff;
	[tilespmem:s24+$0x2C0] =	vst v8  }
0x13f: {  	[tilespmem:s24+$0x340] =	vst v12;
	v7 =	vld.idx.msk [tilespmem:v7+s15+$0x0], $0xffff  }
0x140: {  	[tilespmem:s24+$0x3C0] =	vst v20;
	v20 =	vld [tilespmem:s28+$0x0];
	v3 =	vadd.s32 $0x3E8, v11  }
0x141: {  	v19 =	vld [tilespmem:s31+$0x50];
	v4 =	vadd.s32 $0x7D0, v11  }
0x142: {  	v8 =	vld.idx.msk [tilespmem:v5+s15+$0x0], $0xffff;
	v5 =	vadd.s32 $0xBB8, v11  }
0x143: {  	v6 =	vld.idx.msk [tilespmem:v1+s15+$0x0], $0xffff;
	v23 =	vadd.s32 $0xFA0, v11  }
0x144: {  	v25 =	vadd.s32 $0x1388, v11;
	v1 =	vld.idx.msk [tilespmem:v11+s15+$0x0], $0xffff  }
0x145: {  	v13 =	vld.idx.msk [tilespmem:v3+s15+$0x0], $0xffff  }
0x146: {  	[tilespmem:s23+$0x270] =	vst v16;
	v16 =	vadd.s32 $0x3E8, v20;
	v12 =	vld.idx.msk [tilespmem:v4+s15+$0x0], $0xffff  }
0x147: {  	v26 =	vadd.s32 $0x3E8, v19;
	v5 =	vld.idx.msk [tilespmem:v5+s15+$0x0], $0xffff  }
0x148: {  	v27 =	vadd.s32 $0x7D0, v19;
	v4 =	vld.idx.msk [tilespmem:v23+s15+$0x0], $0xffff  }
0x149: {  	v23 =	vadd.s32 $0xBB8, v19;
	v3 =	vld.idx.msk [tilespmem:v25+s15+$0x0], $0xffff  }
0x14a: {  	[tilespmem:s23+$0x3F0] =	vst v17;
	v25 =	vadd.s32 $0xFA0, v19;
	v17 =	vld.idx.msk [tilespmem:v19+s15+$0x0], $0xffff  }
0x14b: {  	[tilespmem:s23+$0xF0] =	vst v18;
	v28 =	vadd.s32 $0x1388, v19;
	v16 =	vld.idx.msk [tilespmem:v16+s15+$0x0], $0xffff  }
0x14c: {  	[tilespmem:s23+$0x170] =	vst v15;
	v18 =	vld.idx.msk [tilespmem:v26+s15+$0x0], $0xffff;
	v26 =	vadd.s32 $0x1770, v19  }
0x14d: {  	[tilespmem:s23+$0x1F0] =	vst v14;
	v15 =	vld.idx.msk [tilespmem:v27+s15+$0x0], $0xffff;
	v19 =	vadd.s32 $0x1B58, v19  }
0x14e: {  	[tilespmem:s23+$0x2F0] =	vst v21;
	v21 =	vadd.s32 $0x7D0, v20;
	v14 =	vld.idx.msk [tilespmem:v23+s15+$0x0], $0xffff  }
0x14f: {  	v23 =	vld.idx.msk [tilespmem:v25+s15+$0x0], $0xffff  }
0x150: {  	[tilespmem:s23+$0x370] =	vst v22;
	v22 =	vadd.s32 $0xBB8, v20;
	v25 =	vld.idx.msk [tilespmem:v28+s15+$0x0], $0xffff  }
0x151: {  	[tilespmem:s23+$0x70] =	vst v2;
	v27 =	vadd.s32 $0xFA0, v20;
	v26 =	vld.idx.msk [tilespmem:v26+s15+$0x0], $0xffff  }
0x152: {  	v2 =	vld.idx.msk [tilespmem:v19+s15+$0x0], $0xffff;
	[tilespmem:s24+$0x50] =	vst v17;
	v17 =	vadd.s32 $0x1388, v20  }
0x153: {  	v21 =	vld.idx.msk [tilespmem:v21+s15+$0x0], $0xffff;
	[tilespmem:s24+$0xD0] =	vst v18;
	v18 =	vadd.s32 $0x1770, v20  }
0x154: {  	v19 =	vld.idx.msk [tilespmem:v20+s15+$0x0], $0xffff;
	[tilespmem:s24+$0x150] =	vst v15;
	v15 =	vadd.s32 $0x1B58, v20  }
0x155: {  	v20 =	vld.idx.msk [tilespmem:v22+s15+$0x0], $0xffff;
	[tilespmem:s24+$0x1D0] =	vst v14  }
0x156: {  	v14 =	vld.idx.msk [tilespmem:v27+s15+$0x0], $0xffff;
	[tilespmem:s24+$0x250] =	vst v23  }
0x157: {  	[tilespmem:s24+$0x2D0] =	vst v25;
	v17 =	vld.idx.msk [tilespmem:v17+s15+$0x0], $0xffff  }
0x158: {  	v18 =	vld.idx.msk [tilespmem:v18+s15+$0x0], $0xffff;
	[tilespmem:s24+$0x350] =	vst v26  }
0x159: {  	s26 =	simm.s32 $0x7340;
	v15 =	vld.idx.msk [tilespmem:v15+s15+$0x0], $0xffff;
	[tilespmem:s24+$0x3D0] =	vst v2  }
0x15a: {  	[tilespmem:s26+$0x0] =	vst v19;
	v2 =	vld [tilespmem:s31+$0x60]  }
0x15b: {  	[tilespmem:s26+$0x80] =	vst v16  }
0x15c: {  	[tilespmem:s26+$0x100] =	vst v21  }
0x15d: {  	[tilespmem:s26+$0x180] =	vst v20  }
0x15e: {  	[tilespmem:s26+$0x200] =	vst v14  }
0x15f: {  	[tilespmem:s26+$0x280] =	vst v17;
	v14 =	vadd.s32 $0x3E8, v2  }
0x160: {  	[tilespmem:s26+$0x300] =	vst v18;
	v17 =	vadd.s32 $0x7D0, v2  }
0x161: {  	[tilespmem:s26+$0x380] =	vst v15;
	v15 =	vadd.s32 $0xBB8, v2  }
0x162: {  	v18 =	vld [tilespmem:s28+$0x10];
	v19 =	vadd.s32 $0xFA0, v2  }
0x163: {  	v21 =	vadd.s32 $0x1388, v2;
	v20 =	vld.idx.msk [tilespmem:v2+s15+$0x0], $0xffff  }
0x164: {  	v22 =	vadd.s32 $0x1770, v2;
	v14 =	vld.idx.msk [tilespmem:v14+s15+$0x0], $0xffff  }
0x165: {  	v2 =	vadd.s32 $0x1B58, v2;
	v17 =	vld.idx.msk [tilespmem:v17+s15+$0x0], $0xffff  }
0x166: {  	v15 =	vld.idx.msk [tilespmem:v15+s15+$0x0], $0xffff  }
0x167: {  	v19 =	vld.idx.msk [tilespmem:v19+s15+$0x0], $0xffff;
	v23 =	vadd.s32 $0x3E8, v18  }
0x168: {  	v21 =	vld.idx.msk [tilespmem:v21+s15+$0x0], $0xffff;
	v25 =	vadd.s32 $0x7D0, v18  }
0x169: {  	v22 =	vld.idx.msk [tilespmem:v22+s15+$0x0], $0xffff;
	v26 =	vadd.s32 $0xBB8, v18  }
0x16a: {  	v27 =	vadd.s32 $0xFA0, v18;
	v2 =	vld.idx.msk [tilespmem:v2+s15+$0x0], $0xffff;
	[tilespmem:s24+$0x60] =	vst v20  }
0x16b: {  	v28 =	vadd.s32 $0x1388, v18;
	v20 =	vld.idx.msk [tilespmem:v18+s15+$0x0], $0xffff;
	[tilespmem:s24+$0xE0] =	vst v14  }
0x16c: {  	v14 =	vld.idx.msk [tilespmem:v23+s15+$0x0], $0xffff;
	v23 =	vadd.s32 $0x1770, v18;
	[tilespmem:s24+$0x160] =	vst v17  }
0x16d: {  	v17 =	vld.idx.msk [tilespmem:v25+s15+$0x0], $0xffff;
	v18 =	vadd.s32 $0x1B58, v18;
	[tilespmem:s24+$0x1E0] =	vst v15  }
0x16e: {  	v16 =	vadd.s32 $0x3E8, v24;
	v15 =	vld.idx.msk [tilespmem:v26+s15+$0x0], $0xffff;
	[tilespmem:s24+$0x260] =	vst v19  }
0x16f: {  	v25 =	vadd.s32 $0x7D0, v24;
	v19 =	vld.idx.msk [tilespmem:v27+s15+$0x0], $0xffff;
	[tilespmem:s24+$0x2E0] =	vst v21  }
0x170: {  	v26 =	vadd.s32 $0xBB8, v24;
	v21 =	vld.idx.msk [tilespmem:v28+s15+$0x0], $0xffff;
	[tilespmem:s24+$0x360] =	vst v22  }
0x171: {  	v27 =	vadd.s32 $0xFA0, v24;
	[tilespmem:s24+$0x3E0] =	vst v2;
	v22 =	vld.idx.msk [tilespmem:v23+s15+$0x0], $0xffff  }
0x172: {  	v28 =	vadd.s32 $0x1388, v24;
	v2 =	vld.idx.msk [tilespmem:v18+s15+$0x0], $0xffff;
	[tilespmem:s26+$0x10] =	vst v20  }
0x173: {  	v16 =	vld.idx.msk [tilespmem:v16+s15+$0x0], $0xffff;
	v23 =	vadd.s32 $0x1770, v24;
	[tilespmem:s26+$0x90] =	vst v14  }
0x174: {  	v18 =	vadd.s32 $0x1B58, v24;
	v25 =	vld.idx.msk [tilespmem:v25+s15+$0x0], $0xffff;
	[tilespmem:s26+$0x110] =	vst v17  }
0x175: {  	v20 =	vld.idx.msk [tilespmem:v26+s15+$0x0], $0xffff;
	[tilespmem:s26+$0x190] =	vst v15  }
0x176: {  	v14 =	vld.idx.msk [tilespmem:v27+s15+$0x0], $0xffff;
	[tilespmem:s26+$0x210] =	vst v19  }
0x177: {  	v17 =	vld.idx.msk [tilespmem:v28+s15+$0x0], $0xffff;
	[tilespmem:s26+$0x290] =	vst v21  }
0x178: {  	v15 =	vld.idx.msk [tilespmem:v23+s15+$0x0], $0xffff;
	[tilespmem:s26+$0x310] =	vst v22  }
0x179: {  	v19 =	vadd.s32 $0x1770, v11;
	v18 =	vld.idx.msk [tilespmem:v18+s15+$0x0], $0xffff;
	[tilespmem:s26+$0x390] =	vst v2  }
0x17a: {  	v21 =	vadd.s32 $0x1B58, v11;
	v23 =	vld.idx.msk [tilespmem:v24+s15+$0x0], $0xffff;
	[tilespmem:s26+$0xFFFFFC80] =	vst v16  }
0x17b: {  	v2 =	vadd.s32 $0x1B58, v0;
	[tilespmem:s26+$0xFFFFFD00] =	vst v25;
	v16 =	vld [tilespmem:s28+$0x20]  }
0x17c: {  	v22 =	vadd.s32 $0x1770, v0;
	[tilespmem:s26+$0xFFFFFD80] =	vst v20  }
0x17d: {  	v11 =	vld [tilespmem:s31+$0x70];
	[tilespmem:s26+$0xFFFFFE00] =	vst v14  }
0x17e: {  	v19 =	vld.idx.msk [tilespmem:v19+s15+$0x0], $0xffff;
	[tilespmem:s26+$0xFFFFFE80] =	vst v17  }
0x17f: {  	v20 =	vld.idx.msk [tilespmem:v21+s15+$0x0], $0xffff;
	[tilespmem:s24+$0xFFFFFCB0] =	vst v13  }
0x180: {  	v17 =	vld.idx.msk [tilespmem:v2+s15+$0x0], $0xffff;
	[tilespmem:s26+$0xFFFFFF00] =	vst v15;
	v2 =	vadd.s32 $0x3E8, v16  }
0x181: {  	v14 =	vld.idx.msk [tilespmem:v22+s15+$0x0], $0xffff;
	[tilespmem:s26+$0xFFFFFF80] =	vst v18;
	v18 =	vadd.s32 $0x7D0, v16  }
0x182: {  	v15 =	vld.idx.msk [tilespmem:v0+s15+$0x0], $0xffff;
	[tilespmem:s26+$0xFFFFFC00] =	vst v23;
	v21 =	vadd.s32 $0xBB8, v16  }
0x183: {  	[tilespmem:s24+$0xFFFFFD30] =	vst v12;
	v22 =	vld [tilespmem:s28+$0xFFFFFF90];
	v23 =	vadd.s32 $0xFA0, v16  }
0x184: {  	[tilespmem:s24+$0xFFFFFDB0] =	vst v5;
	v24 =	vadd.s32 $0x1388, v16;
	v13 =	vld.idx.msk [tilespmem:v16+s15+$0x0], $0xffff  }
0x185: {  	[tilespmem:s24+$0xFFFFFE30] =	vst v4;
	v12 =	vadd.s32 $0x1770, v16;
	v2 =	vld.idx.msk [tilespmem:v2+s15+$0x0], $0xffff  }
0x186: {  	[tilespmem:s24+$0xFFFFFEB0] =	vst v3;
	v5 =	vadd.s32 $0x1B58, v16;
	v18 =	vld.idx.msk [tilespmem:v18+s15+$0x0], $0xffff  }
0x187: {  	[tilespmem:s24+$0xFFFFFC30] =	vst v1;
	v21 =	vld.idx.msk [tilespmem:v21+s15+$0x0], $0xffff  }
0x188: {  	v3 =	vadd.s32 $0x7D0, v11;
	[tilespmem:s24+$0xFFFFFF30] =	vst v19;
	v23 =	vld.idx.msk [tilespmem:v23+s15+$0x0], $0xffff  }
0x189: {  	[tilespmem:s24+$0xFFFFFFB0] =	vst v20;
	v16 =	vadd.s32 $0x1B58, v11;
	v19 =	vld.idx.msk [tilespmem:v24+s15+$0x0], $0xffff  }
0x18a: {  	[tilespmem:s23+$0xFFFFFCD0] =	vst v9;
	v24 =	vadd.s32 $0xBB8, v11;
	v12 =	vld.idx.msk [tilespmem:v12+s15+$0x0], $0xffff  }
0x18b: {  	s30 =	sadd.s32 $0x100, s28;
	v20 =	vadd.s32 $0xFA0, v11;
	v25 =	vld.idx.msk [tilespmem:v5+s15+$0x0], $0xffff;
	[tilespmem:s26+$0x20] =	vst v13  }
0x18c: {  	v36 =	vld [tilespmem:s30+$0xFFFFFF80];
	[tilespmem:s26+$0xA0] =	vst v2  }
0x18d: {  	v1 =	vld.idx.msk [tilespmem:v3+s15+$0x0], $0xffff;
	[tilespmem:s26+$0x120] =	vst v18  }
0x18e: {  	v5 =	vld.idx.msk [tilespmem:v16+s15+$0x0], $0xffff;
	[tilespmem:s26+$0x1A0] =	vst v21  }
0x18f: {  	v13 =	vadd.s32 $0x3E8, v22;
	v3 =	vld.idx.msk [tilespmem:v24+s15+$0x0], $0xffff;
	[tilespmem:s26+$0x220] =	vst v23  }
0x190: {  	v16 =	vadd.s32 $0x7D0, v22;
	v2 =	vld.idx.msk [tilespmem:v20+s15+$0x0], $0xffff;
	[tilespmem:s26+$0x2A0] =	vst v19  }
0x191: {  	v18 =	vadd.s32 $0xBB8, v22;
	v20 =	vld [tilespmem:s31+$0xFFFFFFC0];
	[tilespmem:s26+$0x320] =	vst v12  }
0x192: {  	v19 =	vadd.s32 $0xFA0, v22;
	v21 =	vld.idx.msk [tilespmem:v22+s15+$0x0], $0xffff;
	[tilespmem:s26+$0x3A0] =	vst v25  }
0x193: {  	[tilespmem:s23+$0xFFFFFD50] =	vst v10;
	v12 =	vadd.s32 $0x1388, v22;
	v24 =	vld [tilespmem:s28+$0x30]  }
0x194: {  	[tilespmem:s23+$0xFFFFFDD0] =	vst v7;
	v23 =	vadd.s32 $0x1770, v22;
	v13 =	vld.idx.msk [tilespmem:v13+s15+$0x0], $0xffff  }
0x195: {  	[tilespmem:s23+$0xFFFFFE50] =	vst v6;
	v22 =	vadd.s32 $0x1B58, v22;
	v9 =	vld.idx.msk [tilespmem:v16+s15+$0x0], $0xffff  }
0x196: {  	[tilespmem:s23+$0xFFFFFED0] =	vst v8;
	v10 =	vld.idx.msk [tilespmem:v18+s15+$0x0], $0xffff  }
0x197: {  	[tilespmem:s23+$0xFFFFFF50] =	vst v14;
	v16 =	vadd.s32 $0x3E8, v20;
	v7 =	vld.idx.msk [tilespmem:v19+s15+$0x0], $0xffff  }
0x198: {  	[tilespmem:s23+$0xFFFFFFD0] =	vst v17;
	v18 =	vadd.s32 $0x7D0, v20;
	v6 =	vld.idx.msk [tilespmem:v12+s15+$0x0], $0xffff  }
0x199: {  	[tilespmem:s23+$0xFFFFFC50] =	vst v15;
	v8 =	vld.idx.msk [tilespmem:v23+s15+$0x0], $0xffff;
	v12 =	vadd.s32 $0x3E8, v24  }
0x19a: {  	v14 =	vld.idx.msk [tilespmem:v22+s15+$0x0], $0xffff;
	[tilespmem:s26+$0xFFFFFC10] =	vst v21;
	v19 =	vadd.s32 $0x7D0, v24  }
0x19b: {  	v17 =	vadd.s32 $0xBB8, v24;
	[tilespmem:s26+$0xFFFFFC90] =	vst v13;
	v13 =	vld.idx.msk [tilespmem:v24+s15+$0x0], $0xffff  }
0x19c: {  	v22 =	vadd.s32 $0x1388, v24;
	[tilespmem:s26+$0xFFFFFD10] =	vst v9;
	v16 =	vld.idx.msk [tilespmem:v16+s15+$0x0], $0xffff  }
0x19d: {  	v15 =	vld.idx.msk [tilespmem:v18+s15+$0x0], $0xffff;
	[tilespmem:s26+$0xFFFFFD90] =	vst v10  }
0x19e: {  	v18 =	vadd.s32 $0xFA0, v24;
	[tilespmem:s26+$0xFFFFFE10] =	vst v7;
	v9 =	vld.idx.msk [tilespmem:v12+s15+$0x0], $0xffff  }
0x19f: {  	[tilespmem:s26+$0xFFFFFE90] =	vst v6;
	v12 =	vadd.s32 $0x1770, v24;
	v10 =	vld.idx.msk [tilespmem:v19+s15+$0x0], $0xffff  }
0x1a0: {  	[tilespmem:s26+$0xFFFFFF10] =	vst v8;
	v19 =	vadd.s32 $0x1B58, v24;
	v7 =	vld.idx.msk [tilespmem:v17+s15+$0x0], $0xffff  }
0x1a1: {  	[tilespmem:s26+$0xFFFFFF90] =	vst v14;
	v17 =	vadd.s32 $0xBB8, v20;
	v8 =	vld.idx.msk [tilespmem:v22+s15+$0x0], $0xffff  }
0x1a2: {  	v22 =	vadd.s32 $0x1388, v20;
	v23 =	vld [tilespmem:s28+$0xFFFFFFA0]  }
0x1a3: {  	v14 =	vadd.s32 $0x1770, v20;
	v6 =	vld.idx.msk [tilespmem:v18+s15+$0x0], $0xffff  }
0x1a4: {  	v21 =	vadd.s32 $0x1B58, v20;
	v12 =	vld.idx.msk [tilespmem:v12+s15+$0x0], $0xffff  }
0x1a5: {  	v19 =	vld.idx.msk [tilespmem:v19+s15+$0x0], $0xffff;
	[tilespmem:s26+$0x30] =	vst v13  }
0x1a6: {  	v13 =	vld.idx.msk [tilespmem:v17+s15+$0x0], $0xffff;
	[tilespmem:s26+$0xB0] =	vst v9  }
0x1a7: {  	v18 =	vadd.s32 $0xFA0, v20;
	[tilespmem:s26+$0x130] =	vst v10;
	v10 =	vld.idx.msk [tilespmem:v22+s15+$0x0], $0xffff  }
0x1a8: {  	[tilespmem:s26+$0x1B0] =	vst v7;
	v7 =	vld.idx.msk [tilespmem:v14+s15+$0x0], $0xffff  }
0x1a9: {  	v14 =	vld.idx.msk [tilespmem:v21+s15+$0x0], $0xffff;
	[tilespmem:s26+$0x2B0] =	vst v8  }
0x1aa: {  	v17 =	vadd.s32 $0x3E8, v23;
	v8 =	vld.idx.msk [tilespmem:v20+s15+$0x0], $0xffff;
	[tilespmem:s26+$0x230] =	vst v6  }
0x1ab: {  	v24 =	vadd.s32 $0x1770, v23;
	v22 =	vld.idx.msk [tilespmem:v23+s15+$0x0], $0xffff;
	[tilespmem:s26+$0x330] =	vst v12  }
0x1ac: {  	v9 =	vld.idx.msk [tilespmem:v18+s15+$0x0], $0xffff;
	v18 =	vadd.s32 $0x7D0, v23;
	[tilespmem:s26+$0x3B0] =	vst v19  }
0x1ad: {  	v21 =	vadd.s32 $0x1388, v23;
	v20 =	vld [tilespmem:s28+$0x40]  }
0x1ae: {  	v6 =	vld [tilespmem:s10+$0xFFFFFFE0];
	v19 =	vadd.s32 $0xFA0, v23  }
0x1af: {  	[tilespmem:s24+$0xFFFFFCC0] =	vst v16;
	v16 =	vadd.s32 $0x1B58, v23;
	v17 =	vld.idx.msk [tilespmem:v17+s15+$0x0], $0xffff  }
0x1b0: {  	v12 =	vadd.s32 $0xBB8, v23;
	[tilespmem:s24+$0xFFFFFEC0] =	vst v10;
	v10 =	vld.idx.msk [tilespmem:v24+s15+$0x0], $0xffff  }
0x1b1: {  	[tilespmem:s24+$0xFFFFFD40] =	vst v15;
	v18 =	vld.idx.msk [tilespmem:v18+s15+$0x0], $0xffff  }
0x1b2: {  	[tilespmem:s24+$0xFFFFFE40] =	vst v9;
	v9 =	vld.idx.msk [tilespmem:v21+s15+$0x0], $0xffff;
	v15 =	vadd.s32 $0x3E8, v20  }
0x1b3: {  	[tilespmem:s24+$0xFFFFFDC0] =	vst v13;
	v13 =	vld.idx.msk [tilespmem:v19+s15+$0x0], $0xffff;
	v19 =	vadd.s32 $0x7D0, v20  }
0x1b4: {  	v23 =	vld.idx.msk [tilespmem:v16+s15+$0x0], $0xffff;
	v21 =	vadd.s32 $0xBB8, v20  }
0x1b5: {  	[tilespmem:s24+$0xFFFFFF40] =	vst v7;
	v12 =	vld.idx.msk [tilespmem:v12+s15+$0x0], $0xffff;
	v7 =	vadd.s32 $0xFA0, v20  }
0x1b6: {  	[tilespmem:s24+$0xFFFFFFC0] =	vst v14;
	v16 =	vadd.s32 $0x1388, v20;
	v14 =	vld.idx.msk [tilespmem:v20+s15+$0x0], $0xffff  }
0x1b7: {  	[tilespmem:s24+$0xFFFFFC40] =	vst v8;
	v8 =	vld.idx.msk [tilespmem:v15+s15+$0x0], $0xffff;
	v15 =	vadd.s32 $0x1770, v20  }
0x1b8: {  	[tilespmem:s26+$0xFFFFFCA0] =	vst v17;
	v17 =	vld.idx.msk [tilespmem:v19+s15+$0x0], $0xffff;
	v19 =	vadd.s32 $0x1B58, v20  }
0x1b9: {  	[tilespmem:s26+$0xFFFFFD20] =	vst v18;
	v18 =	vld.idx.msk [tilespmem:v21+s15+$0x0], $0xffff  }
0x1ba: {  	[tilespmem:s26+$0xFFFFFF20] =	vst v10;
	v20 =	vadd.s32 $0x1388, v11;
	v7 =	vld.idx.msk [tilespmem:v7+s15+$0x0], $0xffff  }
0x1bb: {  	[tilespmem:s26+$0xFFFFFDA0] =	vst v12;
	v12 =	vld.idx.msk [tilespmem:v16+s15+$0x0], $0xffff  }
0x1bc: {  	v38 =	vadd.s32 $0x3E8, v36;
	[tilespmem:s26+$0xFFFFFE20] =	vst v13;
	v15 =	vld.idx.msk [tilespmem:v15+s15+$0x0], $0xffff  }
0x1bd: {  	v19 =	vld.idx.msk [tilespmem:v19+s15+$0x0], $0xffff;
	[tilespmem:s26+$0x40] =	vst v14  }
0x1be: {  	v24 =	vadd.s32 $0x7D0, v6;
	v16 =	vld [tilespmem:s31+$0xFFFFFFD0];
	[tilespmem:s26+$0xC0] =	vst v8  }
0x1bf: {  	v13 =	vld.idx.msk [tilespmem:v20+s15+$0x0], $0xffff;
	v20 =	vadd.s32 $0xBB8, v6;
	[tilespmem:s26+$0x140] =	vst v17  }
0x1c0: {  	[tilespmem:s26+$0x1C0] =	vst v18  }
0x1c1: {  	v38 =	vld.idx.msk [tilespmem:v38+s15+$0x0], $0xffff;
	[tilespmem:s26+$0x240] =	vst v7  }
0x1c2: {  	v0 =	vld.idx.msk [tilespmem:v11+s15+$0x0], $0xffff;
	v21 =	vadd.s32 $0x3E8, v6;
	[tilespmem:s26+$0x2C0] =	vst v12  }
0x1c3: {  	v25 =	vadd.s32 $0xFA0, v6;
	v10 =	vld.idx.msk [tilespmem:v24+s15+$0x0], $0xffff;
	[tilespmem:s26+$0x340] =	vst v15  }
0x1c4: {  	v18 =	vadd.s32 $0x3E8, v16;
	v7 =	vld.idx.msk [tilespmem:v20+s15+$0x0], $0xffff;
	[tilespmem:s26+$0x3C0] =	vst v19  }
0x1c5: {  	v15 =	vadd.s32 $0x7D0, v16;
	v20 =	vld [tilespmem:s28+$0x50]  }
0x1c6: {  	[tilespmem:s26+$0xFFFFFFA0] =	vst v23;
	v23 =	vld [tilespmem:s30+$0x0];
	v19 =	vadd.s32 $0xBB8, v16  }
0x1c7: {  	[tilespmem:s26+$0xFFFFFEA0] =	vst v9;
	v9 =	vld.idx.msk [tilespmem:v21+s15+$0x0], $0xffff;
	v21 =	vadd.s32 $0xFA0, v16  }
0x1c8: {  	v8 =	vld.idx.msk [tilespmem:v25+s15+$0x0], $0xffff  }
0x1c9: {  	v26 =	vld.idx.msk [tilespmem:v18+s15+$0x0], $0xffff  }
0x1ca: {  	v25 =	vld.idx.msk [tilespmem:v15+s15+$0x0], $0xffff;
	v18 =	vadd.s32 $0x3E8, v20  }
0x1cb: {  	v24 =	vld.idx.msk [tilespmem:v19+s15+$0x0], $0xffff;
	v19 =	vadd.s32 $0x7D0, v20  }
0x1cc: {  	[tilespmem:s26+$0xFFFFFC20] =	vst v22;
	v15 =	vld.idx.msk [tilespmem:v21+s15+$0x0], $0xffff;
	v21 =	vadd.s32 $0xBB8, v20  }
0x1cd: {  	v22 =	vld [tilespmem:s28+$0xFFFFFFB0];
	v27 =	vadd.s32 $0xFA0, v20  }
0x1ce: {  	v29 =	vadd.s32 $0x1388, v20;
	v28 =	vld.idx.msk [tilespmem:v20+s15+$0x0], $0xffff  }
0x1cf: {  	v30 =	vadd.s32 $0x1770, v20;
	v18 =	vld.idx.msk [tilespmem:v18+s15+$0x0], $0xffff  }
0x1d0: {  	v20 =	vadd.s32 $0x1B58, v20;
	v19 =	vld.idx.msk [tilespmem:v19+s15+$0x0], $0xffff  }
0x1d1: {  	v61 =	vadd.s32 $0x1770, v36;
	v21 =	vld.idx.msk [tilespmem:v21+s15+$0x0], $0xffff  }
0x1d2: {  	v4 =	vadd.s32 $0x3E8, v11;
	v27 =	vld.idx.msk [tilespmem:v27+s15+$0x0], $0xffff  }
0x1d3: {  	v11 =	vadd.s32 $0x1770, v11;
	v32 =	vld.idx.msk [tilespmem:v29+s15+$0x0], $0xffff  }
0x1d4: {  	v37 =	vadd.s32 $0x1770, v23;
	v30 =	vld.idx.msk [tilespmem:v30+s15+$0x0], $0xffff  }
0x1d5: {  	v33 =	vadd.s32 $0x7D0, v22;
	v20 =	vld.idx.msk [tilespmem:v20+s15+$0x0], $0xffff;
	[tilespmem:s26+$0x50] =	vst v28  }
0x1d6: {  	v63 =	vld.idx.msk [tilespmem:v61+s15+$0x0], $0xffff;
	v34 =	vadd.s32 $0xBB8, v22;
	[tilespmem:s26+$0xD0] =	vst v18  }
0x1d7: {  	v4 =	vld.idx.msk [tilespmem:v4+s15+$0x0], $0xffff;
	v35 =	vadd.s32 $0xFA0, v22;
	[tilespmem:s26+$0x150] =	vst v19  }
0x1d8: {  	v14 =	vld.idx.msk [tilespmem:v11+s15+$0x0], $0xffff;
	[tilespmem:s26+$0x1D0] =	vst v21  }
0x1d9: {  	v37 =	vld.idx.msk [tilespmem:v37+s15+$0x0], $0xffff;
	v28 =	vadd.s32 $0x1388, v22;
	[tilespmem:s26+$0x250] =	vst v27  }
0x1da: {  	v19 =	vld.idx.msk [tilespmem:v33+s15+$0x0], $0xffff;
	[tilespmem:s26+$0x2D0] =	vst v32  }
0x1db: {  	v52 =	vadd.s32 $0xFA0, v23;
	v21 =	vld.idx.msk [tilespmem:v34+s15+$0x0], $0xffff;
	[tilespmem:s26+$0x350] =	vst v30  }
0x1dc: {  	v18 =	vadd.s32 $0x3E8, v23;
	v33 =	vld.idx.msk [tilespmem:v35+s15+$0x0], $0xffff;
	[tilespmem:s26+$0x3D0] =	vst v20  }
0x1dd: {  	v27 =	vadd.s32 $0x7D0, v23;
	v53 =	vld [tilespmem:s28+$0x60]  }
0x1de: {  	v32 =	vld.idx.msk [tilespmem:v28+s15+$0x0], $0xffff;
	v28 =	vadd.s32 $0xBB8, v23  }
0x1df: {  	v30 =	vld.idx.msk [tilespmem:v23+s15+$0x0], $0xffff;
	v20 =	vadd.s32 $0x1388, v23  }
0x1e0: {  	v34 =	vld.idx.msk [tilespmem:v52+s15+$0x0], $0xffff;
	v23 =	vadd.s32 $0x1B58, v23  }
0x1e1: {  	v18 =	vld.idx.msk [tilespmem:v18+s15+$0x0], $0xffff  }
0x1e2: {  	v27 =	vld.idx.msk [tilespmem:v27+s15+$0x0], $0xffff;
	v39 =	vadd.s32 $0x3E8, v53  }
0x1e3: {  	v28 =	vld.idx.msk [tilespmem:v28+s15+$0x0], $0xffff;
	v40 =	vadd.s32 $0x7D0, v53  }
0x1e4: {  	s29 =	simm.s32 $0x7B40;
	v20 =	vld.idx.msk [tilespmem:v20+s15+$0x0], $0xffff;
	v41 =	vadd.s32 $0xBB8, v53  }
0x1e5: {  	v23 =	vld.idx.msk [tilespmem:v23+s15+$0x0], $0xffff;
	[tilespmem:s29+$0x0] =	vst v30;
	v42 =	vadd.s32 $0xFA0, v53  }
0x1e6: {  	[tilespmem:s29+$0x200] =	vst v34;
	v43 =	vadd.s32 $0x1388, v53;
	v30 =	vld.idx.msk [tilespmem:v53+s15+$0x0], $0xffff  }
0x1e7: {  	v54 =	vadd.s32 $0x1770, v53;
	[tilespmem:s29+$0x80] =	vst v18;
	v18 =	vld.idx.msk [tilespmem:v39+s15+$0x0], $0xffff  }
0x1e8: {  	v35 =	vadd.s32 $0x1B58, v53;
	[tilespmem:s29+$0x100] =	vst v27;
	v27 =	vld.idx.msk [tilespmem:v40+s15+$0x0], $0xffff  }
0x1e9: {  	v11 =	vadd.s32 $0x1388, v6;
	[tilespmem:s29+$0x180] =	vst v28;
	v28 =	vld.idx.msk [tilespmem:v41+s15+$0x0], $0xffff  }
0x1ea: {  	v31 =	vadd.s32 $0x3E8, v22;
	[tilespmem:s29+$0x300] =	vst v37;
	v56 =	vld.idx.msk [tilespmem:v42+s15+$0x0], $0xffff  }
0x1eb: {  	[tilespmem:s29+$0x280] =	vst v20;
	v20 =	vld.idx.msk [tilespmem:v43+s15+$0x0], $0xffff  }
0x1ec: {  	v17 =	vadd.s32 $0x1770, v6;
	[tilespmem:s29+$0x380] =	vst v23;
	v59 =	vld.idx.msk [tilespmem:v54+s15+$0x0], $0xffff  }
0x1ed: {  	v23 =	vld.idx.msk [tilespmem:v35+s15+$0x0], $0xffff;
	[tilespmem:s26+$0x60] =	vst v30  }
0x1ee: {  	v55 =	vadd.s32 $0x7D0, v36;
	v11 =	vld.idx.msk [tilespmem:v11+s15+$0x0], $0xffff;
	[tilespmem:s26+$0xE0] =	vst v18  }
0x1ef: {  	v50 =	vadd.s32 $0x1770, v22;
	v31 =	vld.idx.msk [tilespmem:v31+s15+$0x0], $0xffff;
	[tilespmem:s26+$0x160] =	vst v27  }
0x1f0: {  	v29 =	vld.idx.msk [tilespmem:v22+s15+$0x0], $0xffff;
	v22 =	vadd.s32 $0x1B58, v22;
	[tilespmem:s26+$0x1E0] =	vst v28  }
0x1f1: {  	v12 =	vld.idx.msk [tilespmem:v17+s15+$0x0], $0xffff;
	v17 =	vadd.s32 $0x1388, v16;
	[tilespmem:s26+$0x260] =	vst v56  }
0x1f2: {  	v60 =	vadd.s32 $0x1388, v36;
	v62 =	vld [tilespmem:s30+$0x10];
	[tilespmem:s26+$0x2E0] =	vst v20  }
0x1f3: {  	v40 =	vld.idx.msk [tilespmem:v55+s15+$0x0], $0xffff;
	[tilespmem:s26+$0x360] =	vst v59  }
0x1f4: {  	v53 =	vadd.s32 $0x1B58, v16;
	v55 =	vld.idx.msk [tilespmem:v50+s15+$0x0], $0xffff;
	[tilespmem:s26+$0x3E0] =	vst v23  }
0x1f5: {  	v57 =	vadd.s32 $0xBB8, v36;
	v56 =	vld.idx.msk [tilespmem:v22+s15+$0x0], $0xffff;
	[tilespmem:s26+$0xFFFFFCB0] =	vst v31  }
0x1f6: {  	v17 =	vld.idx.msk [tilespmem:v17+s15+$0x0], $0xffff;
	v30 =	vadd.s32 $0x1B58, v36;
	[tilespmem:s26+$0xFFFFFD30] =	vst v19  }
0x1f7: {  	v58 =	vadd.s32 $0xFA0, v36;
	v39 =	vld.idx.msk [tilespmem:v60+s15+$0x0], $0xffff;
	[tilespmem:s26+$0xFFFFFDB0] =	vst v21  }
0x1f8: {  	v36 =	vld.idx.msk [tilespmem:v36+s15+$0x0], $0xffff;
	[tilespmem:s26+$0xFFFFFE30] =	vst v33  }
0x1f9: {  	v37 =	vld.idx.msk [tilespmem:v53+s15+$0x0], $0xffff;
	[tilespmem:s26+$0xFFFFFEB0] =	vst v32  }
0x1fa: {  	v18 =	vld.idx.msk [tilespmem:v57+s15+$0x0], $0xffff;
	v45 =	vadd.s32 $0x3E8, v62;
	[tilespmem:s26+$0xFFFFFF30] =	vst v55  }
0x1fb: {  	[tilespmem:s26+$0xFFFFFC30] =	vst v29;
	v20 =	vld.idx.msk [tilespmem:v30+s15+$0x0], $0xffff;
	v30 =	vadd.s32 $0x7D0, v62  }
0x1fc: {  	v27 =	vld.idx.msk [tilespmem:v58+s15+$0x0], $0xffff;
	v46 =	vadd.s32 $0xBB8, v62;
	[tilespmem:s29+$0xFFFFFC80] =	vst v38  }
0x1fd: {  	v23 =	vadd.s32 $0xFA0, v62;
	v28 =	vld [tilespmem:s28+$0x70];
	[tilespmem:s29+$0xFFFFFD00] =	vst v40  }
0x1fe: {  	v48 =	vadd.s32 $0x1388, v62;
	v47 =	vld.idx.msk [tilespmem:v62+s15+$0x0], $0xffff;
	[tilespmem:s29+$0xFFFFFE80] =	vst v39  }
0x1ff: {  	v49 =	vadd.s32 $0x1770, v62;
	[tilespmem:s29+$0xFFFFFF00] =	vst v63;
	v35 =	vld.idx.msk [tilespmem:v45+s15+$0x0], $0xffff  }
0x200: {  	[tilespmem:s29+$0xFFFFFD80] =	vst v18;
	v18 =	vld.idx.msk [tilespmem:v30+s15+$0x0], $0xffff;
	v30 =	vadd.s32 $0x1B58, v62  }
0x201: {  	[tilespmem:s29+$0xFFFFFE00] =	vst v27;
	v27 =	vld.idx.msk [tilespmem:v46+s15+$0x0], $0xffff  }
0x202: {  	[tilespmem:s29+$0xFFFFFC00] =	vst v36;
	v23 =	vld.idx.msk [tilespmem:v23+s15+$0x0], $0xffff  }
0x203: {  	v52 =	vld.idx.msk [tilespmem:v48+s15+$0x0], $0xffff;
	[tilespmem:s26+$0xFFFFFFB0] =	vst v56  }
0x204: {  	[tilespmem:s29+$0xFFFFFF80] =	vst v20;
	v20 =	vld.idx.msk [tilespmem:v49+s15+$0x0], $0xffff  }
0x205: {  	v59 =	vadd.s32 $0x1388, v28;
	v30 =	vld.idx.msk [tilespmem:v30+s15+$0x0], $0xffff;
	[tilespmem:s29+$0x10] =	vst v47  }
0x206: {  	v51 =	vadd.s32 $0x1770, v16;
	v39 =	vld.idx.msk [tilespmem:v16+s15+$0x0], $0xffff;
	[tilespmem:s29+$0x90] =	vst v35  }
0x207: {  	v54 =	vadd.s32 $0x1B58, v6;
	v62 =	vld [tilespmem:s28+$0xFFFFFFC0];
	[tilespmem:s29+$0x110] =	vst v18  }
0x208: {  	v58 =	vld [tilespmem:s30+$0xFFFFFF90];
	[tilespmem:s29+$0x190] =	vst v27  }
0x209: {  	v22 =	vadd.s32 $0x1B58, v28;
	v16 =	vld.idx.msk [tilespmem:v28+s15+$0x0], $0xffff;
	[tilespmem:s29+$0x210] =	vst v23  }
0x20a: {  	v57 =	vadd.s32 $0x7D0, v28;
	v21 =	vld.idx.msk [tilespmem:v59+s15+$0x0], $0xffff;
	[tilespmem:s29+$0x290] =	vst v52  }
0x20b: {  	v35 =	vld.idx.msk [tilespmem:v51+s15+$0x0], $0xffff;
	[tilespmem:s29+$0x310] =	vst v20  }
0x20c: {  	v18 =	vld.idx.msk [tilespmem:v54+s15+$0x0], $0xffff;
	v20 =	vadd.s32 $0xBB8, v28;
	[tilespmem:s29+$0x390] =	vst v30  }
0x20d: {  	v30 =	vadd.s32 $0xFA0, v28;
	v31 =	vld [tilespmem:s30+$0x20]  }
0x20e: {  	v23 =	vadd.s32 $0x3E8, v28;
	v27 =	vld.idx.msk [tilespmem:v22+s15+$0x0], $0xffff  }
0x20f: {  	v22 =	vld.idx.msk [tilespmem:v57+s15+$0x0], $0xffff;
	v51 =	vadd.s32 $0x3E8, v62  }
0x210: {  	v54 =	vadd.s32 $0x7D0, v62;
	v29 =	vld.idx.msk [tilespmem:v58+s15+$0x0], $0xffff  }
0x211: {  	v19 =	vld.idx.msk [tilespmem:v20+s15+$0x0], $0xffff  }
0x212: {  	v20 =	vld.idx.msk [tilespmem:v30+s15+$0x0], $0xffff;
	v30 =	vadd.s32 $0x3E8, v31  }
0x213: {  	[tilespmem:s24+$0x3F0] =	vst v5;
	v23 =	vld.idx.msk [tilespmem:v23+s15+$0x0], $0xffff;
	v60 =	vadd.s32 $0x7D0, v31  }
0x214: {  	[tilespmem:s24+$0xF0] =	vst v4;
	v40 =	vld.idx.msk [tilespmem:v51+s15+$0x0], $0xffff;
	v61 =	vadd.s32 $0xBB8, v31  }
0x215: {  	[tilespmem:s24+$0xFFFFFCD0] =	vst v26;
	v41 =	vld.idx.msk [tilespmem:v54+s15+$0x0], $0xffff;
	v63 =	vadd.s32 $0xFA0, v31  }
0x216: {  	[tilespmem:s24+$0xFFFFFD50] =	vst v25;
	v46 =	vadd.s32 $0x1388, v31;
	v45 =	vld.idx.msk [tilespmem:v31+s15+$0x0], $0xffff  }
0x217: {  	[tilespmem:s24+$0xFFFFFDD0] =	vst v24;
	v47 =	vadd.s32 $0x1770, v31;
	v30 =	vld.idx.msk [tilespmem:v30+s15+$0x0], $0xffff  }
0x218: {  	[tilespmem:s24+$0xFFFFFE50] =	vst v15;
	v31 =	vadd.s32 $0x1B58, v31;
	v32 =	vld.idx.msk [tilespmem:v60+s15+$0x0], $0xffff  }
0x219: {  	[tilespmem:s24+$0xFFFFFED0] =	vst v17;
	v5 =	vadd.s32 $0x3E8, v58;
	v33 =	vld.idx.msk [tilespmem:v61+s15+$0x0], $0xffff  }
0x21a: {  	[tilespmem:s24+$0xFFFFFFD0] =	vst v37;
	v4 =	vadd.s32 $0x7D0, v58;
	v38 =	vld.idx.msk [tilespmem:v63+s15+$0x0], $0xffff  }
0x21b: {  	[tilespmem:s24+$0xFFFFFC50] =	vst v39;
	v49 =	vadd.s32 $0xFA0, v58;
	v26 =	vld.idx.msk [tilespmem:v46+s15+$0x0], $0xffff  }
0x21c: {  	v50 =	vadd.s32 $0x1388, v58;
	[tilespmem:s24+$0xFFFFFF50] =	vst v35;
	v25 =	vld.idx.msk [tilespmem:v47+s15+$0x0], $0xffff  }
0x21d: {  	v36 =	vadd.s32 $0x1B58, v58;
	v24 =	vld.idx.msk [tilespmem:v31+s15+$0x0], $0xffff;
	[tilespmem:s29+$0x20] =	vst v45  }
0x21e: {  	v48 =	vadd.s32 $0xBB8, v58;
	v5 =	vld.idx.msk [tilespmem:v5+s15+$0x0], $0xffff;
	[tilespmem:s29+$0xA0] =	vst v30  }
0x21f: {  	v4 =	vld.idx.msk [tilespmem:v4+s15+$0x0], $0xffff;
	v31 =	vadd.s32 $0x1770, v58;
	[tilespmem:s29+$0x120] =	vst v32  }
0x220: {  	v52 =	vld.idx.msk [tilespmem:v49+s15+$0x0], $0xffff;
	[tilespmem:s29+$0x1A0] =	vst v33  }
0x221: {  	v53 =	vld.idx.msk [tilespmem:v50+s15+$0x0], $0xffff;
	[tilespmem:s29+$0x220] =	vst v38  }
0x222: {  	v36 =	vld.idx.msk [tilespmem:v36+s15+$0x0], $0xffff;
	[tilespmem:s29+$0x2A0] =	vst v26  }
0x223: {  	v55 =	vadd.s32 $0xBB8, v62;
	v30 =	vld.idx.msk [tilespmem:v48+s15+$0x0], $0xffff;
	[tilespmem:s29+$0x320] =	vst v25  }
0x224: {  	v26 =	vadd.s32 $0xFA0, v62;
	v31 =	vld.idx.msk [tilespmem:v31+s15+$0x0], $0xffff;
	[tilespmem:s29+$0x3A0] =	vst v24  }
0x225: {  	v25 =	vadd.s32 $0x1388, v62;
	[tilespmem:s29+$0xFFFFFC90] =	vst v5;
	v5 =	vld [tilespmem:s30+$0x30]  }
0x226: {  	v63 =	vld.idx.msk [tilespmem:v6+s15+$0x0], $0xffff;
	v24 =	vadd.s32 $0x1770, v62;
	[tilespmem:s29+$0xFFFFFD10] =	vst v4  }
0x227: {  	v56 =	vadd.s32 $0x1B58, v62;
	v58 =	vld.idx.msk [tilespmem:v62+s15+$0x0], $0xffff;
	[tilespmem:s29+$0xFFFFFE10] =	vst v52  }
0x228: {  	v4 =	vld.idx.msk [tilespmem:v55+s15+$0x0], $0xffff;
	[tilespmem:s29+$0xFFFFFE90] =	vst v53  }
0x229: {  	[tilespmem:s29+$0xFFFFFF90] =	vst v36;
	v26 =	vld.idx.msk [tilespmem:v26+s15+$0x0], $0xffff  }
0x22a: {  	[tilespmem:s29+$0xFFFFFD90] =	vst v30;
	v25 =	vld.idx.msk [tilespmem:v25+s15+$0x0], $0xffff;
	v30 =	vadd.s32 $0x3E8, v5  }
0x22b: {  	[tilespmem:s29+$0xFFFFFC10] =	vst v29;
	v24 =	vld.idx.msk [tilespmem:v24+s15+$0x0], $0xffff;
	v57 =	vadd.s32 $0x7D0, v5  }
0x22c: {  	[tilespmem:s29+$0xFFFFFF10] =	vst v31;
	v31 =	vld.idx.msk [tilespmem:v56+s15+$0x0], $0xffff;
	v29 =	vadd.s32 $0xBB8, v5  }
0x22d: {  	[tilespmem:s26+$0xFFFFFCC0] =	vst v40;
	v59 =	vld [tilespmem:s30+$0xFFFFFFA0];
	v15 =	vadd.s32 $0xFA0, v5  }
0x22e: {  	[tilespmem:s26+$0xFFFFFD40] =	vst v41;
	v60 =	vadd.s32 $0x1388, v5;
	v17 =	vld.idx.msk [tilespmem:v5+s15+$0x0], $0xffff  }
0x22f: {  	[tilespmem:s26+$0xFFFFFDC0] =	vst v4;
	v61 =	vld.idx.msk [tilespmem:v30+s15+$0x0], $0xffff  }
0x230: {  	[tilespmem:s26+$0xFFFFFC40] =	vst v58;
	v32 =	vld.idx.msk [tilespmem:v57+s15+$0x0], $0xffff  }
0x231: {  	[tilespmem:s26+$0xFFFFFE40] =	vst v26;
	v30 =	vadd.s32 $0x1770, v5;
	v29 =	vld.idx.msk [tilespmem:v29+s15+$0x0], $0xffff  }
0x232: {  	[tilespmem:s26+$0xFFFFFEC0] =	vst v25;
	v5 =	vadd.s32 $0x1B58, v5;
	v62 =	vld.idx.msk [tilespmem:v15+s15+$0x0], $0xffff  }
0x233: {  	[tilespmem:s26+$0xFFFFFF40] =	vst v24;
	v36 =	vld.idx.msk [tilespmem:v60+s15+$0x0], $0xffff  }
0x234: {  	[tilespmem:s26+$0xFFFFFFC0] =	vst v31;
	v15 =	vld [tilespmem:s31+$0xFFFFFFE0]  }
0x235: {  	v28 =	vadd.s32 $0x1770, v28;
	v24 =	vld [tilespmem:s28+$0xFFFFFFD0]  }
0x236: {  	v26 =	vadd.s32 $0x3E8, v59;
	v4 =	vld.idx.msk [tilespmem:v30+s15+$0x0], $0xffff  }
0x237: {  	s0 =	sadd.s32 $0x100, s30;
	v6 =	vadd.s32 $0xBB8, v59;
	v5 =	vld.idx.msk [tilespmem:v5+s15+$0x0], $0xffff;
	[tilespmem:s29+$0x30] =	vst v17  }
0x238: {  	v43 =	vadd.s32 $0x1770, v59;
	v57 =	vld [tilespmem:s0+$0x0];
	[tilespmem:s29+$0xB0] =	vst v61  }
0x239: {  	v34 =	vadd.s32 $0x1B58, v59;
	v42 =	vld.idx.msk [tilespmem:v59+s15+$0x0], $0xffff;
	[tilespmem:s29+$0x130] =	vst v32  }
0x23a: {  	v30 =	vld.idx.msk [tilespmem:v28+s15+$0x0], $0xffff;
	[tilespmem:s29+$0x1B0] =	vst v29  }
0x23b: {  	v26 =	vld.idx.msk [tilespmem:v26+s15+$0x0], $0xffff;
	[tilespmem:s29+$0x230] =	vst v62  }
0x23c: {  	v28 =	vadd.s32 $0x7D0, v59;
	[tilespmem:s29+$0x2B0] =	vst v36;
	v6 =	vld.idx.msk [tilespmem:v6+s15+$0x0], $0xffff  }
0x23d: {  	v17 =	vadd.s32 $0xFA0, v59;
	v31 =	vld.idx.msk [tilespmem:v43+s15+$0x0], $0xffff;
	[tilespmem:s29+$0x330] =	vst v4  }
0x23e: {  	v29 =	vadd.s32 $0x1388, v59;
	v46 =	vld.idx.msk [tilespmem:v34+s15+$0x0], $0xffff;
	[tilespmem:s29+$0x3B0] =	vst v5  }
0x23f: {  	v25 =	vadd.s32 $0x7D0, v15;
	v5 =	vld [tilespmem:s30+$0x40]  }
0x240: {  	[tilespmem:s24+$0x170] =	vst v1;
	v44 =	vadd.s32 $0xBB8, v15;
	v59 =	vld [tilespmem:s0+$0xFFFFFF80]  }
0x241: {  	[tilespmem:s26+$0x1F0] =	vst v19;
	v19 =	vadd.s32 $0x3E8, v57;
	v28 =	vld.idx.msk [tilespmem:v28+s15+$0x0], $0xffff  }
0x242: {  	[tilespmem:s24+$0x1F0] =	vst v3;
	v17 =	vld.idx.msk [tilespmem:v17+s15+$0x0], $0xffff;
	v4 =	vadd.s32 $0x3E8, v15  }
0x243: {  	[tilespmem:s24+$0x270] =	vst v2;
	v29 =	vld.idx.msk [tilespmem:v29+s15+$0x0], $0xffff  }
0x244: {  	[tilespmem:s24+$0x2F0] =	vst v13;
	v2 =	vld.idx.msk [tilespmem:v25+s15+$0x0], $0xffff;
	v47 =	vadd.s32 $0x3E8, v5  }
0x245: {  	[tilespmem:s24+$0x370] =	vst v14;
	v3 =	vld.idx.msk [tilespmem:v44+s15+$0x0], $0xffff;
	v25 =	vadd.s32 $0x7D0, v5  }
0x246: {  	[tilespmem:s26+$0x3F0] =	vst v27;
	v19 =	vld.idx.msk [tilespmem:v19+s15+$0x0], $0xffff;
	v13 =	vadd.s32 $0xBB8, v5  }
0x247: {  	[tilespmem:s29+$0xFFFFFCA0] =	vst v26;
	v1 =	vld.idx.msk [tilespmem:v4+s15+$0x0], $0xffff;
	v14 =	vadd.s32 $0xFA0, v5  }
0x248: {  	[tilespmem:s29+$0xFFFFFDA0] =	vst v6;
	v48 =	vadd.s32 $0x1388, v5;
	v26 =	vld.idx.msk [tilespmem:v5+s15+$0x0], $0xffff  }
0x249: {  	[tilespmem:s29+$0xFFFFFD20] =	vst v28;
	v49 =	vadd.s32 $0x1770, v5;
	v28 =	vld.idx.msk [tilespmem:v47+s15+$0x0], $0xffff  }
0x24a: {  	[tilespmem:s29+$0xFFFFFF20] =	vst v31;
	v5 =	vadd.s32 $0x1B58, v5;
	v25 =	vld.idx.msk [tilespmem:v25+s15+$0x0], $0xffff  }
0x24b: {  	[tilespmem:s29+$0xFFFFFFA0] =	vst v46;
	v13 =	vld.idx.msk [tilespmem:v13+s15+$0x0], $0xffff  }
0x24c: {  	v45 =	vadd.s32 $0xFA0, v15;
	[tilespmem:s29+$0xFFFFFC20] =	vst v42;
	v14 =	vld.idx.msk [tilespmem:v14+s15+$0x0], $0xffff  }
0x24d: {  	[tilespmem:s29+$0xFFFFFEA0] =	vst v29;
	v29 =	vadd.s32 $0x3E8, v24;
	v31 =	vld.idx.msk [tilespmem:v48+s15+$0x0], $0xffff  }
0x24e: {  	v6 =	vadd.s32 $0x1388, v15;
	[tilespmem:s29+$0xFFFFFE20] =	vst v17;
	v50 =	vld.idx.msk [tilespmem:v49+s15+$0x0], $0xffff  }
0x24f: {  	v17 =	vadd.s32 $0x1770, v15;
	v52 =	vld.idx.msk [tilespmem:v5+s15+$0x0], $0xffff;
	[tilespmem:s29+$0x40] =	vst v26  }
0x250: {  	v53 =	vadd.s32 $0xBB8, v24;
	v56 =	vld [tilespmem:s30+$0xFFFFFFB0];
	[tilespmem:s29+$0xC0] =	vst v28  }
0x251: {  	v54 =	vadd.s32 $0xFA0, v24;
	v4 =	vld.idx.msk [tilespmem:v45+s15+$0x0], $0xffff;
	[tilespmem:s29+$0x140] =	vst v25  }
0x252: {  	v29 =	vld.idx.msk [tilespmem:v29+s15+$0x0], $0xffff;
	[tilespmem:s29+$0x1C0] =	vst v13  }
0x253: {  	v5 =	vld.idx.msk [tilespmem:v6+s15+$0x0], $0xffff;
	[tilespmem:s29+$0x240] =	vst v14  }
0x254: {  	v51 =	vadd.s32 $0x7D0, v24;
	v6 =	vld.idx.msk [tilespmem:v17+s15+$0x0], $0xffff;
	[tilespmem:s29+$0x2C0] =	vst v31  }
0x255: {  	v55 =	vadd.s32 $0x1388, v24;
	v26 =	vld.idx.msk [tilespmem:v53+s15+$0x0], $0xffff;
	[tilespmem:s29+$0x340] =	vst v50  }
0x256: {  	v27 =	vadd.s32 $0xBB8, v56;
	v17 =	vld.idx.msk [tilespmem:v54+s15+$0x0], $0xffff;
	[tilespmem:s29+$0x3C0] =	vst v52  }
0x257: {  	[tilespmem:s23+$0xFFFFFCE0] =	vst v9;
	v13 =	vadd.s32 $0x3E8, v56;
	v31 =	vld [tilespmem:s30+$0x50]  }
0x258: {  	[tilespmem:s23+$0xFFFFFD60] =	vst v10;
	v10 =	vadd.s32 $0x1388, v56;
	v9 =	vld.idx.msk [tilespmem:v56+s15+$0x0], $0xffff  }
0x259: {  	[tilespmem:s24+$0x70] =	vst v0;
	v28 =	vld.idx.msk [tilespmem:v51+s15+$0x0], $0xffff;
	v14 =	vadd.s32 $0x7D0, v56  }
0x25a: {  	[tilespmem:s23+$0xFFFFFDE0] =	vst v7;
	v58 =	vadd.s32 $0xFA0, v56;
	v25 =	vld.idx.msk [tilespmem:v55+s15+$0x0], $0xffff  }
0x25b: {  	[tilespmem:s23+$0xFFFFFE60] =	vst v8;
	v8 =	vld.idx.msk [tilespmem:v27+s15+$0x0], $0xffff  }
0x25c: {  	[tilespmem:s23+$0xFFFFFEE0] =	vst v11;
	v0 =	vld.idx.msk [tilespmem:v13+s15+$0x0], $0xffff;
	v13 =	vadd.s32 $0x3E8, v31  }
0x25d: {  	[tilespmem:s23+$0xFFFFFFE0] =	vst v18;
	v18 =	vld.idx.msk [tilespmem:v10+s15+$0x0], $0xffff;
	v11 =	vadd.s32 $0x7D0, v31  }
0x25e: {  	[tilespmem:s23+$0xFFFFFF60] =	vst v12;
	v7 =	vld.idx.msk [tilespmem:v14+s15+$0x0], $0xffff;
	v12 =	vadd.s32 $0xBB8, v31  }
0x25f: {  	v14 =	vld.idx.msk [tilespmem:v58+s15+$0x0], $0xffff;
	v10 =	vadd.s32 $0xFA0, v31  }
0x260: {  	[tilespmem:s23+$0xFFFFFC60] =	vst v63;
	v60 =	vadd.s32 $0x1388, v31;
	v27 =	vld.idx.msk [tilespmem:v31+s15+$0x0], $0xffff  }
0x261: {  	[tilespmem:s26+$0xF0] =	vst v23;
	v23 =	vadd.s32 $0x1770, v31;
	v13 =	vld.idx.msk [tilespmem:v13+s15+$0x0], $0xffff  }
0x262: {  	[tilespmem:s26+$0x170] =	vst v22;
	v22 =	vadd.s32 $0x1B58, v31;
	v11 =	vld.idx.msk [tilespmem:v11+s15+$0x0], $0xffff  }
0x263: {  	[tilespmem:s26+$0x270] =	vst v20;
	v12 =	vld.idx.msk [tilespmem:v12+s15+$0x0], $0xffff  }
0x264: {  	[tilespmem:s26+$0x2F0] =	vst v21;
	v20 =	vadd.s32 $0x7D0, v57;
	v10 =	vld.idx.msk [tilespmem:v10+s15+$0x0], $0xffff  }
0x265: {  	[tilespmem:s26+$0x370] =	vst v30;
	v30 =	vadd.s32 $0xBB8, v57;
	v21 =	vld.idx.msk [tilespmem:v60+s15+$0x0], $0xffff  }
0x266: {  	[tilespmem:s26+$0x70] =	vst v16;
	v23 =	vld.idx.msk [tilespmem:v23+s15+$0x0], $0xffff  }
0x267: {  	v16 =	vld.idx.msk [tilespmem:v22+s15+$0x0], $0xffff;
	[tilespmem:s29+$0x50] =	vst v27  }
0x268: {  	v22 =	vld.idx.msk [tilespmem:v57+s15+$0x0], $0xffff;
	[tilespmem:s29+$0xD0] =	vst v13  }
0x269: {  	v13 =	vld.idx.msk [tilespmem:v20+s15+$0x0], $0xffff;
	[tilespmem:s29+$0x150] =	vst v11  }
0x26a: {  	v20 =	vld.idx.msk [tilespmem:v30+s15+$0x0], $0xffff;
	[tilespmem:s29+$0x1D0] =	vst v12  }
0x26b: {  	v31 =	vadd.s32 $0xFA0, v59;
	[tilespmem:s29+$0x250] =	vst v10  }
0x26c: {  	v61 =	vadd.s32 $0x1388, v59;
	[tilespmem:s29+$0x2D0] =	vst v21  }
0x26d: {  	v44 =	vadd.s32 $0x1770, v59;
	[tilespmem:s29+$0x350] =	vst v23  }
0x26e: {  	v45 =	vadd.s32 $0x1B58, v59;
	[tilespmem:s29+$0x3D0] =	vst v16  }
0x26f: {  	v11 =	vadd.s32 $0xFA0, v57;
	v27 =	vld [tilespmem:s30+$0x60]  }
0x270: {  	v12 =	vadd.s32 $0x1388, v57;
	v31 =	vld.idx.msk [tilespmem:v31+s15+$0x0], $0xffff  }
0x271: {  	v10 =	vadd.s32 $0x1770, v57;
	v32 =	vld.idx.msk [tilespmem:v61+s15+$0x0], $0xffff  }
0x272: {  	v21 =	vadd.s32 $0x1B58, v57;
	v35 =	vld.idx.msk [tilespmem:v44+s15+$0x0], $0xffff  }
0x273: {  	v36 =	vld.idx.msk [tilespmem:v45+s15+$0x0], $0xffff  }
0x274: {  	v11 =	vld.idx.msk [tilespmem:v11+s15+$0x0], $0xffff;
	v62 =	vadd.s32 $0x3E8, v27  }
0x275: {  	v12 =	vld.idx.msk [tilespmem:v12+s15+$0x0], $0xffff;
	v63 =	vadd.s32 $0x7D0, v27  }
0x276: {  	s6 =	simm.s32 $0x8340;
	v10 =	vld.idx.msk [tilespmem:v10+s15+$0x0], $0xffff;
	v40 =	vadd.s32 $0xBB8, v27  }
0x277: {  	v21 =	vld.idx.msk [tilespmem:v21+s15+$0x0], $0xffff;
	[tilespmem:s6+$0x0] =	vst v22;
	v41 =	vadd.s32 $0xFA0, v27  }
0x278: {  	[tilespmem:s6+$0x80] =	vst v19;
	v42 =	vadd.s32 $0x1388, v27;
	v22 =	vld.idx.msk [tilespmem:v27+s15+$0x0], $0xffff  }
0x279: {  	[tilespmem:s6+$0x100] =	vst v13;
	v43 =	vadd.s32 $0x1770, v27;
	v19 =	vld.idx.msk [tilespmem:v62+s15+$0x0], $0xffff  }
0x27a: {  	[tilespmem:s6+$0x180] =	vst v20;
	v27 =	vadd.s32 $0x1B58, v27;
	v13 =	vld.idx.msk [tilespmem:v63+s15+$0x0], $0xffff  }
0x27b: {  	v23 =	vadd.s32 $0x3E8, v59;
	[tilespmem:s6+$0x200] =	vst v11;
	v20 =	vld.idx.msk [tilespmem:v40+s15+$0x0], $0xffff  }
0x27c: {  	[tilespmem:s6+$0x280] =	vst v12;
	v11 =	vld.idx.msk [tilespmem:v41+s15+$0x0], $0xffff  }
0x27d: {  	v16 =	vadd.s32 $0x7D0, v59;
	[tilespmem:s6+$0x300] =	vst v10;
	v12 =	vld.idx.msk [tilespmem:v42+s15+$0x0], $0xffff  }
0x27e: {  	v30 =	vadd.s32 $0xBB8, v59;
	[tilespmem:s6+$0x380] =	vst v21;
	v10 =	vld.idx.msk [tilespmem:v43+s15+$0x0], $0xffff  }
0x27f: {  	v21 =	vld.idx.msk [tilespmem:v27+s15+$0x0], $0xffff;
	[tilespmem:s29+$0x60] =	vst v22  }
0x280: {  	v23 =	vld.idx.msk [tilespmem:v23+s15+$0x0], $0xffff;
	[tilespmem:s29+$0xE0] =	vst v19  }
0x281: {  	v46 =	vadd.s32 $0x1770, v56;
	v47 =	vld [tilespmem:s0+$0x10];
	[tilespmem:s29+$0x160] =	vst v13  }
0x282: {  	v16 =	vld.idx.msk [tilespmem:v16+s15+$0x0], $0xffff;
	v27 =	vadd.s32 $0x1B58, v56;
	[tilespmem:s29+$0x1E0] =	vst v20  }
0x283: {  	v30 =	vld.idx.msk [tilespmem:v30+s15+$0x0], $0xffff;
	v22 =	vadd.s32 $0x1770, v24;
	[tilespmem:s29+$0x260] =	vst v11  }
0x284: {  	v51 =	vld.idx.msk [tilespmem:v24+s15+$0x0], $0xffff;
	[tilespmem:s29+$0x2E0] =	vst v12  }
0x285: {  	v13 =	vld.idx.msk [tilespmem:v59+s15+$0x0], $0xffff;
	[tilespmem:s29+$0x360] =	vst v10  }
0x286: {  	v20 =	vld.idx.msk [tilespmem:v46+s15+$0x0], $0xffff;
	v11 =	vadd.s32 $0x3E8, v47;
	[tilespmem:s6+$0xFFFFFC80] =	vst v23  }
0x287: {  	v12 =	vadd.s32 $0x7D0, v47;
	[tilespmem:s6+$0xFFFFFD00] =	vst v16;
	v48 =	vld.idx.msk [tilespmem:v27+s15+$0x0], $0xffff  }
0x288: {  	v10 =	vadd.s32 $0xBB8, v47;
	[tilespmem:s6+$0xFFFFFD80] =	vst v30;
	v22 =	vld.idx.msk [tilespmem:v22+s15+$0x0], $0xffff  }
0x289: {  	v30 =	vadd.s32 $0x1770, v47;
	[tilespmem:s29+$0x3E0] =	vst v21;
	v16 =	vld.idx.msk [tilespmem:v47+s15+$0x0], $0xffff  }
0x28a: {  	[tilespmem:s6+$0xFFFFFE00] =	vst v31;
	v31 =	vadd.s32 $0x1B58, v47;
	v23 =	vld [tilespmem:s30+$0x70]  }
0x28b: {  	v21 =	vadd.s32 $0xFA0, v47;
	v11 =	vld.idx.msk [tilespmem:v11+s15+$0x0], $0xffff  }
0x28c: {  	[tilespmem:s6+$0xFFFFFE80] =	vst v32;
	v27 =	vadd.s32 $0x1388, v47;
	v12 =	vld.idx.msk [tilespmem:v12+s15+$0x0], $0xffff  }
0x28d: {  	v19 =	vadd.s32 $0x1B58, v24;
	[tilespmem:s6+$0xFFFFFF00] =	vst v35;
	v49 =	vld.idx.msk [tilespmem:v10+s15+$0x0], $0xffff  }
0x28e: {  	[tilespmem:s6+$0xFFFFFC00] =	vst v13;
	v13 =	vld.idx.msk [tilespmem:v30+s15+$0x0], $0xffff  }
0x28f: {  	[tilespmem:s6+$0xFFFFFF80] =	vst v36;
	v31 =	vld.idx.msk [tilespmem:v31+s15+$0x0], $0xffff  }
0x290: {  	[tilespmem:s29+$0xFFFFFCB0] =	vst v0;
	v10 =	vadd.s32 $0x1B58, v15;
	v21 =	vld.idx.msk [tilespmem:v21+s15+$0x0], $0xffff  }
0x291: {  	v50 =	vld.idx.msk [tilespmem:v27+s15+$0x0], $0xffff;
	[tilespmem:s6+$0x10] =	vst v16  }
0x292: {  	v19 =	vld.idx.msk [tilespmem:v19+s15+$0x0], $0xffff;
	v27 =	vadd.s32 $0x1B58, v23;
	[tilespmem:s6+$0x90] =	vst v11  }
0x293: {  	v15 =	vld.idx.msk [tilespmem:v15+s15+$0x0], $0xffff;
	v30 =	vadd.s32 $0x3E8, v23;
	[tilespmem:s6+$0x110] =	vst v12  }
0x294: {  	v53 =	vld [tilespmem:s0+$0xFFFFFF90];
	[tilespmem:s6+$0x190] =	vst v49  }
0x295: {  	v24 =	vadd.s32 $0x7D0, v23;
	v10 =	vld.idx.msk [tilespmem:v10+s15+$0x0], $0xffff;
	[tilespmem:s6+$0x310] =	vst v13  }
0x296: {  	v16 =	vadd.s32 $0xBB8, v23;
	[tilespmem:s6+$0x390] =	vst v31;
	v0 =	vld.idx.msk [tilespmem:v23+s15+$0x0], $0xffff  }
0x297: {  	v52 =	vadd.s32 $0xFA0, v23;
	[tilespmem:s6+$0x210] =	vst v21;
	v27 =	vld.idx.msk [tilespmem:v27+s15+$0x0], $0xffff  }
0x298: {  	[tilespmem:s6+$0x290] =	vst v50;
	v11 =	vld.idx.msk [tilespmem:v30+s15+$0x0], $0xffff  }
0x299: {  	[tilespmem:s29+$0xFFFFFD30] =	vst v7;
	v7 =	vld [tilespmem:s0+$0x20]  }
0x29a: {  	v21 =	vadd.s32 $0x1388, v23;
	v12 =	vld.idx.msk [tilespmem:v24+s15+$0x0], $0xffff  }
0x29b: {  	[tilespmem:s29+$0xFFFFFDB0] =	vst v8;
	v30 =	vadd.s32 $0x1770, v23;
	v13 =	vld.idx.msk [tilespmem:v16+s15+$0x0], $0xffff  }
0x29c: {  	[tilespmem:s29+$0xFFFFFE30] =	vst v14;
	v24 =	vld.idx.msk [tilespmem:v52+s15+$0x0], $0xffff  }
0x29d: {  	[tilespmem:s29+$0xFFFFFEB0] =	vst v18;
	v16 =	vld [tilespmem:s10+$0xFFFFFFF0]  }
0x29e: {  	[tilespmem:s29+$0xFFFFFC30] =	vst v9;
	v9 =	vld.idx.msk [tilespmem:v53+s15+$0x0], $0xffff;
	v18 =	vadd.s32 $0x3E8, v7  }
0x29f: {  	[tilespmem:s29+$0xFFFFFF30] =	vst v20;
	v23 =	vld.idx.msk [tilespmem:v21+s15+$0x0], $0xffff;
	v20 =	vadd.s32 $0x7D0, v7  }
0x2a0: {  	[tilespmem:s29+$0xFFFFFFB0] =	vst v48;
	v14 =	vld.idx.msk [tilespmem:v30+s15+$0x0], $0xffff;
	v30 =	vadd.s32 $0xBB8, v7  }
0x2a1: {  	v21 =	vld [tilespmem:s30+$0xFFFFFFC0];
	v31 =	vadd.s32 $0xFA0, v7  }
0x2a2: {  	[tilespmem:s26+$0xFFFFFCD0] =	vst v29;
	v54 =	vadd.s32 $0x1388, v7;
	v29 =	vld.idx.msk [tilespmem:v7+s15+$0x0], $0xffff  }
0x2a3: {  	[tilespmem:s26+$0xFFFFFD50] =	vst v28;
	v28 =	vadd.s32 $0x1770, v7;
	v18 =	vld.idx.msk [tilespmem:v18+s15+$0x0], $0xffff  }
0x2a4: {  	[tilespmem:s26+$0xFFFFFDD0] =	vst v26;
	v7 =	vadd.s32 $0x1B58, v7;
	v20 =	vld.idx.msk [tilespmem:v20+s15+$0x0], $0xffff  }
0x2a5: {  	[tilespmem:s26+$0xFFFFFE50] =	vst v17;
	v8 =	vadd.s32 $0x3E8, v53;
	v17 =	vld.idx.msk [tilespmem:v30+s15+$0x0], $0xffff  }
0x2a6: {  	[tilespmem:s26+$0xFFFFFED0] =	vst v25;
	v26 =	vadd.s32 $0x7D0, v53;
	v25 =	vld.idx.msk [tilespmem:v31+s15+$0x0], $0xffff  }
0x2a7: {  	[tilespmem:s26+$0xFFFFFF50] =	vst v22;
	v56 =	vadd.s32 $0x1B58, v53;
	v22 =	vld.idx.msk [tilespmem:v54+s15+$0x0], $0xffff  }
0x2a8: {  	[tilespmem:s26+$0xFFFFFFD0] =	vst v19;
	v30 =	vadd.s32 $0xBB8, v53;
	v19 =	vld.idx.msk [tilespmem:v28+s15+$0x0], $0xffff  }
0x2a9: {  	v31 =	vadd.s32 $0xFA0, v53;
	v7 =	vld.idx.msk [tilespmem:v7+s15+$0x0], $0xffff;
	[tilespmem:s6+$0x20] =	vst v29  }
0x2aa: {  	v8 =	vld.idx.msk [tilespmem:v8+s15+$0x0], $0xffff;
	v28 =	vadd.s32 $0x1770, v53;
	[tilespmem:s6+$0xA0] =	vst v18  }
0x2ab: {  	v55 =	vadd.s32 $0x1388, v53;
	v26 =	vld.idx.msk [tilespmem:v26+s15+$0x0], $0xffff;
	[tilespmem:s6+$0x120] =	vst v20  }
0x2ac: {  	v57 =	vld.idx.msk [tilespmem:v56+s15+$0x0], $0xffff;
	[tilespmem:s6+$0x1A0] =	vst v17  }
0x2ad: {  	v29 =	vld.idx.msk [tilespmem:v30+s15+$0x0], $0xffff;
	v30 =	vadd.s32 $0x3E8, v21;
	[tilespmem:s6+$0x220] =	vst v25  }
0x2ae: {  	v18 =	vld.idx.msk [tilespmem:v31+s15+$0x0], $0xffff;
	v31 =	vadd.s32 $0x7D0, v21;
	[tilespmem:s6+$0x2A0] =	vst v22  }
0x2af: {  	v17 =	vld.idx.msk [tilespmem:v28+s15+$0x0], $0xffff;
	v28 =	vadd.s32 $0xBB8, v21;
	[tilespmem:s6+$0x320] =	vst v19  }
0x2b0: {  	v20 =	vld.idx.msk [tilespmem:v55+s15+$0x0], $0xffff;
	v25 =	vadd.s32 $0xFA0, v21;
	[tilespmem:s6+$0x3A0] =	vst v7  }
0x2b1: {  	v22 =	vadd.s32 $0x1388, v21;
	[tilespmem:s6+$0xFFFFFC90] =	vst v8;
	v8 =	vld [tilespmem:s0+$0x30]  }
0x2b2: {  	[tilespmem:s26+$0xFFFFFC50] =	vst v51;
	v7 =	vadd.s32 $0x1B58, v21;
	v30 =	vld.idx.msk [tilespmem:v30+s15+$0x0], $0xffff  }
0x2b3: {  	[tilespmem:s6+$0xFFFFFD10] =	vst v26;
	v31 =	vld.idx.msk [tilespmem:v31+s15+$0x0], $0xffff  }
0x2b4: {  	v19 =	vadd.s32 $0x1770, v21;
	[tilespmem:s6+$0xFFFFFF90] =	vst v57;
	v28 =	vld.idx.msk [tilespmem:v28+s15+$0x0], $0xffff  }
0x2b5: {  	[tilespmem:s6+$0xFFFFFC10] =	vst v9;
	v25 =	vld.idx.msk [tilespmem:v25+s15+$0x0], $0xffff  }
0x2b6: {  	[tilespmem:s6+$0xFFFFFD90] =	vst v29;
	v26 =	vld.idx.msk [tilespmem:v22+s15+$0x0], $0xffff  }
0x2b7: {  	[tilespmem:s6+$0xFFFFFE90] =	vst v20;
	v20 =	vld.idx.msk [tilespmem:v7+s15+$0x0], $0xffff;
	v7 =	vadd.s32 $0x3E8, v8  }
0x2b8: {  	[tilespmem:s6+$0xFFFFFF10] =	vst v17;
	v17 =	vld.idx.msk [tilespmem:v21+s15+$0x0], $0xffff;
	v21 =	vadd.s32 $0x7D0, v8  }
0x2b9: {  	[tilespmem:s6+$0xFFFFFE10] =	vst v18;
	v19 =	vld.idx.msk [tilespmem:v19+s15+$0x0], $0xffff;
	v9 =	vadd.s32 $0xBB8, v8  }
0x2ba: {  	v29 =	vld [tilespmem:s0+$0xFFFFFFA0];
	v22 =	vadd.s32 $0xFA0, v8;
	[tilespmem:s29+$0xFFFFFCC0] =	vst v30  }
0x2bb: {  	v59 =	vadd.s32 $0x1388, v8;
	[tilespmem:s29+$0xFFFFFD40] =	vst v31;
	v58 =	vld.idx.msk [tilespmem:v8+s15+$0x0], $0xffff  }
0x2bc: {  	v60 =	vadd.s32 $0x1770, v8;
	[tilespmem:s29+$0xFFFFFDC0] =	vst v28;
	v7 =	vld.idx.msk [tilespmem:v7+s15+$0x0], $0xffff  }
0x2bd: {  	[tilespmem:s29+$0xFFFFFE40] =	vst v25;
	v8 =	vadd.s32 $0x1B58, v8;
	v21 =	vld.idx.msk [tilespmem:v21+s15+$0x0], $0xffff  }
0x2be: {  	[tilespmem:s29+$0xFFFFFEC0] =	vst v26;
	v62 =	vld.idx.msk [tilespmem:v9+s15+$0x0], $0xffff  }
0x2bf: {  	[tilespmem:s29+$0xFFFFFF40] =	vst v19;
	v63 =	vld.idx.msk [tilespmem:v22+s15+$0x0], $0xffff  }
0x2c0: {  	[tilespmem:s29+$0xFFFFFC40] =	vst v17;
	v30 =	vld.idx.msk [tilespmem:v59+s15+$0x0], $0xffff  }
0x2c1: {  	v40 =	vadd.s32 $0x3E8, v29;
	[tilespmem:s29+$0xFFFFFFC0] =	vst v20;
	v31 =	vld.idx.msk [tilespmem:v60+s15+$0x0], $0xffff  }
0x2c2: {  	v41 =	vadd.s32 $0x7D0, v29;
	v28 =	vld.idx.msk [tilespmem:v8+s15+$0x0], $0xffff;
	[tilespmem:s6+$0x30] =	vst v58  }
0x2c3: {  	v18 =	vld [tilespmem:s28+$0xFFFFFFE0];
	v44 =	vadd.s32 $0x1388, v29;
	[tilespmem:s6+$0xB0] =	vst v7  }
0x2c4: {  	v61 =	vadd.s32 $0x3E8, v16;
	v43 =	vld.idx.msk [tilespmem:v29+s15+$0x0], $0xffff;
	[tilespmem:s6+$0x130] =	vst v21  }
0x2c5: {  	v34 =	vld [tilespmem:s30+$0xFFFFFFD0];
	[tilespmem:s6+$0x1B0] =	vst v62  }
0x2c6: {  	v45 =	vld.idx.msk [tilespmem:v40+s15+$0x0], $0xffff;
	[tilespmem:s6+$0x230] =	vst v63  }
0x2c7: {  	v22 =	vadd.s32 $0xBB8, v16;
	v32 =	vld.idx.msk [tilespmem:v41+s15+$0x0], $0xffff;
	[tilespmem:s6+$0x2B0] =	vst v30  }
0x2c8: {  	v42 =	vadd.s32 $0xBB8, v29;
	v36 =	vld.idx.msk [tilespmem:v44+s15+$0x0], $0xffff;
	[tilespmem:s6+$0x330] =	vst v31  }
0x2c9: {  	v8 =	vld.idx.msk [tilespmem:v61+s15+$0x0], $0xffff;
	v21 =	vadd.s32 $0xFA0, v29;
	[tilespmem:s6+$0x3B0] =	vst v28  }
0x2ca: {  	s10 =	sadd.s32 $0x100, s0;
	v30 =	vadd.s32 $0x1770, v29;
	v29 =	vadd.s32 $0x1B58, v29;
	v25 =	vld [tilespmem:s0+$0x40]  }
0x2cb: {  	v61 =	vld [tilespmem:s10+$0x0];
	v28 =	vadd.s32 $0x3E8, v18  }
0x2cc: {  	v39 =	vadd.s32 $0xFA0, v16;
	v7 =	vld.idx.msk [tilespmem:v22+s15+$0x0], $0xffff  }
0x2cd: {  	v31 =	vld.idx.msk [tilespmem:v42+s15+$0x0], $0xffff  }
0x2ce: {  	v26 =	vld.idx.msk [tilespmem:v21+s15+$0x0], $0xffff  }
0x2cf: {  	v17 =	vld.idx.msk [tilespmem:v29+s15+$0x0], $0xffff;
	v29 =	vadd.s32 $0x3E8, v25  }
0x2d0: {  	[tilespmem:s24+$0xFFFFFE60] =	vst v4;
	v21 =	vld.idx.msk [tilespmem:v28+s15+$0x0], $0xffff;
	v28 =	vadd.s32 $0x7D0, v25  }
0x2d1: {  	[tilespmem:s24+$0xFFFFFF60] =	vst v6;
	v22 =	vld.idx.msk [tilespmem:v39+s15+$0x0], $0xffff;
	v47 =	vadd.s32 $0xBB8, v25  }
0x2d2: {  	[tilespmem:s24+$0xFFFFFFE0] =	vst v10;
	v30 =	vld.idx.msk [tilespmem:v30+s15+$0x0], $0xffff;
	v48 =	vadd.s32 $0xFA0, v25  }
0x2d3: {  	[tilespmem:s6+$0xFFFFFCA0] =	vst v45;
	v50 =	vadd.s32 $0x1388, v25;
	v49 =	vld.idx.msk [tilespmem:v25+s15+$0x0], $0xffff  }
0x2d4: {  	[tilespmem:s6+$0xFFFFFD20] =	vst v32;
	v51 =	vadd.s32 $0x1770, v25;
	v29 =	vld.idx.msk [tilespmem:v29+s15+$0x0], $0xffff  }
0x2d5: {  	[tilespmem:s6+$0xFFFFFDA0] =	vst v31;
	v25 =	vadd.s32 $0x1B58, v25;
	v28 =	vld.idx.msk [tilespmem:v28+s15+$0x0], $0xffff  }
0x2d6: {  	v46 =	vadd.s32 $0x7D0, v18;
	[tilespmem:s6+$0xFFFFFC20] =	vst v43;
	v35 =	vld.idx.msk [tilespmem:v47+s15+$0x0], $0xffff  }
0x2d7: {  	[tilespmem:s6+$0xFFFFFE20] =	vst v26;
	v52 =	vld.idx.msk [tilespmem:v48+s15+$0x0], $0xffff  }
0x2d8: {  	v19 =	vadd.s32 $0xBB8, v18;
	[tilespmem:s6+$0xFFFFFF20] =	vst v30;
	v39 =	vld.idx.msk [tilespmem:v50+s15+$0x0], $0xffff  }
0x2d9: {  	v9 =	vadd.s32 $0x7D0, v16;
	[tilespmem:s6+$0xFFFFFFA0] =	vst v17;
	v32 =	vld.idx.msk [tilespmem:v51+s15+$0x0], $0xffff  }
0x2da: {  	v4 =	vadd.s32 $0x3E8, v61;
	v54 =	vld.idx.msk [tilespmem:v25+s15+$0x0], $0xffff;
	[tilespmem:s6+$0x40] =	vst v49  }
0x2db: {  	v20 =	vld.idx.msk [tilespmem:v46+s15+$0x0], $0xffff;
	v6 =	vadd.s32 $0xBB8, v61;
	[tilespmem:s6+$0xC0] =	vst v29  }
0x2dc: {  	v53 =	vadd.s32 $0x1770, v18;
	v43 =	vld [tilespmem:s10+$0xFFFFFF80];
	[tilespmem:s6+$0x140] =	vst v28  }
0x2dd: {  	v19 =	vld.idx.msk [tilespmem:v19+s15+$0x0], $0xffff;
	[tilespmem:s6+$0x1C0] =	vst v35  }
0x2de: {  	v9 =	vld.idx.msk [tilespmem:v9+s15+$0x0], $0xffff;
	[tilespmem:s6+$0x240] =	vst v52  }
0x2df: {  	v4 =	vld.idx.msk [tilespmem:v4+s15+$0x0], $0xffff;
	[tilespmem:s6+$0x2C0] =	vst v39  }
0x2e0: {  	v6 =	vld.idx.msk [tilespmem:v6+s15+$0x0], $0xffff;
	v26 =	vadd.s32 $0x1388, v18;
	[tilespmem:s6+$0x340] =	vst v32  }
0x2e1: {  	v30 =	vadd.s32 $0x3E8, v34;
	v17 =	vld.idx.msk [tilespmem:v53+s15+$0x0], $0xffff;
	[tilespmem:s6+$0x3C0] =	vst v54  }
0x2e2: {  	[tilespmem:s6+$0xFFFFFEA0] =	vst v36;
	v10 =	vadd.s32 $0xFA0, v43;
	v39 =	vld [tilespmem:s0+$0x50]  }
0x2e3: {  	v55 =	vadd.s32 $0xBB8, v34;
	v41 =	vld [tilespmem:s0+$0xFFFFFFB0]  }
0x2e4: {  	v56 =	vadd.s32 $0xFA0, v34;
	v50 =	vld.idx.msk [tilespmem:v43+s15+$0x0], $0xffff  }
0x2e5: {  	v57 =	vadd.s32 $0x1388, v34;
	v26 =	vld.idx.msk [tilespmem:v26+s15+$0x0], $0xffff  }
0x2e6: {  	v30 =	vld.idx.msk [tilespmem:v30+s15+$0x0], $0xffff  }
0x2e7: {  	[tilespmem:s24+$0xFFFFFCE0] =	vst v1;
	v10 =	vld.idx.msk [tilespmem:v10+s15+$0x0], $0xffff;
	v44 =	vadd.s32 $0x3E8, v39  }
0x2e8: {  	[tilespmem:s24+$0xFFFFFD60] =	vst v2;
	v29 =	vld.idx.msk [tilespmem:v55+s15+$0x0], $0xffff;
	v45 =	vadd.s32 $0x7D0, v39  }
0x2e9: {  	[tilespmem:s24+$0xFFFFFDE0] =	vst v3;
	v28 =	vld.idx.msk [tilespmem:v56+s15+$0x0], $0xffff;
	v46 =	vadd.s32 $0xBB8, v39  }
0x2ea: {  	[tilespmem:s24+$0xFFFFFEE0] =	vst v5;
	v32 =	vld.idx.msk [tilespmem:v57+s15+$0x0], $0xffff;
	v63 =	vadd.s32 $0xFA0, v39  }
0x2eb: {  	[tilespmem:s24+$0xFFFFFC60] =	vst v15;
	v48 =	vadd.s32 $0x1388, v39;
	v47 =	vld.idx.msk [tilespmem:v39+s15+$0x0], $0xffff  }
0x2ec: {  	[tilespmem:s29+$0x3F0] =	vst v27;
	v51 =	vadd.s32 $0x1770, v39;
	v27 =	vld.idx.msk [tilespmem:v44+s15+$0x0], $0xffff  }
0x2ed: {  	[tilespmem:s29+$0xF0] =	vst v11;
	v39 =	vadd.s32 $0x1B58, v39;
	v1 =	vld.idx.msk [tilespmem:v45+s15+$0x0], $0xffff  }
0x2ee: {  	[tilespmem:s29+$0x170] =	vst v12;
	v52 =	vld.idx.msk [tilespmem:v46+s15+$0x0], $0xffff  }
0x2ef: {  	[tilespmem:s29+$0x1F0] =	vst v13;
	v58 =	vadd.s32 $0x3E8, v41;
	v3 =	vld.idx.msk [tilespmem:v63+s15+$0x0], $0xffff  }
0x2f0: {  	[tilespmem:s29+$0x270] =	vst v24;
	v59 =	vadd.s32 $0x7D0, v41;
	v53 =	vld.idx.msk [tilespmem:v48+s15+$0x0], $0xffff  }
0x2f1: {  	[tilespmem:s29+$0x70] =	vst v0;
	v60 =	vadd.s32 $0xBB8, v41;
	v44 =	vld.idx.msk [tilespmem:v51+s15+$0x0], $0xffff  }
0x2f2: {  	v5 =	vadd.s32 $0x7D0, v61;
	v39 =	vld.idx.msk [tilespmem:v39+s15+$0x0], $0xffff;
	[tilespmem:s6+$0x50] =	vst v47  }
0x2f3: {  	v55 =	vld.idx.msk [tilespmem:v61+s15+$0x0], $0xffff;
	v56 =	vadd.s32 $0x1388, v61;
	[tilespmem:s6+$0xD0] =	vst v27  }
0x2f4: {  	v37 =	vld.idx.msk [tilespmem:v58+s15+$0x0], $0xffff;
	v54 =	vadd.s32 $0xFA0, v61;
	[tilespmem:s6+$0x150] =	vst v1  }
0x2f5: {  	v38 =	vld.idx.msk [tilespmem:v59+s15+$0x0], $0xffff;
	[tilespmem:s6+$0x1D0] =	vst v52  }
0x2f6: {  	v36 =	vld.idx.msk [tilespmem:v60+s15+$0x0], $0xffff;
	v27 =	vadd.s32 $0x1770, v61;
	[tilespmem:s6+$0x250] =	vst v3  }
0x2f7: {  	v1 =	vld.idx.msk [tilespmem:v5+s15+$0x0], $0xffff;
	v5 =	vadd.s32 $0x1B58, v61;
	[tilespmem:s6+$0x2D0] =	vst v53  }
0x2f8: {  	v15 =	vadd.s32 $0x1388, v43;
	v59 =	vld.idx.msk [tilespmem:v56+s15+$0x0], $0xffff;
	[tilespmem:s6+$0x350] =	vst v44  }
0x2f9: {  	v11 =	vadd.s32 $0x1770, v43;
	v57 =	vld.idx.msk [tilespmem:v54+s15+$0x0], $0xffff;
	[tilespmem:s6+$0x3D0] =	vst v39  }
0x2fa: {  	[tilespmem:s29+$0x2F0] =	vst v23;
	v3 =	vadd.s32 $0x3E8, v43;
	v39 =	vld [tilespmem:s0+$0x60]  }
0x2fb: {  	s12 =	simm.s32 $0x8B40;
	[tilespmem:s29+$0x370] =	vst v14;
	v58 =	vadd.s32 $0x7D0, v43;
	v27 =	vld.idx.msk [tilespmem:v27+s15+$0x0], $0xffff  }
0x2fc: {  	v60 =	vadd.s32 $0xBB8, v43;
	v5 =	vld.idx.msk [tilespmem:v5+s15+$0x0], $0xffff;
	[tilespmem:s12+$0x0] =	vst v55  }
0x2fd: {  	v31 =	vadd.s32 $0xFA0, v18;
	v15 =	vld.idx.msk [tilespmem:v15+s15+$0x0], $0xffff;
	[tilespmem:s12+$0x80] =	vst v4  }
0x2fe: {  	v11 =	vld.idx.msk [tilespmem:v11+s15+$0x0], $0xffff;
	v62 =	vadd.s32 $0xFA0, v41;
	[tilespmem:s12+$0x100] =	vst v1  }
0x2ff: {  	v61 =	vld.idx.msk [tilespmem:v3+s15+$0x0], $0xffff;
	v3 =	vadd.s32 $0x1B58, v43;
	[tilespmem:s12+$0x180] =	vst v6  }
0x300: {  	v12 =	vld.idx.msk [tilespmem:v58+s15+$0x0], $0xffff;
	[tilespmem:s12+$0x200] =	vst v57  }
0x301: {  	v13 =	vld.idx.msk [tilespmem:v60+s15+$0x0], $0xffff;
	[tilespmem:s12+$0x280] =	vst v59;
	v24 =	vadd.s32 $0x3E8, v39  }
0x302: {  	v25 =	vld.idx.msk [tilespmem:v31+s15+$0x0], $0xffff;
	v23 =	vadd.s32 $0x7D0, v39;
	[tilespmem:s12+$0x300] =	vst v27  }
0x303: {  	v35 =	vld.idx.msk [tilespmem:v62+s15+$0x0], $0xffff;
	v14 =	vadd.s32 $0xBB8, v39;
	[tilespmem:s12+$0x380] =	vst v5  }
0x304: {  	v63 =	vadd.s32 $0x1388, v39;
	v0 =	vld.idx.msk [tilespmem:v3+s15+$0x0], $0xffff;
	[tilespmem:s12+$0xFFFFFC80] =	vst v61  }
0x305: {  	v3 =	vadd.s32 $0xFA0, v39;
	[tilespmem:s12+$0xFFFFFD00] =	vst v12;
	v62 =	vld.idx.msk [tilespmem:v39+s15+$0x0], $0xffff  }
0x306: {  	[tilespmem:s12+$0xFFFFFD80] =	vst v13;
	v4 =	vld.idx.msk [tilespmem:v24+s15+$0x0], $0xffff;
	v24 =	vadd.s32 $0x1770, v39  }
0x307: {  	[tilespmem:s12+$0xFFFFFE00] =	vst v10;
	v1 =	vld.idx.msk [tilespmem:v23+s15+$0x0], $0xffff;
	v23 =	vadd.s32 $0x1B58, v39  }
0x308: {  	[tilespmem:s12+$0xFFFFFE80] =	vst v15;
	v6 =	vld.idx.msk [tilespmem:v14+s15+$0x0], $0xffff  }
0x309: {  	[tilespmem:s12+$0xFFFFFF00] =	vst v11;
	v47 =	vld.idx.msk [tilespmem:v63+s15+$0x0], $0xffff  }
0x30a: {  	v2 =	vadd.s32 $0x1388, v41;
	[tilespmem:s12+$0xFFFFFC00] =	vst v50;
	v3 =	vld.idx.msk [tilespmem:v3+s15+$0x0], $0xffff  }
0x30b: {  	v14 =	vadd.s32 $0x1770, v41;
	[tilespmem:s12+$0xFFFFFF80] =	vst v0;
	v24 =	vld.idx.msk [tilespmem:v24+s15+$0x0], $0xffff  }
0x30c: {  	v48 =	vadd.s32 $0x1B58, v41;
	v5 =	vld.idx.msk [tilespmem:v23+s15+$0x0], $0xffff;
	[tilespmem:s6+$0x60] =	vst v62  }
0x30d: {  	v33 =	vld.idx.msk [tilespmem:v41+s15+$0x0], $0xffff;
	[tilespmem:s6+$0xE0] =	vst v4  }
0x30e: {  	v31 =	vadd.s32 $0x7D0, v34;
	v49 =	vld [tilespmem:s10+$0x10];
	[tilespmem:s6+$0x160] =	vst v1  }
0x30f: {  	v2 =	vld.idx.msk [tilespmem:v2+s15+$0x0], $0xffff;
	v27 =	vadd.s32 $0x1770, v34;
	[tilespmem:s6+$0x1E0] =	vst v6  }
0x310: {  	v51 =	vld.idx.msk [tilespmem:v14+s15+$0x0], $0xffff;
	[tilespmem:s6+$0x2E0] =	vst v47  }
0x311: {  	v1 =	vld.idx.msk [tilespmem:v48+s15+$0x0], $0xffff;
	[tilespmem:s6+$0xFFFFFCB0] =	vst v37  }
0x312: {  	v58 =	vld [tilespmem:s10+$0xFFFFFF90];
	v23 =	vadd.s32 $0x1B58, v34;
	[tilespmem:s6+$0xFFFFFD30] =	vst v38  }
0x313: {  	v31 =	vld.idx.msk [tilespmem:v31+s15+$0x0], $0xffff;
	v4 =	vadd.s32 $0x1B58, v18;
	[tilespmem:s6+$0xFFFFFDB0] =	vst v36  }
0x314: {  	v6 =	vld.idx.msk [tilespmem:v27+s15+$0x0], $0xffff;
	v14 =	vadd.s32 $0x3E8, v49;
	[tilespmem:s6+$0xFFFFFE30] =	vst v35  }
0x315: {  	v34 =	vld.idx.msk [tilespmem:v34+s15+$0x0], $0xffff;
	[tilespmem:s6+$0xFFFFFEB0] =	vst v2  }
0x316: {  	v53 =	vld.idx.msk [tilespmem:v49+s15+$0x0], $0xffff;
	[tilespmem:s6+$0xFFFFFC30] =	vst v33  }
0x317: {  	[tilespmem:s6+$0x260] =	vst v3;
	v52 =	vld.idx.msk [tilespmem:v23+s15+$0x0], $0xffff  }
0x318: {  	v60 =	vadd.s32 $0xBB8, v58;
	[tilespmem:s6+$0x360] =	vst v24;
	v3 =	vld.idx.msk [tilespmem:v4+s15+$0x0], $0xffff  }
0x319: {  	v23 =	vadd.s32 $0x7D0, v49;
	[tilespmem:s6+$0x3E0] =	vst v5;
	v13 =	vld.idx.msk [tilespmem:v14+s15+$0x0], $0xffff  }
0x31a: {  	v24 =	vadd.s32 $0xBB8, v49;
	[tilespmem:s6+$0xFFFFFF30] =	vst v51;
	v61 =	vld.idx.msk [tilespmem:v58+s15+$0x0], $0xffff  }
0x31b: {  	v4 =	vadd.s32 $0xFA0, v49;
	[tilespmem:s6+$0xFFFFFFB0] =	vst v1;
	v27 =	vld [tilespmem:s0+$0x70]  }
0x31c: {  	v5 =	vadd.s32 $0x1388, v49;
	[tilespmem:s29+$0xFFFFFCD0] =	vst v30;
	v30 =	vld [tilespmem:s0+$0xFFFFFFC0]  }
0x31d: {  	v12 =	vadd.s32 $0x1770, v49;
	v36 =	vld.idx.msk [tilespmem:v60+s15+$0x0], $0xffff  }
0x31e: {  	v14 =	vadd.s32 $0x1B58, v49;
	v10 =	vld.idx.msk [tilespmem:v23+s15+$0x0], $0xffff  }
0x31f: {  	v1 =	vadd.s32 $0x3E8, v58;
	v23 =	vld.idx.msk [tilespmem:v24+s15+$0x0], $0xffff  }
0x320: {  	v4 =	vld.idx.msk [tilespmem:v4+s15+$0x0], $0xffff  }
0x321: {  	v0 =	vld.idx.msk [tilespmem:v5+s15+$0x0], $0xffff  }
0x322: {  	v24 =	vld.idx.msk [tilespmem:v12+s15+$0x0], $0xffff  }
0x323: {  	v2 =	vadd.s32 $0x1388, v16;
	v41 =	vld.idx.msk [tilespmem:v14+s15+$0x0], $0xffff  }
0x324: {  	[tilespmem:s12+$0x10] =	vst v53;
	v1 =	vld.idx.msk [tilespmem:v1+s15+$0x0], $0xffff;
	v11 =	vadd.s32 $0x1B58, v27  }
0x325: {  	[tilespmem:s12+$0x90] =	vst v13;
	v15 =	vadd.s32 $0x3E8, v27;
	v5 =	vld.idx.msk [tilespmem:v27+s15+$0x0], $0xffff  }
0x326: {  	v12 =	vadd.s32 $0x7D0, v27;
	[tilespmem:s12+$0x210] =	vst v4;
	v4 =	vld.idx.msk [tilespmem:v18+s15+$0x0], $0xffff  }
0x327: {  	[tilespmem:s12+$0x290] =	vst v0;
	v0 =	vld [tilespmem:s31+$0xFFFFFFF0]  }
0x328: {  	v54 =	vadd.s32 $0xBB8, v27;
	[tilespmem:s12+$0x190] =	vst v23;
	v23 =	vld.idx.msk [tilespmem:v2+s15+$0x0], $0xffff  }
0x329: {  	v55 =	vadd.s32 $0xFA0, v27;
	[tilespmem:s12+$0x110] =	vst v10;
	v57 =	vld.idx.msk [tilespmem:v11+s15+$0x0], $0xffff  }
0x32a: {  	v56 =	vadd.s32 $0x1388, v27;
	[tilespmem:s12+$0x310] =	vst v24;
	v14 =	vld.idx.msk [tilespmem:v15+s15+$0x0], $0xffff  }
0x32b: {  	v43 =	vadd.s32 $0x3E8, v30;
	[tilespmem:s12+$0x390] =	vst v41;
	v15 =	vld.idx.msk [tilespmem:v12+s15+$0x0], $0xffff  }
0x32c: {  	v44 =	vadd.s32 $0x7D0, v30;
	v2 =	vld [tilespmem:s10+$0x20]  }
0x32d: {  	v27 =	vadd.s32 $0x1770, v27;
	v12 =	vld.idx.msk [tilespmem:v54+s15+$0x0], $0xffff  }
0x32e: {  	v11 =	vld.idx.msk [tilespmem:v55+s15+$0x0], $0xffff  }
0x32f: {  	v18 =	vadd.s32 $0x7D0, v58;
	v13 =	vld.idx.msk [tilespmem:v56+s15+$0x0], $0xffff  }
0x330: {  	[tilespmem:s29+$0xFFFFFD50] =	vst v31;
	v46 =	vld.idx.msk [tilespmem:v43+s15+$0x0], $0xffff  }
0x331: {  	[tilespmem:s29+$0xFFFFFC50] =	vst v34;
	v34 =	vld.idx.msk [tilespmem:v44+s15+$0x0], $0xffff;
	v31 =	vadd.s32 $0x3E8, v2  }
0x332: {  	[tilespmem:s29+$0xFFFFFDD0] =	vst v29;
	v10 =	vld.idx.msk [tilespmem:v27+s15+$0x0], $0xffff;
	v29 =	vadd.s32 $0x7D0, v2  }
0x333: {  	v59 =	vadd.s32 $0x1B58, v16;
	[tilespmem:s29+$0xFFFFFE50] =	vst v28;
	v27 =	vadd.s32 $0x1770, v16;
	v16 =	vld.idx.msk [tilespmem:v16+s15+$0x0], $0xffff;
	v28 =	vadd.s32 $0xBB8, v2  }
0x334: {  	[tilespmem:s29+$0xFFFFFED0] =	vst v32;
	v18 =	vld.idx.msk [tilespmem:v18+s15+$0x0], $0xffff;
	v62 =	vadd.s32 $0xFA0, v2  }
0x335: {  	[tilespmem:s29+$0xFFFFFF50] =	vst v6;
	v63 =	vadd.s32 $0x1388, v2;
	v6 =	vld.idx.msk [tilespmem:v2+s15+$0x0], $0xffff  }
0x336: {  	[tilespmem:s29+$0xFFFFFFD0] =	vst v52;
	v40 =	vadd.s32 $0x1770, v2;
	v31 =	vld.idx.msk [tilespmem:v31+s15+$0x0], $0xffff  }
0x337: {  	[tilespmem:s26+$0xFFFFFCE0] =	vst v21;
	v2 =	vadd.s32 $0x1B58, v2;
	v29 =	vld.idx.msk [tilespmem:v29+s15+$0x0], $0xffff  }
0x338: {  	v41 =	vadd.s32 $0xFA0, v58;
	[tilespmem:s26+$0xFFFFFD60] =	vst v20;
	v21 =	vld.idx.msk [tilespmem:v28+s15+$0x0], $0xffff  }
0x339: {  	[tilespmem:s26+$0xFFFFFDE0] =	vst v19;
	v20 =	vld.idx.msk [tilespmem:v62+s15+$0x0], $0xffff  }
0x33a: {  	[tilespmem:s26+$0xFFFFFE60] =	vst v25;
	v19 =	vld.idx.msk [tilespmem:v63+s15+$0x0], $0xffff  }
0x33b: {  	[tilespmem:s26+$0xFFFFFEE0] =	vst v26;
	v28 =	vadd.s32 $0x1388, v58;
	v25 =	vld.idx.msk [tilespmem:v40+s15+$0x0], $0xffff  }
0x33c: {  	v42 =	vadd.s32 $0x1770, v58;
	v2 =	vld.idx.msk [tilespmem:v2+s15+$0x0], $0xffff;
	[tilespmem:s12+$0x20] =	vst v6  }
0x33d: {  	v35 =	vadd.s32 $0x1B58, v58;
	v26 =	vld.idx.msk [tilespmem:v41+s15+$0x0], $0xffff;
	[tilespmem:s12+$0xA0] =	vst v31  }
0x33e: {  	v45 =	vadd.s32 $0xFA0, v30;
	v24 =	vld.idx.msk [tilespmem:v27+s15+$0x0], $0xffff;
	[tilespmem:s12+$0x120] =	vst v29  }
0x33f: {  	v27 =	vld.idx.msk [tilespmem:v59+s15+$0x0], $0xffff;
	[tilespmem:s12+$0x1A0] =	vst v21  }
0x340: {  	v6 =	vld.idx.msk [tilespmem:v28+s15+$0x0], $0xffff;
	v28 =	vadd.s32 $0xBB8, v30;
	[tilespmem:s12+$0x220] =	vst v20  }
0x341: {  	v31 =	vld.idx.msk [tilespmem:v42+s15+$0x0], $0xffff;
	v21 =	vadd.s32 $0x1388, v30;
	[tilespmem:s12+$0x2A0] =	vst v19  }
0x342: {  	v29 =	vld.idx.msk [tilespmem:v35+s15+$0x0], $0xffff;
	v20 =	vadd.s32 $0x1770, v30;
	[tilespmem:s12+$0x320] =	vst v25  }
0x343: {  	v19 =	vadd.s32 $0x1B58, v30;
	v25 =	vld.idx.msk [tilespmem:v45+s15+$0x0], $0xffff;
	[tilespmem:s12+$0x3A0] =	vst v2  }
0x344: {  	[tilespmem:s12+$0xFFFFFC90] =	vst v1;
	v47 =	vld [tilespmem:s10+$0x30]  }
0x345: {  	[tilespmem:s12+$0xFFFFFD10] =	vst v18;
	v28 =	vld.idx.msk [tilespmem:v28+s15+$0x0], $0xffff  }
0x346: {  	v1 =	vadd.s32 $0x3E8, v0;
	[tilespmem:s12+$0xFFFFFD90] =	vst v36;
	v21 =	vld.idx.msk [tilespmem:v21+s15+$0x0], $0xffff  }
0x347: {  	[tilespmem:s12+$0xFFFFFE10] =	vst v26;
	v18 =	vld.idx.msk [tilespmem:v20+s15+$0x0], $0xffff  }
0x348: {  	[tilespmem:s12+$0xFFFFFC10] =	vst v61;
	v2 =	vadd.s32 $0x7D0, v0;
	v19 =	vld.idx.msk [tilespmem:v19+s15+$0x0], $0xffff  }
0x349: {  	v20 =	vld.idx.msk [tilespmem:v30+s15+$0x0], $0xffff;
	[tilespmem:s12+$0xFFFFFE90] =	vst v6  }
0x34a: {  	v6 =	vld [tilespmem:s30+$0xFFFFFFE0];
	[tilespmem:s12+$0xFFFFFF10] =	vst v31;
	v26 =	vadd.s32 $0x3E8, v47  }
0x34b: {  	v1 =	vld.idx.msk [tilespmem:v1+s15+$0x0], $0xffff;
	[tilespmem:s12+$0xFFFFFF90] =	vst v29;
	v29 =	vadd.s32 $0x7D0, v47  }
0x34c: {  	[tilespmem:s26+$0xFFFFFF60] =	vst v17;
	v17 =	vld [tilespmem:s10+$0xFFFFFFA0];
	v30 =	vadd.s32 $0xBB8, v47  }
0x34d: {  	[tilespmem:s26+$0xFFFFFFE0] =	vst v3;
	v2 =	vld.idx.msk [tilespmem:v2+s15+$0x0], $0xffff;
	v31 =	vadd.s32 $0xFA0, v47  }
0x34e: {  	[tilespmem:s26+$0xFFFFFC60] =	vst v4;
	v3 =	vadd.s32 $0x1388, v47;
	v48 =	vld.idx.msk [tilespmem:v47+s15+$0x0], $0xffff  }
0x34f: {  	[tilespmem:s6+$0x3F0] =	vst v57;
	v49 =	vadd.s32 $0x1770, v47;
	v26 =	vld.idx.msk [tilespmem:v26+s15+$0x0], $0xffff  }
0x350: {  	[tilespmem:s23+$0xFFFFFE70] =	vst v22;
	v32 =	vadd.s32 $0x1B58, v47;
	v29 =	vld.idx.msk [tilespmem:v29+s15+$0x0], $0xffff  }
0x351: {  	v50 =	vadd.s32 $0xBB8, v0;
	[tilespmem:s6+$0xFFFFFDC0] =	vst v28;
	v28 =	vld.idx.msk [tilespmem:v30+s15+$0x0], $0xffff  }
0x352: {  	[tilespmem:s6+$0xFFFFFE40] =	vst v25;
	v25 =	vld.idx.msk [tilespmem:v31+s15+$0x0], $0xffff  }
0x353: {  	[tilespmem:s6+$0xFFFFFEC0] =	vst v21;
	v59 =	vadd.s32 $0x1770, v6;
	v30 =	vld.idx.msk [tilespmem:v3+s15+$0x0], $0xffff  }
0x354: {  	[tilespmem:s6+$0xFFFFFF40] =	vst v18;
	v21 =	vadd.s32 $0x3E8, v17;
	v18 =	vld.idx.msk [tilespmem:v49+s15+$0x0], $0xffff  }
0x355: {  	[tilespmem:s6+$0xFFFFFFC0] =	vst v19;
	v31 =	vadd.s32 $0x7D0, v17;
	v19 =	vld.idx.msk [tilespmem:v32+s15+$0x0], $0xffff  }
0x356: {  	v51 =	vadd.s32 $0xBB8, v17;
	v3 =	vld.idx.msk [tilespmem:v50+s15+$0x0], $0xffff;
	[tilespmem:s12+$0x30] =	vst v48  }
0x357: {  	v52 =	vadd.s32 $0xFA0, v17;
	v54 =	vld.idx.msk [tilespmem:v17+s15+$0x0], $0xffff;
	[tilespmem:s12+$0xB0] =	vst v26  }
0x358: {  	v53 =	vadd.s32 $0x1388, v17;
	v22 =	vld.idx.msk [tilespmem:v59+s15+$0x0], $0xffff;
	[tilespmem:s12+$0x130] =	vst v29  }
0x359: {  	v21 =	vld.idx.msk [tilespmem:v21+s15+$0x0], $0xffff;
	[tilespmem:s12+$0x1B0] =	vst v28  }
0x35a: {  	v26 =	vadd.s32 $0x1770, v17;
	v29 =	vld.idx.msk [tilespmem:v31+s15+$0x0], $0xffff;
	[tilespmem:s12+$0x230] =	vst v25  }
0x35b: {  	v17 =	vadd.s32 $0x1B58, v17;
	v28 =	vld.idx.msk [tilespmem:v51+s15+$0x0], $0xffff;
	[tilespmem:s12+$0x2B0] =	vst v30  }
0x35c: {  	v25 =	vadd.s32 $0xFA0, v0;
	v31 =	vld.idx.msk [tilespmem:v52+s15+$0x0], $0xffff;
	[tilespmem:s12+$0x330] =	vst v18  }
0x35d: {  	v30 =	vld.idx.msk [tilespmem:v53+s15+$0x0], $0xffff;
	[tilespmem:s12+$0x3B0] =	vst v19  }
0x35e: {  	[tilespmem:s23+$0xFFFFFCF0] =	vst v8;
	v18 =	vadd.s32 $0x3E8, v6;
	v55 =	vld [tilespmem:s10+$0x40]  }
0x35f: {  	[tilespmem:s6+$0xFFFFFCC0] =	vst v46;
	v19 =	vadd.s32 $0x7D0, v6;
	v26 =	vld.idx.msk [tilespmem:v26+s15+$0x0], $0xffff  }
0x360: {  	[tilespmem:s6+$0xFFFFFD40] =	vst v34;
	v56 =	vadd.s32 $0xBB8, v6;
	v57 =	vld.idx.msk [tilespmem:v17+s15+$0x0], $0xffff  }
0x361: {  	[tilespmem:s6+$0xFFFFFC40] =	vst v20;
	v4 =	vld.idx.msk [tilespmem:v25+s15+$0x0], $0xffff  }
0x362: {  	v25 =	vadd.s32 $0xFA0, v6;
	[tilespmem:s12+$0xFFFFFD20] =	vst v29;
	v29 =	vld [tilespmem:s0+$0xFFFFFFD0]  }
0x363: {  	[tilespmem:s12+$0xFFFFFDA0] =	vst v28;
	v20 =	vld.idx.msk [tilespmem:v18+s15+$0x0], $0xffff;
	v28 =	vadd.s32 $0x3E8, v55  }
0x364: {  	v17 =	vld.idx.msk [tilespmem:v19+s15+$0x0], $0xffff;
	[tilespmem:s12+$0xFFFFFEA0] =	vst v30;
	v30 =	vadd.s32 $0x7D0, v55  }
0x365: {  	[tilespmem:s23+$0xFFFFFD70] =	vst v9;
	v18 =	vld.idx.msk [tilespmem:v56+s15+$0x0], $0xffff;
	v58 =	vadd.s32 $0x1388, v55  }
0x366: {  	[tilespmem:s12+$0xFFFFFE20] =	vst v31;
	v31 =	vld.idx.msk [tilespmem:v55+s15+$0x0], $0xffff  }
0x367: {  	[tilespmem:s12+$0xFFFFFCA0] =	vst v21;
	v19 =	vld.idx.msk [tilespmem:v25+s15+$0x0], $0xffff;
	v25 =	vadd.s32 $0xBB8, v55  }
0x368: {  	[tilespmem:s12+$0xFFFFFF20] =	vst v26;
	v26 =	vadd.s32 $0xFA0, v55;
	v8 =	vld.idx.msk [tilespmem:v28+s15+$0x0], $0xffff  }
0x369: {  	[tilespmem:s12+$0xFFFFFC20] =	vst v54;
	v28 =	vadd.s32 $0x1770, v55;
	v9 =	vld.idx.msk [tilespmem:v30+s15+$0x0], $0xffff  }
0x36a: {  	[tilespmem:s12+$0xFFFFFFA0] =	vst v57;
	v30 =	vadd.s32 $0x1B58, v55;
	v60 =	vld.idx.msk [tilespmem:v58+s15+$0x0], $0xffff  }
0x36b: {  	[tilespmem:s23+$0xFFFFFDF0] =	vst v7;
	v21 =	vadd.s32 $0x1388, v6;
	v35 =	vld [tilespmem:s10+$0xFFFFFFB0]  }
0x36c: {  	[tilespmem:s23+$0xFFFFFEF0] =	vst v23;
	v23 =	vadd.s32 $0x7D0, v29;
	v7 =	vld.idx.msk [tilespmem:v25+s15+$0x0], $0xffff  }
0x36d: {  	[tilespmem:s23+$0xFFFFFF70] =	vst v24;
	v25 =	vld.idx.msk [tilespmem:v26+s15+$0x0], $0xffff;
	v26 =	vadd.s32 $0x3E8, v29  }
0x36e: {  	[tilespmem:s23+$0xFFFFFFF0] =	vst v27;
	v61 =	vadd.s32 $0xBB8, v29;
	v28 =	vld.idx.msk [tilespmem:v28+s15+$0x0], $0xffff  }
0x36f: {  	v62 =	vadd.s32 $0xFA0, v29;
	v33 =	vld.idx.msk [tilespmem:v30+s15+$0x0], $0xffff;
	[tilespmem:s12+$0x40] =	vst v31  }
0x370: {  	v21 =	vld.idx.msk [tilespmem:v21+s15+$0x0], $0xffff;
	v63 =	vadd.s32 $0x1388, v29;
	[tilespmem:s12+$0xC0] =	vst v8  }
0x371: {  	v24 =	vld.idx.msk [tilespmem:v23+s15+$0x0], $0xffff;
	[tilespmem:s12+$0x140] =	vst v9  }
0x372: {  	[tilespmem:s12+$0x2C0] =	vst v60;
	v27 =	vld.idx.msk [tilespmem:v26+s15+$0x0], $0xffff  }
0x373: {  	v23 =	vadd.s32 $0x1B58, v6;
	v8 =	vadd.s32 $0x1388, v0;
	v9 =	vadd.s32 $0x1770, v0;
	[tilespmem:s12+$0x240] =	vst v25;
	v25 =	vld.idx.msk [tilespmem:v61+s15+$0x0], $0xffff  }
0x374: {  	v30 =	vadd.s32 $0x1770, v29;
	v31 =	vadd.s32 $0x1B58, v29;
	v38 =	vadd.s32 $0x3E8, v35;
	[tilespmem:s12+$0x1C0] =	vst v7;
	v26 =	vld.idx.msk [tilespmem:v62+s15+$0x0], $0xffff  }
0x375: {  	s25 =	sor.u32 $0x10F0, s25;
	s14 =	sadd.s32 $0x100, s10;
	s31 =	simm.s32 $0xA;
	v37 =	vadd.s32 $0x7D0, v35;
	v36 =	vadd.s32 $0xBB8, v35;
	v7 =	vadd.s32 $0x1B58, v0;
	[tilespmem:s12+$0x340] =	vst v28;
	v28 =	vld.idx.msk [tilespmem:v63+s15+$0x0], $0xffff  }
.LBB2_7:
0x376: {  	v39 =	vld [tilespmem:s14+$0x0];
	v40 =	vadd.s32 $0xFA0, v35;
	v41 =	vadd.s32 $0x1388, v35;
	v32 =	vadd.s32 $0x1770, v35;
	[tilespmem:s12+$0x3C0] =	vst v33  }
0x377: {  	v33 =	vadd.s32 $0x1B58, v35;
	v42 =	vld [tilespmem:s10+$0x50];
	[tilespmem:s6+$0xF0] =	vst v14  }
0x378: {  	v34 =	vld [tilespmem:s14+$0xFFFFFF80];
	[tilespmem:s6+$0x170] =	vst v15  }
0x379: {  	v35 =	vld.idx.msk [tilespmem:v35+s15+$0x0], $0xffff;
	[tilespmem:s6+$0x1F0] =	vst v12  }
0x37a: {  	v12 =	vld.idx.msk [tilespmem:v38+s15+$0x0], $0xffff;
	[tilespmem:s6+$0x270] =	vst v11  }
0x37b: {  	v14 =	vld.idx.msk [tilespmem:v37+s15+$0x0], $0xffff;
	[tilespmem:s6+$0x2F0] =	vst v13  }
0x37c: {  	v11 =	vld.idx.msk [tilespmem:v36+s15+$0x0], $0xffff;
	v15 =	vadd.s32 $0x3E8, v42;
	[tilespmem:s6+$0x370] =	vst v10  }
0x37d: {  	v38 =	vadd.s32 $0x7D0, v42;
	v36 =	vadd.s32 $0x3E8, v34;
	v37 =	vadd.s32 $0x7D0, v34;
	v10 =	vld.idx.msk [tilespmem:v40+s15+$0x0], $0xffff;
	[tilespmem:s23+$0xFFFFFC70] =	vst v16;
	s23 =	smov.u32 s24;
	s24 =	smov.u32 s26;
	s26 =	smov.u32 s29  }
0x37e: {  	v16 =	vadd.s32 $0xBB8, v34;
	v40 =	vadd.s32 $0xFA0, v34;
	s29 =	smov.u32 s6;
	v13 =	vld.idx.msk [tilespmem:v41+s15+$0x0], $0xffff;
	v41 =	vadd.s32 $0xBB8, v42;
	[tilespmem:s6+$0x70] =	vst v5;
	s6 =	smov.u32 s12  }
0x37f: {  	v45 =	vadd.s32 $0xFA0, v42;
	v43 =	vadd.s32 $0x1770, v34;
	v5 =	vadd.s32 $0x1388, v34;
	v44 =	vld.idx.msk [tilespmem:v39+s15+$0x0], $0xffff  }
0x380: {  	v48 =	vadd.s32 $0x1388, v42;
	v46 =	vadd.s32 $0x1B58, v34;
	v47 =	vld.idx.msk [tilespmem:v42+s15+$0x0], $0xffff  }
0x381: {  	v49 =	vadd.s32 $0x1770, v42;
	v15 =	vld.idx.msk [tilespmem:v15+s15+$0x0], $0xffff  }
0x382: {  	v42 =	vadd.s32 $0x1B58, v42;
	v38 =	vld.idx.msk [tilespmem:v38+s15+$0x0], $0xffff  }
0x383: {  	v50 =	vadd.s32 $0x3E8, v39;
	v41 =	vld.idx.msk [tilespmem:v41+s15+$0x0], $0xffff  }
0x384: {  	v51 =	vadd.s32 $0x7D0, v39;
	v45 =	vld.idx.msk [tilespmem:v45+s15+$0x0], $0xffff  }
0x385: {  	v52 =	vadd.s32 $0xBB8, v39;
	v48 =	vld.idx.msk [tilespmem:v48+s15+$0x0], $0xffff  }
0x386: {  	v53 =	vadd.s32 $0xFA0, v39;
	v49 =	vld.idx.msk [tilespmem:v49+s15+$0x0], $0xffff  }
0x387: {  	v54 =	vadd.s32 $0x1388, v39;
	v42 =	vld.idx.msk [tilespmem:v42+s15+$0x0], $0xffff;
	[tilespmem:s12+$0x50] =	vst v47  }
0x388: {  	v47 =	vld.idx.msk [tilespmem:v50+s15+$0x0], $0xffff;
	v50 =	vadd.s32 $0x1770, v39;
	[tilespmem:s12+$0xD0] =	vst v15  }
0x389: {  	v39 =	vadd.s32 $0x1B58, v39;
	v15 =	vld.idx.msk [tilespmem:v51+s15+$0x0], $0xffff;
	[tilespmem:s12+$0x150] =	vst v38  }
0x38a: {  	v38 =	vld.idx.msk [tilespmem:v52+s15+$0x0], $0xffff;
	[tilespmem:s12+$0x1D0] =	vst v41  }
0x38b: {  	v41 =	vld.idx.msk [tilespmem:v53+s15+$0x0], $0xffff;
	[tilespmem:s12+$0x250] =	vst v45  }
0x38c: {  	v45 =	vld.idx.msk [tilespmem:v54+s15+$0x0], $0xffff;
	[tilespmem:s12+$0x2D0] =	vst v48  }
0x38d: {  	v48 =	vld.idx.msk [tilespmem:v50+s15+$0x0], $0xffff;
	[tilespmem:s12+$0x350] =	vst v49  }
0x38e: {  	s12 =	sadd.s32 $0x800, s12;
	v39 =	vld.idx.msk [tilespmem:v39+s15+$0x0], $0xffff;
	[tilespmem:s6+$0x3D0] =	vst v42  }
0x38f: {  	[tilespmem:s12+$0x0] =	vst v44;
	v42 =	vld [tilespmem:s10+$0x60]  }
0x390: {  	v44 =	vld.idx.msk [tilespmem:v36+s15+$0x0], $0xffff;
	[tilespmem:s12+$0x80] =	vst v47  }
0x391: {  	v37 =	vld.idx.msk [tilespmem:v37+s15+$0x0], $0xffff;
	[tilespmem:s12+$0x100] =	vst v15  }
0x392: {  	v15 =	vld.idx.msk [tilespmem:v16+s15+$0x0], $0xffff;
	[tilespmem:s12+$0x180] =	vst v38  }
0x393: {  	v16 =	vld.idx.msk [tilespmem:v40+s15+$0x0], $0xffff;
	[tilespmem:s12+$0x200] =	vst v41  }
0x394: {  	v5 =	vld.idx.msk [tilespmem:v5+s15+$0x0], $0xffff;
	[tilespmem:s12+$0x280] =	vst v45;
	v36 =	vadd.s32 $0x3E8, v42  }
0x395: {  	v40 =	vadd.s32 $0x7D0, v42;
	v38 =	vld.idx.msk [tilespmem:v43+s15+$0x0], $0xffff;
	[tilespmem:s12+$0x300] =	vst v48  }
0x396: {  	v41 =	vld.idx.msk [tilespmem:v46+s15+$0x0], $0xffff;
	[tilespmem:s12+$0x380] =	vst v39;
	v39 =	vadd.s32 $0xBB8, v42  }
0x397: {  	v45 =	vadd.s32 $0xFA0, v42;
	v43 =	vld [tilespmem:s14+$0x10]  }
0x398: {  	v47 =	vadd.s32 $0x1388, v42;
	v46 =	vld.idx.msk [tilespmem:v42+s15+$0x0], $0xffff  }
0x399: {  	v48 =	vadd.s32 $0x1770, v42;
	v36 =	vld.idx.msk [tilespmem:v36+s15+$0x0], $0xffff  }
0x39a: {  	v42 =	vadd.s32 $0x1B58, v42;
	v40 =	vld.idx.msk [tilespmem:v40+s15+$0x0], $0xffff  }
0x39b: {  	v39 =	vld.idx.msk [tilespmem:v39+s15+$0x0], $0xffff  }
0x39c: {  	v45 =	vld.idx.msk [tilespmem:v45+s15+$0x0], $0xffff  }
0x39d: {  	v47 =	vld.idx.msk [tilespmem:v47+s15+$0x0], $0xffff  }
0x39e: {  	v48 =	vld.idx.msk [tilespmem:v48+s15+$0x0], $0xffff  }
0x39f: {  	v42 =	vld.idx.msk [tilespmem:v42+s15+$0x0], $0xffff;
	[tilespmem:s6+$0x60] =	vst v46  }
0x3a0: {  	v34 =	vld.idx.msk [tilespmem:v34+s15+$0x0], $0xffff;
	[tilespmem:s6+$0xE0] =	vst v36  }
0x3a1: {  	v32 =	vld.idx.msk [tilespmem:v32+s15+$0x0], $0xffff;
	[tilespmem:s6+$0x160] =	vst v40  }
0x3a2: {  	v33 =	vld.idx.msk [tilespmem:v33+s15+$0x0], $0xffff;
	[tilespmem:s6+$0x1E0] =	vst v39  }
0x3a3: {  	[tilespmem:s6+$0x260] =	vst v45;
	v36 =	vld.idx.msk [tilespmem:v30+s15+$0x0], $0xffff  }
0x3a4: {  	v39 =	vadd.s32 $0x3E8, v43;
	[tilespmem:s6+$0x2E0] =	vst v47;
	v31 =	vld.idx.msk [tilespmem:v31+s15+$0x0], $0xffff  }
0x3a5: {  	v40 =	vadd.s32 $0x7D0, v43;
	[tilespmem:s6+$0x360] =	vst v48;
	v30 =	vld.idx.msk [tilespmem:v29+s15+$0x0], $0xffff  }
0x3a6: {  	v29 =	vadd.s32 $0xBB8, v43;
	[tilespmem:s6+$0x3E0] =	vst v42;
	v23 =	vld.idx.msk [tilespmem:v23+s15+$0x0], $0xffff  }
0x3a7: {  	v42 =	vadd.s32 $0xFA0, v43;
	[tilespmem:s12+$0xFFFFFC80] =	vst v44;
	v44 =	vld [tilespmem:s10+$0x70]  }
0x3a8: {  	v45 =	vadd.s32 $0x1388, v43;
	[tilespmem:s12+$0xFFFFFD00] =	vst v37;
	v37 =	vld.idx.msk [tilespmem:v43+s15+$0x0], $0xffff  }
0x3a9: {  	[tilespmem:s12+$0xFFFFFD80] =	vst v15;
	v39 =	vld.idx.msk [tilespmem:v39+s15+$0x0], $0xffff;
	v15 =	vadd.s32 $0x1770, v43  }
0x3aa: {  	[tilespmem:s12+$0xFFFFFE00] =	vst v16;
	v16 =	vld.idx.msk [tilespmem:v40+s15+$0x0], $0xffff;
	v40 =	vadd.s32 $0x1B58, v43  }
0x3ab: {  	[tilespmem:s12+$0xFFFFFE80] =	vst v5;
	v43 =	vld.idx.msk [tilespmem:v29+s15+$0x0], $0xffff  }
0x3ac: {  	[tilespmem:s12+$0xFFFFFF00] =	vst v38;
	v38 =	vld.idx.msk [tilespmem:v42+s15+$0x0], $0xffff;
	v29 =	vadd.s32 $0x1B58, v44  }
0x3ad: {  	v42 =	vadd.s32 $0x3E8, v44;
	[tilespmem:s12+$0xFFFFFF80] =	vst v41;
	v41 =	vld.idx.msk [tilespmem:v45+s15+$0x0], $0xffff  }
0x3ae: {  	[tilespmem:s12+$0xFFFFFC00] =	vst v34;
	v34 =	vld.idx.msk [tilespmem:v15+s15+$0x0], $0xffff;
	v15 =	vadd.s32 $0x7D0, v44  }
0x3af: {  	v40 =	vld.idx.msk [tilespmem:v40+s15+$0x0], $0xffff;
	[tilespmem:s6+$0xFFFFFCB0] =	vst v12;
	v12 =	vadd.s32 $0xBB8, v44  }
0x3b0: {  	v45 =	vadd.s32 $0xFA0, v44;
	[tilespmem:s6+$0xFFFFFD30] =	vst v14;
	v5 =	vld.idx.msk [tilespmem:v44+s15+$0x0], $0xffff  }
0x3b1: {  	v46 =	vadd.s32 $0x1388, v44;
	[tilespmem:s6+$0xFFFFFDB0] =	vst v11;
	v29 =	vld.idx.msk [tilespmem:v29+s15+$0x0], $0xffff  }
0x3b2: {  	[tilespmem:s6+$0xFFFFFE30] =	vst v10;
	v14 =	vld.idx.msk [tilespmem:v42+s15+$0x0], $0xffff;
	v10 =	vadd.s32 $0x1770, v44  }
0x3b3: {  	[tilespmem:s6+$0xFFFFFEB0] =	vst v13;
	v15 =	vld.idx.msk [tilespmem:v15+s15+$0x0], $0xffff  }
0x3b4: {  	[tilespmem:s6+$0xFFFFFF30] =	vst v32;
	v12 =	vld.idx.msk [tilespmem:v12+s15+$0x0], $0xffff  }
0x3b5: {  	[tilespmem:s6+$0xFFFFFFB0] =	vst v33;
	v11 =	vld.idx.msk [tilespmem:v45+s15+$0x0], $0xffff  }
0x3b6: {  	[tilespmem:s12+$0x10] =	vst v37;
	v13 =	vld.idx.msk [tilespmem:v46+s15+$0x0], $0xffff  }
0x3b7: {  	v10 =	vld.idx.msk [tilespmem:v10+s15+$0x0], $0xffff;
	[tilespmem:s6+$0x3F0] =	vst v29  }
0x3b8: {  	v37 =	vld [tilespmem:s14+$0xFFFFFF90];
	[tilespmem:s12+$0x90] =	vst v39  }
0x3b9: {  	[tilespmem:s12+$0x110] =	vst v16;
	v29 =	vld.idx.msk [tilespmem:v6+s15+$0x0], $0xffff  }
0x3ba: {  	[tilespmem:s12+$0x190] =	vst v43;
	v6 =	vld [tilespmem:s28+$0xFFFFFFF0];
	s28 =	smov.u32 s30;
	s30 =	smov.u32 s0;
	s0 =	smov.u32 s10  }
0x3bb: {  	s10 =	smov.u32 s14;
	[tilespmem:s12+$0x210] =	vst v38;
	v32 =	vld.idx.msk [tilespmem:v8+s15+$0x0], $0xffff  }
0x3bc: {  	[tilespmem:s12+$0x290] =	vst v41;
	v33 =	vld.idx.msk [tilespmem:v9+s15+$0x0], $0xffff  }
0x3bd: {  	v38 =	vadd.s32 $0x3E8, v37;
	v39 =	vadd.s32 $0x7D0, v37;
	v41 =	vadd.s32 $0xBB8, v37;
	[tilespmem:s12+$0x310] =	vst v34;
	v34 =	vld.idx.msk [tilespmem:v7+s15+$0x0], $0xffff  }
0x3be: {  	v42 =	vadd.s32 $0xFA0, v37;
	v43 =	vadd.s32 $0x1388, v37;
	v44 =	vadd.s32 $0x1770, v37;
	[tilespmem:s12+$0x390] =	vst v40;
	v16 =	vld.idx.msk [tilespmem:v0+s15+$0x0], $0xffff  }
0x3bf: {  	v40 =	vadd.s32 $0x1B58, v37;
	v45 =	vld [tilespmem:s14+$0x20];
	[tilespmem:s6+$0xFFFFFC30] =	vst v35;
	v35 =	vadd.s32 $0x3E8, v6;
	v46 =	vadd.s32 $0x7D0, v6;
	v0 =	vmovc v6  }
0x3c0: {  	s31 =	sadd.s32 $0x2, s31;
	v37 =	vld.idx.msk [tilespmem:v37+s15+$0x0], $0xffff;
	[tilespmem:s29+$0xFFFFFCD0] =	vst v27;
	v27 =	vadd.s32 $0xBB8, v0;
	v47 =	vadd.s32 $0xFA0, v0;
	v8 =	vadd.s32 $0x1388, v0  }
0x3c1: {  	p3 =	slt.u32 s31, $0x1E;
	v9 =	vadd.s32 $0x1770, v0;
	v7 =	vadd.s32 $0x1B58, v0;
	v6 =	vld [tilespmem:s0+$0xFFFFFFC0];
	[tilespmem:s29+$0xFFFFFD50] =	vst v24  }
0x3c2: {  	v24 =	vld.idx.msk [tilespmem:v38+s15+$0x0], $0xffff;
	[tilespmem:s29+$0xFFFFFDD0] =	vst v25  }
0x3c3: {  	v25 =	vld.idx.msk [tilespmem:v39+s15+$0x0], $0xffff;
	[tilespmem:s29+$0xFFFFFE50] =	vst v26  }
0x3c4: {  	v26 =	vld.idx.msk [tilespmem:v41+s15+$0x0], $0xffff;
	v38 =	vadd.s32 $0x3E8, v45;
	[tilespmem:s29+$0xFFFFFED0] =	vst v28  }
0x3c5: {  	v39 =	vadd.s32 $0x7D0, v45;
	v28 =	vld.idx.msk [tilespmem:v42+s15+$0x0], $0xffff;
	[tilespmem:s29+$0xFFFFFF50] =	vst v36  }
0x3c6: {  	v41 =	vadd.s32 $0xBB8, v45;
	v36 =	vld.idx.msk [tilespmem:v43+s15+$0x0], $0xffff;
	v42 =	vadd.s32 $0x3E8, v6;
	v43 =	vadd.s32 $0x7D0, v6;
	[tilespmem:s29+$0xFFFFFFD0] =	vst v31  }
0x3c7: {  	v48 =	vadd.s32 $0xBB8, v6;
	v49 =	vadd.s32 $0xFA0, v6;
	v31 =	vld.idx.msk [tilespmem:v44+s15+$0x0], $0xffff;
	v44 =	vadd.s32 $0xFA0, v45;
	[tilespmem:s29+$0xFFFFFC50] =	vst v30  }
0x3c8: {  	v50 =	vadd.s32 $0x1388, v45;
	v51 =	vadd.s32 $0x1388, v6;
	v52 =	vadd.s32 $0x1770, v6;
	v30 =	vld.idx.msk [tilespmem:v45+s15+$0x0], $0xffff;
	[tilespmem:s26+$0xFFFFFCE0] =	vst v20  }
0x3c9: {  	v53 =	vadd.s32 $0x1B58, v6;
	v20 =	vld.idx.msk [tilespmem:v38+s15+$0x0], $0xffff;
	v38 =	vadd.s32 $0x1770, v45;
	[tilespmem:s26+$0xFFFFFD60] =	vst v17  }
0x3ca: {  	v17 =	vld.idx.msk [tilespmem:v39+s15+$0x0], $0xffff;
	v39 =	vadd.s32 $0x1B58, v45;
	[tilespmem:s26+$0xFFFFFDE0] =	vst v18  }
0x3cb: {  	v18 =	vld.idx.msk [tilespmem:v41+s15+$0x0], $0xffff;
	[tilespmem:s26+$0xFFFFFE60] =	vst v19  }
0x3cc: {  	v19 =	vld.idx.msk [tilespmem:v44+s15+$0x0], $0xffff;
	[tilespmem:s26+$0xFFFFFEE0] =	vst v21  }
0x3cd: {  	v21 =	vld.idx.msk [tilespmem:v50+s15+$0x0], $0xffff;
	[tilespmem:s26+$0xFFFFFF60] =	vst v22  }
0x3ce: {  	v22 =	vld.idx.msk [tilespmem:v38+s15+$0x0], $0xffff;
	[tilespmem:s26+$0xFFFFFFE0] =	vst v23  }
0x3cf: {  	v23 =	vld.idx.msk [tilespmem:v39+s15+$0x0], $0xffff;
	[tilespmem:s12+$0x20] =	vst v30  }
0x3d0: {  	v30 =	vld.idx.msk [tilespmem:v40+s15+$0x0], $0xffff;
	[tilespmem:s12+$0xA0] =	vst v20  }
0x3d1: {  	[tilespmem:s12+$0x120] =	vst v17;
	v17 =	vld.idx.msk [tilespmem:v42+s15+$0x0], $0xffff  }
0x3d2: {  	[tilespmem:s12+$0x1A0] =	vst v18;
	v18 =	vld.idx.msk [tilespmem:v43+s15+$0x0], $0xffff  }
0x3d3: {  	[tilespmem:s12+$0x220] =	vst v19;
	v19 =	vld.idx.msk [tilespmem:v48+s15+$0x0], $0xffff  }
0x3d4: {  	[tilespmem:s12+$0x2A0] =	vst v21;
	v20 =	vld.idx.msk [tilespmem:v49+s15+$0x0], $0xffff  }
0x3d5: {  	[tilespmem:s12+$0x320] =	vst v22;
	v21 =	vld.idx.msk [tilespmem:v51+s15+$0x0], $0xffff  }
0x3d6: {  	[tilespmem:s12+$0x3A0] =	vst v23;
	v22 =	vld.idx.msk [tilespmem:v52+s15+$0x0], $0xffff  }
0x3d7: {  	[tilespmem:s12+$0xFFFFFC90] =	vst v24;
	v23 =	vld [tilespmem:s14+$0x30]  }
0x3d8: {  	[tilespmem:s12+$0xFFFFFD10] =	vst v25;
	v24 =	vld.idx.msk [tilespmem:v53+s15+$0x0], $0xffff  }
0x3d9: {  	[tilespmem:s12+$0xFFFFFD90] =	vst v26;
	v25 =	vld.idx.msk [tilespmem:v6+s15+$0x0], $0xffff  }
0x3da: {  	[tilespmem:s12+$0xFFFFFE10] =	vst v28;
	v6 =	vld [tilespmem:s30+$0xFFFFFFE0]  }
0x3db: {  	[tilespmem:s12+$0xFFFFFE90] =	vst v36;
	v26 =	vld.idx.msk [tilespmem:v35+s15+$0x0], $0xffff  }
0x3dc: {  	[tilespmem:s12+$0xFFFFFF10] =	vst v31;
	v28 =	vadd.s32 $0x3E8, v23;
	v35 =	vld.idx.msk [tilespmem:v46+s15+$0x0], $0xffff  }
0x3dd: {  	[tilespmem:s12+$0xFFFFFF90] =	vst v30;
	v30 =	vadd.s32 $0x7D0, v23;
	v27 =	vld.idx.msk [tilespmem:v27+s15+$0x0], $0xffff  }
0x3de: {  	v31 =	vadd.s32 $0xBB8, v23;
	[tilespmem:s12+$0xFFFFFC10] =	vst v37;
	v36 =	vld.idx.msk [tilespmem:v47+s15+$0x0], $0xffff  }
0x3df: {  	v38 =	vadd.s32 $0xFA0, v23;
	v37 =	vld [tilespmem:s14+$0xFFFFFFA0];
	[tilespmem:s6+$0xFFFFFCC0] =	vst v17;
	v17 =	vadd.s32 $0x3E8, v6;
	v39 =	vadd.s32 $0x7D0, v6  }
0x3e0: {  	v41 =	vadd.s32 $0x1388, v23;
	v42 =	vadd.s32 $0xFA0, v6;
	v40 =	vld.idx.msk [tilespmem:v23+s15+$0x0], $0xffff;
	[tilespmem:s6+$0xFFFFFD40] =	vst v18;
	v18 =	vadd.s32 $0xBB8, v6  }
0x3e1: {  	v43 =	vadd.s32 $0x1770, v23;
	v44 =	vadd.s32 $0x1388, v6;
	v45 =	vadd.s32 $0x1770, v6;
	v28 =	vld.idx.msk [tilespmem:v28+s15+$0x0], $0xffff;
	[tilespmem:s6+$0xFFFFFDC0] =	vst v19  }
0x3e2: {  	v19 =	vld.idx.msk [tilespmem:v30+s15+$0x0], $0xffff;
	v30 =	vadd.s32 $0x1B58, v23;
	[tilespmem:s6+$0xFFFFFE40] =	vst v20;
	v23 =	vadd.s32 $0x1B58, v6  }
0x3e3: {  	v20 =	vld.idx.msk [tilespmem:v31+s15+$0x0], $0xffff;
	[tilespmem:s6+$0xFFFFFEC0] =	vst v21  }
0x3e4: {  	v21 =	vadd.s32 $0x3E8, v37;
	v31 =	vadd.s32 $0x7D0, v37;
	v46 =	vadd.s32 $0xBB8, v37;
	v38 =	vld.idx.msk [tilespmem:v38+s15+$0x0], $0xffff;
	[tilespmem:s6+$0xFFFFFF40] =	vst v22  }
0x3e5: {  	v22 =	vadd.s32 $0xFA0, v37;
	v47 =	vadd.s32 $0x1388, v37;
	v48 =	vadd.s32 $0x1770, v37;
	v41 =	vld.idx.msk [tilespmem:v41+s15+$0x0], $0xffff;
	[tilespmem:s6+$0xFFFFFFC0] =	vst v24  }
0x3e6: {  	v24 =	vadd.s32 $0x1B58, v37;
	v43 =	vld.idx.msk [tilespmem:v43+s15+$0x0], $0xffff;
	[tilespmem:s6+$0xFFFFFC40] =	vst v25  }
0x3e7: {  	v25 =	vld.idx.msk [tilespmem:v30+s15+$0x0], $0xffff;
	[tilespmem:s12+$0x30] =	vst v40  }
0x3e8: {  	v30 =	vld.idx.msk [tilespmem:v37+s15+$0x0], $0xffff;
	[tilespmem:s12+$0xB0] =	vst v28  }
0x3e9: {  	v21 =	vld.idx.msk [tilespmem:v21+s15+$0x0], $0xffff;
	[tilespmem:s12+$0x130] =	vst v19  }
0x3ea: {  	v19 =	vld.idx.msk [tilespmem:v31+s15+$0x0], $0xffff;
	[tilespmem:s12+$0x1B0] =	vst v20  }
0x3eb: {  	v20 =	vld.idx.msk [tilespmem:v46+s15+$0x0], $0xffff;
	[tilespmem:s12+$0x230] =	vst v38  }
0x3ec: {  	v22 =	vld.idx.msk [tilespmem:v22+s15+$0x0], $0xffff;
	[tilespmem:s12+$0x2B0] =	vst v41  }
0x3ed: {  	v28 =	vld.idx.msk [tilespmem:v47+s15+$0x0], $0xffff;
	[tilespmem:s12+$0x330] =	vst v43  }
0x3ee: {  	v31 =	vld.idx.msk [tilespmem:v48+s15+$0x0], $0xffff;
	[tilespmem:s12+$0x3B0] =	vst v25  }
0x3ef: {  	v25 =	vld [tilespmem:s14+$0x40];
	[tilespmem:s26+$0xFFFFFC60] =	vst v29  }
0x3f0: {  	v24 =	vld.idx.msk [tilespmem:v24+s15+$0x0], $0xffff;
	[tilespmem:s12+$0xFFFFFCA0] =	vst v21  }
0x3f1: {  	[tilespmem:s12+$0xFFFFFD20] =	vst v19;
	v29 =	vld [tilespmem:s0+$0xFFFFFFD0]  }
0x3f2: {  	[tilespmem:s12+$0xFFFFFDA0] =	vst v20;
	v20 =	vld.idx.msk [tilespmem:v17+s15+$0x0], $0xffff  }
0x3f3: {  	[tilespmem:s12+$0xFFFFFE20] =	vst v22;
	v17 =	vld.idx.msk [tilespmem:v39+s15+$0x0], $0xffff  }
0x3f4: {  	[tilespmem:s12+$0xFFFFFEA0] =	vst v28;
	v28 =	vadd.s32 $0x3E8, v25;
	v18 =	vld.idx.msk [tilespmem:v18+s15+$0x0], $0xffff  }
0x3f5: {  	v37 =	vadd.s32 $0x7D0, v25;
	[tilespmem:s12+$0xFFFFFF20] =	vst v31;
	v19 =	vld.idx.msk [tilespmem:v42+s15+$0x0], $0xffff  }
0x3f6: {  	[tilespmem:s12+$0xFFFFFFA0] =	vst v24;
	v24 =	vadd.s32 $0xBB8, v25;
	v38 =	vadd.s32 $0x3E8, v29;
	v39 =	vadd.s32 $0x7D0, v29;
	v21 =	vld.idx.msk [tilespmem:v44+s15+$0x0], $0xffff  }
0x3f7: {  	v40 =	vadd.s32 $0xFA0, v25;
	v41 =	vadd.s32 $0xBB8, v29;
	v42 =	vadd.s32 $0xFA0, v29;
	[tilespmem:s12+$0xFFFFFC20] =	vst v30;
	v22 =	vld.idx.msk [tilespmem:v45+s15+$0x0], $0xffff  }
0x3f8: {  	v44 =	vadd.s32 $0x1388, v25;
	v45 =	vadd.s32 $0x1388, v29;
	v30 =	vadd.s32 $0x1770, v29;
	v43 =	vld.idx.msk [tilespmem:v25+s15+$0x0], $0xffff;
	[tilespmem:s23+$0xFFFFFCF0] =	vst v1;
	v1 =	vmovc v26  }
0x3f9: {  	v31 =	vadd.s32 $0x1B58, v29;
	v26 =	vld.idx.msk [tilespmem:v28+s15+$0x0], $0xffff;
	v28 =	vadd.s32 $0x1770, v25;
	[tilespmem:s23+$0xFFFFFD70] =	vst v2;
	v2 =	vmov v35  }
0x3fa: {  	v25 =	vadd.s32 $0x1B58, v25;
	v37 =	vld.idx.msk [tilespmem:v37+s15+$0x0], $0xffff;
	[tilespmem:s23+$0xFFFFFDF0] =	vst v3;
	v3 =	vmov v27  }
0x3fb: {  	v24 =	vld.idx.msk [tilespmem:v24+s15+$0x0], $0xffff;
	[tilespmem:s23+$0xFFFFFE70] =	vst v4;
	v4 =	vmov v36  }
0x3fc: {  	v36 =	vld.idx.msk [tilespmem:v40+s15+$0x0], $0xffff;
	[tilespmem:s23+$0xFFFFFEF0] =	vst v32  }
0x3fd: {  	v32 =	vld.idx.msk [tilespmem:v44+s15+$0x0], $0xffff;
	[tilespmem:s23+$0xFFFFFF70] =	vst v33  }
0x3fe: {  	v28 =	vld.idx.msk [tilespmem:v28+s15+$0x0], $0xffff;
	[tilespmem:s23+$0xFFFFFFF0] =	vst v34  }
0x3ff: {  	v33 =	vld.idx.msk [tilespmem:v25+s15+$0x0], $0xffff;
	[tilespmem:s12+$0x40] =	vst v43  }
0x400: {  	v35 =	vld [tilespmem:s14+$0xFFFFFFB0];
	[tilespmem:s12+$0xC0] =	vst v26  }
.Ltmp7:
0x401: {  	[tilespmem:s12+$0x140] =	vst v37;
	v27 =	vld.idx.msk [tilespmem:v38+s15+$0x0], $0xffff;
	(pc) =	sbr.rel @p3 .LBB2_7-.Ltmp7, $4  }
0x402: {  	[tilespmem:s12+$0x1C0] =	vst v24;
	v24 =	vld.idx.msk [tilespmem:v39+s15+$0x0], $0xffff  }
0x403: {  	[tilespmem:s12+$0x240] =	vst v36;
	v25 =	vld.idx.msk [tilespmem:v41+s15+$0x0], $0xffff  }
0x404: {  	[tilespmem:s12+$0x2C0] =	vst v32;
	v26 =	vld.idx.msk [tilespmem:v42+s15+$0x0], $0xffff  }
0x405: {  	s14 =	sadd.s32 $0x100, s14;
	v38 =	vadd.s32 $0x3E8, v35;
	v37 =	vadd.s32 $0x7D0, v35;
	v36 =	vadd.s32 $0xBB8, v35;
	[tilespmem:s12+$0x340] =	vst v28;
	v28 =	vld.idx.msk [tilespmem:v45+s15+$0x0], $0xffff  }
0x406: {  	[tilespmem:s12+$0x3C0] =	vst v33  }
0x407: {  	v32 =	vld [tilespmem:s10+$0x50];
	_ =	sdelay $0x4  }
0x408: {  	v49 =	vadd.s32 $0x3E8, v32  }
0x409: {  	v34 =	vadd.s32 $0x7D0, v32  }
0x40a: {  	v39 =	vadd.s32 $0xBB8, v32  }
0x40b: {  	v40 =	vadd.s32 $0xFA0, v32  }
0x40c: {  	v42 =	vadd.s32 $0x1388, v32;
	v41 =	vld.idx.msk [tilespmem:v32+s15+$0x0], $0xffff  }
0x40d: {  	v43 =	vadd.s32 $0x1770, v32;
	v33 =	vld.idx.msk [tilespmem:v49+s15+$0x0], $0xffff  }
0x40e: {  	v32 =	vadd.s32 $0x1B58, v32;
	v34 =	vld.idx.msk [tilespmem:v34+s15+$0x0], $0xffff  }
0x40f: {  	v39 =	vld.idx.msk [tilespmem:v39+s15+$0x0], $0xffff  }
0x410: {  	v40 =	vld.idx.msk [tilespmem:v40+s15+$0x0], $0xffff  }
0x411: {  	v42 =	vld.idx.msk [tilespmem:v42+s15+$0x0], $0xffff  }
0x412: {  	v43 =	vld.idx.msk [tilespmem:v43+s15+$0x0], $0xffff  }
0x413: {  	v32 =	vld.idx.msk [tilespmem:v32+s15+$0x0], $0xffff;
	[tilespmem:s12+$0x50] =	vst v41  }
0x414: {  	[tilespmem:s12+$0xD0] =	vst v33  }
0x415: {  	[tilespmem:s12+$0x150] =	vst v34  }
0x416: {  	[tilespmem:s12+$0x1D0] =	vst v39  }
0x417: {  	v46 =	vld.idx.msk [tilespmem:v35+s15+$0x0], $0xffff;
	[tilespmem:s12+$0x250] =	vst v40  }
0x418: {  	v38 =	vld.idx.msk [tilespmem:v38+s15+$0x0], $0xffff;
	[tilespmem:s12+$0x2D0] =	vst v42  }
0x419: {  	v58 =	vld.idx.msk [tilespmem:v37+s15+$0x0], $0xffff;
	[tilespmem:s12+$0x350] =	vst v43  }
0x41a: {  	v59 =	vld.idx.msk [tilespmem:v36+s15+$0x0], $0xffff;
	[tilespmem:s12+$0x3D0] =	vst v32  }
0x41b: {  	v32 =	vld [tilespmem:s10+$0x60]  }
0x41c: {  	v44 =	vadd.s32 $0xFA0, v35;
	v30 =	vld.idx.msk [tilespmem:v30+s15+$0x0], $0xffff  }
0x41d: {  	v45 =	vadd.s32 $0x1388, v35;
	v31 =	vld.idx.msk [tilespmem:v31+s15+$0x0], $0xffff  }
0x41e: {  	v56 =	vadd.s32 $0x1770, v35;
	v29 =	vld.idx.msk [tilespmem:v29+s15+$0x0], $0xffff  }
0x41f: {  	v23 =	vld.idx.msk [tilespmem:v23+s15+$0x0], $0xffff  }
0x420: {  	v6 =	vld.idx.msk [tilespmem:v6+s15+$0x0], $0xffff;
	v50 =	vadd.s32 $0x3E8, v32  }
0x421: {  	[tilespmem:s23+$0xFFFFFC70] =	vst v16;
	v60 =	vld.idx.msk [tilespmem:v44+s15+$0x0], $0xffff;
	v51 =	vadd.s32 $0x7D0, v32  }
0x422: {  	[tilespmem:s6+$0xFFFFFCD0] =	vst v27;
	v61 =	vld.idx.msk [tilespmem:v45+s15+$0x0], $0xffff;
	v52 =	vadd.s32 $0xBB8, v32  }
0x423: {  	[tilespmem:s29+$0xFFFFFCE0] =	vst v20;
	v62 =	vld.idx.msk [tilespmem:v56+s15+$0x0], $0xffff;
	v53 =	vadd.s32 $0xFA0, v32  }
0x424: {  	[tilespmem:s6+$0xFFFFFD50] =	vst v24;
	v54 =	vadd.s32 $0x1388, v32;
	v41 =	vld.idx.msk [tilespmem:v32+s15+$0x0], $0xffff  }
0x425: {  	[tilespmem:s6+$0xFFFFFDD0] =	vst v25;
	v55 =	vadd.s32 $0x1770, v32;
	v33 =	vld.idx.msk [tilespmem:v50+s15+$0x0], $0xffff  }
0x426: {  	[tilespmem:s6+$0xFFFFFE50] =	vst v26;
	v32 =	vadd.s32 $0x1B58, v32;
	v34 =	vld.idx.msk [tilespmem:v51+s15+$0x0], $0xffff  }
0x427: {  	v57 =	vadd.s32 $0x1B58, v35;
	[tilespmem:s6+$0xFFFFFED0] =	vst v28;
	v39 =	vld.idx.msk [tilespmem:v52+s15+$0x0], $0xffff  }
0x428: {  	[tilespmem:s6+$0xFFFFFF50] =	vst v30;
	v40 =	vld.idx.msk [tilespmem:v53+s15+$0x0], $0xffff  }
0x429: {  	[tilespmem:s6+$0xFFFFFFD0] =	vst v31;
	v42 =	vld.idx.msk [tilespmem:v54+s15+$0x0], $0xffff  }
0x42a: {  	[tilespmem:s6+$0xFFFFFC50] =	vst v29;
	v43 =	vld.idx.msk [tilespmem:v55+s15+$0x0], $0xffff  }
0x42b: {  	v32 =	vld.idx.msk [tilespmem:v32+s15+$0x0], $0xffff;
	[tilespmem:s12+$0xE0] =	vst v33  }
0x42c: {  	v33 =	vld.idx.msk [tilespmem:v57+s15+$0x0], $0xffff;
	[tilespmem:s12+$0xFFFFFCB0] =	vst v38  }
0x42d: {  	[tilespmem:s12+$0xFFFFFD30] =	vst v58  }
0x42e: {  	[tilespmem:s12+$0xFFFFFDB0] =	vst v59  }
0x42f: {  	[tilespmem:s12+$0xFFFFFE30] =	vst v60  }
0x430: {  	v30 =	vld [tilespmem:s0+$0xFFFFFFE0];
	[tilespmem:s12+$0xFFFFFEB0] =	vst v61  }
0x431: {  	[tilespmem:s12+$0xFFFFFF30] =	vst v62  }
0x432: {  	[tilespmem:s12+$0xFFFFFC30] =	vst v46  }
0x433: {  	[tilespmem:s12+$0xFFFFFFB0] =	vst v33  }
0x434: {  	[tilespmem:s29+$0xFFFFFD60] =	vst v17;
	v37 =	vld [tilespmem:s10+$0xFFFFFFC0]  }
0x435: {  	v47 =	vld [tilespmem:s28+$0xFFFFFFF0];
	v20 =	vadd.s32 $0x7D0, v30;
	[tilespmem:s12+$0x60] =	vst v41  }
0x436: {  	v8 =	vld.idx.msk [tilespmem:v8+s15+$0x0], $0xffff;
	v17 =	vadd.s32 $0xBB8, v30;
	[tilespmem:s12+$0x160] =	vst v34  }
0x437: {  	v9 =	vld.idx.msk [tilespmem:v9+s15+$0x0], $0xffff;
	[tilespmem:s12+$0x1E0] =	vst v39  }
0x438: {  	v7 =	vld.idx.msk [tilespmem:v7+s15+$0x0], $0xffff;
	[tilespmem:s12+$0x260] =	vst v40  }
0x439: {  	v0 =	vld.idx.msk [tilespmem:v0+s15+$0x0], $0xffff;
	[tilespmem:s12+$0x2E0] =	vst v42;
	v44 =	vadd.s32 $0x3E8, v37  }
0x43a: {  	v20 =	vld.idx.msk [tilespmem:v20+s15+$0x0], $0xffff;
	[tilespmem:s12+$0x360] =	vst v43;
	v45 =	vadd.s32 $0x7D0, v37  }
0x43b: {  	v17 =	vld.idx.msk [tilespmem:v17+s15+$0x0], $0xffff;
	[tilespmem:s12+$0x3E0] =	vst v32;
	v16 =	vadd.s32 $0xBB8, v37  }
0x43c: {  	[tilespmem:s6+$0xF0] =	vst v14;
	v32 =	vld [tilespmem:s10+$0x70];
	v46 =	vadd.s32 $0xFA0, v37  }
0x43d: {  	[tilespmem:s6+$0x170] =	vst v15;
	v48 =	vadd.s32 $0x1388, v37;
	v28 =	vld.idx.msk [tilespmem:v37+s15+$0x0], $0xffff  }
0x43e: {  	[tilespmem:s6+$0x1F0] =	vst v12;
	v27 =	vadd.s32 $0x1770, v37;
	v33 =	vld.idx.msk [tilespmem:v44+s15+$0x0], $0xffff  }
0x43f: {  	[tilespmem:s6+$0x270] =	vst v11;
	v24 =	vadd.s32 $0x1B58, v37;
	v35 =	vld.idx.msk [tilespmem:v45+s15+$0x0], $0xffff  }
0x440: {  	[tilespmem:s29+$0xFFFFFEE0] =	vst v21;
	v21 =	vadd.s32 $0x1770, v30;
	v16 =	vld.idx.msk [tilespmem:v16+s15+$0x0], $0xffff  }
0x441: {  	[tilespmem:s6+$0x2F0] =	vst v13;
	v25 =	vld.idx.msk [tilespmem:v46+s15+$0x0], $0xffff  }
0x442: {  	[tilespmem:s6+$0x370] =	vst v10;
	v63 =	vadd.s32 $0x1B58, v32;
	v26 =	vld.idx.msk [tilespmem:v48+s15+$0x0], $0xffff  }
0x443: {  	[tilespmem:s24+$0xFFFFFCF0] =	vst v1;
	v40 =	vadd.s32 $0x3E8, v32;
	v27 =	vld.idx.msk [tilespmem:v27+s15+$0x0], $0xffff  }
0x444: {  	v41 =	vadd.s32 $0x7D0, v32;
	v24 =	vld.idx.msk [tilespmem:v24+s15+$0x0], $0xffff;
	[tilespmem:s12+$0xFFFFFC40] =	vst v28  }
0x445: {  	v1 =	vld.idx.msk [tilespmem:v21+s15+$0x0], $0xffff;
	v42 =	vadd.s32 $0xBB8, v32;
	[tilespmem:s12+$0xFFFFFCC0] =	vst v33  }
0x446: {  	v43 =	vadd.s32 $0xFA0, v32;
	v14 =	vld.idx.msk [tilespmem:v32+s15+$0x0], $0xffff;
	[tilespmem:s12+$0xFFFFFD40] =	vst v35  }
0x447: {  	v34 =	vld.idx.msk [tilespmem:v63+s15+$0x0], $0xffff;
	[tilespmem:s12+$0xFFFFFDC0] =	vst v16  }
0x448: {  	v15 =	vadd.s32 $0x1388, v32;
	v12 =	vld.idx.msk [tilespmem:v40+s15+$0x0], $0xffff;
	[tilespmem:s12+$0xFFFFFE40] =	vst v25  }
0x449: {  	v32 =	vadd.s32 $0x1770, v32;
	v11 =	vld.idx.msk [tilespmem:v41+s15+$0x0], $0xffff;
	[tilespmem:s12+$0xFFFFFEC0] =	vst v26  }
0x44a: {  	v13 =	vld.idx.msk [tilespmem:v42+s15+$0x0], $0xffff;
	v25 =	vadd.s32 $0xBB8, v47;
	[tilespmem:s12+$0xFFFFFF40] =	vst v27  }
0x44b: {  	v10 =	vld.idx.msk [tilespmem:v43+s15+$0x0], $0xffff;
	v26 =	vadd.s32 $0xFA0, v47;
	[tilespmem:s12+$0xFFFFFFC0] =	vst v24  }
0x44c: {  	v29 =	vadd.s32 $0x3E8, v47;
	v28 =	vld [tilespmem:s10+$0xFFFFFFD0]  }
0x44d: {  	[tilespmem:s6+$0x70] =	vst v5;
	v15 =	vld.idx.msk [tilespmem:v15+s15+$0x0], $0xffff;
	v16 =	vadd.s32 $0x7D0, v47  }
0x44e: {  	[tilespmem:s29+$0xFFFFFDE0] =	vst v18;
	v5 =	vld.idx.msk [tilespmem:v32+s15+$0x0], $0xffff;
	v27 =	vadd.s32 $0x3E8, v30  }
0x44f: {  	[tilespmem:s29+$0xFFFFFE60] =	vst v19;
	v18 =	vld.idx.msk [tilespmem:v25+s15+$0x0], $0xffff;
	v25 =	vadd.s32 $0xFA0, v30  }
0x450: {  	[tilespmem:s29+$0xFFFFFF60] =	vst v22;
	v19 =	vld.idx.msk [tilespmem:v26+s15+$0x0], $0xffff;
	v26 =	vadd.s32 $0x1388, v30  }
0x451: {  	[tilespmem:s24+$0xFFFFFD70] =	vst v2;
	v24 =	vld.idx.msk [tilespmem:v29+s15+$0x0], $0xffff;
	v22 =	vadd.s32 $0x3E8, v28  }
0x452: {  	[tilespmem:s29+$0xFFFFFFE0] =	vst v23;
	v16 =	vld.idx.msk [tilespmem:v16+s15+$0x0], $0xffff;
	v23 =	vadd.s32 $0x7D0, v28  }
0x453: {  	[tilespmem:s24+$0xFFFFFDF0] =	vst v3;
	v27 =	vld.idx.msk [tilespmem:v27+s15+$0x0], $0xffff;
	v29 =	vadd.s32 $0xFA0, v28  }
0x454: {  	[tilespmem:s29+$0xFFFFFC60] =	vst v6;
	v21 =	vadd.s32 $0x1388, v28;
	v6 =	vld.idx.msk [tilespmem:v25+s15+$0x0], $0xffff  }
0x455: {  	[tilespmem:s24+$0xFFFFFE70] =	vst v4;
	v25 =	vadd.s32 $0xBB8, v28;
	v26 =	vld.idx.msk [tilespmem:v26+s15+$0x0], $0xffff  }
0x456: {  	[tilespmem:s24+$0xFFFFFEF0] =	vst v8;
	v2 =	vld.idx.msk [tilespmem:v22+s15+$0x0], $0xffff  }
0x457: {  	[tilespmem:s24+$0xFFFFFF70] =	vst v9;
	v4 =	vld.idx.msk [tilespmem:v23+s15+$0x0], $0xffff  }
0x458: {  	[tilespmem:s24+$0xFFFFFFF0] =	vst v7;
	v9 =	vld.idx.msk [tilespmem:v29+s15+$0x0], $0xffff  }
0x459: {  	[tilespmem:s12+$0x3F0] =	vst v34;
	v3 =	vadd.s32 $0x1770, v28;
	v7 =	vld.idx.msk [tilespmem:v21+s15+$0x0], $0xffff  }
0x45a: {  	v22 =	vadd.s32 $0x1B58, v28;
	v8 =	vld.idx.msk [tilespmem:v25+s15+$0x0], $0xffff;
	[tilespmem:s12+$0xF0] =	vst v12  }
0x45b: {  	[tilespmem:s12+$0x170] =	vst v11  }
0x45c: {  	[tilespmem:s12+$0x1F0] =	vst v13  }
0x45d: {  	[tilespmem:s12+$0x270] =	vst v10  }
0x45e: {  	[tilespmem:s12+$0x2F0] =	vst v15;
	v3 =	vld.idx.msk [tilespmem:v3+s15+$0x0], $0xffff  }
0x45f: {  	[tilespmem:s12+$0x370] =	vst v5;
	v11 =	vld.idx.msk [tilespmem:v22+s15+$0x0], $0xffff  }
0x460: {  	v10 =	vld.idx.msk [tilespmem:v28+s15+$0x0], $0xffff;
	[tilespmem:s12+$0xFFFFFCD0] =	vst v2  }
0x461: {  	[tilespmem:s12+$0xFFFFFD50] =	vst v4  }
0x462: {  	[tilespmem:s12+$0xFFFFFE50] =	vst v9  }
0x463: {  	[tilespmem:s12+$0xFFFFFED0] =	vst v7  }
0x464: {  	[tilespmem:s12+$0xFFFFFDD0] =	vst v8  }
0x465: {  	v2 =	vadd.s32 $0x1B58, v30;
	[tilespmem:s12+$0xFFFFFF50] =	vst v3  }
0x466: {  	[tilespmem:s12+$0xFFFFFFD0] =	vst v11  }
0x467: {  	[tilespmem:s12+$0xFFFFFC50] =	vst v10  }
0x468: {  	[tilespmem:s24+$0xFFFFFC70] =	vst v0;
	v3 =	vld [tilespmem:s10+$0xFFFFFFE0]  }
0x469: {  	v5 =	vadd.s32 $0x1770, v47;
	[tilespmem:s12+$0x70] =	vst v14;
	v7 =	vld.idx.msk [tilespmem:v30+s15+$0x0], $0xffff  }
0x46a: {  	v4 =	vadd.s32 $0x1388, v47;
	v0 =	vld.idx.msk [tilespmem:v2+s15+$0x0], $0xffff;
	[tilespmem:s6+$0xFFFFFCE0] =	vst v27  }
0x46b: {  	v2 =	vadd.s32 $0x1B58, v47;
	[tilespmem:s6+$0xFFFFFD60] =	vst v20  }
0x46c: {  	v12 =	vld.idx.msk [tilespmem:v47+s15+$0x0], $0xffff;
	[tilespmem:s6+$0xFFFFFDE0] =	vst v17  }
0x46d: {  	v8 =	vld [tilespmem:s30+$0xFFFFFFF0];
	[tilespmem:s6+$0xFFFFFE60] =	vst v6;
	v9 =	vadd.s32 $0x3E8, v3  }
0x46e: {  	v5 =	vld.idx.msk [tilespmem:v5+s15+$0x0], $0xffff;
	[tilespmem:s6+$0xFFFFFEE0] =	vst v26;
	v10 =	vadd.s32 $0x7D0, v3  }
0x46f: {  	v4 =	vld.idx.msk [tilespmem:v4+s15+$0x0], $0xffff;
	[tilespmem:s6+$0xFFFFFF60] =	vst v1;
	v6 =	vadd.s32 $0xBB8, v3  }
0x470: {  	[tilespmem:s6+$0xFFFFFC60] =	vst v7;
	v2 =	vld.idx.msk [tilespmem:v2+s15+$0x0], $0xffff;
	v11 =	vadd.s32 $0xFA0, v3  }
0x471: {  	[tilespmem:s6+$0xFFFFFFE0] =	vst v0;
	v1 =	vadd.s32 $0x1388, v3;
	v0 =	vadd.s32 $0x1770, v3;
	v13 =	vadd.s32 $0x1B58, v3;
	v3 =	vld.idx.msk [tilespmem:v3+s15+$0x0], $0xffff  }
0x472: {  	[tilespmem:s26+$0xFFFFFCF0] =	vst v24;
	v9 =	vld.idx.msk [tilespmem:v9+s15+$0x0], $0xffff  }
0x473: {  	[tilespmem:s26+$0xFFFFFD70] =	vst v16;
	v7 =	vld.idx.msk [tilespmem:v10+s15+$0x0], $0xffff  }
0x474: {  	[tilespmem:s26+$0xFFFFFDF0] =	vst v18;
	v6 =	vld.idx.msk [tilespmem:v6+s15+$0x0], $0xffff  }
0x475: {  	v14 =	vadd.s32 $0x7D0, v8;
	[tilespmem:s26+$0xFFFFFEF0] =	vst v4;
	v10 =	vld.idx.msk [tilespmem:v11+s15+$0x0], $0xffff  }
0x476: {  	[tilespmem:s26+$0xFFFFFF70] =	vst v5;
	v11 =	vadd.s32 $0x3E8, v8;
	v1 =	vld.idx.msk [tilespmem:v1+s15+$0x0], $0xffff  }
0x477: {  	v15 =	vadd.s32 $0xBB8, v8;
	[tilespmem:s26+$0xFFFFFFF0] =	vst v2;
	v0 =	vld.idx.msk [tilespmem:v0+s15+$0x0], $0xffff  }
0x478: {  	v4 =	vld.idx.msk [tilespmem:v13+s15+$0x0], $0xffff;
	v13 =	vadd.s32 $0xFA0, v8;
	[tilespmem:s12+$0xFFFFFC60] =	vst v3  }
0x479: {  	v5 =	vadd.s32 $0x1388, v8;
	v16 =	vld [tilespmem:s0+$0xFFFFFFF0];
	[tilespmem:s12+$0xFFFFFCE0] =	vst v9  }
0x47a: {  	v14 =	vld.idx.msk [tilespmem:v14+s15+$0x0], $0xffff;
	[tilespmem:s12+$0xFFFFFD60] =	vst v7  }
0x47b: {  	v11 =	vld.idx.msk [tilespmem:v11+s15+$0x0], $0xffff;
	[tilespmem:s12+$0xFFFFFDE0] =	vst v6  }
0x47c: {  	v9 =	vadd.s32 $0x1770, v8;
	v6 =	vld.idx.msk [tilespmem:v15+s15+$0x0], $0xffff;
	[tilespmem:s12+$0xFFFFFE60] =	vst v10  }
0x47d: {  	v7 =	vadd.s32 $0x1B58, v8;
	v10 =	vld.idx.msk [tilespmem:v13+s15+$0x0], $0xffff;
	[tilespmem:s12+$0xFFFFFEE0] =	vst v1  }
0x47e: {  	v2 =	vadd.s32 $0xFA0, v16;
	v1 =	vld.idx.msk [tilespmem:v5+s15+$0x0], $0xffff;
	[tilespmem:s12+$0xFFFFFF60] =	vst v0  }
0x47f: {  	v5 =	vadd.s32 $0x3E8, v16;
	[tilespmem:s12+$0xFFFFFFE0] =	vst v4;
	v8 =	vld.idx.msk [tilespmem:v8+s15+$0x0], $0xffff  }
0x480: {  	[tilespmem:s26+$0xFFFFFC70] =	vst v12;
	v12 =	vadd.s32 $0x1388, v16;
	v3 =	vld [tilespmem:s10+$0xFFFFFFF0]  }
0x481: {  	[tilespmem:s26+$0xFFFFFE70] =	vst v19;
	v0 =	vld.idx.msk [tilespmem:v9+s15+$0x0], $0xffff  }
0x482: {  	v9 =	vadd.s32 $0x7D0, v16;
	v4 =	vld.idx.msk [tilespmem:v7+s15+$0x0], $0xffff;
	[tilespmem:s29+$0xFFFFFCF0] =	vst v11  }
0x483: {  	v2 =	vld.idx.msk [tilespmem:v2+s15+$0x0], $0xffff;
	v7 =	vadd.s32 $0xBB8, v16;
	[tilespmem:s29+$0xFFFFFD70] =	vst v14  }
0x484: {  	v13 =	vadd.s32 $0x1770, v16;
	v5 =	vld.idx.msk [tilespmem:v5+s15+$0x0], $0xffff;
	[tilespmem:s29+$0xFFFFFDF0] =	vst v6  }
0x485: {  	v11 =	vadd.s32 $0x1B58, v16;
	[tilespmem:s29+$0xFFFFFEF0] =	vst v1;
	v1 =	vld.idx.msk [tilespmem:v12+s15+$0x0], $0xffff  }
0x486: {  	[tilespmem:s29+$0xFFFFFC70] =	vst v8;
	v8 =	vld.idx.msk [tilespmem:v16+s15+$0x0], $0xffff  }
0x487: {  	[tilespmem:s29+$0xFFFFFE70] =	vst v10;
	v6 =	vadd.s32 $0x3E8, v3;
	v9 =	vld.idx.msk [tilespmem:v9+s15+$0x0], $0xffff  }
0x488: {  	v10 =	vadd.s32 $0x7D0, v3;
	v7 =	vld.idx.msk [tilespmem:v7+s15+$0x0], $0xffff;
	[tilespmem:s29+$0xFFFFFF70] =	vst v0  }
0x489: {  	v12 =	vadd.s32 $0xBB8, v3;
	v0 =	vld.idx.msk [tilespmem:v13+s15+$0x0], $0xffff;
	[tilespmem:s29+$0xFFFFFFF0] =	vst v4  }
0x48a: {  	v4 =	vld.idx.msk [tilespmem:v11+s15+$0x0], $0xffff;
	v11 =	vadd.s32 $0xFA0, v3;
	[tilespmem:s6+$0xFFFFFCF0] =	vst v5  }
0x48b: {  	v14 =	vadd.s32 $0x1770, v3;
	v13 =	vadd.s32 $0x1388, v3;
	v5 =	vadd.s32 $0x1B58, v3;
	[tilespmem:s6+$0xFFFFFE70] =	vst v2;
	v3 =	vld.idx.msk [tilespmem:v3+s15+$0x0], $0xffff  }
0x48c: {  	[tilespmem:s6+$0xFFFFFEF0] =	vst v1;
	v6 =	vld.idx.msk [tilespmem:v6+s15+$0x0], $0xffff  }
0x48d: {  	[tilespmem:s6+$0xFFFFFC70] =	vst v8;
	v10 =	vld.idx.msk [tilespmem:v10+s15+$0x0], $0xffff  }
0x48e: {  	[tilespmem:s6+$0xFFFFFD70] =	vst v9;
	v9 =	vld.idx.msk [tilespmem:v12+s15+$0x0], $0xffff  }
0x48f: {  	[tilespmem:s6+$0xFFFFFDF0] =	vst v7;
	v7 =	vld.idx.msk [tilespmem:v11+s15+$0x0], $0xffff  }
0x490: {  	v1 =	vld.idx.msk [tilespmem:v13+s15+$0x0], $0xffff;
	[tilespmem:s6+$0xFFFFFF70] =	vst v0  }
0x491: {  	v0 =	vld.idx.msk [tilespmem:v14+s15+$0x0], $0xffff;
	[tilespmem:s6+$0xFFFFFFF0] =	vst v4  }
0x492: {  	v2 =	vld.idx.msk [tilespmem:v5+s15+$0x0], $0xffff;
	[tilespmem:s12+$0xFFFFFC70] =	vst v3  }
0x493: {  	[tilespmem:s12+$0xFFFFFCF0] =	vst v6  }
0x494: {  	p3 =	sgt.u32 s19, $0xF;
	[tilespmem:s12+$0xFFFFFD70] =	vst v10  }
0x495: {  	p4 =	seq.s32 @!p3 s21, $0x0;
	[tilespmem:s12+$0xFFFFFDF0] =	vst v9  }
0x496: {  	p4 =	por !p4, p3;
	s0 =	smov.u32 s1;
	[tilespmem:s12+$0xFFFFFE70] =	vst v7  }
0x497: {  	s0 =	smov.u32 @p4 s2;
	s6 =	sshll.u32 @!p3 s22, $0xC;
	[tilespmem:s12+$0xFFFFFEF0] =	vst v1  }
0x498: {  	s10 =	sshll.u32 @!p3 s20, $0xE;
	s0 =	sadd.s32 @!p3 s0, s6;
	[tilespmem:s12+$0xFFFFFF70] =	vst v0  }
0x499: {  	s6 =	simm.s32 @!p3 $0x0;
	s0 =	sadd.s32 @!p3 s10, s0;
	s10 =	simm.s32 @!p3 $0x5F40;
	[tilespmem:s12+$0xFFFFFFF0] =	vst v2  }
0x49a: {  	[hbm4b:s0+s6] =	stream.linear.scatter @!p3 [tilespmem:s10], [sflag:$0x1], $0x8000, $0x38;
	[tilespmem:$0x15F40] =	vst v63  }
0x49b: {  	s0 =	sshll.u32 @p2 s22, $0xC  }
0x49c: {  	s6 =	sshll.u32 @p2 s20, $0xE;
	s0 =	sadd.s32 @p2 s3, s0  }
0x49d: {  	s10 =	simm.s32 @p2 $0x5F40;
	s0 =	sadd.s32 @p2 s6, s0;
	s6 =	simm.s32 @p2 $0x0  }
0x49e: {  	[hbm4b:s0+s6] =	stream.linear.scatter @p2 [tilespmem:s10], [sflag:$0x1], $0x8000, $0x38;
	[tilespmem:$0x15F40] =	vst v63  }
0x49f: {  	s0 =	simm.s32 @!p1 $0x2  }
0x4a0: {  	_ =	swait.ge @!p1 [sflag:s0], $0x8000  }
0x4a1: {  	[sflag:s0] =	ssyncset.done @!p1 $0x0  }
0x4a2: {  	[sflag:s0] =	ssyncadd.s32 @!p1 $0xFFFF8000  }
0x4a3: {  	v0 =	vld [tilespmem:s25+$0xFFFFFF90];
	_ =	sdelay $0x4  }
0x4a4: {  	v1 =	vadd.s32 $0x3E8, v0  }
0x4a5: {  	v2 =	vadd.s32 $0x7D0, v0  }
0x4a6: {  	v3 =	vadd.s32 $0xBB8, v0  }
0x4a7: {  	v4 =	vadd.s32 $0xFA0, v0  }
0x4a8: {  	v6 =	vadd.s32 $0x1388, v0;
	v5 =	vld.idx.msk [tilespmem:v0+s15+$0x0], $0xffff  }
0x4a9: {  	v7 =	vadd.s32 $0x1770, v0;
	v1 =	vld.idx.msk [tilespmem:v1+s15+$0x0], $0xffff  }
0x4aa: {  	v0 =	vadd.s32 $0x1B58, v0;
	v2 =	vld.idx.msk [tilespmem:v2+s15+$0x0], $0xffff  }
0x4ab: {  	v3 =	vld.idx.msk [tilespmem:v3+s15+$0x0], $0xffff  }
0x4ac: {  	v4 =	vld.idx.msk [tilespmem:v4+s15+$0x0], $0xffff  }
0x4ad: {  	v6 =	vld.idx.msk [tilespmem:v6+s15+$0x0], $0xffff  }
0x4ae: {  	s23 =	simm.s32 $0xE340;
	v7 =	vld.idx.msk [tilespmem:v7+s15+$0x0], $0xffff  }
0x4af: {  	v0 =	vld.idx.msk [tilespmem:v0+s15+$0x0], $0xffff;
	[tilespmem:s23+$0x0] =	vst v5  }
0x4b0: {  	[tilespmem:s23+$0x80] =	vst v1  }
0x4b1: {  	[tilespmem:s23+$0x100] =	vst v2  }
0x4b2: {  	[tilespmem:s23+$0x180] =	vst v3  }
0x4b3: {  	[tilespmem:s23+$0x200] =	vst v4  }
0x4b4: {  	[tilespmem:s23+$0x280] =	vst v6  }
0x4b5: {  	[tilespmem:s23+$0x300] =	vst v7  }
0x4b6: {  	[tilespmem:s23+$0x380] =	vst v0  }
0x4b7: {  	v0 =	vld [tilespmem:s25+$0xFFFFFFA0];
	_ =	sdelay $0x4  }
0x4b8: {  	v1 =	vadd.s32 $0x3E8, v0  }
0x4b9: {  	v2 =	vadd.s32 $0x7D0, v0  }
0x4ba: {  	v3 =	vadd.s32 $0xBB8, v0  }
0x4bb: {  	v4 =	vld [tilespmem:s25+$0xFFFFFF10];
	v5 =	vadd.s32 $0xFA0, v0  }
0x4bc: {  	v7 =	vadd.s32 $0x1388, v0;
	v6 =	vld.idx.msk [tilespmem:v0+s15+$0x0], $0xffff  }
0x4bd: {  	v8 =	vadd.s32 $0x1770, v0;
	v1 =	vld.idx.msk [tilespmem:v1+s15+$0x0], $0xffff  }
0x4be: {  	v0 =	vadd.s32 $0x1B58, v0;
	v2 =	vld.idx.msk [tilespmem:v2+s15+$0x0], $0xffff  }
0x4bf: {  	v3 =	vld.idx.msk [tilespmem:v3+s15+$0x0], $0xffff  }
0x4c0: {  	v5 =	vld.idx.msk [tilespmem:v5+s15+$0x0], $0xffff  }
0x4c1: {  	v7 =	vld.idx.msk [tilespmem:v7+s15+$0x0], $0xffff  }
0x4c2: {  	v8 =	vld.idx.msk [tilespmem:v8+s15+$0x0], $0xffff  }
0x4c3: {  	v0 =	vld.idx.msk [tilespmem:v0+s15+$0x0], $0xffff;
	[tilespmem:s23+$0x10] =	vst v6  }
0x4c4: {  	[tilespmem:s23+$0x90] =	vst v1  }
0x4c5: {  	[tilespmem:s23+$0x110] =	vst v2  }
0x4c6: {  	[tilespmem:s23+$0x190] =	vst v3  }
0x4c7: {  	[tilespmem:s23+$0x210] =	vst v5  }
0x4c8: {  	v1 =	vadd.s32 $0x3E8, v4;
	[tilespmem:s23+$0x290] =	vst v7  }
0x4c9: {  	v2 =	vadd.s32 $0x7D0, v4;
	[tilespmem:s23+$0x310] =	vst v8  }
0x4ca: {  	v3 =	vadd.s32 $0xBB8, v4;
	[tilespmem:s23+$0x390] =	vst v0  }
0x4cb: {  	v5 =	vadd.s32 $0xFA0, v4;
	v6 =	vld [tilespmem:s25+$0xFFFFFFB0]  }
0x4cc: {  	v7 =	vadd.s32 $0x1770, v4;
	v8 =	vadd.s32 $0x1B58, v4;
	v0 =	vadd.s32 $0x1388, v4;
	v4 =	vld.idx.msk [tilespmem:v4+s15+$0x0], $0xffff  }
0x4cd: {  	v1 =	vld.idx.msk [tilespmem:v1+s15+$0x0], $0xffff  }
0x4ce: {  	v2 =	vld.idx.msk [tilespmem:v2+s15+$0x0], $0xffff  }
0x4cf: {  	v3 =	vld.idx.msk [tilespmem:v3+s15+$0x0], $0xffff  }
0x4d0: {  	v5 =	vld.idx.msk [tilespmem:v5+s15+$0x0], $0xffff;
	v9 =	vadd.s32 $0x3E8, v6  }
0x4d1: {  	v7 =	vld.idx.msk [tilespmem:v7+s15+$0x0], $0xffff;
	v10 =	vadd.s32 $0x7D0, v6  }
0x4d2: {  	v8 =	vld.idx.msk [tilespmem:v8+s15+$0x0], $0xffff;
	v11 =	vadd.s32 $0xBB8, v6  }
0x4d3: {  	v0 =	vld.idx.msk [tilespmem:v0+s15+$0x0], $0xffff;
	v12 =	vadd.s32 $0xFA0, v6  }
0x4d4: {  	v13 =	vadd.s32 $0x1388, v6;
	[tilespmem:s23+$0xFFFFFC80] =	vst v1;
	v1 =	vld.idx.msk [tilespmem:v6+s15+$0x0], $0xffff  }
0x4d5: {  	[tilespmem:s23+$0xFFFFFD00] =	vst v2;
	v2 =	vld.idx.msk [tilespmem:v9+s15+$0x0], $0xffff;
	v9 =	vadd.s32 $0x1770, v6  }
0x4d6: {  	[tilespmem:s23+$0xFFFFFD80] =	vst v3;
	v3 =	vld.idx.msk [tilespmem:v10+s15+$0x0], $0xffff;
	v6 =	vadd.s32 $0x1B58, v6  }
0x4d7: {  	[tilespmem:s23+$0xFFFFFE00] =	vst v5;
	v5 =	vld.idx.msk [tilespmem:v11+s15+$0x0], $0xffff  }
0x4d8: {  	[tilespmem:s23+$0xFFFFFE80] =	vst v0;
	v0 =	vld.idx.msk [tilespmem:v12+s15+$0x0], $0xffff  }
0x4d9: {  	[tilespmem:s23+$0xFFFFFF00] =	vst v7;
	v7 =	vld.idx.msk [tilespmem:v13+s15+$0x0], $0xffff  }
0x4da: {  	[tilespmem:s23+$0xFFFFFF80] =	vst v8;
	v8 =	vld.idx.msk [tilespmem:v9+s15+$0x0], $0xffff  }
0x4db: {  	[tilespmem:s23+$0xFFFFFC00] =	vst v4;
	v4 =	vld.idx.msk [tilespmem:v6+s15+$0x0], $0xffff  }
0x4dc: {  	v6 =	vld [tilespmem:s25+$0xFFFFFF20];
	[tilespmem:s23+$0x20] =	vst v1  }
0x4dd: {  	[tilespmem:s23+$0xA0] =	vst v2  }
0x4de: {  	[tilespmem:s23+$0x120] =	vst v3  }
0x4df: {  	[tilespmem:s23+$0x1A0] =	vst v5  }
0x4e0: {  	[tilespmem:s23+$0x220] =	vst v0  }
0x4e1: {  	[tilespmem:s23+$0x2A0] =	vst v7;
	v0 =	vadd.s32 $0x3E8, v6  }
0x4e2: {  	v1 =	vadd.s32 $0x7D0, v6;
	[tilespmem:s23+$0x320] =	vst v8  }
0x4e3: {  	v2 =	vadd.s32 $0xBB8, v6;
	[tilespmem:s23+$0x3A0] =	vst v4  }
0x4e4: {  	v3 =	vadd.s32 $0xFA0, v6;
	v4 =	vld [tilespmem:s25+$0xFFFFFFC0]  }
0x4e5: {  	v5 =	vadd.s32 $0x1388, v6;
	v7 =	vld.idx.msk [tilespmem:v6+s15+$0x0], $0xffff  }
0x4e6: {  	v8 =	vadd.s32 $0x1770, v6;
	v0 =	vld.idx.msk [tilespmem:v0+s15+$0x0], $0xffff  }
0x4e7: {  	v6 =	vadd.s32 $0x1B58, v6;
	v1 =	vld.idx.msk [tilespmem:v1+s15+$0x0], $0xffff  }
0x4e8: {  	v2 =	vld.idx.msk [tilespmem:v2+s15+$0x0], $0xffff  }
0x4e9: {  	v3 =	vld.idx.msk [tilespmem:v3+s15+$0x0], $0xffff  }
0x4ea: {  	v5 =	vld.idx.msk [tilespmem:v5+s15+$0x0], $0xffff;
	v9 =	vadd.s32 $0x3E8, v4  }
0x4eb: {  	v8 =	vld.idx.msk [tilespmem:v8+s15+$0x0], $0xffff;
	v10 =	vadd.s32 $0x7D0, v4  }
0x4ec: {  	v11 =	vadd.s32 $0xBB8, v4;
	v6 =	vld.idx.msk [tilespmem:v6+s15+$0x0], $0xffff;
	[tilespmem:s23+$0xFFFFFC10] =	vst v7  }
0x4ed: {  	v12 =	vadd.s32 $0xFA0, v4;
	[tilespmem:s23+$0xFFFFFC90] =	vst v0  }
0x4ee: {  	v13 =	vadd.s32 $0x1388, v4;
	v0 =	vld.idx.msk [tilespmem:v4+s15+$0x0], $0xffff;
	[tilespmem:s23+$0xFFFFFD10] =	vst v1  }
0x4ef: {  	[tilespmem:s23+$0xFFFFFD90] =	vst v2;
	v1 =	vld.idx.msk [tilespmem:v9+s15+$0x0], $0xffff  }
0x4f0: {  	[tilespmem:s23+$0xFFFFFE10] =	vst v3;
	v9 =	vadd.s32 $0x1770, v4;
	v2 =	vld.idx.msk [tilespmem:v10+s15+$0x0], $0xffff  }
0x4f1: {  	[tilespmem:s23+$0xFFFFFE90] =	vst v5;
	v4 =	vadd.s32 $0x1B58, v4;
	v3 =	vld.idx.msk [tilespmem:v11+s15+$0x0], $0xffff  }
0x4f2: {  	[tilespmem:s23+$0xFFFFFF10] =	vst v8;
	v5 =	vld.idx.msk [tilespmem:v12+s15+$0x0], $0xffff  }
0x4f3: {  	v8 =	vld.idx.msk [tilespmem:v13+s15+$0x0], $0xffff;
	[tilespmem:s23+$0xFFFFFF90] =	vst v6  }
0x4f4: {  	v7 =	vld [tilespmem:s25+$0xFFFFFF30]  }
0x4f5: {  	v6 =	vld.idx.msk [tilespmem:v9+s15+$0x0], $0xffff  }
0x4f6: {  	v4 =	vld.idx.msk [tilespmem:v4+s15+$0x0], $0xffff;
	[tilespmem:s23+$0x30] =	vst v0  }
0x4f7: {  	[tilespmem:s23+$0xB0] =	vst v1  }
0x4f8: {  	[tilespmem:s23+$0x130] =	vst v2  }
0x4f9: {  	[tilespmem:s23+$0x1B0] =	vst v3  }
0x4fa: {  	[tilespmem:s23+$0x230] =	vst v5  }
0x4fb: {  	[tilespmem:s23+$0x2B0] =	vst v8;
	v0 =	vadd.s32 $0x3E8, v7  }
0x4fc: {  	v1 =	vadd.s32 $0x7D0, v7;
	[tilespmem:s23+$0x330] =	vst v6  }
0x4fd: {  	v2 =	vadd.s32 $0xBB8, v7;
	[tilespmem:s23+$0x3B0] =	vst v4  }
0x4fe: {  	v3 =	vadd.s32 $0xFA0, v7;
	v4 =	vld [tilespmem:s25+$0xFFFFFFD0]  }
0x4ff: {  	v5 =	vadd.s32 $0x1388, v7;
	v6 =	vld.idx.msk [tilespmem:v7+s15+$0x0], $0xffff  }
0x500: {  	v8 =	vadd.s32 $0x1770, v7;
	v0 =	vld.idx.msk [tilespmem:v0+s15+$0x0], $0xffff  }
0x501: {  	v7 =	vadd.s32 $0x1B58, v7;
	v1 =	vld.idx.msk [tilespmem:v1+s15+$0x0], $0xffff  }
0x502: {  	v2 =	vld.idx.msk [tilespmem:v2+s15+$0x0], $0xffff  }
0x503: {  	v3 =	vld.idx.msk [tilespmem:v3+s15+$0x0], $0xffff;
	v9 =	vadd.s32 $0x3E8, v4  }
0x504: {  	v5 =	vld.idx.msk [tilespmem:v5+s15+$0x0], $0xffff;
	v10 =	vadd.s32 $0x7D0, v4  }
0x505: {  	v8 =	vld.idx.msk [tilespmem:v8+s15+$0x0], $0xffff;
	v11 =	vadd.s32 $0xBB8, v4  }
0x506: {  	v7 =	vld.idx.msk [tilespmem:v7+s15+$0x0], $0xffff;
	v12 =	vadd.s32 $0xFA0, v4  }
0x507: {  	v14 =	vadd.s32 $0x1388, v4;
	v13 =	vld.idx.msk [tilespmem:v4+s15+$0x0], $0xffff  }
0x508: {  	v15 =	vadd.s32 $0x1770, v4;
	v9 =	vld.idx.msk [tilespmem:v9+s15+$0x0], $0xffff  }
0x509: {  	v4 =	vadd.s32 $0x1B58, v4;
	v10 =	vld.idx.msk [tilespmem:v10+s15+$0x0], $0xffff  }
0x50a: {  	v11 =	vld.idx.msk [tilespmem:v11+s15+$0x0], $0xffff  }
0x50b: {  	v12 =	vld.idx.msk [tilespmem:v12+s15+$0x0], $0xffff  }
0x50c: {  	[tilespmem:s23+$0xFFFFFCA0] =	vst v0;
	v14 =	vld.idx.msk [tilespmem:v14+s15+$0x0], $0xffff  }
0x50d: {  	[tilespmem:s23+$0xFFFFFD20] =	vst v1;
	v0 =	vld.idx.msk [tilespmem:v15+s15+$0x0], $0xffff  }
0x50e: {  	v1 =	vld.idx.msk [tilespmem:v4+s15+$0x0], $0xffff;
	[tilespmem:s23+$0x40] =	vst v13  }
0x50f: {  	[tilespmem:s23+$0xC0] =	vst v9  }
0x510: {  	[tilespmem:s23+$0x140] =	vst v10  }
0x511: {  	[tilespmem:s23+$0x1C0] =	vst v11  }
0x512: {  	[tilespmem:s23+$0x240] =	vst v12  }
0x513: {  	[tilespmem:s23+$0x2C0] =	vst v14  }
0x514: {  	[tilespmem:s23+$0x340] =	vst v0  }
0x515: {  	[tilespmem:s23+$0x3C0] =	vst v1  }
0x516: {  	v0 =	vld [tilespmem:s25+$0xFFFFFFE0]  }
0x517: {  	[tilespmem:s23+$0xFFFFFC20] =	vst v6  }
0x518: {  	[tilespmem:s23+$0xFFFFFDA0] =	vst v2  }
0x519: {  	[tilespmem:s23+$0xFFFFFE20] =	vst v3  }
0x51a: {  	[tilespmem:s23+$0xFFFFFEA0] =	vst v5  }
0x51b: {  	s31 =	sadd.s32 $0x100, s25;
	[tilespmem:s23+$0xFFFFFF20] =	vst v8;
	v1 =	vadd.s32 $0x3E8, v0  }
0x51c: {  	v6 =	vld [tilespmem:s31+$0xFFFFFF10];
	[tilespmem:s23+$0xFFFFFFA0] =	vst v7;
	v3 =	vadd.s32 $0x7D0, v0  }
0x51d: {  	v2 =	vld [tilespmem:s25+$0xFFFFFF40];
	v5 =	vadd.s32 $0xBB8, v0  }
0x51e: {  	v4 =	vld [tilespmem:s31+$0xFFFFFF90];
	v7 =	vadd.s32 $0xFA0, v0  }
0x51f: {  	v9 =	vadd.s32 $0x1388, v0;
	v8 =	vld.idx.msk [tilespmem:v0+s15+$0x0], $0xffff  }
0x520: {  	v10 =	vadd.s32 $0x1770, v0;
	v1 =	vld.idx.msk [tilespmem:v1+s15+$0x0], $0xffff  }
0x521: {  	v0 =	vadd.s32 $0x1B58, v0;
	v3 =	vld.idx.msk [tilespmem:v3+s15+$0x0], $0xffff  }
0x522: {  	v5 =	vld.idx.msk [tilespmem:v5+s15+$0x0], $0xffff  }
0x523: {  	v11 =	vadd.s32 $0x3E8, v4;
	v7 =	vld.idx.msk [tilespmem:v7+s15+$0x0], $0xffff  }
0x524: {  	v12 =	vadd.s32 $0x7D0, v4;
	v9 =	vld.idx.msk [tilespmem:v9+s15+$0x0], $0xffff  }
0x525: {  	v13 =	vadd.s32 $0xBB8, v4;
	v10 =	vld.idx.msk [tilespmem:v10+s15+$0x0], $0xffff  }
0x526: {  	v14 =	vadd.s32 $0xFA0, v4;
	v0 =	vld.idx.msk [tilespmem:v0+s15+$0x0], $0xffff;
	[tilespmem:s23+$0x50] =	vst v8  }
0x527: {  	v16 =	vadd.s32 $0x1388, v4;
	v15 =	vld.idx.msk [tilespmem:v4+s15+$0x0], $0xffff;
	[tilespmem:s23+$0xD0] =	vst v1  }
0x528: {  	v8 =	vld.idx.msk [tilespmem:v11+s15+$0x0], $0xffff;
	v11 =	vadd.s32 $0x1770, v4;
	[tilespmem:s23+$0x150] =	vst v3  }
0x529: {  	v4 =	vadd.s32 $0x1B58, v4;
	v1 =	vld.idx.msk [tilespmem:v12+s15+$0x0], $0xffff;
	[tilespmem:s23+$0x1D0] =	vst v5  }
0x52a: {  	v3 =	vld.idx.msk [tilespmem:v13+s15+$0x0], $0xffff;
	[tilespmem:s23+$0x250] =	vst v7  }
0x52b: {  	v12 =	vld.idx.msk [tilespmem:v14+s15+$0x0], $0xffff;
	[tilespmem:s23+$0x2D0] =	vst v9  }
0x52c: {  	v5 =	vadd.s32 $0x3E8, v6;
	v13 =	vld.idx.msk [tilespmem:v16+s15+$0x0], $0xffff;
	[tilespmem:s23+$0x350] =	vst v10  }
0x52d: {  	s24 =	simm.s32 $0xEB40;
	v7 =	vadd.s32 $0x7D0, v6;
	v11 =	vld.idx.msk [tilespmem:v11+s15+$0x0], $0xffff;
	[tilespmem:s23+$0x3D0] =	vst v0  }
0x52e: {  	v9 =	vadd.s32 $0xBB8, v6;
	v10 =	vadd.s32 $0xFA0, v6;
	v4 =	vld.idx.msk [tilespmem:v4+s15+$0x0], $0xffff;
	[tilespmem:s24+$0x0] =	vst v15  }
0x52f: {  	v0 =	vadd.s32 $0x1388, v6;
	v15 =	vadd.s32 $0x1770, v6;
	[tilespmem:s24+$0x80] =	vst v8;
	v8 =	vadd.s32 $0x1B58, v6;
	v6 =	vld.idx.msk [tilespmem:v6+s15+$0x0], $0xffff  }
0x530: {  	v14 =	vld [tilespmem:s25+$0xFFFFFFF0]  }
0x531: {  	v5 =	vld.idx.msk [tilespmem:v5+s15+$0x0], $0xffff  }
0x532: {  	v7 =	vld.idx.msk [tilespmem:v7+s15+$0x0], $0xffff;
	[tilespmem:s24+$0x100] =	vst v1  }
0x533: {  	v1 =	vld.idx.msk [tilespmem:v9+s15+$0x0], $0xffff;
	[tilespmem:s24+$0x180] =	vst v3  }
0x534: {  	v3 =	vld.idx.msk [tilespmem:v10+s15+$0x0], $0xffff;
	[tilespmem:s24+$0x200] =	vst v12  }
0x535: {  	[tilespmem:s24+$0x280] =	vst v13;
	v0 =	vld.idx.msk [tilespmem:v0+s15+$0x0], $0xffff;
	v9 =	vadd.s32 $0x3E8, v14  }
0x536: {  	v10 =	vld.idx.msk [tilespmem:v15+s15+$0x0], $0xffff;
	[tilespmem:s24+$0x300] =	vst v11;
	v11 =	vadd.s32 $0x7D0, v14  }
0x537: {  	v8 =	vld.idx.msk [tilespmem:v8+s15+$0x0], $0xffff;
	[tilespmem:s24+$0x380] =	vst v4;
	v4 =	vadd.s32 $0xBB8, v14  }
0x538: {  	v12 =	vld [tilespmem:s31+$0xFFFFFFA0];
	v13 =	vadd.s32 $0xFA0, v14  }
0x539: {  	v16 =	vadd.s32 $0x1388, v14;
	v15 =	vld.idx.msk [tilespmem:v14+s15+$0x0], $0xffff  }
0x53a: {  	v17 =	vadd.s32 $0x1770, v14;
	v9 =	vld.idx.msk [tilespmem:v9+s15+$0x0], $0xffff  }
0x53b: {  	[tilespmem:s24+$0xFFFFFC00] =	vst v6;
	v14 =	vadd.s32 $0x1B58, v14;
	v11 =	vld.idx.msk [tilespmem:v11+s15+$0x0], $0xffff  }
0x53c: {  	[tilespmem:s24+$0xFFFFFC80] =	vst v5;
	v4 =	vld.idx.msk [tilespmem:v4+s15+$0x0], $0xffff  }
0x53d: {  	[tilespmem:s24+$0xFFFFFD00] =	vst v7;
	v13 =	vld.idx.msk [tilespmem:v13+s15+$0x0], $0xffff;
	v18 =	vadd.s32 $0x3E8, v12  }
0x53e: {  	[tilespmem:s24+$0xFFFFFD80] =	vst v1;
	v16 =	vld.idx.msk [tilespmem:v16+s15+$0x0], $0xffff;
	v19 =	vadd.s32 $0x7D0, v12  }
0x53f: {  	[tilespmem:s24+$0xFFFFFE00] =	vst v3;
	v17 =	vld.idx.msk [tilespmem:v17+s15+$0x0], $0xffff;
	v20 =	vadd.s32 $0xBB8, v12  }
0x540: {  	[tilespmem:s24+$0xFFFFFE80] =	vst v0;
	v21 =	vadd.s32 $0x1388, v12;
	v14 =	vld.idx.msk [tilespmem:v14+s15+$0x0], $0xffff  }
0x541: {  	[tilespmem:s23+$0x60] =	vst v15;
	v15 =	vadd.s32 $0xFA0, v12;
	v5 =	vld.idx.msk [tilespmem:v12+s15+$0x0], $0xffff  }
0x542: {  	[tilespmem:s24+$0xFFFFFF00] =	vst v10;
	v7 =	vld.idx.msk [tilespmem:v18+s15+$0x0], $0xffff;
	v18 =	vadd.s32 $0x1770, v12  }
0x543: {  	[tilespmem:s24+$0xFFFFFF80] =	vst v8;
	v1 =	vld.idx.msk [tilespmem:v19+s15+$0x0], $0xffff;
	v12 =	vadd.s32 $0x1B58, v12  }
0x544: {  	v3 =	vld.idx.msk [tilespmem:v20+s15+$0x0], $0xffff;
	[tilespmem:s23+$0xE0] =	vst v9  }
0x545: {  	v10 =	vld.idx.msk [tilespmem:v21+s15+$0x0], $0xffff;
	[tilespmem:s23+$0x160] =	vst v11  }
0x546: {  	[tilespmem:s23+$0x1E0] =	vst v4;
	v0 =	vld.idx.msk [tilespmem:v15+s15+$0x0], $0xffff  }
0x547: {  	[tilespmem:s23+$0x260] =	vst v13;
	v8 =	vld.idx.msk [tilespmem:v18+s15+$0x0], $0xffff  }
0x548: {  	v6 =	vld.idx.msk [tilespmem:v12+s15+$0x0], $0xffff;
	[tilespmem:s24+$0x10] =	vst v5  }
0x549: {  	[tilespmem:s24+$0x90] =	vst v7  }
0x54a: {  	v5 =	vadd.s32 $0x3E8, v2;
	[tilespmem:s24+$0x110] =	vst v1  }
0x54b: {  	s28 =	sadd.s32 $0x100, s31;
	[tilespmem:s24+$0x190] =	vst v3  }
0x54c: {  	v24 =	vld [tilespmem:s28+$0xFFFFFF10];
	v1 =	vadd.s32 $0x7D0, v2;
	[tilespmem:s24+$0x290] =	vst v10  }
0x54d: {  	v3 =	vld.idx.msk [tilespmem:v2+s15+$0x0], $0xffff;
	v7 =	vadd.s32 $0xFA0, v2;
	[tilespmem:s24+$0x210] =	vst v0  }
0x54e: {  	v10 =	vld [tilespmem:s31+$0xFFFFFF20];
	[tilespmem:s24+$0x310] =	vst v8  }
0x54f: {  	v0 =	vadd.s32 $0xBB8, v2;
	v5 =	vld.idx.msk [tilespmem:v5+s15+$0x0], $0xffff;
	[tilespmem:s24+$0x390] =	vst v6  }
0x550: {  	[tilespmem:s23+$0x2E0] =	vst v16;
	v8 =	vadd.s32 $0x1388, v2;
	v9 =	vld [tilespmem:s31+$0xFFFFFFB0]  }
0x551: {  	[tilespmem:s23+$0x360] =	vst v17;
	v12 =	vld.idx.msk [tilespmem:v1+s15+$0x0], $0xffff  }
0x552: {  	[tilespmem:s23+$0x3E0] =	vst v14;
	v6 =	vadd.s32 $0x1770, v2;
	v4 =	vld.idx.msk [tilespmem:v7+s15+$0x0], $0xffff  }
0x553: {  	v2 =	vadd.s32 $0x1B58, v2;
	v1 =	vld [tilespmem:s25+$0x0]  }
0x554: {  	v0 =	vld.idx.msk [tilespmem:v0+s15+$0x0], $0xffff  }
0x555: {  	v7 =	vld.idx.msk [tilespmem:v8+s15+$0x0], $0xffff;
	v8 =	vadd.s32 $0x3E8, v9  }
0x556: {  	v19 =	vld.idx.msk [tilespmem:v10+s15+$0x0], $0xffff;
	v11 =	vadd.s32 $0x7D0, v9  }
0x557: {  	v6 =	vld.idx.msk [tilespmem:v6+s15+$0x0], $0xffff;
	v13 =	vadd.s32 $0xBB8, v9  }
0x558: {  	v2 =	vld.idx.msk [tilespmem:v2+s15+$0x0], $0xffff;
	[tilespmem:s23+$0xFFFFFCB0] =	vst v5;
	v14 =	vadd.s32 $0xFA0, v9  }
0x559: {  	[tilespmem:s23+$0xFFFFFD30] =	vst v12;
	v15 =	vadd.s32 $0x1388, v9;
	v5 =	vld.idx.msk [tilespmem:v9+s15+$0x0], $0xffff  }
0x55a: {  	[tilespmem:s23+$0xFFFFFE30] =	vst v4;
	v12 =	vadd.s32 $0x1770, v9;
	v8 =	vld.idx.msk [tilespmem:v8+s15+$0x0], $0xffff  }
0x55b: {  	[tilespmem:s23+$0xFFFFFDB0] =	vst v0;
	v0 =	vld.idx.msk [tilespmem:v11+s15+$0x0], $0xffff  }
0x55c: {  	[tilespmem:s23+$0xFFFFFC30] =	vst v3;
	v9 =	vadd.s32 $0x1B58, v9;
	v4 =	vld.idx.msk [tilespmem:v13+s15+$0x0], $0xffff  }
0x55d: {  	[tilespmem:s23+$0xFFFFFEB0] =	vst v7;
	v7 =	vadd.s32 $0x3E8, v10;
	v11 =	vld.idx.msk [tilespmem:v14+s15+$0x0], $0xffff  }
0x55e: {  	[tilespmem:s23+$0xFFFFFF30] =	vst v6;
	v6 =	vadd.s32 $0x7D0, v10;
	v13 =	vld.idx.msk [tilespmem:v15+s15+$0x0], $0xffff  }
0x55f: {  	[tilespmem:s23+$0xFFFFFFB0] =	vst v2;
	v2 =	vadd.s32 $0xBB8, v10;
	v12 =	vld.idx.msk [tilespmem:v12+s15+$0x0], $0xffff  }
0x560: {  	v14 =	vadd.s32 $0xFA0, v10;
	v20 =	vld [tilespmem:s25+$0xFFFFFF50]  }
0x561: {  	v3 =	vld.idx.msk [tilespmem:v9+s15+$0x0], $0xffff  }
0x562: {  	v9 =	vadd.s32 $0x1388, v10;
	[tilespmem:s24+$0x20] =	vst v5;
	v7 =	vld.idx.msk [tilespmem:v7+s15+$0x0], $0xffff  }
0x563: {  	v5 =	vadd.s32 $0x1770, v10;
	v6 =	vld.idx.msk [tilespmem:v6+s15+$0x0], $0xffff;
	[tilespmem:s24+$0xA0] =	vst v8  }
0x564: {  	v8 =	vadd.s32 $0x1B58, v10;
	[tilespmem:s24+$0x120] =	vst v0;
	v0 =	vld.idx.msk [tilespmem:v2+s15+$0x0], $0xffff  }
0x565: {  	[tilespmem:s24+$0x1A0] =	vst v4;
	v4 =	vld.idx.msk [tilespmem:v14+s15+$0x0], $0xffff  }
0x566: {  	[tilespmem:s24+$0x220] =	vst v11;
	v10 =	vadd.s32 $0x1B58, v1;
	v2 =	vld.idx.msk [tilespmem:v1+s15+$0x0], $0xffff  }
0x567: {  	[tilespmem:s24+$0x320] =	vst v12;
	v12 =	vadd.s32 $0x7D0, v1;
	v9 =	vld.idx.msk [tilespmem:v9+s15+$0x0], $0xffff  }
0x568: {  	[tilespmem:s24+$0x2A0] =	vst v13;
	v11 =	vadd.s32 $0x3E8, v1;
	v5 =	vld.idx.msk [tilespmem:v5+s15+$0x0], $0xffff  }
0x569: {  	v13 =	vadd.s32 $0xFA0, v1;
	[tilespmem:s24+$0x3A0] =	vst v3;
	v8 =	vld.idx.msk [tilespmem:v8+s15+$0x0], $0xffff  }
0x56a: {  	v3 =	vadd.s32 $0xBB8, v1;
	[tilespmem:s24+$0xFFFFFC90] =	vst v7;
	v7 =	vld [tilespmem:s31+$0xFFFFFFC0]  }
0x56b: {  	[tilespmem:s24+$0xFFFFFD10] =	vst v6;
	v17 =	vld.idx.msk [tilespmem:v10+s15+$0x0], $0xffff;
	v6 =	vadd.s32 $0x3E8, v20  }
0x56c: {  	[tilespmem:s24+$0xFFFFFD90] =	vst v0;
	v15 =	vld.idx.msk [tilespmem:v12+s15+$0x0], $0xffff;
	v12 =	vadd.s32 $0x7D0, v20  }
0x56d: {  	v18 =	vld.idx.msk [tilespmem:v11+s15+$0x0], $0xffff;
	[tilespmem:s24+$0xFFFFFE10] =	vst v4  }
0x56e: {  	v16 =	vld.idx.msk [tilespmem:v13+s15+$0x0], $0xffff;
	[tilespmem:s24+$0xFFFFFC10] =	vst v19  }
0x56f: {  	[tilespmem:s24+$0xFFFFFE90] =	vst v9;
	v14 =	vld.idx.msk [tilespmem:v3+s15+$0x0], $0xffff;
	v0 =	vadd.s32 $0x3E8, v7  }
0x570: {  	[tilespmem:s24+$0xFFFFFF10] =	vst v5;
	v3 =	vadd.s32 $0x7D0, v7;
	v4 =	vld.idx.msk [tilespmem:v6+s15+$0x0], $0xffff  }
0x571: {  	[tilespmem:s24+$0xFFFFFF90] =	vst v8;
	v5 =	vadd.s32 $0xBB8, v7;
	v12 =	vld.idx.msk [tilespmem:v12+s15+$0x0], $0xffff  }
0x572: {  	v8 =	vadd.s32 $0xFA0, v7;
	v6 =	vld [tilespmem:s31+$0xFFFFFF30]  }
0x573: {  	v10 =	vadd.s32 $0x1388, v7;
	v9 =	vld.idx.msk [tilespmem:v7+s15+$0x0], $0xffff  }
0x574: {  	v11 =	vadd.s32 $0x1770, v7;
	v0 =	vld.idx.msk [tilespmem:v0+s15+$0x0], $0xffff  }
0x575: {  	v7 =	vadd.s32 $0x1B58, v7;
	v3 =	vld.idx.msk [tilespmem:v3+s15+$0x0], $0xffff  }
0x576: {  	v13 =	vadd.s32 $0xBB8, v20;
	v5 =	vld.idx.msk [tilespmem:v5+s15+$0x0], $0xffff  }
0x577: {  	v19 =	vadd.s32 $0xFA0, v20;
	v8 =	vld.idx.msk [tilespmem:v8+s15+$0x0], $0xffff  }
0x578: {  	v21 =	vadd.s32 $0x1388, v20;
	v10 =	vld.idx.msk [tilespmem:v10+s15+$0x0], $0xffff  }
0x579: {  	v22 =	vadd.s32 $0x1770, v20;
	v11 =	vld.idx.msk [tilespmem:v11+s15+$0x0], $0xffff  }
0x57a: {  	v23 =	vadd.s32 $0x1B58, v20;
	v7 =	vld.idx.msk [tilespmem:v7+s15+$0x0], $0xffff;
	[tilespmem:s24+$0x30] =	vst v9  }
0x57b: {  	v9 =	vld.idx.msk [tilespmem:v13+s15+$0x0], $0xffff;
	[tilespmem:s24+$0xB0] =	vst v0  }
0x57c: {  	v0 =	vld.idx.msk [tilespmem:v19+s15+$0x0], $0xffff;
	[tilespmem:s24+$0x130] =	vst v3  }
0x57d: {  	v3 =	vld.idx.msk [tilespmem:v21+s15+$0x0], $0xffff;
	[tilespmem:s24+$0x1B0] =	vst v5  }
0x57e: {  	v13 =	vadd.s32 $0x3E8, v6;
	v5 =	vld.idx.msk [tilespmem:v22+s15+$0x0], $0xffff;
	[tilespmem:s24+$0x230] =	vst v8  }
0x57f: {  	v8 =	vld.idx.msk [tilespmem:v23+s15+$0x0], $0xffff;
	v19 =	vadd.s32 $0x7D0, v6;
	[tilespmem:s24+$0x2B0] =	vst v10  }
0x580: {  	v10 =	vld.idx.msk [tilespmem:v20+s15+$0x0], $0xffff;
	v20 =	vadd.s32 $0xBB8, v6;
	[tilespmem:s24+$0x330] =	vst v11  }
0x581: {  	v11 =	vadd.s32 $0xFA0, v6;
	v21 =	vld.idx.msk [tilespmem:v6+s15+$0x0], $0xffff;
	[tilespmem:s24+$0x3B0] =	vst v7  }
0x582: {  	[tilespmem:s23+$0xFFFFFCC0] =	vst v4;
	v4 =	vadd.s32 $0x1388, v6;
	v7 =	vld [tilespmem:s31+$0xFFFFFFD0]  }
0x583: {  	[tilespmem:s23+$0xFFFFFD40] =	vst v12;
	v12 =	vadd.s32 $0x1770, v6;
	v13 =	vld.idx.msk [tilespmem:v13+s15+$0x0], $0xffff  }
0x584: {  	v6 =	vadd.s32 $0x1B58, v6;
	[tilespmem:s23+$0xFFFFFDC0] =	vst v9;
	v9 =	vld.idx.msk [tilespmem:v19+s15+$0x0], $0xffff  }
0x585: {  	[tilespmem:s23+$0xFFFFFE40] =	vst v0;
	v19 =	vld.idx.msk [tilespmem:v20+s15+$0x0], $0xffff  }
0x586: {  	[tilespmem:s23+$0xFFFFFEC0] =	vst v3;
	v3 =	vld.idx.msk [tilespmem:v11+s15+$0x0], $0xffff  }
0x587: {  	[tilespmem:s23+$0xFFFFFF40] =	vst v5;
	v4 =	vld.idx.msk [tilespmem:v4+s15+$0x0], $0xffff;
	v5 =	vadd.s32 $0x3E8, v7  }
0x588: {  	[tilespmem:s23+$0xFFFFFFC0] =	vst v8;
	v8 =	vld.idx.msk [tilespmem:v12+s15+$0x0], $0xffff;
	v11 =	vadd.s32 $0x7D0, v7  }
0x589: {  	[tilespmem:s23+$0xFFFFFC40] =	vst v10;
	v6 =	vld.idx.msk [tilespmem:v6+s15+$0x0], $0xffff;
	v10 =	vadd.s32 $0xBB8, v7  }
0x58a: {  	v0 =	vld [tilespmem:s25+$0xFFFFFF60];
	[tilespmem:s24+$0xFFFFFCA0] =	vst v13;
	v12 =	vadd.s32 $0xFA0, v7  }
0x58b: {  	v20 =	vadd.s32 $0x1388, v7;
	[tilespmem:s24+$0xFFFFFD20] =	vst v9;
	v13 =	vld.idx.msk [tilespmem:v7+s15+$0x0], $0xffff  }
0x58c: {  	v9 =	vadd.s32 $0x1770, v7;
	[tilespmem:s24+$0xFFFFFDA0] =	vst v19;
	v5 =	vld.idx.msk [tilespmem:v5+s15+$0x0], $0xffff  }
0x58d: {  	[tilespmem:s24+$0xFFFFFE20] =	vst v3;
	v7 =	vadd.s32 $0x1B58, v7;
	v19 =	vld.idx.msk [tilespmem:v11+s15+$0x0], $0xffff  }
0x58e: {  	[tilespmem:s24+$0xFFFFFEA0] =	vst v4;
	v11 =	vadd.s32 $0x1388, v1;
	v3 =	vld.idx.msk [tilespmem:v10+s15+$0x0], $0xffff  }
0x58f: {  	[tilespmem:s24+$0xFFFFFF20] =	vst v8;
	v4 =	vld.idx.msk [tilespmem:v12+s15+$0x0], $0xffff  }
0x590: {  	[tilespmem:s24+$0xFFFFFFA0] =	vst v6;
	v6 =	vadd.s32 $0x3E8, v0;
	v8 =	vld.idx.msk [tilespmem:v20+s15+$0x0], $0xffff  }
0x591: {  	[tilespmem:s24+$0xFFFFFC20] =	vst v21;
	v1 =	vadd.s32 $0x1770, v1;
	v12 =	vld.idx.msk [tilespmem:v9+s15+$0x0], $0xffff  }
0x592: {  	v10 =	vadd.s32 $0x7D0, v0;
	v20 =	vld.idx.msk [tilespmem:v7+s15+$0x0], $0xffff;
	[tilespmem:s24+$0x40] =	vst v13  }
0x593: {  	v7 =	vadd.s32 $0xBB8, v0;
	v21 =	vld.idx.msk [tilespmem:v11+s15+$0x0], $0xffff;
	[tilespmem:s24+$0xC0] =	vst v5  }
0x594: {  	v11 =	vld [tilespmem:s31+$0xFFFFFF40];
	[tilespmem:s24+$0x140] =	vst v19  }
0x595: {  	v9 =	vld.idx.msk [tilespmem:v6+s15+$0x0], $0xffff;
	[tilespmem:s24+$0x1C0] =	vst v3  }
0x596: {  	v22 =	vld.idx.msk [tilespmem:v1+s15+$0x0], $0xffff;
	v5 =	vadd.s32 $0x1388, v0;
	[tilespmem:s24+$0x240] =	vst v4  }
0x597: {  	v1 =	vadd.s32 $0xFA0, v0;
	v10 =	vld.idx.msk [tilespmem:v10+s15+$0x0], $0xffff;
	[tilespmem:s24+$0x2C0] =	vst v8  }
0x598: {  	[tilespmem:s24+$0x340] =	vst v12;
	v7 =	vld.idx.msk [tilespmem:v7+s15+$0x0], $0xffff  }
0x599: {  	[tilespmem:s24+$0x3C0] =	vst v20;
	v20 =	vld [tilespmem:s28+$0xFFFFFF90];
	v3 =	vadd.s32 $0x3E8, v11  }
0x59a: {  	v19 =	vld [tilespmem:s31+$0xFFFFFFE0];
	v4 =	vadd.s32 $0x7D0, v11  }
0x59b: {  	v8 =	vld.idx.msk [tilespmem:v5+s15+$0x0], $0xffff;
	v5 =	vadd.s32 $0xBB8, v11  }
0x59c: {  	v6 =	vld.idx.msk [tilespmem:v1+s15+$0x0], $0xffff;
	v23 =	vadd.s32 $0xFA0, v11  }
0x59d: {  	v25 =	vadd.s32 $0x1388, v11;
	v1 =	vld.idx.msk [tilespmem:v11+s15+$0x0], $0xffff  }
0x59e: {  	v13 =	vld.idx.msk [tilespmem:v3+s15+$0x0], $0xffff  }
0x59f: {  	[tilespmem:s23+$0x270] =	vst v16;
	v16 =	vadd.s32 $0x3E8, v20;
	v12 =	vld.idx.msk [tilespmem:v4+s15+$0x0], $0xffff  }
0x5a0: {  	v26 =	vadd.s32 $0x3E8, v19;
	v5 =	vld.idx.msk [tilespmem:v5+s15+$0x0], $0xffff  }
0x5a1: {  	v27 =	vadd.s32 $0x7D0, v19;
	v4 =	vld.idx.msk [tilespmem:v23+s15+$0x0], $0xffff  }
0x5a2: {  	v23 =	vadd.s32 $0xBB8, v19;
	v3 =	vld.idx.msk [tilespmem:v25+s15+$0x0], $0xffff  }
0x5a3: {  	[tilespmem:s23+$0x3F0] =	vst v17;
	v25 =	vadd.s32 $0xFA0, v19;
	v17 =	vld.idx.msk [tilespmem:v19+s15+$0x0], $0xffff  }
0x5a4: {  	[tilespmem:s23+$0xF0] =	vst v18;
	v28 =	vadd.s32 $0x1388, v19;
	v16 =	vld.idx.msk [tilespmem:v16+s15+$0x0], $0xffff  }
0x5a5: {  	[tilespmem:s23+$0x170] =	vst v15;
	v18 =	vld.idx.msk [tilespmem:v26+s15+$0x0], $0xffff;
	v26 =	vadd.s32 $0x1770, v19  }
0x5a6: {  	[tilespmem:s23+$0x1F0] =	vst v14;
	v15 =	vld.idx.msk [tilespmem:v27+s15+$0x0], $0xffff;
	v19 =	vadd.s32 $0x1B58, v19  }
0x5a7: {  	[tilespmem:s23+$0x2F0] =	vst v21;
	v21 =	vadd.s32 $0x7D0, v20;
	v14 =	vld.idx.msk [tilespmem:v23+s15+$0x0], $0xffff  }
0x5a8: {  	v23 =	vld.idx.msk [tilespmem:v25+s15+$0x0], $0xffff  }
0x5a9: {  	[tilespmem:s23+$0x370] =	vst v22;
	v22 =	vadd.s32 $0xBB8, v20;
	v25 =	vld.idx.msk [tilespmem:v28+s15+$0x0], $0xffff  }
0x5aa: {  	[tilespmem:s23+$0x70] =	vst v2;
	v27 =	vadd.s32 $0xFA0, v20;
	v26 =	vld.idx.msk [tilespmem:v26+s15+$0x0], $0xffff  }
0x5ab: {  	v2 =	vld.idx.msk [tilespmem:v19+s15+$0x0], $0xffff;
	[tilespmem:s24+$0x50] =	vst v17;
	v17 =	vadd.s32 $0x1388, v20  }
0x5ac: {  	v21 =	vld.idx.msk [tilespmem:v21+s15+$0x0], $0xffff;
	[tilespmem:s24+$0xD0] =	vst v18;
	v18 =	vadd.s32 $0x1770, v20  }
0x5ad: {  	v19 =	vld.idx.msk [tilespmem:v20+s15+$0x0], $0xffff;
	[tilespmem:s24+$0x150] =	vst v15;
	v15 =	vadd.s32 $0x1B58, v20  }
0x5ae: {  	v20 =	vld.idx.msk [tilespmem:v22+s15+$0x0], $0xffff;
	[tilespmem:s24+$0x1D0] =	vst v14  }
0x5af: {  	v14 =	vld.idx.msk [tilespmem:v27+s15+$0x0], $0xffff;
	[tilespmem:s24+$0x250] =	vst v23  }
0x5b0: {  	[tilespmem:s24+$0x2D0] =	vst v25;
	v17 =	vld.idx.msk [tilespmem:v17+s15+$0x0], $0xffff  }
0x5b1: {  	v18 =	vld.idx.msk [tilespmem:v18+s15+$0x0], $0xffff;
	[tilespmem:s24+$0x350] =	vst v26  }
0x5b2: {  	s26 =	simm.s32 $0xF340;
	v15 =	vld.idx.msk [tilespmem:v15+s15+$0x0], $0xffff;
	[tilespmem:s24+$0x3D0] =	vst v2  }
0x5b3: {  	[tilespmem:s26+$0x0] =	vst v19;
	v2 =	vld [tilespmem:s31+$0xFFFFFFF0]  }
0x5b4: {  	[tilespmem:s26+$0x80] =	vst v16  }
0x5b5: {  	[tilespmem:s26+$0x100] =	vst v21  }
0x5b6: {  	[tilespmem:s26+$0x180] =	vst v20  }
0x5b7: {  	[tilespmem:s26+$0x200] =	vst v14  }
0x5b8: {  	[tilespmem:s26+$0x280] =	vst v17;
	v14 =	vadd.s32 $0x3E8, v2  }
0x5b9: {  	[tilespmem:s26+$0x300] =	vst v18;
	v17 =	vadd.s32 $0x7D0, v2  }
0x5ba: {  	[tilespmem:s26+$0x380] =	vst v15;
	v15 =	vadd.s32 $0xBB8, v2  }
0x5bb: {  	v18 =	vld [tilespmem:s28+$0xFFFFFFA0];
	v19 =	vadd.s32 $0xFA0, v2  }
0x5bc: {  	v21 =	vadd.s32 $0x1388, v2;
	v20 =	vld.idx.msk [tilespmem:v2+s15+$0x0], $0xffff  }
0x5bd: {  	v22 =	vadd.s32 $0x1770, v2;
	v14 =	vld.idx.msk [tilespmem:v14+s15+$0x0], $0xffff  }
0x5be: {  	v2 =	vadd.s32 $0x1B58, v2;
	v17 =	vld.idx.msk [tilespmem:v17+s15+$0x0], $0xffff  }
0x5bf: {  	v15 =	vld.idx.msk [tilespmem:v15+s15+$0x0], $0xffff  }
0x5c0: {  	v19 =	vld.idx.msk [tilespmem:v19+s15+$0x0], $0xffff;
	v23 =	vadd.s32 $0x3E8, v18  }
0x5c1: {  	v21 =	vld.idx.msk [tilespmem:v21+s15+$0x0], $0xffff;
	v25 =	vadd.s32 $0x7D0, v18  }
0x5c2: {  	v22 =	vld.idx.msk [tilespmem:v22+s15+$0x0], $0xffff;
	v26 =	vadd.s32 $0xBB8, v18  }
0x5c3: {  	v27 =	vadd.s32 $0xFA0, v18;
	v2 =	vld.idx.msk [tilespmem:v2+s15+$0x0], $0xffff;
	[tilespmem:s24+$0x60] =	vst v20  }
0x5c4: {  	v28 =	vadd.s32 $0x1388, v18;
	v20 =	vld.idx.msk [tilespmem:v18+s15+$0x0], $0xffff;
	[tilespmem:s24+$0xE0] =	vst v14  }
0x5c5: {  	v14 =	vld.idx.msk [tilespmem:v23+s15+$0x0], $0xffff;
	v23 =	vadd.s32 $0x1770, v18;
	[tilespmem:s24+$0x160] =	vst v17  }
0x5c6: {  	v17 =	vld.idx.msk [tilespmem:v25+s15+$0x0], $0xffff;
	v18 =	vadd.s32 $0x1B58, v18;
	[tilespmem:s24+$0x1E0] =	vst v15  }
0x5c7: {  	v16 =	vadd.s32 $0x3E8, v24;
	v15 =	vld.idx.msk [tilespmem:v26+s15+$0x0], $0xffff;
	[tilespmem:s24+$0x260] =	vst v19  }
0x5c8: {  	v25 =	vadd.s32 $0x7D0, v24;
	v19 =	vld.idx.msk [tilespmem:v27+s15+$0x0], $0xffff;
	[tilespmem:s24+$0x2E0] =	vst v21  }
0x5c9: {  	v26 =	vadd.s32 $0xBB8, v24;
	v21 =	vld.idx.msk [tilespmem:v28+s15+$0x0], $0xffff;
	[tilespmem:s24+$0x360] =	vst v22  }
0x5ca: {  	v27 =	vadd.s32 $0xFA0, v24;
	[tilespmem:s24+$0x3E0] =	vst v2;
	v22 =	vld.idx.msk [tilespmem:v23+s15+$0x0], $0xffff  }
0x5cb: {  	v28 =	vadd.s32 $0x1388, v24;
	v2 =	vld.idx.msk [tilespmem:v18+s15+$0x0], $0xffff;
	[tilespmem:s26+$0x10] =	vst v20  }
0x5cc: {  	v16 =	vld.idx.msk [tilespmem:v16+s15+$0x0], $0xffff;
	v23 =	vadd.s32 $0x1770, v24;
	[tilespmem:s26+$0x90] =	vst v14  }
0x5cd: {  	v18 =	vadd.s32 $0x1B58, v24;
	v25 =	vld.idx.msk [tilespmem:v25+s15+$0x0], $0xffff;
	[tilespmem:s26+$0x110] =	vst v17  }
0x5ce: {  	v20 =	vld.idx.msk [tilespmem:v26+s15+$0x0], $0xffff;
	[tilespmem:s26+$0x190] =	vst v15  }
0x5cf: {  	v14 =	vld.idx.msk [tilespmem:v27+s15+$0x0], $0xffff;
	[tilespmem:s26+$0x210] =	vst v19  }
0x5d0: {  	v17 =	vld.idx.msk [tilespmem:v28+s15+$0x0], $0xffff;
	[tilespmem:s26+$0x290] =	vst v21  }
0x5d1: {  	v15 =	vld.idx.msk [tilespmem:v23+s15+$0x0], $0xffff;
	[tilespmem:s26+$0x310] =	vst v22  }
0x5d2: {  	v19 =	vadd.s32 $0x1770, v11;
	v18 =	vld.idx.msk [tilespmem:v18+s15+$0x0], $0xffff;
	[tilespmem:s26+$0x390] =	vst v2  }
0x5d3: {  	v21 =	vadd.s32 $0x1B58, v11;
	v23 =	vld.idx.msk [tilespmem:v24+s15+$0x0], $0xffff;
	[tilespmem:s26+$0xFFFFFC80] =	vst v16  }
0x5d4: {  	v2 =	vadd.s32 $0x1B58, v0;
	[tilespmem:s26+$0xFFFFFD00] =	vst v25;
	v16 =	vld [tilespmem:s28+$0xFFFFFFB0]  }
0x5d5: {  	v22 =	vadd.s32 $0x1770, v0;
	[tilespmem:s26+$0xFFFFFD80] =	vst v20  }
0x5d6: {  	v11 =	vld [tilespmem:s31+$0x0];
	[tilespmem:s26+$0xFFFFFE00] =	vst v14  }
0x5d7: {  	v19 =	vld.idx.msk [tilespmem:v19+s15+$0x0], $0xffff;
	[tilespmem:s26+$0xFFFFFE80] =	vst v17  }
0x5d8: {  	v20 =	vld.idx.msk [tilespmem:v21+s15+$0x0], $0xffff;
	[tilespmem:s24+$0xFFFFFCB0] =	vst v13  }
0x5d9: {  	v17 =	vld.idx.msk [tilespmem:v2+s15+$0x0], $0xffff;
	[tilespmem:s26+$0xFFFFFF00] =	vst v15;
	v2 =	vadd.s32 $0x3E8, v16  }
0x5da: {  	v14 =	vld.idx.msk [tilespmem:v22+s15+$0x0], $0xffff;
	[tilespmem:s26+$0xFFFFFF80] =	vst v18;
	v18 =	vadd.s32 $0x7D0, v16  }
0x5db: {  	v15 =	vld.idx.msk [tilespmem:v0+s15+$0x0], $0xffff;
	[tilespmem:s26+$0xFFFFFC00] =	vst v23;
	v21 =	vadd.s32 $0xBB8, v16  }
0x5dc: {  	[tilespmem:s24+$0xFFFFFD30] =	vst v12;
	v22 =	vld [tilespmem:s28+$0xFFFFFF20];
	v23 =	vadd.s32 $0xFA0, v16  }
0x5dd: {  	[tilespmem:s24+$0xFFFFFDB0] =	vst v5;
	v24 =	vadd.s32 $0x1388, v16;
	v13 =	vld.idx.msk [tilespmem:v16+s15+$0x0], $0xffff  }
0x5de: {  	[tilespmem:s24+$0xFFFFFE30] =	vst v4;
	v12 =	vadd.s32 $0x1770, v16;
	v2 =	vld.idx.msk [tilespmem:v2+s15+$0x0], $0xffff  }
0x5df: {  	[tilespmem:s24+$0xFFFFFEB0] =	vst v3;
	v5 =	vadd.s32 $0x1B58, v16;
	v18 =	vld.idx.msk [tilespmem:v18+s15+$0x0], $0xffff  }
0x5e0: {  	[tilespmem:s24+$0xFFFFFC30] =	vst v1;
	v21 =	vld.idx.msk [tilespmem:v21+s15+$0x0], $0xffff  }
0x5e1: {  	v3 =	vadd.s32 $0x7D0, v11;
	[tilespmem:s24+$0xFFFFFF30] =	vst v19;
	v23 =	vld.idx.msk [tilespmem:v23+s15+$0x0], $0xffff  }
0x5e2: {  	[tilespmem:s24+$0xFFFFFFB0] =	vst v20;
	v16 =	vadd.s32 $0x1B58, v11;
	v19 =	vld.idx.msk [tilespmem:v24+s15+$0x0], $0xffff  }
0x5e3: {  	[tilespmem:s23+$0xFFFFFCD0] =	vst v9;
	v24 =	vadd.s32 $0xBB8, v11;
	v12 =	vld.idx.msk [tilespmem:v12+s15+$0x0], $0xffff  }
0x5e4: {  	v20 =	vadd.s32 $0xFA0, v11;
	v25 =	vld.idx.msk [tilespmem:v5+s15+$0x0], $0xffff;
	[tilespmem:s26+$0x20] =	vst v13  }
0x5e5: {  	[tilespmem:s26+$0xA0] =	vst v2  }
0x5e6: {  	v1 =	vld.idx.msk [tilespmem:v3+s15+$0x0], $0xffff;
	[tilespmem:s26+$0x120] =	vst v18  }
0x5e7: {  	v5 =	vld.idx.msk [tilespmem:v16+s15+$0x0], $0xffff;
	[tilespmem:s26+$0x1A0] =	vst v21  }
0x5e8: {  	v13 =	vadd.s32 $0x3E8, v22;
	v3 =	vld.idx.msk [tilespmem:v24+s15+$0x0], $0xffff;
	[tilespmem:s26+$0x220] =	vst v23  }
0x5e9: {  	v16 =	vadd.s32 $0x7D0, v22;
	v2 =	vld.idx.msk [tilespmem:v20+s15+$0x0], $0xffff;
	[tilespmem:s26+$0x2A0] =	vst v19  }
0x5ea: {  	v18 =	vadd.s32 $0xBB8, v22;
	v20 =	vld [tilespmem:s31+$0xFFFFFF50];
	[tilespmem:s26+$0x320] =	vst v12  }
0x5eb: {  	v19 =	vadd.s32 $0xFA0, v22;
	v21 =	vld.idx.msk [tilespmem:v22+s15+$0x0], $0xffff;
	[tilespmem:s26+$0x3A0] =	vst v25  }
0x5ec: {  	[tilespmem:s23+$0xFFFFFD50] =	vst v10;
	v12 =	vadd.s32 $0x1388, v22;
	v24 =	vld [tilespmem:s28+$0xFFFFFFC0]  }
0x5ed: {  	[tilespmem:s23+$0xFFFFFDD0] =	vst v7;
	v23 =	vadd.s32 $0x1770, v22;
	v13 =	vld.idx.msk [tilespmem:v13+s15+$0x0], $0xffff  }
0x5ee: {  	[tilespmem:s23+$0xFFFFFE50] =	vst v6;
	v22 =	vadd.s32 $0x1B58, v22;
	v9 =	vld.idx.msk [tilespmem:v16+s15+$0x0], $0xffff  }
0x5ef: {  	[tilespmem:s23+$0xFFFFFED0] =	vst v8;
	v10 =	vld.idx.msk [tilespmem:v18+s15+$0x0], $0xffff  }
0x5f0: {  	[tilespmem:s23+$0xFFFFFF50] =	vst v14;
	v16 =	vadd.s32 $0x3E8, v20;
	v7 =	vld.idx.msk [tilespmem:v19+s15+$0x0], $0xffff  }
0x5f1: {  	[tilespmem:s23+$0xFFFFFFD0] =	vst v17;
	v18 =	vadd.s32 $0x7D0, v20;
	v6 =	vld.idx.msk [tilespmem:v12+s15+$0x0], $0xffff  }
0x5f2: {  	[tilespmem:s23+$0xFFFFFC50] =	vst v15;
	v8 =	vld.idx.msk [tilespmem:v23+s15+$0x0], $0xffff;
	v12 =	vadd.s32 $0x3E8, v24  }
0x5f3: {  	v14 =	vld.idx.msk [tilespmem:v22+s15+$0x0], $0xffff;
	[tilespmem:s26+$0xFFFFFC10] =	vst v21;
	v19 =	vadd.s32 $0x7D0, v24  }
0x5f4: {  	v17 =	vadd.s32 $0xBB8, v24;
	[tilespmem:s26+$0xFFFFFC90] =	vst v13;
	v13 =	vld.idx.msk [tilespmem:v24+s15+$0x0], $0xffff  }
0x5f5: {  	v22 =	vadd.s32 $0x1388, v24;
	[tilespmem:s26+$0xFFFFFD10] =	vst v9;
	v16 =	vld.idx.msk [tilespmem:v16+s15+$0x0], $0xffff  }
0x5f6: {  	v15 =	vld.idx.msk [tilespmem:v18+s15+$0x0], $0xffff;
	[tilespmem:s26+$0xFFFFFD90] =	vst v10  }
0x5f7: {  	v18 =	vadd.s32 $0xFA0, v24;
	[tilespmem:s26+$0xFFFFFE10] =	vst v7;
	v9 =	vld.idx.msk [tilespmem:v12+s15+$0x0], $0xffff  }
0x5f8: {  	[tilespmem:s26+$0xFFFFFE90] =	vst v6;
	v12 =	vadd.s32 $0x1770, v24;
	v10 =	vld.idx.msk [tilespmem:v19+s15+$0x0], $0xffff  }
0x5f9: {  	[tilespmem:s26+$0xFFFFFF10] =	vst v8;
	v19 =	vadd.s32 $0x1B58, v24;
	v7 =	vld.idx.msk [tilespmem:v17+s15+$0x0], $0xffff  }
0x5fa: {  	[tilespmem:s26+$0xFFFFFF90] =	vst v14;
	v17 =	vadd.s32 $0xBB8, v20;
	v8 =	vld.idx.msk [tilespmem:v22+s15+$0x0], $0xffff  }
0x5fb: {  	v22 =	vadd.s32 $0x1388, v20;
	v23 =	vld [tilespmem:s28+$0xFFFFFF30]  }
0x5fc: {  	v14 =	vadd.s32 $0x1770, v20;
	v6 =	vld.idx.msk [tilespmem:v18+s15+$0x0], $0xffff  }
0x5fd: {  	v12 =	vld.idx.msk [tilespmem:v12+s15+$0x0], $0xffff  }
0x5fe: {  	v19 =	vld.idx.msk [tilespmem:v19+s15+$0x0], $0xffff;
	[tilespmem:s26+$0x30] =	vst v13  }
0x5ff: {  	v18 =	vadd.s32 $0xFA0, v20;
	v13 =	vld.idx.msk [tilespmem:v17+s15+$0x0], $0xffff;
	[tilespmem:s26+$0xB0] =	vst v9  }
0x600: {  	v21 =	vadd.s32 $0x1B58, v20;
	[tilespmem:s26+$0x130] =	vst v10;
	v10 =	vld.idx.msk [tilespmem:v22+s15+$0x0], $0xffff  }
0x601: {  	[tilespmem:s26+$0x1B0] =	vst v7;
	v7 =	vld.idx.msk [tilespmem:v14+s15+$0x0], $0xffff  }
0x602: {  	[tilespmem:s26+$0x2B0] =	vst v8;
	v8 =	vld.idx.msk [tilespmem:v20+s15+$0x0], $0xffff  }
0x603: {  	v14 =	vadd.s32 $0x3E8, v23;
	v9 =	vld [tilespmem:s25+$0xFFFFFF70];
	[tilespmem:s26+$0x230] =	vst v6  }
0x604: {  	v24 =	vadd.s32 $0x1770, v23;
	v17 =	vld.idx.msk [tilespmem:v18+s15+$0x0], $0xffff;
	[tilespmem:s26+$0x330] =	vst v12  }
0x605: {  	v6 =	vld.idx.msk [tilespmem:v21+s15+$0x0], $0xffff;
	v18 =	vadd.s32 $0x7D0, v23;
	[tilespmem:s26+$0x3B0] =	vst v19  }
0x606: {  	v21 =	vadd.s32 $0x1388, v23;
	v20 =	vld [tilespmem:s28+$0xFFFFFFD0]  }
0x607: {  	v22 =	vld.idx.msk [tilespmem:v23+s15+$0x0], $0xffff;
	[tilespmem:s24+$0xFFFFFCC0] =	vst v16;
	v19 =	vadd.s32 $0xFA0, v23  }
0x608: {  	v16 =	vadd.s32 $0x1B58, v23;
	[tilespmem:s24+$0xFFFFFD40] =	vst v15;
	v14 =	vld.idx.msk [tilespmem:v14+s15+$0x0], $0xffff  }
0x609: {  	v12 =	vadd.s32 $0xBB8, v23;
	[tilespmem:s24+$0xFFFFFEC0] =	vst v10;
	v10 =	vld.idx.msk [tilespmem:v24+s15+$0x0], $0xffff  }
0x60a: {  	[tilespmem:s24+$0xFFFFFDC0] =	vst v13;
	v18 =	vld.idx.msk [tilespmem:v18+s15+$0x0], $0xffff  }
0x60b: {  	[tilespmem:s24+$0xFFFFFE40] =	vst v17;
	v17 =	vld.idx.msk [tilespmem:v21+s15+$0x0], $0xffff;
	v15 =	vadd.s32 $0x3E8, v20  }
0x60c: {  	[tilespmem:s24+$0xFFFFFF40] =	vst v7;
	v13 =	vld.idx.msk [tilespmem:v19+s15+$0x0], $0xffff;
	v19 =	vadd.s32 $0x7D0, v20  }
0x60d: {  	[tilespmem:s24+$0xFFFFFC40] =	vst v8;
	v23 =	vld.idx.msk [tilespmem:v16+s15+$0x0], $0xffff;
	v21 =	vadd.s32 $0xBB8, v20  }
0x60e: {  	[tilespmem:s24+$0xFFFFFFC0] =	vst v6;
	v12 =	vld.idx.msk [tilespmem:v12+s15+$0x0], $0xffff;
	v7 =	vadd.s32 $0xFA0, v20  }
0x60f: {  	[tilespmem:s26+$0xFFFFFCA0] =	vst v14;
	v16 =	vadd.s32 $0x1388, v20;
	v6 =	vld.idx.msk [tilespmem:v20+s15+$0x0], $0xffff  }
0x610: {  	[tilespmem:s26+$0xFFFFFF20] =	vst v10;
	v14 =	vadd.s32 $0x1B58, v20;
	v8 =	vld.idx.msk [tilespmem:v15+s15+$0x0], $0xffff  }
0x611: {  	[tilespmem:s26+$0xFFFFFD20] =	vst v18;
	v15 =	vadd.s32 $0x1770, v20;
	v19 =	vld.idx.msk [tilespmem:v19+s15+$0x0], $0xffff  }
0x612: {  	[tilespmem:s26+$0xFFFFFEA0] =	vst v17;
	v18 =	vld.idx.msk [tilespmem:v21+s15+$0x0], $0xffff  }
0x613: {  	[tilespmem:s26+$0xFFFFFFA0] =	vst v23;
	v20 =	vadd.s32 $0x1388, v11;
	v7 =	vld.idx.msk [tilespmem:v7+s15+$0x0], $0xffff  }
0x614: {  	[tilespmem:s26+$0xFFFFFDA0] =	vst v12;
	v12 =	vld.idx.msk [tilespmem:v16+s15+$0x0], $0xffff  }
0x615: {  	[tilespmem:s26+$0xFFFFFE20] =	vst v13;
	v24 =	vld.idx.msk [tilespmem:v14+s15+$0x0], $0xffff  }
0x616: {  	v17 =	vadd.s32 $0x7D0, v9;
	v15 =	vld.idx.msk [tilespmem:v15+s15+$0x0], $0xffff;
	[tilespmem:s26+$0x40] =	vst v6  }
0x617: {  	v21 =	vadd.s32 $0x3E8, v9;
	v16 =	vld [tilespmem:s31+$0xFFFFFF60];
	[tilespmem:s26+$0xC0] =	vst v8  }
0x618: {  	s30 =	sadd.s32 $0x100, s28;
	v13 =	vld.idx.msk [tilespmem:v20+s15+$0x0], $0xffff;
	v20 =	vadd.s32 $0xBB8, v9;
	[tilespmem:s26+$0x140] =	vst v19  }
0x619: {  	v36 =	vld [tilespmem:s30+$0xFFFFFF10];
	[tilespmem:s26+$0x1C0] =	vst v18  }
0x61a: {  	v25 =	vadd.s32 $0xFA0, v9;
	v23 =	vld [tilespmem:s30+$0xFFFFFF90];
	[tilespmem:s26+$0x240] =	vst v7  }
0x61b: {  	v10 =	vld.idx.msk [tilespmem:v17+s15+$0x0], $0xffff;
	v18 =	vadd.s32 $0x1770, v9;
	[tilespmem:s26+$0x2C0] =	vst v12  }
0x61c: {  	v8 =	vld.idx.msk [tilespmem:v21+s15+$0x0], $0xffff;
	v17 =	vadd.s32 $0x3E8, v16;
	[tilespmem:s26+$0x3C0] =	vst v24  }
0x61d: {  	v19 =	vadd.s32 $0xBB8, v16;
	v6 =	vld.idx.msk [tilespmem:v20+s15+$0x0], $0xffff;
	[tilespmem:s26+$0x340] =	vst v15  }
0x61e: {  	v15 =	vadd.s32 $0x7D0, v16;
	v20 =	vld [tilespmem:s28+$0xFFFFFFE0]  }
0x61f: {  	v7 =	vld.idx.msk [tilespmem:v25+s15+$0x0], $0xffff;
	v21 =	vadd.s32 $0xFA0, v16  }
0x620: {  	v12 =	vld.idx.msk [tilespmem:v18+s15+$0x0], $0xffff;
	v18 =	vadd.s32 $0x1388, v16  }
0x621: {  	v27 =	vld.idx.msk [tilespmem:v17+s15+$0x0], $0xffff  }
0x622: {  	v24 =	vld.idx.msk [tilespmem:v19+s15+$0x0], $0xffff  }
0x623: {  	v25 =	vld.idx.msk [tilespmem:v15+s15+$0x0], $0xffff;
	v19 =	vadd.s32 $0x3E8, v20  }
0x624: {  	v15 =	vld.idx.msk [tilespmem:v21+s15+$0x0], $0xffff;
	v21 =	vadd.s32 $0x7D0, v20  }
0x625: {  	[tilespmem:s26+$0xFFFFFC20] =	vst v22;
	v17 =	vld.idx.msk [tilespmem:v18+s15+$0x0], $0xffff;
	v18 =	vadd.s32 $0xBB8, v20  }
0x626: {  	v22 =	vld [tilespmem:s28+$0xFFFFFF40];
	v26 =	vadd.s32 $0xFA0, v20  }
0x627: {  	v29 =	vadd.s32 $0x1388, v20;
	v28 =	vld.idx.msk [tilespmem:v20+s15+$0x0], $0xffff  }
0x628: {  	v30 =	vadd.s32 $0x1770, v20;
	v19 =	vld.idx.msk [tilespmem:v19+s15+$0x0], $0xffff  }
0x629: {  	v20 =	vadd.s32 $0x1B58, v20;
	v21 =	vld.idx.msk [tilespmem:v21+s15+$0x0], $0xffff  }
0x62a: {  	v18 =	vld.idx.msk [tilespmem:v18+s15+$0x0], $0xffff  }
0x62b: {  	v26 =	vld.idx.msk [tilespmem:v26+s15+$0x0], $0xffff  }
0x62c: {  	v56 =	vadd.s32 $0x3E8, v36;
	v49 =	vld.idx.msk [tilespmem:v29+s15+$0x0], $0xffff  }
0x62d: {  	v63 =	vadd.s32 $0x7D0, v36;
	v30 =	vld.idx.msk [tilespmem:v30+s15+$0x0], $0xffff  }
0x62e: {  	v4 =	vadd.s32 $0x3E8, v11;
	v20 =	vld.idx.msk [tilespmem:v20+s15+$0x0], $0xffff;
	[tilespmem:s26+$0x50] =	vst v28  }
0x62f: {  	v0 =	vld.idx.msk [tilespmem:v11+s15+$0x0], $0xffff;
	v11 =	vadd.s32 $0x1770, v11;
	[tilespmem:s26+$0xD0] =	vst v19  }
0x630: {  	v53 =	vadd.s32 $0xFA0, v23;
	[tilespmem:s26+$0x150] =	vst v21  }
0x631: {  	v38 =	vld.idx.msk [tilespmem:v56+s15+$0x0], $0xffff;
	[tilespmem:s26+$0x1D0] =	vst v18  }
0x632: {  	v40 =	vld.idx.msk [tilespmem:v63+s15+$0x0], $0xffff;
	v28 =	vadd.s32 $0x1388, v22;
	[tilespmem:s26+$0x250] =	vst v26  }
0x633: {  	v4 =	vld.idx.msk [tilespmem:v4+s15+$0x0], $0xffff;
	v55 =	vadd.s32 $0x1770, v23;
	[tilespmem:s26+$0x2D0] =	vst v49  }
0x634: {  	v14 =	vld.idx.msk [tilespmem:v11+s15+$0x0], $0xffff;
	[tilespmem:s26+$0x350] =	vst v30  }
0x635: {  	v34 =	vld.idx.msk [tilespmem:v53+s15+$0x0], $0xffff;
	v18 =	vadd.s32 $0x3E8, v23;
	[tilespmem:s26+$0x3D0] =	vst v20  }
0x636: {  	v26 =	vadd.s32 $0x7D0, v23;
	v54 =	vld [tilespmem:s28+$0xFFFFFFF0]  }
0x637: {  	v32 =	vld.idx.msk [tilespmem:v28+s15+$0x0], $0xffff;
	v28 =	vadd.s32 $0xBB8, v23  }
0x638: {  	v37 =	vld.idx.msk [tilespmem:v55+s15+$0x0], $0xffff;
	v20 =	vadd.s32 $0x1388, v23  }
0x639: {  	v30 =	vld.idx.msk [tilespmem:v23+s15+$0x0], $0xffff;
	v23 =	vadd.s32 $0x1B58, v23  }
0x63a: {  	v18 =	vld.idx.msk [tilespmem:v18+s15+$0x0], $0xffff  }
0x63b: {  	v26 =	vld.idx.msk [tilespmem:v26+s15+$0x0], $0xffff;
	v57 =	vadd.s32 $0x3E8, v54  }
0x63c: {  	v28 =	vld.idx.msk [tilespmem:v28+s15+$0x0], $0xffff;
	v58 =	vadd.s32 $0x7D0, v54  }
0x63d: {  	s29 =	simm.s32 $0xFB40;
	v20 =	vld.idx.msk [tilespmem:v20+s15+$0x0], $0xffff;
	v59 =	vadd.s32 $0xBB8, v54  }
0x63e: {  	v23 =	vld.idx.msk [tilespmem:v23+s15+$0x0], $0xffff;
	[tilespmem:s29+$0x0] =	vst v30;
	v60 =	vadd.s32 $0xFA0, v54  }
0x63f: {  	[tilespmem:s29+$0x200] =	vst v34;
	v61 =	vadd.s32 $0x1388, v54;
	v30 =	vld.idx.msk [tilespmem:v54+s15+$0x0], $0xffff  }
0x640: {  	v62 =	vadd.s32 $0x1770, v54;
	[tilespmem:s29+$0x80] =	vst v18;
	v18 =	vld.idx.msk [tilespmem:v57+s15+$0x0], $0xffff  }
0x641: {  	v35 =	vadd.s32 $0x1B58, v54;
	[tilespmem:s29+$0x100] =	vst v26;
	v26 =	vld.idx.msk [tilespmem:v58+s15+$0x0], $0xffff  }
0x642: {  	v52 =	vadd.s32 $0xFA0, v22;
	[tilespmem:s29+$0x180] =	vst v28;
	v28 =	vld.idx.msk [tilespmem:v59+s15+$0x0], $0xffff  }
0x643: {  	[tilespmem:s29+$0x300] =	vst v37;
	v45 =	vld.idx.msk [tilespmem:v60+s15+$0x0], $0xffff  }
0x644: {  	v31 =	vadd.s32 $0x3E8, v22;
	[tilespmem:s29+$0x280] =	vst v20;
	v20 =	vld.idx.msk [tilespmem:v61+s15+$0x0], $0xffff  }
0x645: {  	v50 =	vadd.s32 $0x7D0, v22;
	[tilespmem:s29+$0x380] =	vst v23;
	v48 =	vld.idx.msk [tilespmem:v62+s15+$0x0], $0xffff  }
0x646: {  	v51 =	vadd.s32 $0xBB8, v22;
	v23 =	vld.idx.msk [tilespmem:v35+s15+$0x0], $0xffff;
	[tilespmem:s26+$0x60] =	vst v30  }
0x647: {  	v33 =	vld.idx.msk [tilespmem:v52+s15+$0x0], $0xffff;
	[tilespmem:s26+$0xE0] =	vst v18  }
0x648: {  	v29 =	vld.idx.msk [tilespmem:v22+s15+$0x0], $0xffff;
	v58 =	vadd.s32 $0x1770, v22;
	[tilespmem:s26+$0x160] =	vst v26  }
0x649: {  	v19 =	vld.idx.msk [tilespmem:v31+s15+$0x0], $0xffff;
	v22 =	vadd.s32 $0x1B58, v22;
	[tilespmem:s26+$0x1E0] =	vst v28  }
0x64a: {  	v21 =	vld.idx.msk [tilespmem:v50+s15+$0x0], $0xffff;
	v49 =	vadd.s32 $0x1388, v36;
	[tilespmem:s26+$0x260] =	vst v45  }
0x64b: {  	v31 =	vld.idx.msk [tilespmem:v51+s15+$0x0], $0xffff;
	v50 =	vadd.s32 $0x1770, v36;
	[tilespmem:s26+$0x2E0] =	vst v20  }
0x64c: {  	v51 =	vld [tilespmem:s30+$0xFFFFFFA0];
	[tilespmem:s26+$0x360] =	vst v48  }
0x64d: {  	v46 =	vadd.s32 $0xBB8, v36;
	[tilespmem:s26+$0x3E0] =	vst v23;
	v63 =	vld.idx.msk [tilespmem:v58+s15+$0x0], $0xffff  }
0x64e: {  	v47 =	vadd.s32 $0xFA0, v36;
	v44 =	vld.idx.msk [tilespmem:v22+s15+$0x0], $0xffff;
	[tilespmem:s26+$0xFFFFFCB0] =	vst v19  }
0x64f: {  	v39 =	vld.idx.msk [tilespmem:v49+s15+$0x0], $0xffff;
	v30 =	vadd.s32 $0x1B58, v36;
	[tilespmem:s26+$0xFFFFFD30] =	vst v21  }
0x650: {  	v11 =	vadd.s32 $0x1388, v9;
	v52 =	vld.idx.msk [tilespmem:v50+s15+$0x0], $0xffff;
	[tilespmem:s26+$0xFFFFFDB0] =	vst v31  }
0x651: {  	v36 =	vld.idx.msk [tilespmem:v36+s15+$0x0], $0xffff;
	[tilespmem:s26+$0xFFFFFE30] =	vst v33  }
0x652: {  	v18 =	vld.idx.msk [tilespmem:v46+s15+$0x0], $0xffff;
	[tilespmem:s26+$0xFFFFFEB0] =	vst v32  }
0x653: {  	v26 =	vld.idx.msk [tilespmem:v47+s15+$0x0], $0xffff;
	v53 =	vadd.s32 $0x3E8, v51;
	[tilespmem:s26+$0xFFFFFC30] =	vst v29  }
0x654: {  	v20 =	vld.idx.msk [tilespmem:v30+s15+$0x0], $0xffff;
	v30 =	vadd.s32 $0x7D0, v51;
	[tilespmem:s29+$0xFFFFFC80] =	vst v38  }
0x655: {  	v11 =	vld.idx.msk [tilespmem:v11+s15+$0x0], $0xffff;
	v54 =	vadd.s32 $0xBB8, v51;
	[tilespmem:s29+$0xFFFFFD00] =	vst v40  }
0x656: {  	v23 =	vadd.s32 $0xFA0, v51;
	v28 =	vld [tilespmem:s28+$0x0];
	[tilespmem:s29+$0xFFFFFE80] =	vst v39  }
0x657: {  	v56 =	vadd.s32 $0x1388, v51;
	v55 =	vld.idx.msk [tilespmem:v51+s15+$0x0], $0xffff;
	[tilespmem:s29+$0xFFFFFF00] =	vst v52  }
0x658: {  	v57 =	vadd.s32 $0x1770, v51;
	[tilespmem:s29+$0xFFFFFC00] =	vst v36;
	v35 =	vld.idx.msk [tilespmem:v53+s15+$0x0], $0xffff  }
0x659: {  	[tilespmem:s29+$0xFFFFFD80] =	vst v18;
	v18 =	vld.idx.msk [tilespmem:v30+s15+$0x0], $0xffff;
	v30 =	vadd.s32 $0x1B58, v51  }
0x65a: {  	v61 =	vadd.s32 $0x1B58, v16;
	[tilespmem:s29+$0xFFFFFE00] =	vst v26;
	v26 =	vld.idx.msk [tilespmem:v54+s15+$0x0], $0xffff  }
0x65b: {  	v23 =	vld.idx.msk [tilespmem:v23+s15+$0x0], $0xffff;
	[tilespmem:s26+$0xFFFFFF30] =	vst v63  }
0x65c: {  	v60 =	vld.idx.msk [tilespmem:v56+s15+$0x0], $0xffff;
	[tilespmem:s26+$0xFFFFFFB0] =	vst v44  }
0x65d: {  	[tilespmem:s29+$0xFFFFFF80] =	vst v20;
	v20 =	vld.idx.msk [tilespmem:v57+s15+$0x0], $0xffff  }
0x65e: {  	v30 =	vld.idx.msk [tilespmem:v30+s15+$0x0], $0xffff;
	[tilespmem:s29+$0x10] =	vst v55  }
0x65f: {  	v37 =	vld.idx.msk [tilespmem:v61+s15+$0x0], $0xffff;
	v21 =	vadd.s32 $0x1388, v28;
	[tilespmem:s29+$0x90] =	vst v35  }
0x660: {  	v59 =	vadd.s32 $0x1770, v16;
	v45 =	vld.idx.msk [tilespmem:v16+s15+$0x0], $0xffff;
	[tilespmem:s29+$0x110] =	vst v18  }
0x661: {  	v33 =	vld [tilespmem:s28+$0xFFFFFF50];
	[tilespmem:s29+$0x190] =	vst v26  }
0x662: {  	v62 =	vadd.s32 $0x1B58, v9;
	v16 =	vld.idx.msk [tilespmem:v28+s15+$0x0], $0xffff;
	[tilespmem:s29+$0x210] =	vst v23  }
0x663: {  	v22 =	vadd.s32 $0x1B58, v28;
	v47 =	vld [tilespmem:s30+$0xFFFFFF20];
	[tilespmem:s29+$0x290] =	vst v60  }
0x664: {  	v46 =	vadd.s32 $0x7D0, v28;
	v21 =	vld.idx.msk [tilespmem:v21+s15+$0x0], $0xffff;
	[tilespmem:s29+$0x310] =	vst v20  }
0x665: {  	v35 =	vld.idx.msk [tilespmem:v59+s15+$0x0], $0xffff;
	v20 =	vadd.s32 $0xBB8, v28;
	[tilespmem:s29+$0x390] =	vst v30  }
0x666: {  	v30 =	vadd.s32 $0xFA0, v28;
	v48 =	vld [tilespmem:s30+$0xFFFFFFB0]  }
0x667: {  	v58 =	vadd.s32 $0x3E8, v33;
	v18 =	vld.idx.msk [tilespmem:v62+s15+$0x0], $0xffff  }
0x668: {  	v26 =	vld.idx.msk [tilespmem:v22+s15+$0x0], $0xffff  }
0x669: {  	v23 =	vadd.s32 $0x3E8, v28;
	v22 =	vld.idx.msk [tilespmem:v46+s15+$0x0], $0xffff  }
0x66a: {  	v19 =	vld.idx.msk [tilespmem:v20+s15+$0x0], $0xffff  }
0x66b: {  	v20 =	vld.idx.msk [tilespmem:v30+s15+$0x0], $0xffff;
	v30 =	vadd.s32 $0x3E8, v48  }
0x66c: {  	v38 =	vld.idx.msk [tilespmem:v58+s15+$0x0], $0xffff;
	v31 =	vadd.s32 $0x7D0, v48  }
0x66d: {  	v29 =	vld.idx.msk [tilespmem:v47+s15+$0x0], $0xffff;
	v49 =	vadd.s32 $0xBB8, v48  }
0x66e: {  	v23 =	vld.idx.msk [tilespmem:v23+s15+$0x0], $0xffff;
	v50 =	vadd.s32 $0xFA0, v48  }
0x66f: {  	[tilespmem:s24+$0x3F0] =	vst v5;
	v52 =	vadd.s32 $0x1388, v48;
	v51 =	vld.idx.msk [tilespmem:v48+s15+$0x0], $0xffff  }
0x670: {  	[tilespmem:s24+$0xF0] =	vst v4;
	v53 =	vadd.s32 $0x1770, v48;
	v30 =	vld.idx.msk [tilespmem:v30+s15+$0x0], $0xffff  }
0x671: {  	[tilespmem:s24+$0xFFFFFCD0] =	vst v27;
	v41 =	vadd.s32 $0x1B58, v48;
	v31 =	vld.idx.msk [tilespmem:v31+s15+$0x0], $0xffff  }
0x672: {  	[tilespmem:s24+$0xFFFFFD50] =	vst v25;
	v60 =	vadd.s32 $0x7D0, v33;
	v32 =	vld.idx.msk [tilespmem:v49+s15+$0x0], $0xffff  }
0x673: {  	[tilespmem:s24+$0xFFFFFDD0] =	vst v24;
	v5 =	vadd.s32 $0x3E8, v47;
	v34 =	vld.idx.msk [tilespmem:v50+s15+$0x0], $0xffff  }
0x674: {  	[tilespmem:s24+$0xFFFFFE50] =	vst v15;
	v4 =	vadd.s32 $0x7D0, v47;
	v27 =	vld.idx.msk [tilespmem:v52+s15+$0x0], $0xffff  }
0x675: {  	[tilespmem:s24+$0xFFFFFED0] =	vst v17;
	v56 =	vadd.s32 $0x1388, v47;
	v25 =	vld.idx.msk [tilespmem:v53+s15+$0x0], $0xffff  }
0x676: {  	v57 =	vadd.s32 $0x1770, v47;
	v24 =	vld.idx.msk [tilespmem:v41+s15+$0x0], $0xffff;
	[tilespmem:s29+$0x20] =	vst v51  }
0x677: {  	v36 =	vadd.s32 $0x1B58, v47;
	v40 =	vld.idx.msk [tilespmem:v60+s15+$0x0], $0xffff;
	[tilespmem:s29+$0xA0] =	vst v30  }
0x678: {  	v54 =	vadd.s32 $0xBB8, v47;
	v5 =	vld.idx.msk [tilespmem:v5+s15+$0x0], $0xffff;
	[tilespmem:s29+$0x120] =	vst v31  }
0x679: {  	v55 =	vadd.s32 $0xFA0, v47;
	v4 =	vld.idx.msk [tilespmem:v4+s15+$0x0], $0xffff;
	[tilespmem:s29+$0x1A0] =	vst v32  }
0x67a: {  	v62 =	vadd.s32 $0xBB8, v33;
	v59 =	vld.idx.msk [tilespmem:v56+s15+$0x0], $0xffff;
	[tilespmem:s29+$0x220] =	vst v34  }
0x67b: {  	v61 =	vld.idx.msk [tilespmem:v57+s15+$0x0], $0xffff;
	[tilespmem:s29+$0x2A0] =	vst v27  }
0x67c: {  	v36 =	vld.idx.msk [tilespmem:v36+s15+$0x0], $0xffff;
	[tilespmem:s29+$0x320] =	vst v25  }
0x67d: {  	v30 =	vld.idx.msk [tilespmem:v54+s15+$0x0], $0xffff;
	v27 =	vadd.s32 $0xFA0, v33;
	[tilespmem:s29+$0x3A0] =	vst v24  }
0x67e: {  	v31 =	vld.idx.msk [tilespmem:v55+s15+$0x0], $0xffff;
	v25 =	vadd.s32 $0x1388, v33;
	[tilespmem:s29+$0xFFFFFC90] =	vst v5  }
0x67f: {  	v24 =	vadd.s32 $0x1770, v33;
	[tilespmem:s29+$0xFFFFFD10] =	vst v4;
	v4 =	vld.idx.msk [tilespmem:v62+s15+$0x0], $0xffff  }
0x680: {  	v63 =	vadd.s32 $0x1B58, v33;
	[tilespmem:s29+$0xFFFFFE90] =	vst v59;
	v5 =	vld [tilespmem:s30+$0xFFFFFFC0]  }
0x681: {  	[tilespmem:s29+$0xFFFFFF10] =	vst v61;
	v33 =	vld.idx.msk [tilespmem:v33+s15+$0x0], $0xffff  }
0x682: {  	[tilespmem:s29+$0xFFFFFF90] =	vst v36;
	v27 =	vld.idx.msk [tilespmem:v27+s15+$0x0], $0xffff  }
0x683: {  	[tilespmem:s29+$0xFFFFFC10] =	vst v29;
	v25 =	vld.idx.msk [tilespmem:v25+s15+$0x0], $0xffff  }
0x684: {  	v28 =	vadd.s32 $0x1770, v28;
	[tilespmem:s29+$0xFFFFFD90] =	vst v30;
	v24 =	vld.idx.msk [tilespmem:v24+s15+$0x0], $0xffff  }
0x685: {  	[tilespmem:s29+$0xFFFFFE10] =	vst v31;
	v31 =	vld.idx.msk [tilespmem:v63+s15+$0x0], $0xffff;
	v30 =	vadd.s32 $0x3E8, v5  }
0x686: {  	[tilespmem:s26+$0xFFFFFCC0] =	vst v38;
	v38 =	vld.idx.msk [tilespmem:v9+s15+$0x0], $0xffff;
	v42 =	vadd.s32 $0x7D0, v5  }
0x687: {  	[tilespmem:s24+$0xFFFFFFD0] =	vst v37;
	v29 =	vadd.s32 $0xBB8, v5;
	v34 =	vld [tilespmem:s30+$0xFFFFFF30]  }
0x688: {  	[tilespmem:s24+$0xFFFFFC50] =	vst v45;
	v15 =	vadd.s32 $0xFA0, v5;
	v17 =	vld.idx.msk [tilespmem:v5+s15+$0x0], $0xffff  }
0x689: {  	v43 =	vadd.s32 $0x1388, v5;
	[tilespmem:s26+$0xFFFFFE40] =	vst v27;
	v27 =	vld.idx.msk [tilespmem:v28+s15+$0x0], $0xffff  }
0x68a: {  	[tilespmem:s24+$0xFFFFFF50] =	vst v35;
	v44 =	vadd.s32 $0x1770, v5;
	v30 =	vld.idx.msk [tilespmem:v30+s15+$0x0], $0xffff  }
0x68b: {  	[tilespmem:s26+$0xFFFFFD40] =	vst v40;
	v32 =	vld.idx.msk [tilespmem:v42+s15+$0x0], $0xffff  }
0x68c: {  	[tilespmem:s26+$0xFFFFFDC0] =	vst v4;
	v5 =	vadd.s32 $0x1B58, v5;
	v29 =	vld.idx.msk [tilespmem:v29+s15+$0x0], $0xffff  }
0x68d: {  	[tilespmem:s26+$0xFFFFFC40] =	vst v33;
	v45 =	vld.idx.msk [tilespmem:v15+s15+$0x0], $0xffff  }
0x68e: {  	[tilespmem:s26+$0xFFFFFEC0] =	vst v25;
	v36 =	vld.idx.msk [tilespmem:v43+s15+$0x0], $0xffff  }
0x68f: {  	[tilespmem:s26+$0xFFFFFF40] =	vst v24;
	v4 =	vld.idx.msk [tilespmem:v44+s15+$0x0], $0xffff  }
0x690: {  	[tilespmem:s26+$0xFFFFFFC0] =	vst v31;
	v46 =	vadd.s32 $0x3E8, v34;
	v15 =	vld [tilespmem:s31+$0xFFFFFF70]  }
0x691: {  	v28 =	vadd.s32 $0x7D0, v34;
	v5 =	vld.idx.msk [tilespmem:v5+s15+$0x0], $0xffff;
	[tilespmem:s29+$0x30] =	vst v17  }
0x692: {  	s0 =	sadd.s32 $0x100, s30;
	v9 =	vadd.s32 $0xBB8, v34;
	v25 =	vld [tilespmem:s28+$0xFFFFFF60];
	[tilespmem:s29+$0xB0] =	vst v30  }
0x693: {  	v48 =	vadd.s32 $0x1770, v34;
	v44 =	vld [tilespmem:s0+$0xFFFFFF90];
	[tilespmem:s29+$0x130] =	vst v32  }
0x694: {  	v30 =	vld.idx.msk [tilespmem:v34+s15+$0x0], $0xffff;
	[tilespmem:s29+$0x1B0] =	vst v29  }
0x695: {  	v47 =	vld.idx.msk [tilespmem:v46+s15+$0x0], $0xffff;
	[tilespmem:s29+$0x230] =	vst v45  }
0x696: {  	v17 =	vadd.s32 $0xFA0, v34;
	v28 =	vld.idx.msk [tilespmem:v28+s15+$0x0], $0xffff;
	[tilespmem:s29+$0x2B0] =	vst v36  }
0x697: {  	v29 =	vadd.s32 $0x1388, v34;
	v9 =	vld.idx.msk [tilespmem:v9+s15+$0x0], $0xffff;
	[tilespmem:s29+$0x330] =	vst v4  }
0x698: {  	v34 =	vadd.s32 $0x1B58, v34;
	v31 =	vld.idx.msk [tilespmem:v48+s15+$0x0], $0xffff;
	[tilespmem:s29+$0x3B0] =	vst v5  }
0x699: {  	v4 =	vadd.s32 $0x3E8, v15;
	v5 =	vld [tilespmem:s30+$0xFFFFFFD0]  }
0x69a: {  	[tilespmem:s24+$0x170] =	vst v1;
	v49 =	vadd.s32 $0x7D0, v15;
	v46 =	vld [tilespmem:s0+$0xFFFFFF10]  }
0x69b: {  	[tilespmem:s24+$0x1F0] =	vst v3;
	v50 =	vadd.s32 $0xFA0, v15;
	v17 =	vld.idx.msk [tilespmem:v17+s15+$0x0], $0xffff  }
0x69c: {  	[tilespmem:s24+$0x270] =	vst v2;
	v24 =	vld.idx.msk [tilespmem:v29+s15+$0x0], $0xffff;
	v29 =	vadd.s32 $0xBB8, v15  }
0x69d: {  	[tilespmem:s24+$0x2F0] =	vst v13;
	v51 =	vld.idx.msk [tilespmem:v34+s15+$0x0], $0xffff  }
0x69e: {  	[tilespmem:s24+$0x370] =	vst v14;
	v1 =	vld.idx.msk [tilespmem:v4+s15+$0x0], $0xffff;
	v52 =	vadd.s32 $0x3E8, v5  }
0x69f: {  	[tilespmem:s26+$0x3F0] =	vst v26;
	v2 =	vld.idx.msk [tilespmem:v49+s15+$0x0], $0xffff;
	v53 =	vadd.s32 $0x7D0, v5  }
0x6a0: {  	[tilespmem:s26+$0x1F0] =	vst v19;
	v4 =	vld.idx.msk [tilespmem:v50+s15+$0x0], $0xffff;
	v13 =	vadd.s32 $0xBB8, v5  }
0x6a1: {  	[tilespmem:s29+$0xFFFFFCA0] =	vst v47;
	v14 =	vadd.s32 $0xFA0, v5;
	v3 =	vld.idx.msk [tilespmem:v29+s15+$0x0], $0xffff  }
0x6a2: {  	[tilespmem:s29+$0xFFFFFD20] =	vst v28;
	v54 =	vadd.s32 $0x1388, v5;
	v29 =	vld.idx.msk [tilespmem:v5+s15+$0x0], $0xffff  }
0x6a3: {  	[tilespmem:s29+$0xFFFFFDA0] =	vst v9;
	v55 =	vadd.s32 $0x1770, v5;
	v28 =	vld.idx.msk [tilespmem:v52+s15+$0x0], $0xffff  }
0x6a4: {  	[tilespmem:s29+$0xFFFFFF20] =	vst v31;
	v5 =	vadd.s32 $0x1B58, v5;
	v56 =	vld.idx.msk [tilespmem:v53+s15+$0x0], $0xffff  }
0x6a5: {  	v19 =	vadd.s32 $0x3E8, v44;
	[tilespmem:s29+$0xFFFFFC20] =	vst v30;
	v13 =	vld.idx.msk [tilespmem:v13+s15+$0x0], $0xffff  }
0x6a6: {  	[tilespmem:s29+$0xFFFFFE20] =	vst v17;
	v14 =	vld.idx.msk [tilespmem:v14+s15+$0x0], $0xffff  }
0x6a7: {  	v31 =	vadd.s32 $0x3E8, v25;
	[tilespmem:s29+$0xFFFFFEA0] =	vst v24;
	v24 =	vld.idx.msk [tilespmem:v54+s15+$0x0], $0xffff  }
0x6a8: {  	v9 =	vadd.s32 $0x1388, v15;
	[tilespmem:s29+$0xFFFFFFA0] =	vst v51;
	v57 =	vld.idx.msk [tilespmem:v55+s15+$0x0], $0xffff  }
0x6a9: {  	v17 =	vadd.s32 $0x1770, v15;
	v59 =	vld.idx.msk [tilespmem:v5+s15+$0x0], $0xffff;
	[tilespmem:s29+$0x40] =	vst v29  }
0x6aa: {  	v58 =	vadd.s32 $0x7D0, v25;
	v19 =	vld.idx.msk [tilespmem:v19+s15+$0x0], $0xffff;
	[tilespmem:s29+$0xC0] =	vst v28  }
0x6ab: {  	v61 =	vadd.s32 $0xFA0, v25;
	v63 =	vld [tilespmem:s30+$0xFFFFFF40];
	[tilespmem:s29+$0x140] =	vst v56  }
0x6ac: {  	v30 =	vld.idx.msk [tilespmem:v31+s15+$0x0], $0xffff;
	[tilespmem:s29+$0x1C0] =	vst v13  }
0x6ad: {  	v60 =	vadd.s32 $0xBB8, v25;
	v5 =	vld.idx.msk [tilespmem:v9+s15+$0x0], $0xffff;
	[tilespmem:s29+$0x240] =	vst v14  }
0x6ae: {  	v62 =	vadd.s32 $0x1388, v25;
	v9 =	vld.idx.msk [tilespmem:v17+s15+$0x0], $0xffff;
	[tilespmem:s29+$0x2C0] =	vst v24  }
0x6af: {  	v29 =	vld.idx.msk [tilespmem:v58+s15+$0x0], $0xffff;
	[tilespmem:s29+$0x340] =	vst v57  }
0x6b0: {  	v26 =	vadd.s32 $0xBB8, v63;
	v17 =	vld.idx.msk [tilespmem:v61+s15+$0x0], $0xffff;
	[tilespmem:s29+$0x3C0] =	vst v59  }
0x6b1: {  	[tilespmem:s24+$0x70] =	vst v0;
	v13 =	vadd.s32 $0x3E8, v63;
	v31 =	vld [tilespmem:s30+$0xFFFFFFE0]  }
0x6b2: {  	[tilespmem:s23+$0xFFFFFD60] =	vst v10;
	v10 =	vadd.s32 $0x1388, v63;
	v28 =	vld.idx.msk [tilespmem:v60+s15+$0x0], $0xffff  }
0x6b3: {  	[tilespmem:s23+$0xFFFFFCE0] =	vst v8;
	v24 =	vld.idx.msk [tilespmem:v62+s15+$0x0], $0xffff;
	v14 =	vadd.s32 $0x7D0, v63  }
0x6b4: {  	[tilespmem:s23+$0xFFFFFDE0] =	vst v6;
	v45 =	vadd.s32 $0xFA0, v63;
	v8 =	vld.idx.msk [tilespmem:v63+s15+$0x0], $0xffff  }
0x6b5: {  	[tilespmem:s23+$0xFFFFFE60] =	vst v7;
	v7 =	vld.idx.msk [tilespmem:v26+s15+$0x0], $0xffff  }
0x6b6: {  	[tilespmem:s23+$0xFFFFFEE0] =	vst v11;
	v0 =	vld.idx.msk [tilespmem:v13+s15+$0x0], $0xffff;
	v13 =	vadd.s32 $0x3E8, v31  }
0x6b7: {  	[tilespmem:s23+$0xFFFFFFE0] =	vst v18;
	v18 =	vld.idx.msk [tilespmem:v10+s15+$0x0], $0xffff;
	v11 =	vadd.s32 $0x7D0, v31  }
0x6b8: {  	[tilespmem:s23+$0xFFFFFF60] =	vst v12;
	v6 =	vld.idx.msk [tilespmem:v14+s15+$0x0], $0xffff;
	v12 =	vadd.s32 $0xBB8, v31  }
0x6b9: {  	v14 =	vld.idx.msk [tilespmem:v45+s15+$0x0], $0xffff;
	v10 =	vadd.s32 $0xFA0, v31  }
0x6ba: {  	[tilespmem:s23+$0xFFFFFC60] =	vst v38;
	v47 =	vadd.s32 $0x1388, v31;
	v26 =	vld.idx.msk [tilespmem:v31+s15+$0x0], $0xffff  }
0x6bb: {  	[tilespmem:s26+$0xF0] =	vst v23;
	v23 =	vadd.s32 $0x1770, v31;
	v13 =	vld.idx.msk [tilespmem:v13+s15+$0x0], $0xffff  }
0x6bc: {  	[tilespmem:s26+$0x170] =	vst v22;
	v22 =	vadd.s32 $0x1B58, v31;
	v11 =	vld.idx.msk [tilespmem:v11+s15+$0x0], $0xffff  }
0x6bd: {  	[tilespmem:s26+$0x270] =	vst v20;
	v12 =	vld.idx.msk [tilespmem:v12+s15+$0x0], $0xffff  }
0x6be: {  	[tilespmem:s26+$0x2F0] =	vst v21;
	v20 =	vadd.s32 $0x7D0, v44;
	v10 =	vld.idx.msk [tilespmem:v10+s15+$0x0], $0xffff  }
0x6bf: {  	[tilespmem:s26+$0x370] =	vst v27;
	v27 =	vadd.s32 $0xBB8, v44;
	v21 =	vld.idx.msk [tilespmem:v47+s15+$0x0], $0xffff  }
0x6c0: {  	[tilespmem:s26+$0x70] =	vst v16;
	v23 =	vld.idx.msk [tilespmem:v23+s15+$0x0], $0xffff  }
0x6c1: {  	v16 =	vld.idx.msk [tilespmem:v22+s15+$0x0], $0xffff;
	[tilespmem:s29+$0x50] =	vst v26  }
0x6c2: {  	v22 =	vld.idx.msk [tilespmem:v44+s15+$0x0], $0xffff;
	[tilespmem:s29+$0xD0] =	vst v13  }
0x6c3: {  	v13 =	vld.idx.msk [tilespmem:v20+s15+$0x0], $0xffff;
	[tilespmem:s29+$0x150] =	vst v11  }
0x6c4: {  	v20 =	vld.idx.msk [tilespmem:v27+s15+$0x0], $0xffff;
	[tilespmem:s29+$0x1D0] =	vst v12  }
0x6c5: {  	[tilespmem:s29+$0x250] =	vst v10  }
0x6c6: {  	[tilespmem:s29+$0x2D0] =	vst v21  }
0x6c7: {  	v31 =	vadd.s32 $0xFA0, v46;
	[tilespmem:s29+$0x350] =	vst v23  }
0x6c8: {  	v48 =	vadd.s32 $0x1388, v46;
	[tilespmem:s29+$0x3D0] =	vst v16  }
0x6c9: {  	v11 =	vadd.s32 $0xFA0, v44;
	v26 =	vld [tilespmem:s30+$0xFFFFFFF0]  }
0x6ca: {  	v12 =	vadd.s32 $0x1388, v44  }
0x6cb: {  	v10 =	vadd.s32 $0x1770, v44  }
0x6cc: {  	v21 =	vadd.s32 $0x1B58, v44;
	v31 =	vld.idx.msk [tilespmem:v31+s15+$0x0], $0xffff  }
0x6cd: {  	v32 =	vld.idx.msk [tilespmem:v48+s15+$0x0], $0xffff  }
0x6ce: {  	v11 =	vld.idx.msk [tilespmem:v11+s15+$0x0], $0xffff;
	v49 =	vadd.s32 $0x3E8, v26  }
0x6cf: {  	v12 =	vld.idx.msk [tilespmem:v12+s15+$0x0], $0xffff;
	v50 =	vadd.s32 $0x7D0, v26  }
0x6d0: {  	s6 =	simm.s32 $0x10340;
	v10 =	vld.idx.msk [tilespmem:v10+s15+$0x0], $0xffff;
	v51 =	vadd.s32 $0xBB8, v26  }
0x6d1: {  	v21 =	vld.idx.msk [tilespmem:v21+s15+$0x0], $0xffff;
	[tilespmem:s6+$0x0] =	vst v22;
	v52 =	vadd.s32 $0xFA0, v26  }
0x6d2: {  	[tilespmem:s6+$0x80] =	vst v19;
	v53 =	vadd.s32 $0x1388, v26;
	v22 =	vld.idx.msk [tilespmem:v26+s15+$0x0], $0xffff  }
0x6d3: {  	[tilespmem:s6+$0x100] =	vst v13;
	v54 =	vadd.s32 $0x1770, v26;
	v19 =	vld.idx.msk [tilespmem:v49+s15+$0x0], $0xffff  }
0x6d4: {  	[tilespmem:s6+$0x180] =	vst v20;
	v26 =	vadd.s32 $0x1B58, v26;
	v13 =	vld.idx.msk [tilespmem:v50+s15+$0x0], $0xffff  }
0x6d5: {  	v55 =	vadd.s32 $0x1770, v46;
	[tilespmem:s6+$0x200] =	vst v11;
	v20 =	vld.idx.msk [tilespmem:v51+s15+$0x0], $0xffff  }
0x6d6: {  	v23 =	vadd.s32 $0x3E8, v46;
	[tilespmem:s6+$0x280] =	vst v12;
	v11 =	vld.idx.msk [tilespmem:v52+s15+$0x0], $0xffff  }
0x6d7: {  	v16 =	vadd.s32 $0x7D0, v46;
	[tilespmem:s6+$0x300] =	vst v10;
	v12 =	vld.idx.msk [tilespmem:v53+s15+$0x0], $0xffff  }
0x6d8: {  	v27 =	vadd.s32 $0xBB8, v46;
	[tilespmem:s6+$0x380] =	vst v21;
	v10 =	vld.idx.msk [tilespmem:v54+s15+$0x0], $0xffff  }
0x6d9: {  	v56 =	vadd.s32 $0x1B58, v46;
	v21 =	vld.idx.msk [tilespmem:v26+s15+$0x0], $0xffff;
	[tilespmem:s29+$0x60] =	vst v22  }
0x6da: {  	v35 =	vld.idx.msk [tilespmem:v55+s15+$0x0], $0xffff;
	[tilespmem:s29+$0xE0] =	vst v19  }
0x6db: {  	v23 =	vld.idx.msk [tilespmem:v23+s15+$0x0], $0xffff;
	[tilespmem:s29+$0x160] =	vst v13  }
0x6dc: {  	v16 =	vld.idx.msk [tilespmem:v16+s15+$0x0], $0xffff;
	[tilespmem:s29+$0x1E0] =	vst v20  }
0x6dd: {  	v27 =	vld.idx.msk [tilespmem:v27+s15+$0x0], $0xffff;
	[tilespmem:s29+$0x260] =	vst v11  }
0x6de: {  	v36 =	vld.idx.msk [tilespmem:v56+s15+$0x0], $0xffff;
	[tilespmem:s29+$0x2E0] =	vst v12  }
0x6df: {  	v57 =	vadd.s32 $0x1770, v63;
	v58 =	vld [tilespmem:s0+$0xFFFFFFA0];
	[tilespmem:s29+$0x360] =	vst v10  }
0x6e0: {  	v13 =	vld.idx.msk [tilespmem:v46+s15+$0x0], $0xffff;
	[tilespmem:s6+$0xFFFFFC80] =	vst v23  }
0x6e1: {  	v26 =	vadd.s32 $0x1B58, v63;
	[tilespmem:s6+$0xFFFFFD00] =	vst v16  }
0x6e2: {  	v22 =	vadd.s32 $0x1770, v25;
	[tilespmem:s6+$0xFFFFFD80] =	vst v27  }
0x6e3: {  	[tilespmem:s6+$0xFFFFFE00] =	vst v31  }
0x6e4: {  	v20 =	vld.idx.msk [tilespmem:v57+s15+$0x0], $0xffff;
	[tilespmem:s6+$0xFFFFFE80] =	vst v32  }
0x6e5: {  	v19 =	vadd.s32 $0x1B58, v25;
	v11 =	vadd.s32 $0x3E8, v58;
	[tilespmem:s6+$0xFFFFFF00] =	vst v35;
	v25 =	vld.idx.msk [tilespmem:v25+s15+$0x0], $0xffff  }
0x6e6: {  	v12 =	vadd.s32 $0x7D0, v58;
	[tilespmem:s6+$0xFFFFFF80] =	vst v36;
	v59 =	vld.idx.msk [tilespmem:v26+s15+$0x0], $0xffff  }
0x6e7: {  	v10 =	vadd.s32 $0xBB8, v58;
	v22 =	vld.idx.msk [tilespmem:v22+s15+$0x0], $0xffff;
	[tilespmem:s29+$0x3E0] =	vst v21  }
0x6e8: {  	v27 =	vadd.s32 $0x1770, v58;
	v16 =	vld.idx.msk [tilespmem:v58+s15+$0x0], $0xffff;
	[tilespmem:s29+$0xFFFFFCB0] =	vst v0  }
0x6e9: {  	v31 =	vadd.s32 $0x1B58, v58;
	[tilespmem:s29+$0xFFFFFD30] =	vst v6;
	v23 =	vld [tilespmem:s30+$0x0]  }
0x6ea: {  	v21 =	vadd.s32 $0xFA0, v58;
	[tilespmem:s29+$0xFFFFFDB0] =	vst v7;
	v11 =	vld.idx.msk [tilespmem:v11+s15+$0x0], $0xffff  }
0x6eb: {  	v26 =	vadd.s32 $0x1388, v58;
	[tilespmem:s29+$0xFFFFFE30] =	vst v14;
	v12 =	vld.idx.msk [tilespmem:v12+s15+$0x0], $0xffff  }
0x6ec: {  	[tilespmem:s29+$0xFFFFFEB0] =	vst v18;
	v60 =	vld.idx.msk [tilespmem:v10+s15+$0x0], $0xffff  }
0x6ed: {  	[tilespmem:s6+$0xFFFFFC00] =	vst v13;
	v13 =	vld.idx.msk [tilespmem:v27+s15+$0x0], $0xffff  }
0x6ee: {  	[tilespmem:s29+$0xFFFFFC30] =	vst v8;
	v31 =	vld.idx.msk [tilespmem:v31+s15+$0x0], $0xffff  }
0x6ef: {  	v10 =	vadd.s32 $0x1B58, v15;
	[tilespmem:s29+$0xFFFFFF30] =	vst v20;
	v21 =	vld.idx.msk [tilespmem:v21+s15+$0x0], $0xffff  }
0x6f0: {  	v26 =	vld.idx.msk [tilespmem:v26+s15+$0x0], $0xffff;
	[tilespmem:s6+$0x10] =	vst v16  }
0x6f1: {  	v19 =	vld.idx.msk [tilespmem:v19+s15+$0x0], $0xffff;
	[tilespmem:s29+$0xFFFFFFB0] =	vst v59;
	v61 =	vadd.s32 $0x1B58, v23  }
0x6f2: {  	v40 =	vld [tilespmem:s0+$0xFFFFFF20];
	v62 =	vadd.s32 $0x3E8, v23;
	[tilespmem:s6+$0x90] =	vst v11  }
0x6f3: {  	v63 =	vadd.s32 $0x7D0, v23;
	v20 =	vld [tilespmem:s30+$0xFFFFFF50];
	[tilespmem:s6+$0x110] =	vst v12  }
0x6f4: {  	v10 =	vld.idx.msk [tilespmem:v10+s15+$0x0], $0xffff;
	[tilespmem:s6+$0x190] =	vst v60  }
0x6f5: {  	v16 =	vadd.s32 $0xBB8, v23;
	[tilespmem:s6+$0x310] =	vst v13;
	v0 =	vld.idx.msk [tilespmem:v23+s15+$0x0], $0xffff  }
0x6f6: {  	v39 =	vadd.s32 $0xFA0, v23;
	[tilespmem:s6+$0x390] =	vst v31;
	v27 =	vld.idx.msk [tilespmem:v61+s15+$0x0], $0xffff  }
0x6f7: {  	[tilespmem:s6+$0x210] =	vst v21;
	v11 =	vld.idx.msk [tilespmem:v62+s15+$0x0], $0xffff  }
0x6f8: {  	v7 =	vadd.s32 $0x3E8, v40;
	[tilespmem:s6+$0x290] =	vst v26;
	v12 =	vld.idx.msk [tilespmem:v63+s15+$0x0], $0xffff  }
0x6f9: {  	[tilespmem:s26+$0xFFFFFDD0] =	vst v28;
	v28 =	vadd.s32 $0x7D0, v40;
	v6 =	vld [tilespmem:s0+$0xFFFFFFB0]  }
0x6fa: {  	[tilespmem:s26+$0xFFFFFC50] =	vst v25;
	v25 =	vadd.s32 $0x1B58, v40;
	v13 =	vld.idx.msk [tilespmem:v16+s15+$0x0], $0xffff  }
0x6fb: {  	v21 =	vadd.s32 $0x1388, v23;
	v26 =	vadd.s32 $0x1770, v23;
	v23 =	vld.idx.msk [tilespmem:v39+s15+$0x0], $0xffff  }
0x6fc: {  	v8 =	vld.idx.msk [tilespmem:v40+s15+$0x0], $0xffff  }
0x6fd: {  	v7 =	vld.idx.msk [tilespmem:v7+s15+$0x0], $0xffff  }
0x6fe: {  	v28 =	vld.idx.msk [tilespmem:v28+s15+$0x0], $0xffff;
	v16 =	vadd.s32 $0x3E8, v6  }
0x6ff: {  	v25 =	vld.idx.msk [tilespmem:v25+s15+$0x0], $0xffff;
	v18 =	vadd.s32 $0x7D0, v6  }
0x700: {  	v21 =	vld.idx.msk [tilespmem:v21+s15+$0x0], $0xffff;
	v31 =	vadd.s32 $0xBB8, v6  }
0x701: {  	v14 =	vld.idx.msk [tilespmem:v26+s15+$0x0], $0xffff;
	v41 =	vadd.s32 $0xFA0, v6  }
0x702: {  	[tilespmem:s26+$0xFFFFFCD0] =	vst v30;
	v42 =	vadd.s32 $0x1388, v6;
	v30 =	vld.idx.msk [tilespmem:v6+s15+$0x0], $0xffff  }
0x703: {  	[tilespmem:s26+$0xFFFFFD50] =	vst v29;
	v29 =	vadd.s32 $0x1770, v6;
	v16 =	vld.idx.msk [tilespmem:v16+s15+$0x0], $0xffff  }
0x704: {  	v6 =	vadd.s32 $0x1B58, v6;
	v18 =	vld.idx.msk [tilespmem:v18+s15+$0x0], $0xffff  }
0x705: {  	[tilespmem:s26+$0xFFFFFE50] =	vst v17;
	v17 =	vld.idx.msk [tilespmem:v31+s15+$0x0], $0xffff  }
0x706: {  	[tilespmem:s26+$0xFFFFFED0] =	vst v24;
	v24 =	vld.idx.msk [tilespmem:v41+s15+$0x0], $0xffff  }
0x707: {  	[tilespmem:s26+$0xFFFFFF50] =	vst v22;
	v45 =	vadd.s32 $0x7D0, v20;
	v22 =	vld.idx.msk [tilespmem:v42+s15+$0x0], $0xffff  }
0x708: {  	[tilespmem:s26+$0xFFFFFFD0] =	vst v19;
	v31 =	vadd.s32 $0xBB8, v40;
	v19 =	vld.idx.msk [tilespmem:v29+s15+$0x0], $0xffff  }
0x709: {  	v29 =	vadd.s32 $0x1770, v40;
	v6 =	vld.idx.msk [tilespmem:v6+s15+$0x0], $0xffff;
	[tilespmem:s6+$0x20] =	vst v30  }
0x70a: {  	v43 =	vadd.s32 $0xFA0, v40;
	v26 =	vld.idx.msk [tilespmem:v15+s15+$0x0], $0xffff;
	[tilespmem:s6+$0xA0] =	vst v16  }
0x70b: {  	v44 =	vadd.s32 $0x1388, v40;
	v15 =	vld [tilespmem:s25+$0xFFFFFF80];
	[tilespmem:s6+$0x120] =	vst v18  }
0x70c: {  	v32 =	vld.idx.msk [tilespmem:v45+s15+$0x0], $0xffff;
	[tilespmem:s6+$0x1A0] =	vst v17  }
0x70d: {  	v30 =	vld.idx.msk [tilespmem:v31+s15+$0x0], $0xffff;
	v31 =	vadd.s32 $0x3E8, v20;
	[tilespmem:s6+$0x220] =	vst v24  }
0x70e: {  	v17 =	vld.idx.msk [tilespmem:v29+s15+$0x0], $0xffff;
	v29 =	vadd.s32 $0xBB8, v20;
	[tilespmem:s6+$0x2A0] =	vst v22  }
0x70f: {  	v16 =	vld.idx.msk [tilespmem:v43+s15+$0x0], $0xffff;
	v24 =	vadd.s32 $0xFA0, v20;
	[tilespmem:s6+$0x320] =	vst v19  }
0x710: {  	v18 =	vld.idx.msk [tilespmem:v44+s15+$0x0], $0xffff;
	v22 =	vadd.s32 $0x1388, v20;
	[tilespmem:s6+$0x3A0] =	vst v6  }
0x711: {  	v19 =	vadd.s32 $0x1770, v20;
	[tilespmem:s6+$0xFFFFFC90] =	vst v7;
	v7 =	vld [tilespmem:s0+$0xFFFFFFC0]  }
0x712: {  	v6 =	vadd.s32 $0x1B58, v20;
	v31 =	vld.idx.msk [tilespmem:v31+s15+$0x0], $0xffff  }
0x713: {  	[tilespmem:s6+$0xFFFFFD10] =	vst v28;
	v29 =	vld.idx.msk [tilespmem:v29+s15+$0x0], $0xffff  }
0x714: {  	[tilespmem:s6+$0xFFFFFF90] =	vst v25;
	v24 =	vld.idx.msk [tilespmem:v24+s15+$0x0], $0xffff  }
0x715: {  	[tilespmem:s6+$0xFFFFFC10] =	vst v8;
	v28 =	vld.idx.msk [tilespmem:v22+s15+$0x0], $0xffff  }
0x716: {  	[tilespmem:s6+$0xFFFFFD90] =	vst v30;
	v19 =	vld.idx.msk [tilespmem:v19+s15+$0x0], $0xffff  }
0x717: {  	[tilespmem:s6+$0xFFFFFE90] =	vst v18;
	v18 =	vld.idx.msk [tilespmem:v6+s15+$0x0], $0xffff;
	v6 =	vadd.s32 $0x3E8, v7  }
0x718: {  	[tilespmem:s6+$0xFFFFFF10] =	vst v17;
	v17 =	vld.idx.msk [tilespmem:v20+s15+$0x0], $0xffff;
	v20 =	vadd.s32 $0x7D0, v7  }
0x719: {  	[tilespmem:s6+$0xFFFFFE10] =	vst v16;
	v16 =	vld [tilespmem:s28+$0xFFFFFF70];
	v8 =	vadd.s32 $0xBB8, v7  }
0x71a: {  	v25 =	vld [tilespmem:s0+$0xFFFFFF30];
	v22 =	vadd.s32 $0xFA0, v7  }
0x71b: {  	[tilespmem:s29+$0xFFFFFD40] =	vst v32;
	v46 =	vadd.s32 $0x1388, v7;
	v30 =	vld.idx.msk [tilespmem:v7+s15+$0x0], $0xffff  }
0x71c: {  	v47 =	vadd.s32 $0x1770, v7;
	[tilespmem:s29+$0xFFFFFCC0] =	vst v31;
	v6 =	vld.idx.msk [tilespmem:v6+s15+$0x0], $0xffff  }
0x71d: {  	[tilespmem:s29+$0xFFFFFDC0] =	vst v29;
	v20 =	vld.idx.msk [tilespmem:v20+s15+$0x0], $0xffff  }
0x71e: {  	[tilespmem:s29+$0xFFFFFE40] =	vst v24;
	v49 =	vld.idx.msk [tilespmem:v8+s15+$0x0], $0xffff  }
0x71f: {  	[tilespmem:s29+$0xFFFFFEC0] =	vst v28;
	v59 =	vadd.s32 $0x7D0, v16;
	v50 =	vld.idx.msk [tilespmem:v22+s15+$0x0], $0xffff  }
0x720: {  	[tilespmem:s29+$0xFFFFFF40] =	vst v19;
	v7 =	vadd.s32 $0x1B58, v7;
	v31 =	vld.idx.msk [tilespmem:v46+s15+$0x0], $0xffff  }
0x721: {  	v60 =	vadd.s32 $0xBB8, v16;
	[tilespmem:s29+$0xFFFFFC40] =	vst v17;
	v52 =	vld.idx.msk [tilespmem:v47+s15+$0x0], $0xffff  }
0x722: {  	v53 =	vadd.s32 $0x3E8, v25;
	[tilespmem:s29+$0xFFFFFFC0] =	vst v18;
	v55 =	vld.idx.msk [tilespmem:v25+s15+$0x0], $0xffff  }
0x723: {  	v54 =	vadd.s32 $0xBB8, v25;
	v34 =	vld [tilespmem:s30+$0xFFFFFF60]  }
0x724: {  	v56 =	vadd.s32 $0x1388, v25;
	v19 =	vld.idx.msk [tilespmem:v59+s15+$0x0], $0xffff  }
0x725: {  	v48 =	vadd.s32 $0x3E8, v15;
	v29 =	vld.idx.msk [tilespmem:v7+s15+$0x0], $0xffff;
	[tilespmem:s6+$0x30] =	vst v30  }
0x726: {  	v8 =	vadd.s32 $0x7D0, v15;
	v18 =	vld.idx.msk [tilespmem:v60+s15+$0x0], $0xffff;
	[tilespmem:s6+$0xB0] =	vst v6  }
0x727: {  	v22 =	vadd.s32 $0xBB8, v15;
	v57 =	vld.idx.msk [tilespmem:v53+s15+$0x0], $0xffff;
	[tilespmem:s6+$0x130] =	vst v20  }
0x728: {  	v58 =	vld.idx.msk [tilespmem:v54+s15+$0x0], $0xffff;
	[tilespmem:s6+$0x1B0] =	vst v49  }
0x729: {  	v51 =	vadd.s32 $0xFA0, v15;
	v36 =	vld.idx.msk [tilespmem:v56+s15+$0x0], $0xffff;
	[tilespmem:s6+$0x230] =	vst v50  }
0x72a: {  	v7 =	vld.idx.msk [tilespmem:v48+s15+$0x0], $0xffff;
	v30 =	vadd.s32 $0x7D0, v25;
	[tilespmem:s6+$0x2B0] =	vst v31  }
0x72b: {  	v8 =	vld.idx.msk [tilespmem:v8+s15+$0x0], $0xffff;
	v20 =	vadd.s32 $0xFA0, v25;
	[tilespmem:s6+$0x330] =	vst v52  }
0x72c: {  	v6 =	vld.idx.msk [tilespmem:v22+s15+$0x0], $0xffff;
	v31 =	vadd.s32 $0x1770, v25;
	[tilespmem:s6+$0x3B0] =	vst v29  }
0x72d: {  	v25 =	vadd.s32 $0x1B58, v25;
	v24 =	vld [tilespmem:s0+$0xFFFFFFD0]  }
0x72e: {  	v22 =	vld.idx.msk [tilespmem:v51+s15+$0x0], $0xffff;
	v29 =	vadd.s32 $0x3E8, v16  }
0x72f: {  	v54 =	vadd.s32 $0x1388, v34;
	v30 =	vld.idx.msk [tilespmem:v30+s15+$0x0], $0xffff  }
0x730: {  	v28 =	vld.idx.msk [tilespmem:v20+s15+$0x0], $0xffff  }
0x731: {  	v31 =	vld.idx.msk [tilespmem:v31+s15+$0x0], $0xffff  }
0x732: {  	v17 =	vld.idx.msk [tilespmem:v25+s15+$0x0], $0xffff;
	v25 =	vadd.s32 $0x3E8, v24  }
0x733: {  	[tilespmem:s24+$0xFFFFFE60] =	vst v4;
	v20 =	vld.idx.msk [tilespmem:v29+s15+$0x0], $0xffff;
	v29 =	vadd.s32 $0x7D0, v24  }
0x734: {  	s10 =	sadd.s32 $0x100, s0;
	[tilespmem:s24+$0xFFFFFF60] =	vst v9;
	v32 =	vld.idx.msk [tilespmem:v54+s15+$0x0], $0xffff;
	v61 =	vadd.s32 $0xBB8, v24  }
0x735: {  	[tilespmem:s6+$0xFFFFFDA0] =	vst v58;
	v58 =	vld [tilespmem:s10+$0xFFFFFF90];
	v62 =	vadd.s32 $0xFA0, v24  }
0x736: {  	[tilespmem:s6+$0xFFFFFCA0] =	vst v57;
	v44 =	vadd.s32 $0x1388, v24;
	v63 =	vld.idx.msk [tilespmem:v24+s15+$0x0], $0xffff  }
0x737: {  	[tilespmem:s6+$0xFFFFFD20] =	vst v30;
	v30 =	vld.idx.msk [tilespmem:v25+s15+$0x0], $0xffff;
	v25 =	vadd.s32 $0x1770, v24  }
0x738: {  	[tilespmem:s6+$0xFFFFFEA0] =	vst v36;
	v29 =	vld.idx.msk [tilespmem:v29+s15+$0x0], $0xffff;
	v24 =	vadd.s32 $0x1B58, v24  }
0x739: {  	v48 =	vadd.s32 $0x1770, v16;
	[tilespmem:s6+$0xFFFFFE20] =	vst v28;
	v28 =	vld.idx.msk [tilespmem:v61+s15+$0x0], $0xffff  }
0x73a: {  	[tilespmem:s6+$0xFFFFFC20] =	vst v55;
	v47 =	vld.idx.msk [tilespmem:v62+s15+$0x0], $0xffff  }
0x73b: {  	[tilespmem:s6+$0xFFFFFF20] =	vst v31;
	v39 =	vld.idx.msk [tilespmem:v44+s15+$0x0], $0xffff  }
0x73c: {  	[tilespmem:s6+$0xFFFFFFA0] =	vst v17;
	v4 =	vadd.s32 $0x3E8, v58;
	v49 =	vld.idx.msk [tilespmem:v25+s15+$0x0], $0xffff  }
0x73d: {  	v9 =	vadd.s32 $0xBB8, v58;
	v50 =	vld.idx.msk [tilespmem:v24+s15+$0x0], $0xffff;
	[tilespmem:s6+$0x40] =	vst v63  }
0x73e: {  	v45 =	vadd.s32 $0xFA0, v16;
	v17 =	vld.idx.msk [tilespmem:v48+s15+$0x0], $0xffff;
	[tilespmem:s6+$0xC0] =	vst v30  }
0x73f: {  	v46 =	vadd.s32 $0x1388, v16;
	v41 =	vld [tilespmem:s0+$0xFFFFFF40];
	[tilespmem:s6+$0x140] =	vst v29  }
0x740: {  	v44 =	vld [tilespmem:s10+$0xFFFFFF10];
	[tilespmem:s6+$0x1C0] =	vst v28  }
0x741: {  	v31 =	vadd.s32 $0x3E8, v34;
	v4 =	vld.idx.msk [tilespmem:v4+s15+$0x0], $0xffff;
	[tilespmem:s6+$0x240] =	vst v47  }
0x742: {  	v51 =	vadd.s32 $0x7D0, v34;
	v9 =	vld.idx.msk [tilespmem:v9+s15+$0x0], $0xffff;
	[tilespmem:s6+$0x2C0] =	vst v39  }
0x743: {  	v52 =	vadd.s32 $0xBB8, v34;
	v24 =	vld.idx.msk [tilespmem:v45+s15+$0x0], $0xffff;
	[tilespmem:s6+$0x340] =	vst v49  }
0x744: {  	v53 =	vadd.s32 $0xFA0, v34;
	v25 =	vld.idx.msk [tilespmem:v46+s15+$0x0], $0xffff;
	[tilespmem:s6+$0x3C0] =	vst v50  }
0x745: {  	v39 =	vld [tilespmem:s0+$0xFFFFFFE0]  }
0x746: {  	v55 =	vadd.s32 $0x3E8, v41;
	v30 =	vld.idx.msk [tilespmem:v31+s15+$0x0], $0xffff  }
0x747: {  	v56 =	vadd.s32 $0x7D0, v41;
	v31 =	vld.idx.msk [tilespmem:v51+s15+$0x0], $0xffff  }
0x748: {  	v57 =	vadd.s32 $0xBB8, v41;
	v29 =	vld.idx.msk [tilespmem:v52+s15+$0x0], $0xffff  }
0x749: {  	[tilespmem:s24+$0xFFFFFCE0] =	vst v1;
	v28 =	vld.idx.msk [tilespmem:v53+s15+$0x0], $0xffff  }
0x74a: {  	[tilespmem:s24+$0xFFFFFD60] =	vst v2;
	v33 =	vld.idx.msk [tilespmem:v41+s15+$0x0], $0xffff;
	v60 =	vadd.s32 $0x3E8, v39  }
0x74b: {  	[tilespmem:s24+$0xFFFFFDE0] =	vst v3;
	v37 =	vld.idx.msk [tilespmem:v55+s15+$0x0], $0xffff;
	v61 =	vadd.s32 $0x7D0, v39  }
0x74c: {  	[tilespmem:s24+$0xFFFFFEE0] =	vst v5;
	v38 =	vld.idx.msk [tilespmem:v56+s15+$0x0], $0xffff;
	v62 =	vadd.s32 $0xBB8, v39  }
0x74d: {  	[tilespmem:s24+$0xFFFFFFE0] =	vst v10;
	v36 =	vld.idx.msk [tilespmem:v57+s15+$0x0], $0xffff;
	v63 =	vadd.s32 $0xFA0, v39  }
0x74e: {  	[tilespmem:s29+$0x70] =	vst v0;
	v48 =	vadd.s32 $0x1388, v39;
	v47 =	vld.idx.msk [tilespmem:v39+s15+$0x0], $0xffff  }
0x74f: {  	[tilespmem:s29+$0x3F0] =	vst v27;
	v52 =	vadd.s32 $0x1770, v39;
	v27 =	vld.idx.msk [tilespmem:v60+s15+$0x0], $0xffff  }
0x750: {  	[tilespmem:s29+$0xF0] =	vst v11;
	v39 =	vadd.s32 $0x1B58, v39;
	v1 =	vld.idx.msk [tilespmem:v61+s15+$0x0], $0xffff  }
0x751: {  	[tilespmem:s29+$0x170] =	vst v12;
	v59 =	vadd.s32 $0xFA0, v41;
	v40 =	vld.idx.msk [tilespmem:v62+s15+$0x0], $0xffff  }
0x752: {  	[tilespmem:s29+$0x1F0] =	vst v13;
	v2 =	vadd.s32 $0x1388, v41;
	v3 =	vld.idx.msk [tilespmem:v63+s15+$0x0], $0xffff  }
0x753: {  	[tilespmem:s29+$0x270] =	vst v23;
	v53 =	vld.idx.msk [tilespmem:v48+s15+$0x0], $0xffff  }
0x754: {  	[tilespmem:s24+$0xFFFFFC60] =	vst v26;
	v54 =	vadd.s32 $0xFA0, v58;
	v45 =	vld.idx.msk [tilespmem:v52+s15+$0x0], $0xffff  }
0x755: {  	v5 =	vadd.s32 $0x7D0, v58;
	v39 =	vld.idx.msk [tilespmem:v39+s15+$0x0], $0xffff;
	[tilespmem:s6+$0x50] =	vst v47  }
0x756: {  	v35 =	vld.idx.msk [tilespmem:v59+s15+$0x0], $0xffff;
	[tilespmem:s6+$0xD0] =	vst v27  }
0x757: {  	v2 =	vld.idx.msk [tilespmem:v2+s15+$0x0], $0xffff;
	v56 =	vadd.s32 $0x1388, v58;
	[tilespmem:s6+$0x150] =	vst v1  }
0x758: {  	v55 =	vld.idx.msk [tilespmem:v58+s15+$0x0], $0xffff;
	[tilespmem:s6+$0x1D0] =	vst v40  }
0x759: {  	v57 =	vld.idx.msk [tilespmem:v54+s15+$0x0], $0xffff;
	v27 =	vadd.s32 $0x1770, v58;
	[tilespmem:s6+$0x250] =	vst v3  }
0x75a: {  	v1 =	vld.idx.msk [tilespmem:v5+s15+$0x0], $0xffff;
	v5 =	vadd.s32 $0x1B58, v58;
	[tilespmem:s6+$0x2D0] =	vst v53  }
0x75b: {  	v10 =	vadd.s32 $0xFA0, v44;
	v51 =	vld.idx.msk [tilespmem:v44+s15+$0x0], $0xffff;
	[tilespmem:s6+$0x350] =	vst v45  }
0x75c: {  	v59 =	vld.idx.msk [tilespmem:v56+s15+$0x0], $0xffff;
	v3 =	vadd.s32 $0x3E8, v44;
	[tilespmem:s6+$0x3D0] =	vst v39  }
0x75d: {  	[tilespmem:s29+$0x2F0] =	vst v21;
	v26 =	vadd.s32 $0x1388, v44;
	v39 =	vld [tilespmem:s0+$0xFFFFFFF0]  }
0x75e: {  	s12 =	simm.s32 $0x10B40;
	[tilespmem:s29+$0x370] =	vst v14;
	v58 =	vadd.s32 $0x7D0, v44;
	v27 =	vld.idx.msk [tilespmem:v27+s15+$0x0], $0xffff  }
0x75f: {  	v60 =	vadd.s32 $0xBB8, v44;
	v5 =	vld.idx.msk [tilespmem:v5+s15+$0x0], $0xffff;
	[tilespmem:s12+$0x0] =	vst v55  }
0x760: {  	v11 =	vadd.s32 $0x1770, v44;
	v10 =	vld.idx.msk [tilespmem:v10+s15+$0x0], $0xffff;
	[tilespmem:s12+$0x80] =	vst v4  }
0x761: {  	v61 =	vld.idx.msk [tilespmem:v3+s15+$0x0], $0xffff;
	v3 =	vadd.s32 $0x1B58, v44;
	[tilespmem:s12+$0x100] =	vst v1  }
0x762: {  	v21 =	vld.idx.msk [tilespmem:v26+s15+$0x0], $0xffff;
	[tilespmem:s12+$0x180] =	vst v9  }
0x763: {  	v12 =	vld.idx.msk [tilespmem:v58+s15+$0x0], $0xffff;
	[tilespmem:s12+$0x200] =	vst v57  }
0x764: {  	v13 =	vld.idx.msk [tilespmem:v60+s15+$0x0], $0xffff;
	[tilespmem:s12+$0x280] =	vst v59;
	v23 =	vadd.s32 $0x3E8, v39  }
0x765: {  	v11 =	vld.idx.msk [tilespmem:v11+s15+$0x0], $0xffff;
	v26 =	vadd.s32 $0x7D0, v39;
	[tilespmem:s12+$0x300] =	vst v27  }
0x766: {  	v14 =	vadd.s32 $0xBB8, v39;
	v0 =	vld.idx.msk [tilespmem:v3+s15+$0x0], $0xffff;
	[tilespmem:s12+$0x380] =	vst v5  }
0x767: {  	v63 =	vadd.s32 $0x1388, v39;
	[tilespmem:s12+$0xFFFFFC80] =	vst v61;
	v50 =	vld [tilespmem:s10+$0xFFFFFFA0]  }
0x768: {  	v3 =	vadd.s32 $0xFA0, v39;
	[tilespmem:s12+$0xFFFFFD00] =	vst v12;
	v62 =	vld.idx.msk [tilespmem:v39+s15+$0x0], $0xffff  }
0x769: {  	v27 =	vadd.s32 $0x1770, v34;
	[tilespmem:s12+$0xFFFFFD80] =	vst v13;
	v4 =	vld.idx.msk [tilespmem:v23+s15+$0x0], $0xffff  }
0x76a: {  	[tilespmem:s12+$0xFFFFFE00] =	vst v10;
	v1 =	vld.idx.msk [tilespmem:v26+s15+$0x0], $0xffff  }
0x76b: {  	[tilespmem:s12+$0xFFFFFE80] =	vst v21;
	v23 =	vadd.s32 $0x1770, v39;
	v9 =	vld.idx.msk [tilespmem:v14+s15+$0x0], $0xffff  }
0x76c: {  	[tilespmem:s12+$0xFFFFFF00] =	vst v11;
	v26 =	vadd.s32 $0x1B58, v39;
	v48 =	vld.idx.msk [tilespmem:v63+s15+$0x0], $0xffff  }
0x76d: {  	[tilespmem:s12+$0xFFFFFC00] =	vst v51;
	v14 =	vadd.s32 $0x1770, v41;
	v3 =	vld.idx.msk [tilespmem:v3+s15+$0x0], $0xffff  }
0x76e: {  	v49 =	vadd.s32 $0x1B58, v41;
	v53 =	vld.idx.msk [tilespmem:v27+s15+$0x0], $0xffff;
	[tilespmem:s12+$0xFFFFFF80] =	vst v0  }
0x76f: {  	v60 =	vld [tilespmem:s10+$0xFFFFFF20]  }
0x770: {  	v23 =	vld.idx.msk [tilespmem:v23+s15+$0x0], $0xffff  }
0x771: {  	v10 =	vadd.s32 $0x1B58, v50;
	v5 =	vld.idx.msk [tilespmem:v26+s15+$0x0], $0xffff;
	[tilespmem:s6+$0x60] =	vst v62  }
0x772: {  	v26 =	vadd.s32 $0x1B58, v34;
	[tilespmem:s6+$0xE0] =	vst v4;
	v52 =	vld.idx.msk [tilespmem:v14+s15+$0x0], $0xffff  }
0x773: {  	v4 =	vadd.s32 $0x1B58, v16;
	[tilespmem:s6+$0x160] =	vst v1;
	v1 =	vld.idx.msk [tilespmem:v49+s15+$0x0], $0xffff  }
0x774: {  	[tilespmem:s6+$0x1E0] =	vst v9;
	v9 =	vadd.s32 $0x3E8, v50;
	v34 =	vld.idx.msk [tilespmem:v34+s15+$0x0], $0xffff  }
0x775: {  	[tilespmem:s6+$0x2E0] =	vst v48;
	v14 =	vadd.s32 $0x7D0, v50;
	v12 =	vld.idx.msk [tilespmem:v50+s15+$0x0], $0xffff  }
0x776: {  	[tilespmem:s6+$0xFFFFFCB0] =	vst v37;
	v56 =	vld.idx.msk [tilespmem:v10+s15+$0x0], $0xffff  }
0x777: {  	[tilespmem:s6+$0xFFFFFD30] =	vst v38;
	v54 =	vld.idx.msk [tilespmem:v26+s15+$0x0], $0xffff  }
0x778: {  	[tilespmem:s6+$0x260] =	vst v3;
	v61 =	vadd.s32 $0xBB8, v60;
	v3 =	vld.idx.msk [tilespmem:v4+s15+$0x0], $0xffff  }
0x779: {  	[tilespmem:s6+$0x360] =	vst v23;
	v23 =	vadd.s32 $0xBB8, v50;
	v9 =	vld.idx.msk [tilespmem:v9+s15+$0x0], $0xffff  }
0x77a: {  	[tilespmem:s6+$0x3E0] =	vst v5;
	v4 =	vadd.s32 $0xFA0, v50;
	v27 =	vld.idx.msk [tilespmem:v14+s15+$0x0], $0xffff  }
0x77b: {  	[tilespmem:s6+$0xFFFFFDB0] =	vst v36;
	v5 =	vadd.s32 $0x1388, v50;
	v26 =	vld [tilespmem:s0+$0x0]  }
0x77c: {  	v13 =	vadd.s32 $0x1770, v50;
	[tilespmem:s6+$0xFFFFFFB0] =	vst v1;
	v62 =	vld.idx.msk [tilespmem:v60+s15+$0x0], $0xffff  }
0x77d: {  	v1 =	vadd.s32 $0x3E8, v60;
	[tilespmem:s29+$0xFFFFFD50] =	vst v31;
	v31 =	vld.idx.msk [tilespmem:v61+s15+$0x0], $0xffff  }
0x77e: {  	[tilespmem:s6+$0xFFFFFE30] =	vst v35;
	v21 =	vld.idx.msk [tilespmem:v23+s15+$0x0], $0xffff  }
0x77f: {  	[tilespmem:s6+$0xFFFFFEB0] =	vst v2;
	v4 =	vld.idx.msk [tilespmem:v4+s15+$0x0], $0xffff  }
0x780: {  	[tilespmem:s6+$0xFFFFFC30] =	vst v33;
	v0 =	vld.idx.msk [tilespmem:v5+s15+$0x0], $0xffff  }
0x781: {  	v2 =	vadd.s32 $0x1388, v15;
	[tilespmem:s6+$0xFFFFFF30] =	vst v52;
	v23 =	vld.idx.msk [tilespmem:v13+s15+$0x0], $0xffff  }
0x782: {  	[tilespmem:s12+$0x110] =	vst v27;
	v27 =	vadd.s32 $0x1B58, v15;
	v1 =	vld.idx.msk [tilespmem:v1+s15+$0x0], $0xffff  }
0x783: {  	[tilespmem:s12+$0x10] =	vst v12;
	v5 =	vld.idx.msk [tilespmem:v26+s15+$0x0], $0xffff  }
0x784: {  	[tilespmem:s12+$0x210] =	vst v4;
	v4 =	vld.idx.msk [tilespmem:v16+s15+$0x0], $0xffff  }
0x785: {  	v43 =	vadd.s32 $0xFA0, v60;
	[tilespmem:s12+$0x290] =	vst v0;
	v0 =	vld [tilespmem:s31+$0xFFFFFF80]  }
0x786: {  	[tilespmem:s12+$0x310] =	vst v23;
	v23 =	vld.idx.msk [tilespmem:v2+s15+$0x0], $0xffff  }
0x787: {  	[tilespmem:s12+$0x90] =	vst v9;
	v11 =	vadd.s32 $0x1B58, v26;
	v27 =	vld.idx.msk [tilespmem:v27+s15+$0x0], $0xffff  }
0x788: {  	[tilespmem:s12+$0x390] =	vst v56;
	v14 =	vadd.s32 $0x3E8, v26;
	v16 =	vld.idx.msk [tilespmem:v15+s15+$0x0], $0xffff  }
0x789: {  	v55 =	vadd.s32 $0x7D0, v26;
	[tilespmem:s12+$0x190] =	vst v21;
	v21 =	vadd.s32 $0x1770, v15;
	v15 =	vld [tilespmem:s0+$0xFFFFFF50]  }
0x78a: {  	v10 =	vadd.s32 $0xBB8, v26;
	[tilespmem:s26+$0xFFFFFEE0] =	vst v25;
	v25 =	vld.idx.msk [tilespmem:v43+s15+$0x0], $0xffff  }
0x78b: {  	v57 =	vadd.s32 $0xFA0, v26;
	v2 =	vld [tilespmem:s10+$0xFFFFFFB0]  }
0x78c: {  	v58 =	vadd.s32 $0x1388, v26;
	v59 =	vld.idx.msk [tilespmem:v11+s15+$0x0], $0xffff  }
0x78d: {  	v26 =	vadd.s32 $0x1770, v26;
	v13 =	vld.idx.msk [tilespmem:v14+s15+$0x0], $0xffff  }
0x78e: {  	v14 =	vld.idx.msk [tilespmem:v55+s15+$0x0], $0xffff  }
0x78f: {  	v11 =	vld.idx.msk [tilespmem:v10+s15+$0x0], $0xffff  }
0x790: {  	[tilespmem:s29+$0xFFFFFCD0] =	vst v30;
	v10 =	vld.idx.msk [tilespmem:v57+s15+$0x0], $0xffff;
	v30 =	vadd.s32 $0x3E8, v2  }
0x791: {  	[tilespmem:s29+$0xFFFFFDD0] =	vst v29;
	v12 =	vld.idx.msk [tilespmem:v58+s15+$0x0], $0xffff;
	v29 =	vadd.s32 $0x7D0, v2  }
0x792: {  	[tilespmem:s29+$0xFFFFFE50] =	vst v28;
	v9 =	vld.idx.msk [tilespmem:v26+s15+$0x0], $0xffff;
	v28 =	vadd.s32 $0xBB8, v2  }
0x793: {  	[tilespmem:s29+$0xFFFFFED0] =	vst v32;
	v26 =	vld.idx.msk [tilespmem:v21+s15+$0x0], $0xffff;
	v63 =	vadd.s32 $0xFA0, v2  }
0x794: {  	[tilespmem:s29+$0xFFFFFF50] =	vst v53;
	v41 =	vadd.s32 $0x1388, v2;
	v40 =	vld.idx.msk [tilespmem:v2+s15+$0x0], $0xffff  }
0x795: {  	[tilespmem:s29+$0xFFFFFC50] =	vst v34;
	v42 =	vadd.s32 $0x1770, v2;
	v30 =	vld.idx.msk [tilespmem:v30+s15+$0x0], $0xffff  }
0x796: {  	[tilespmem:s29+$0xFFFFFFD0] =	vst v54;
	v2 =	vadd.s32 $0x1B58, v2;
	v29 =	vld.idx.msk [tilespmem:v29+s15+$0x0], $0xffff  }
0x797: {  	[tilespmem:s26+$0xFFFFFCE0] =	vst v20;
	v21 =	vadd.s32 $0x7D0, v60;
	v20 =	vld.idx.msk [tilespmem:v28+s15+$0x0], $0xffff  }
0x798: {  	[tilespmem:s26+$0xFFFFFD60] =	vst v19;
	v45 =	vadd.s32 $0x3E8, v15;
	v19 =	vld.idx.msk [tilespmem:v63+s15+$0x0], $0xffff  }
0x799: {  	[tilespmem:s26+$0xFFFFFDE0] =	vst v18;
	v46 =	vadd.s32 $0x7D0, v15;
	v18 =	vld.idx.msk [tilespmem:v41+s15+$0x0], $0xffff  }
0x79a: {  	[tilespmem:s26+$0xFFFFFE60] =	vst v24;
	v47 =	vadd.s32 $0xBB8, v15;
	v24 =	vld.idx.msk [tilespmem:v42+s15+$0x0], $0xffff  }
0x79b: {  	v28 =	vadd.s32 $0x1388, v60;
	v2 =	vld.idx.msk [tilespmem:v2+s15+$0x0], $0xffff;
	[tilespmem:s12+$0x20] =	vst v40  }
0x79c: {  	v44 =	vadd.s32 $0x1770, v60;
	v21 =	vld.idx.msk [tilespmem:v21+s15+$0x0], $0xffff;
	[tilespmem:s12+$0xA0] =	vst v30  }
0x79d: {  	v35 =	vadd.s32 $0x1B58, v60;
	v49 =	vld.idx.msk [tilespmem:v45+s15+$0x0], $0xffff;
	[tilespmem:s12+$0x120] =	vst v29  }
0x79e: {  	v48 =	vadd.s32 $0xFA0, v15;
	v34 =	vld.idx.msk [tilespmem:v46+s15+$0x0], $0xffff;
	[tilespmem:s12+$0x1A0] =	vst v20  }
0x79f: {  	v36 =	vld.idx.msk [tilespmem:v47+s15+$0x0], $0xffff;
	[tilespmem:s12+$0x220] =	vst v19  }
0x7a0: {  	v28 =	vld.idx.msk [tilespmem:v28+s15+$0x0], $0xffff;
	[tilespmem:s12+$0x2A0] =	vst v18  }
0x7a1: {  	v30 =	vld.idx.msk [tilespmem:v44+s15+$0x0], $0xffff;
	[tilespmem:s12+$0x320] =	vst v24  }
0x7a2: {  	v29 =	vld.idx.msk [tilespmem:v35+s15+$0x0], $0xffff;
	v20 =	vadd.s32 $0x1388, v15;
	[tilespmem:s12+$0xFFFFFC90] =	vst v1  }
0x7a3: {  	v19 =	vadd.s32 $0x1770, v15;
	v24 =	vld.idx.msk [tilespmem:v48+s15+$0x0], $0xffff;
	[tilespmem:s12+$0x3A0] =	vst v2  }
0x7a4: {  	v18 =	vadd.s32 $0x1B58, v15;
	[tilespmem:s12+$0xFFFFFD10] =	vst v21;
	v50 =	vld [tilespmem:s10+$0xFFFFFFC0]  }
0x7a5: {  	v1 =	vadd.s32 $0x3E8, v0;
	[tilespmem:s12+$0xFFFFFD90] =	vst v31;
	v21 =	vld.idx.msk [tilespmem:v15+s15+$0x0], $0xffff  }
0x7a6: {  	[tilespmem:s12+$0xFFFFFE10] =	vst v25;
	v15 =	vld [tilespmem:s30+$0xFFFFFF70]  }
0x7a7: {  	[tilespmem:s12+$0xFFFFFC10] =	vst v62;
	v2 =	vadd.s32 $0x7D0, v0;
	v20 =	vld.idx.msk [tilespmem:v20+s15+$0x0], $0xffff  }
0x7a8: {  	v19 =	vld.idx.msk [tilespmem:v19+s15+$0x0], $0xffff;
	[tilespmem:s12+$0xFFFFFE90] =	vst v28  }
0x7a9: {  	v18 =	vld.idx.msk [tilespmem:v18+s15+$0x0], $0xffff;
	[tilespmem:s12+$0xFFFFFF10] =	vst v30;
	v25 =	vadd.s32 $0x3E8, v50  }
0x7aa: {  	v1 =	vld.idx.msk [tilespmem:v1+s15+$0x0], $0xffff;
	[tilespmem:s12+$0xFFFFFF90] =	vst v29;
	v28 =	vadd.s32 $0x7D0, v50  }
0x7ab: {  	[tilespmem:s26+$0xFFFFFF60] =	vst v17;
	v17 =	vld [tilespmem:s10+$0xFFFFFF30];
	v29 =	vadd.s32 $0xBB8, v50  }
0x7ac: {  	[tilespmem:s26+$0xFFFFFFE0] =	vst v3;
	v2 =	vld.idx.msk [tilespmem:v2+s15+$0x0], $0xffff;
	v30 =	vadd.s32 $0xFA0, v50  }
0x7ad: {  	[tilespmem:s26+$0xFFFFFC60] =	vst v4;
	v3 =	vadd.s32 $0x1388, v50;
	v31 =	vld.idx.msk [tilespmem:v50+s15+$0x0], $0xffff  }
0x7ae: {  	[tilespmem:s6+$0x3F0] =	vst v59;
	v51 =	vadd.s32 $0x1770, v50;
	v25 =	vld.idx.msk [tilespmem:v25+s15+$0x0], $0xffff  }
0x7af: {  	[tilespmem:s6+$0xFFFFFCC0] =	vst v49;
	v32 =	vadd.s32 $0x1B58, v50;
	v28 =	vld.idx.msk [tilespmem:v28+s15+$0x0], $0xffff  }
0x7b0: {  	v52 =	vadd.s32 $0xBB8, v0;
	[tilespmem:s6+$0xFFFFFE40] =	vst v24;
	v29 =	vld.idx.msk [tilespmem:v29+s15+$0x0], $0xffff  }
0x7b1: {  	[tilespmem:s6+$0xFFFFFEC0] =	vst v20;
	v24 =	vld.idx.msk [tilespmem:v30+s15+$0x0], $0xffff  }
0x7b2: {  	[tilespmem:s6+$0xFFFFFF40] =	vst v19;
	v20 =	vadd.s32 $0x3E8, v17;
	v30 =	vld.idx.msk [tilespmem:v3+s15+$0x0], $0xffff  }
0x7b3: {  	[tilespmem:s6+$0xFFFFFFC0] =	vst v18;
	v54 =	vadd.s32 $0xBB8, v17;
	v19 =	vld.idx.msk [tilespmem:v51+s15+$0x0], $0xffff  }
0x7b4: {  	v55 =	vadd.s32 $0xFA0, v17;
	v18 =	vld.idx.msk [tilespmem:v32+s15+$0x0], $0xffff;
	[tilespmem:s12+$0x30] =	vst v31  }
0x7b5: {  	v53 =	vadd.s32 $0x7D0, v17;
	v3 =	vld.idx.msk [tilespmem:v52+s15+$0x0], $0xffff;
	[tilespmem:s12+$0xB0] =	vst v25  }
0x7b6: {  	v56 =	vld.idx.msk [tilespmem:v17+s15+$0x0], $0xffff;
	v31 =	vadd.s32 $0x1388, v17;
	[tilespmem:s12+$0x130] =	vst v28  }
0x7b7: {  	v20 =	vld.idx.msk [tilespmem:v20+s15+$0x0], $0xffff;
	[tilespmem:s12+$0x1B0] =	vst v29  }
0x7b8: {  	v33 =	vld.idx.msk [tilespmem:v54+s15+$0x0], $0xffff;
	v25 =	vadd.s32 $0x1770, v17;
	[tilespmem:s12+$0x230] =	vst v24  }
0x7b9: {  	v32 =	vld.idx.msk [tilespmem:v55+s15+$0x0], $0xffff;
	v17 =	vadd.s32 $0x1B58, v17;
	[tilespmem:s12+$0x2B0] =	vst v30  }
0x7ba: {  	v28 =	vld.idx.msk [tilespmem:v53+s15+$0x0], $0xffff;
	v24 =	vadd.s32 $0xFA0, v0;
	[tilespmem:s12+$0x330] =	vst v19  }
0x7bb: {  	[tilespmem:s12+$0x3B0] =	vst v18;
	v30 =	vld.idx.msk [tilespmem:v31+s15+$0x0], $0xffff  }
0x7bc: {  	[tilespmem:s6+$0xFFFFFD40] =	vst v34;
	v19 =	vadd.s32 $0x3E8, v15;
	v31 =	vld [tilespmem:s10+$0xFFFFFFD0]  }
0x7bd: {  	[tilespmem:s6+$0xFFFFFDC0] =	vst v36;
	v18 =	vadd.s32 $0x7D0, v15;
	v25 =	vld.idx.msk [tilespmem:v25+s15+$0x0], $0xffff  }
0x7be: {  	[tilespmem:s6+$0xFFFFFC40] =	vst v21;
	v57 =	vadd.s32 $0xBB8, v15;
	v58 =	vld.idx.msk [tilespmem:v17+s15+$0x0], $0xffff  }
0x7bf: {  	v4 =	vld.idx.msk [tilespmem:v24+s15+$0x0], $0xffff;
	v24 =	vadd.s32 $0xFA0, v15;
	[tilespmem:s12+$0xFFFFFCA0] =	vst v20  }
0x7c0: {  	v29 =	vld [tilespmem:s0+$0xFFFFFF60];
	v20 =	vadd.s32 $0x1388, v15;
	[tilespmem:s12+$0xFFFFFD20] =	vst v28  }
0x7c1: {  	[tilespmem:s12+$0xFFFFFDA0] =	vst v33;
	v21 =	vld.idx.msk [tilespmem:v19+s15+$0x0], $0xffff  }
0x7c2: {  	[tilespmem:s12+$0xFFFFFE20] =	vst v32;
	v17 =	vld.idx.msk [tilespmem:v18+s15+$0x0], $0xffff  }
0x7c3: {  	v18 =	vld.idx.msk [tilespmem:v57+s15+$0x0], $0xffff;
	[tilespmem:s12+$0xFFFFFC20] =	vst v56;
	v28 =	vadd.s32 $0x3E8, v31  }
0x7c4: {  	[tilespmem:s12+$0xFFFFFEA0] =	vst v30;
	v30 =	vadd.s32 $0x7D0, v31;
	v19 =	vld.idx.msk [tilespmem:v24+s15+$0x0], $0xffff  }
0x7c5: {  	v60 =	vadd.s32 $0x1388, v31;
	[tilespmem:s12+$0xFFFFFF20] =	vst v25;
	v20 =	vld.idx.msk [tilespmem:v20+s15+$0x0], $0xffff  }
0x7c6: {  	v24 =	vadd.s32 $0xBB8, v31;
	[tilespmem:s12+$0xFFFFFFA0] =	vst v58;
	v59 =	vld.idx.msk [tilespmem:v31+s15+$0x0], $0xffff  }
0x7c7: {  	[tilespmem:s23+$0xFFFFFCF0] =	vst v7;
	v25 =	vadd.s32 $0xFA0, v31;
	v35 =	vld [tilespmem:s10+$0xFFFFFF40]  }
0x7c8: {  	[tilespmem:s23+$0xFFFFFD70] =	vst v8;
	v7 =	vld.idx.msk [tilespmem:v28+s15+$0x0], $0xffff;
	v28 =	vadd.s32 $0x1770, v31  }
0x7c9: {  	[tilespmem:s23+$0xFFFFFDF0] =	vst v6;
	v8 =	vld.idx.msk [tilespmem:v30+s15+$0x0], $0xffff;
	v30 =	vadd.s32 $0x1B58, v31  }
0x7ca: {  	[tilespmem:s23+$0xFFFFFEF0] =	vst v23;
	v23 =	vadd.s32 $0x7D0, v29;
	v61 =	vld.idx.msk [tilespmem:v60+s15+$0x0], $0xffff  }
0x7cb: {  	[tilespmem:s23+$0xFFFFFE70] =	vst v22;
	v31 =	vadd.s32 $0x1770, v15;
	v6 =	vld.idx.msk [tilespmem:v24+s15+$0x0], $0xffff  }
0x7cc: {  	[tilespmem:s23+$0xFFFFFFF0] =	vst v27;
	v24 =	vld.idx.msk [tilespmem:v25+s15+$0x0], $0xffff;
	v25 =	vadd.s32 $0x3E8, v29  }
0x7cd: {  	[tilespmem:s23+$0xFFFFFF70] =	vst v26;
	v26 =	vadd.s32 $0xBB8, v29;
	v28 =	vld.idx.msk [tilespmem:v28+s15+$0x0], $0xffff  }
0x7ce: {  	v62 =	vadd.s32 $0xFA0, v29;
	v33 =	vld.idx.msk [tilespmem:v30+s15+$0x0], $0xffff;
	[tilespmem:s12+$0x40] =	vst v59  }
0x7cf: {  	v63 =	vadd.s32 $0x1388, v29;
	v23 =	vld.idx.msk [tilespmem:v23+s15+$0x0], $0xffff;
	[tilespmem:s12+$0xC0] =	vst v7  }
0x7d0: {  	v22 =	vld.idx.msk [tilespmem:v31+s15+$0x0], $0xffff;
	[tilespmem:s12+$0x140] =	vst v8  }
0x7d1: {  	[tilespmem:s12+$0x2C0] =	vst v61;
	v27 =	vld.idx.msk [tilespmem:v25+s15+$0x0], $0xffff  }
0x7d2: {  	v38 =	vadd.s32 $0x3E8, v35;
	v37 =	vadd.s32 $0x7D0, v35;
	v36 =	vadd.s32 $0xBB8, v35;
	[tilespmem:s12+$0x240] =	vst v24;
	v24 =	vld.idx.msk [tilespmem:v26+s15+$0x0], $0xffff  }
0x7d3: {  	v7 =	vadd.s32 $0x1388, v0;
	v8 =	vadd.s32 $0x1770, v0;
	v30 =	vadd.s32 $0x1770, v29;
	[tilespmem:s12+$0x1C0] =	vst v6;
	v26 =	vld.idx.msk [tilespmem:v62+s15+$0x0], $0xffff  }
0x7d4: {  	s22 =	sor.u32 $0x1, s22;
	s14 =	sadd.s32 $0x100, s10;
	s25 =	simm.s32 $0xA;
	v31 =	vadd.s32 $0x1B58, v29;
	v6 =	vadd.s32 $0x1B58, v0;
	v25 =	vadd.s32 $0x1B58, v15;
	[tilespmem:s12+$0x340] =	vst v28;
	v28 =	vld.idx.msk [tilespmem:v63+s15+$0x0], $0xffff  }
.LBB2_9:
0x7d5: {  	v39 =	vld [tilespmem:s14+$0xFFFFFF90];
	v40 =	vadd.s32 $0xFA0, v35;
	v41 =	vadd.s32 $0x1388, v35;
	v32 =	vadd.s32 $0x1770, v35;
	[tilespmem:s12+$0x3C0] =	vst v33  }
0x7d6: {  	v33 =	vadd.s32 $0x1B58, v35;
	v42 =	vld [tilespmem:s10+$0xFFFFFFE0];
	[tilespmem:s6+$0xF0] =	vst v13  }
0x7d7: {  	v34 =	vld [tilespmem:s14+$0xFFFFFF10];
	[tilespmem:s6+$0x170] =	vst v14  }
0x7d8: {  	v35 =	vld.idx.msk [tilespmem:v35+s15+$0x0], $0xffff;
	[tilespmem:s6+$0x1F0] =	vst v11  }
0x7d9: {  	v11 =	vld.idx.msk [tilespmem:v38+s15+$0x0], $0xffff;
	[tilespmem:s6+$0x270] =	vst v10  }
0x7da: {  	v13 =	vld.idx.msk [tilespmem:v37+s15+$0x0], $0xffff;
	[tilespmem:s6+$0x2F0] =	vst v12  }
0x7db: {  	v10 =	vld.idx.msk [tilespmem:v36+s15+$0x0], $0xffff;
	v14 =	vadd.s32 $0x3E8, v42;
	[tilespmem:s6+$0x370] =	vst v9  }
0x7dc: {  	v38 =	vadd.s32 $0x7D0, v42;
	v36 =	vadd.s32 $0x3E8, v34;
	v37 =	vadd.s32 $0x7D0, v34;
	v9 =	vld.idx.msk [tilespmem:v40+s15+$0x0], $0xffff;
	[tilespmem:s23+$0xFFFFFC70] =	vst v16;
	s23 =	smov.u32 s24;
	s24 =	smov.u32 s26;
	s26 =	smov.u32 s29  }
0x7dd: {  	v16 =	vadd.s32 $0xBB8, v34;
	v40 =	vadd.s32 $0xFA0, v34;
	s29 =	smov.u32 s6;
	v12 =	vld.idx.msk [tilespmem:v41+s15+$0x0], $0xffff;
	v41 =	vadd.s32 $0xBB8, v42;
	[tilespmem:s6+$0x70] =	vst v5;
	s6 =	smov.u32 s12  }
0x7de: {  	v45 =	vadd.s32 $0xFA0, v42;
	v43 =	vadd.s32 $0x1770, v34;
	v5 =	vadd.s32 $0x1388, v34;
	v44 =	vld.idx.msk [tilespmem:v39+s15+$0x0], $0xffff  }
0x7df: {  	v48 =	vadd.s32 $0x1388, v42;
	v46 =	vadd.s32 $0x1B58, v34;
	v47 =	vld.idx.msk [tilespmem:v42+s15+$0x0], $0xffff  }
0x7e0: {  	v49 =	vadd.s32 $0x1770, v42;
	v14 =	vld.idx.msk [tilespmem:v14+s15+$0x0], $0xffff  }
0x7e1: {  	v42 =	vadd.s32 $0x1B58, v42;
	v38 =	vld.idx.msk [tilespmem:v38+s15+$0x0], $0xffff  }
0x7e2: {  	v50 =	vadd.s32 $0x3E8, v39;
	v41 =	vld.idx.msk [tilespmem:v41+s15+$0x0], $0xffff  }
0x7e3: {  	v51 =	vadd.s32 $0x7D0, v39;
	v45 =	vld.idx.msk [tilespmem:v45+s15+$0x0], $0xffff  }
0x7e4: {  	v52 =	vadd.s32 $0xBB8, v39;
	v48 =	vld.idx.msk [tilespmem:v48+s15+$0x0], $0xffff  }
0x7e5: {  	v53 =	vadd.s32 $0xFA0, v39;
	v49 =	vld.idx.msk [tilespmem:v49+s15+$0x0], $0xffff  }
0x7e6: {  	v54 =	vadd.s32 $0x1388, v39;
	v42 =	vld.idx.msk [tilespmem:v42+s15+$0x0], $0xffff;
	[tilespmem:s12+$0x50] =	vst v47  }
0x7e7: {  	v47 =	vld.idx.msk [tilespmem:v50+s15+$0x0], $0xffff;
	v50 =	vadd.s32 $0x1770, v39;
	[tilespmem:s12+$0xD0] =	vst v14  }
0x7e8: {  	v39 =	vadd.s32 $0x1B58, v39;
	v14 =	vld.idx.msk [tilespmem:v51+s15+$0x0], $0xffff;
	[tilespmem:s12+$0x150] =	vst v38  }
0x7e9: {  	v38 =	vld.idx.msk [tilespmem:v52+s15+$0x0], $0xffff;
	[tilespmem:s12+$0x1D0] =	vst v41  }
0x7ea: {  	v41 =	vld.idx.msk [tilespmem:v53+s15+$0x0], $0xffff;
	[tilespmem:s12+$0x250] =	vst v45  }
0x7eb: {  	v45 =	vld.idx.msk [tilespmem:v54+s15+$0x0], $0xffff;
	[tilespmem:s12+$0x2D0] =	vst v48  }
0x7ec: {  	v48 =	vld.idx.msk [tilespmem:v50+s15+$0x0], $0xffff;
	[tilespmem:s12+$0x350] =	vst v49  }
0x7ed: {  	s12 =	sadd.s32 $0x800, s12;
	v39 =	vld.idx.msk [tilespmem:v39+s15+$0x0], $0xffff;
	[tilespmem:s6+$0x3D0] =	vst v42  }
0x7ee: {  	[tilespmem:s12+$0x0] =	vst v44;
	v42 =	vld [tilespmem:s10+$0xFFFFFFF0]  }
0x7ef: {  	v44 =	vld.idx.msk [tilespmem:v36+s15+$0x0], $0xffff;
	[tilespmem:s12+$0x80] =	vst v47  }
0x7f0: {  	v37 =	vld.idx.msk [tilespmem:v37+s15+$0x0], $0xffff;
	[tilespmem:s12+$0x100] =	vst v14  }
0x7f1: {  	v14 =	vld.idx.msk [tilespmem:v16+s15+$0x0], $0xffff;
	[tilespmem:s12+$0x180] =	vst v38  }
0x7f2: {  	v16 =	vld.idx.msk [tilespmem:v40+s15+$0x0], $0xffff;
	[tilespmem:s12+$0x200] =	vst v41  }
0x7f3: {  	v5 =	vld.idx.msk [tilespmem:v5+s15+$0x0], $0xffff;
	[tilespmem:s12+$0x280] =	vst v45;
	v36 =	vadd.s32 $0x3E8, v42  }
0x7f4: {  	v40 =	vadd.s32 $0x7D0, v42;
	v38 =	vld.idx.msk [tilespmem:v43+s15+$0x0], $0xffff;
	[tilespmem:s12+$0x300] =	vst v48  }
0x7f5: {  	v41 =	vld.idx.msk [tilespmem:v46+s15+$0x0], $0xffff;
	[tilespmem:s12+$0x380] =	vst v39;
	v39 =	vadd.s32 $0xBB8, v42  }
0x7f6: {  	v45 =	vadd.s32 $0xFA0, v42;
	v43 =	vld [tilespmem:s14+$0xFFFFFFA0]  }
0x7f7: {  	v47 =	vadd.s32 $0x1388, v42;
	v46 =	vld.idx.msk [tilespmem:v42+s15+$0x0], $0xffff  }
0x7f8: {  	v48 =	vadd.s32 $0x1770, v42;
	v36 =	vld.idx.msk [tilespmem:v36+s15+$0x0], $0xffff  }
0x7f9: {  	v42 =	vadd.s32 $0x1B58, v42;
	v40 =	vld.idx.msk [tilespmem:v40+s15+$0x0], $0xffff  }
0x7fa: {  	v39 =	vld.idx.msk [tilespmem:v39+s15+$0x0], $0xffff  }
0x7fb: {  	v45 =	vld.idx.msk [tilespmem:v45+s15+$0x0], $0xffff  }
0x7fc: {  	v47 =	vld.idx.msk [tilespmem:v47+s15+$0x0], $0xffff  }
0x7fd: {  	v48 =	vld.idx.msk [tilespmem:v48+s15+$0x0], $0xffff  }
0x7fe: {  	v42 =	vld.idx.msk [tilespmem:v42+s15+$0x0], $0xffff;
	[tilespmem:s6+$0x60] =	vst v46  }
0x7ff: {  	v34 =	vld.idx.msk [tilespmem:v34+s15+$0x0], $0xffff;
	[tilespmem:s6+$0xE0] =	vst v36  }
0x800: {  	v32 =	vld.idx.msk [tilespmem:v32+s15+$0x0], $0xffff;
	[tilespmem:s6+$0x160] =	vst v40  }
0x801: {  	v33 =	vld.idx.msk [tilespmem:v33+s15+$0x0], $0xffff;
	[tilespmem:s6+$0x1E0] =	vst v39  }
0x802: {  	[tilespmem:s6+$0x260] =	vst v45;
	v36 =	vld.idx.msk [tilespmem:v30+s15+$0x0], $0xffff  }
0x803: {  	v39 =	vadd.s32 $0x3E8, v43;
	[tilespmem:s6+$0x2E0] =	vst v47;
	v31 =	vld.idx.msk [tilespmem:v31+s15+$0x0], $0xffff  }
0x804: {  	v40 =	vadd.s32 $0x7D0, v43;
	[tilespmem:s6+$0x360] =	vst v48;
	v30 =	vld.idx.msk [tilespmem:v29+s15+$0x0], $0xffff  }
0x805: {  	v29 =	vadd.s32 $0xBB8, v43;
	[tilespmem:s6+$0x3E0] =	vst v42;
	v25 =	vld.idx.msk [tilespmem:v25+s15+$0x0], $0xffff  }
0x806: {  	v42 =	vadd.s32 $0xFA0, v43;
	[tilespmem:s12+$0xFFFFFC80] =	vst v44;
	v44 =	vld [tilespmem:s10+$0x0]  }
0x807: {  	v45 =	vadd.s32 $0x1388, v43;
	[tilespmem:s12+$0xFFFFFD00] =	vst v37;
	v37 =	vld.idx.msk [tilespmem:v43+s15+$0x0], $0xffff  }
0x808: {  	[tilespmem:s12+$0xFFFFFD80] =	vst v14;
	v39 =	vld.idx.msk [tilespmem:v39+s15+$0x0], $0xffff;
	v14 =	vadd.s32 $0x1770, v43  }
0x809: {  	[tilespmem:s12+$0xFFFFFE00] =	vst v16;
	v16 =	vld.idx.msk [tilespmem:v40+s15+$0x0], $0xffff;
	v40 =	vadd.s32 $0x1B58, v43  }
0x80a: {  	[tilespmem:s12+$0xFFFFFE80] =	vst v5;
	v43 =	vld.idx.msk [tilespmem:v29+s15+$0x0], $0xffff  }
0x80b: {  	[tilespmem:s12+$0xFFFFFF00] =	vst v38;
	v38 =	vld.idx.msk [tilespmem:v42+s15+$0x0], $0xffff;
	v29 =	vadd.s32 $0x1B58, v44  }
0x80c: {  	v42 =	vadd.s32 $0x3E8, v44;
	[tilespmem:s12+$0xFFFFFF80] =	vst v41;
	v41 =	vld.idx.msk [tilespmem:v45+s15+$0x0], $0xffff  }
0x80d: {  	[tilespmem:s12+$0xFFFFFC00] =	vst v34;
	v34 =	vld.idx.msk [tilespmem:v14+s15+$0x0], $0xffff;
	v14 =	vadd.s32 $0x7D0, v44  }
0x80e: {  	v40 =	vld.idx.msk [tilespmem:v40+s15+$0x0], $0xffff;
	[tilespmem:s6+$0xFFFFFCB0] =	vst v11;
	v11 =	vadd.s32 $0xBB8, v44  }
0x80f: {  	v45 =	vadd.s32 $0xFA0, v44;
	[tilespmem:s6+$0xFFFFFD30] =	vst v13;
	v5 =	vld.idx.msk [tilespmem:v44+s15+$0x0], $0xffff  }
0x810: {  	v46 =	vadd.s32 $0x1388, v44;
	[tilespmem:s6+$0xFFFFFDB0] =	vst v10;
	v29 =	vld.idx.msk [tilespmem:v29+s15+$0x0], $0xffff  }
0x811: {  	[tilespmem:s6+$0xFFFFFE30] =	vst v9;
	v13 =	vld.idx.msk [tilespmem:v42+s15+$0x0], $0xffff;
	v9 =	vadd.s32 $0x1770, v44  }
0x812: {  	[tilespmem:s6+$0xFFFFFEB0] =	vst v12;
	v14 =	vld.idx.msk [tilespmem:v14+s15+$0x0], $0xffff  }
0x813: {  	[tilespmem:s6+$0xFFFFFF30] =	vst v32;
	v11 =	vld.idx.msk [tilespmem:v11+s15+$0x0], $0xffff  }
0x814: {  	[tilespmem:s6+$0xFFFFFFB0] =	vst v33;
	v10 =	vld.idx.msk [tilespmem:v45+s15+$0x0], $0xffff  }
0x815: {  	[tilespmem:s12+$0x10] =	vst v37;
	v12 =	vld.idx.msk [tilespmem:v46+s15+$0x0], $0xffff  }
0x816: {  	v9 =	vld.idx.msk [tilespmem:v9+s15+$0x0], $0xffff;
	[tilespmem:s6+$0x3F0] =	vst v29  }
0x817: {  	v37 =	vld [tilespmem:s14+$0xFFFFFF20];
	[tilespmem:s12+$0x90] =	vst v39  }
0x818: {  	[tilespmem:s12+$0x110] =	vst v16;
	v29 =	vld.idx.msk [tilespmem:v15+s15+$0x0], $0xffff  }
0x819: {  	[tilespmem:s12+$0x190] =	vst v43;
	v15 =	vld [tilespmem:s28+$0xFFFFFF80];
	s28 =	smov.u32 s30;
	s30 =	smov.u32 s0;
	s0 =	smov.u32 s10  }
0x81a: {  	s10 =	smov.u32 s14;
	[tilespmem:s12+$0x210] =	vst v38;
	v32 =	vld.idx.msk [tilespmem:v7+s15+$0x0], $0xffff  }
0x81b: {  	[tilespmem:s12+$0x290] =	vst v41;
	v33 =	vld.idx.msk [tilespmem:v8+s15+$0x0], $0xffff  }
0x81c: {  	v38 =	vadd.s32 $0x3E8, v37;
	v39 =	vadd.s32 $0x7D0, v37;
	v41 =	vadd.s32 $0xBB8, v37;
	[tilespmem:s12+$0x310] =	vst v34;
	v34 =	vld.idx.msk [tilespmem:v6+s15+$0x0], $0xffff  }
0x81d: {  	v42 =	vadd.s32 $0xFA0, v37;
	v43 =	vadd.s32 $0x1388, v37;
	v44 =	vadd.s32 $0x1770, v37;
	[tilespmem:s12+$0x390] =	vst v40;
	v16 =	vld.idx.msk [tilespmem:v0+s15+$0x0], $0xffff  }
0x81e: {  	v40 =	vadd.s32 $0x1B58, v37;
	v45 =	vld [tilespmem:s14+$0xFFFFFFB0];
	[tilespmem:s6+$0xFFFFFC30] =	vst v35;
	v35 =	vadd.s32 $0x3E8, v15;
	v46 =	vadd.s32 $0x7D0, v15;
	v0 =	vmovc v15  }
0x81f: {  	s25 =	sadd.s32 $0x2, s25;
	v37 =	vld.idx.msk [tilespmem:v37+s15+$0x0], $0xffff;
	[tilespmem:s29+$0xFFFFFCD0] =	vst v27;
	v27 =	vadd.s32 $0xBB8, v0;
	v47 =	vadd.s32 $0xFA0, v0;
	v7 =	vadd.s32 $0x1388, v0  }
0x820: {  	p1 =	slt.u32 s25, $0x1E;
	v8 =	vadd.s32 $0x1770, v0;
	v6 =	vadd.s32 $0x1B58, v0;
	v15 =	vld [tilespmem:s0+$0xFFFFFF50];
	[tilespmem:s29+$0xFFFFFD50] =	vst v23  }
0x821: {  	v23 =	vld.idx.msk [tilespmem:v38+s15+$0x0], $0xffff;
	[tilespmem:s29+$0xFFFFFDD0] =	vst v24  }
0x822: {  	v24 =	vld.idx.msk [tilespmem:v39+s15+$0x0], $0xffff;
	[tilespmem:s29+$0xFFFFFE50] =	vst v26  }
0x823: {  	v26 =	vld.idx.msk [tilespmem:v41+s15+$0x0], $0xffff;
	v38 =	vadd.s32 $0x3E8, v45;
	[tilespmem:s29+$0xFFFFFED0] =	vst v28  }
0x824: {  	v39 =	vadd.s32 $0x7D0, v45;
	v28 =	vld.idx.msk [tilespmem:v42+s15+$0x0], $0xffff;
	[tilespmem:s29+$0xFFFFFF50] =	vst v36  }
0x825: {  	v41 =	vadd.s32 $0xBB8, v45;
	v36 =	vld.idx.msk [tilespmem:v43+s15+$0x0], $0xffff;
	v42 =	vadd.s32 $0x3E8, v15;
	v43 =	vadd.s32 $0x7D0, v15;
	[tilespmem:s29+$0xFFFFFFD0] =	vst v31  }
0x826: {  	v48 =	vadd.s32 $0xBB8, v15;
	v49 =	vadd.s32 $0xFA0, v15;
	v31 =	vld.idx.msk [tilespmem:v44+s15+$0x0], $0xffff;
	v44 =	vadd.s32 $0xFA0, v45;
	[tilespmem:s29+$0xFFFFFC50] =	vst v30  }
0x827: {  	v50 =	vadd.s32 $0x1388, v45;
	v51 =	vadd.s32 $0x1388, v15;
	v52 =	vadd.s32 $0x1770, v15;
	v30 =	vld.idx.msk [tilespmem:v45+s15+$0x0], $0xffff;
	[tilespmem:s26+$0xFFFFFCE0] =	vst v21  }
0x828: {  	v53 =	vadd.s32 $0x1B58, v15;
	v21 =	vld.idx.msk [tilespmem:v38+s15+$0x0], $0xffff;
	v38 =	vadd.s32 $0x1770, v45;
	[tilespmem:s26+$0xFFFFFD60] =	vst v17  }
0x829: {  	v17 =	vld.idx.msk [tilespmem:v39+s15+$0x0], $0xffff;
	v39 =	vadd.s32 $0x1B58, v45;
	[tilespmem:s26+$0xFFFFFDE0] =	vst v18  }
0x82a: {  	v18 =	vld.idx.msk [tilespmem:v41+s15+$0x0], $0xffff;
	[tilespmem:s26+$0xFFFFFE60] =	vst v19  }
0x82b: {  	v19 =	vld.idx.msk [tilespmem:v44+s15+$0x0], $0xffff;
	[tilespmem:s26+$0xFFFFFEE0] =	vst v20  }
0x82c: {  	v20 =	vld.idx.msk [tilespmem:v50+s15+$0x0], $0xffff;
	[tilespmem:s26+$0xFFFFFF60] =	vst v22  }
0x82d: {  	v22 =	vld.idx.msk [tilespmem:v38+s15+$0x0], $0xffff;
	[tilespmem:s26+$0xFFFFFFE0] =	vst v25  }
0x82e: {  	v25 =	vld.idx.msk [tilespmem:v39+s15+$0x0], $0xffff;
	[tilespmem:s12+$0x20] =	vst v30  }
0x82f: {  	v30 =	vld.idx.msk [tilespmem:v40+s15+$0x0], $0xffff;
	[tilespmem:s12+$0xA0] =	vst v21  }
0x830: {  	[tilespmem:s12+$0x120] =	vst v17;
	v17 =	vld.idx.msk [tilespmem:v42+s15+$0x0], $0xffff  }
0x831: {  	[tilespmem:s12+$0x1A0] =	vst v18;
	v18 =	vld.idx.msk [tilespmem:v43+s15+$0x0], $0xffff  }
0x832: {  	[tilespmem:s12+$0x220] =	vst v19;
	v19 =	vld.idx.msk [tilespmem:v48+s15+$0x0], $0xffff  }
0x833: {  	[tilespmem:s12+$0x2A0] =	vst v20;
	v20 =	vld.idx.msk [tilespmem:v49+s15+$0x0], $0xffff  }
0x834: {  	[tilespmem:s12+$0x320] =	vst v22;
	v21 =	vld.idx.msk [tilespmem:v51+s15+$0x0], $0xffff  }
0x835: {  	[tilespmem:s12+$0x3A0] =	vst v25;
	v22 =	vld.idx.msk [tilespmem:v52+s15+$0x0], $0xffff  }
0x836: {  	[tilespmem:s12+$0xFFFFFC90] =	vst v23;
	v23 =	vld [tilespmem:s14+$0xFFFFFFC0]  }
0x837: {  	[tilespmem:s12+$0xFFFFFD10] =	vst v24;
	v24 =	vld.idx.msk [tilespmem:v53+s15+$0x0], $0xffff  }
0x838: {  	[tilespmem:s12+$0xFFFFFD90] =	vst v26;
	v26 =	vld.idx.msk [tilespmem:v15+s15+$0x0], $0xffff  }
0x839: {  	[tilespmem:s12+$0xFFFFFE10] =	vst v28;
	v15 =	vld [tilespmem:s30+$0xFFFFFF70]  }
0x83a: {  	[tilespmem:s12+$0xFFFFFE90] =	vst v36;
	v28 =	vld.idx.msk [tilespmem:v35+s15+$0x0], $0xffff  }
0x83b: {  	[tilespmem:s12+$0xFFFFFF10] =	vst v31;
	v25 =	vadd.s32 $0x3E8, v23;
	v35 =	vld.idx.msk [tilespmem:v46+s15+$0x0], $0xffff  }
0x83c: {  	[tilespmem:s12+$0xFFFFFF90] =	vst v30;
	v30 =	vadd.s32 $0x7D0, v23;
	v27 =	vld.idx.msk [tilespmem:v27+s15+$0x0], $0xffff  }
0x83d: {  	v31 =	vadd.s32 $0xBB8, v23;
	[tilespmem:s12+$0xFFFFFC10] =	vst v37;
	v36 =	vld.idx.msk [tilespmem:v47+s15+$0x0], $0xffff  }
0x83e: {  	v38 =	vadd.s32 $0xFA0, v23;
	v37 =	vld [tilespmem:s14+$0xFFFFFF30];
	[tilespmem:s6+$0xFFFFFCC0] =	vst v17;
	v17 =	vadd.s32 $0x3E8, v15;
	v39 =	vadd.s32 $0x7D0, v15  }
0x83f: {  	v41 =	vadd.s32 $0x1388, v23;
	v42 =	vadd.s32 $0xFA0, v15;
	v40 =	vld.idx.msk [tilespmem:v23+s15+$0x0], $0xffff;
	[tilespmem:s6+$0xFFFFFD40] =	vst v18;
	v18 =	vadd.s32 $0xBB8, v15  }
0x840: {  	v44 =	vadd.s32 $0x1770, v23;
	v45 =	vadd.s32 $0x1388, v15;
	v46 =	vadd.s32 $0x1770, v15;
	v43 =	vld.idx.msk [tilespmem:v25+s15+$0x0], $0xffff;
	[tilespmem:s6+$0xFFFFFDC0] =	vst v19  }
0x841: {  	v23 =	vadd.s32 $0x1B58, v23;
	v25 =	vadd.s32 $0x1B58, v15;
	v19 =	vld.idx.msk [tilespmem:v30+s15+$0x0], $0xffff;
	[tilespmem:s6+$0xFFFFFE40] =	vst v20  }
0x842: {  	v20 =	vld.idx.msk [tilespmem:v31+s15+$0x0], $0xffff;
	[tilespmem:s6+$0xFFFFFEC0] =	vst v21  }
0x843: {  	v21 =	vadd.s32 $0x3E8, v37;
	v30 =	vadd.s32 $0x7D0, v37;
	v31 =	vadd.s32 $0xBB8, v37;
	v38 =	vld.idx.msk [tilespmem:v38+s15+$0x0], $0xffff;
	[tilespmem:s6+$0xFFFFFF40] =	vst v22  }
0x844: {  	v22 =	vadd.s32 $0xFA0, v37;
	v47 =	vadd.s32 $0x1388, v37;
	v48 =	vadd.s32 $0x1770, v37;
	v41 =	vld.idx.msk [tilespmem:v41+s15+$0x0], $0xffff;
	[tilespmem:s6+$0xFFFFFFC0] =	vst v24  }
0x845: {  	v24 =	vadd.s32 $0x1B58, v37;
	v44 =	vld.idx.msk [tilespmem:v44+s15+$0x0], $0xffff;
	[tilespmem:s6+$0xFFFFFC40] =	vst v26  }
0x846: {  	v23 =	vld.idx.msk [tilespmem:v23+s15+$0x0], $0xffff;
	[tilespmem:s12+$0x30] =	vst v40  }
0x847: {  	v26 =	vld.idx.msk [tilespmem:v37+s15+$0x0], $0xffff;
	[tilespmem:s12+$0xB0] =	vst v43  }
0x848: {  	v21 =	vld.idx.msk [tilespmem:v21+s15+$0x0], $0xffff;
	[tilespmem:s12+$0x130] =	vst v19  }
0x849: {  	v19 =	vld.idx.msk [tilespmem:v30+s15+$0x0], $0xffff;
	[tilespmem:s12+$0x1B0] =	vst v20  }
0x84a: {  	v20 =	vld.idx.msk [tilespmem:v31+s15+$0x0], $0xffff;
	[tilespmem:s12+$0x230] =	vst v38  }
0x84b: {  	v22 =	vld.idx.msk [tilespmem:v22+s15+$0x0], $0xffff;
	[tilespmem:s12+$0x2B0] =	vst v41  }
0x84c: {  	v30 =	vld.idx.msk [tilespmem:v47+s15+$0x0], $0xffff;
	[tilespmem:s12+$0x330] =	vst v44  }
0x84d: {  	v31 =	vld.idx.msk [tilespmem:v48+s15+$0x0], $0xffff;
	[tilespmem:s12+$0x3B0] =	vst v23  }
0x84e: {  	v23 =	vld [tilespmem:s14+$0xFFFFFFD0];
	[tilespmem:s26+$0xFFFFFC60] =	vst v29  }
0x84f: {  	v24 =	vld.idx.msk [tilespmem:v24+s15+$0x0], $0xffff;
	[tilespmem:s12+$0xFFFFFCA0] =	vst v21  }
0x850: {  	[tilespmem:s12+$0xFFFFFD20] =	vst v19;
	v29 =	vld [tilespmem:s0+$0xFFFFFF60]  }
0x851: {  	[tilespmem:s12+$0xFFFFFDA0] =	vst v20;
	v21 =	vld.idx.msk [tilespmem:v17+s15+$0x0], $0xffff  }
0x852: {  	[tilespmem:s12+$0xFFFFFE20] =	vst v22;
	v17 =	vld.idx.msk [tilespmem:v39+s15+$0x0], $0xffff  }
0x853: {  	[tilespmem:s12+$0xFFFFFEA0] =	vst v30;
	v37 =	vadd.s32 $0x3E8, v23;
	v18 =	vld.idx.msk [tilespmem:v18+s15+$0x0], $0xffff  }
0x854: {  	v38 =	vadd.s32 $0x7D0, v23;
	[tilespmem:s12+$0xFFFFFF20] =	vst v31;
	v19 =	vld.idx.msk [tilespmem:v42+s15+$0x0], $0xffff  }
0x855: {  	[tilespmem:s12+$0xFFFFFFA0] =	vst v24;
	v24 =	vadd.s32 $0xBB8, v23;
	v39 =	vadd.s32 $0x3E8, v29;
	v40 =	vadd.s32 $0x7D0, v29;
	v20 =	vld.idx.msk [tilespmem:v45+s15+$0x0], $0xffff  }
0x856: {  	v41 =	vadd.s32 $0xBB8, v29;
	v42 =	vadd.s32 $0xFA0, v29;
	[tilespmem:s12+$0xFFFFFC20] =	vst v26;
	v26 =	vadd.s32 $0xFA0, v23;
	v22 =	vld.idx.msk [tilespmem:v46+s15+$0x0], $0xffff  }
0x857: {  	v44 =	vadd.s32 $0x1388, v23;
	v45 =	vadd.s32 $0x1388, v29;
	v30 =	vadd.s32 $0x1770, v29;
	v43 =	vld.idx.msk [tilespmem:v23+s15+$0x0], $0xffff;
	[tilespmem:s23+$0xFFFFFCF0] =	vst v1;
	v1 =	vmovc v28  }
0x858: {  	v31 =	vadd.s32 $0x1B58, v29;
	v28 =	vld.idx.msk [tilespmem:v37+s15+$0x0], $0xffff;
	v37 =	vadd.s32 $0x1770, v23;
	[tilespmem:s23+$0xFFFFFD70] =	vst v2;
	v2 =	vmov v35  }
0x859: {  	v23 =	vadd.s32 $0x1B58, v23;
	v38 =	vld.idx.msk [tilespmem:v38+s15+$0x0], $0xffff;
	[tilespmem:s23+$0xFFFFFDF0] =	vst v3;
	v3 =	vmov v27  }
0x85a: {  	v24 =	vld.idx.msk [tilespmem:v24+s15+$0x0], $0xffff;
	[tilespmem:s23+$0xFFFFFE70] =	vst v4;
	v4 =	vmov v36  }
0x85b: {  	v26 =	vld.idx.msk [tilespmem:v26+s15+$0x0], $0xffff;
	[tilespmem:s23+$0xFFFFFEF0] =	vst v32  }
0x85c: {  	v32 =	vld.idx.msk [tilespmem:v44+s15+$0x0], $0xffff;
	[tilespmem:s23+$0xFFFFFF70] =	vst v33  }
0x85d: {  	v44 =	vld.idx.msk [tilespmem:v37+s15+$0x0], $0xffff;
	[tilespmem:s23+$0xFFFFFFF0] =	vst v34  }
0x85e: {  	v33 =	vld.idx.msk [tilespmem:v23+s15+$0x0], $0xffff;
	[tilespmem:s12+$0x40] =	vst v43  }
0x85f: {  	v35 =	vld [tilespmem:s14+$0xFFFFFF40];
	[tilespmem:s12+$0xC0] =	vst v28  }
.Ltmp8:
0x860: {  	[tilespmem:s12+$0x140] =	vst v38;
	v27 =	vld.idx.msk [tilespmem:v39+s15+$0x0], $0xffff;
	(pc) =	sbr.rel @p1 .LBB2_9-.Ltmp8, $4  }
0x861: {  	[tilespmem:s12+$0x1C0] =	vst v24;
	v23 =	vld.idx.msk [tilespmem:v40+s15+$0x0], $0xffff  }
0x862: {  	[tilespmem:s12+$0x240] =	vst v26;
	v24 =	vld.idx.msk [tilespmem:v41+s15+$0x0], $0xffff  }
0x863: {  	[tilespmem:s12+$0x2C0] =	vst v32;
	v26 =	vld.idx.msk [tilespmem:v42+s15+$0x0], $0xffff  }
0x864: {  	s14 =	sadd.s32 $0x100, s14;
	v38 =	vadd.s32 $0x3E8, v35;
	v37 =	vadd.s32 $0x7D0, v35;
	v36 =	vadd.s32 $0xBB8, v35;
	[tilespmem:s12+$0x340] =	vst v44;
	v28 =	vld.idx.msk [tilespmem:v45+s15+$0x0], $0xffff  }
0x865: {  	[tilespmem:s12+$0x3C0] =	vst v33  }
0x866: {  	v32 =	vld [tilespmem:s10+$0xFFFFFFE0];
	_ =	sdelay $0x4  }
0x867: {  	v52 =	vadd.s32 $0x3E8, v32  }
0x868: {  	v34 =	vadd.s32 $0x7D0, v32  }
0x869: {  	v39 =	vadd.s32 $0xBB8, v32  }
0x86a: {  	v40 =	vadd.s32 $0xFA0, v32  }
0x86b: {  	v42 =	vadd.s32 $0x1388, v32;
	v41 =	vld.idx.msk [tilespmem:v32+s15+$0x0], $0xffff  }
0x86c: {  	v43 =	vadd.s32 $0x1770, v32;
	v33 =	vld.idx.msk [tilespmem:v52+s15+$0x0], $0xffff  }
0x86d: {  	v32 =	vadd.s32 $0x1B58, v32;
	v34 =	vld.idx.msk [tilespmem:v34+s15+$0x0], $0xffff  }
0x86e: {  	v39 =	vld.idx.msk [tilespmem:v39+s15+$0x0], $0xffff  }
0x86f: {  	v40 =	vld.idx.msk [tilespmem:v40+s15+$0x0], $0xffff  }
0x870: {  	v42 =	vld.idx.msk [tilespmem:v42+s15+$0x0], $0xffff  }
0x871: {  	v43 =	vld.idx.msk [tilespmem:v43+s15+$0x0], $0xffff  }
0x872: {  	v32 =	vld.idx.msk [tilespmem:v32+s15+$0x0], $0xffff;
	[tilespmem:s12+$0x50] =	vst v41  }
0x873: {  	[tilespmem:s12+$0xD0] =	vst v33  }
0x874: {  	[tilespmem:s12+$0x150] =	vst v34  }
0x875: {  	[tilespmem:s12+$0x1D0] =	vst v39  }
0x876: {  	[tilespmem:s12+$0x250] =	vst v40  }
0x877: {  	[tilespmem:s12+$0x2D0] =	vst v42  }
0x878: {  	[tilespmem:s12+$0x350] =	vst v43  }
0x879: {  	[tilespmem:s12+$0x3D0] =	vst v32  }
0x87a: {  	v32 =	vld [tilespmem:s10+$0xFFFFFFF0];
	_ =	sdelay $0x1  }
0x87b: {  	v59 =	vld.idx.msk [tilespmem:v35+s15+$0x0], $0xffff  }
0x87c: {  	v44 =	vadd.s32 $0xFA0, v35;
	v38 =	vld.idx.msk [tilespmem:v38+s15+$0x0], $0xffff;
	[tilespmem:s6+$0xF0] =	vst v13  }
0x87d: {  	v62 =	vld.idx.msk [tilespmem:v37+s15+$0x0], $0xffff;
	[tilespmem:s6+$0x170] =	vst v14  }
0x87e: {  	v36 =	vld.idx.msk [tilespmem:v36+s15+$0x0], $0xffff;
	[tilespmem:s6+$0x1F0] =	vst v11;
	v53 =	vadd.s32 $0x3E8, v32  }
0x87f: {  	[tilespmem:s6+$0x270] =	vst v10;
	v25 =	vld.idx.msk [tilespmem:v25+s15+$0x0], $0xffff;
	v54 =	vadd.s32 $0x7D0, v32  }
0x880: {  	[tilespmem:s6+$0x2F0] =	vst v12;
	v15 =	vld.idx.msk [tilespmem:v15+s15+$0x0], $0xffff;
	v57 =	vadd.s32 $0x1388, v32  }
0x881: {  	[tilespmem:s6+$0x370] =	vst v9;
	v63 =	vld.idx.msk [tilespmem:v44+s15+$0x0], $0xffff;
	v55 =	vadd.s32 $0xBB8, v32  }
0x882: {  	[tilespmem:s23+$0xFFFFFC70] =	vst v16;
	v56 =	vadd.s32 $0xFA0, v32;
	v41 =	vld.idx.msk [tilespmem:v32+s15+$0x0], $0xffff  }
0x883: {  	[tilespmem:s6+$0x70] =	vst v5;
	v58 =	vadd.s32 $0x1770, v32;
	v33 =	vld.idx.msk [tilespmem:v53+s15+$0x0], $0xffff  }
0x884: {  	[tilespmem:s29+$0xFFFFFCE0] =	vst v21;
	v32 =	vadd.s32 $0x1B58, v32;
	v34 =	vld.idx.msk [tilespmem:v54+s15+$0x0], $0xffff  }
0x885: {  	v45 =	vadd.s32 $0x1388, v35;
	[tilespmem:s29+$0xFFFFFD60] =	vst v17;
	v42 =	vld.idx.msk [tilespmem:v57+s15+$0x0], $0xffff  }
0x886: {  	v60 =	vadd.s32 $0x1770, v35;
	[tilespmem:s29+$0xFFFFFDE0] =	vst v18;
	v39 =	vld.idx.msk [tilespmem:v55+s15+$0x0], $0xffff  }
0x887: {  	v61 =	vadd.s32 $0x1B58, v35;
	[tilespmem:s29+$0xFFFFFE60] =	vst v19;
	v40 =	vld.idx.msk [tilespmem:v56+s15+$0x0], $0xffff  }
0x888: {  	[tilespmem:s29+$0xFFFFFEE0] =	vst v20;
	v43 =	vld.idx.msk [tilespmem:v58+s15+$0x0], $0xffff  }
0x889: {  	v32 =	vld.idx.msk [tilespmem:v32+s15+$0x0], $0xffff;
	[tilespmem:s12+$0xE0] =	vst v33  }
0x88a: {  	[tilespmem:s12+$0x2E0] =	vst v42;
	v42 =	vld.idx.msk [tilespmem:v45+s15+$0x0], $0xffff  }
0x88b: {  	[tilespmem:s12+$0x160] =	vst v34;
	v33 =	vld.idx.msk [tilespmem:v60+s15+$0x0], $0xffff  }
0x88c: {  	v34 =	vld.idx.msk [tilespmem:v61+s15+$0x0], $0xffff;
	[tilespmem:s12+$0xFFFFFCB0] =	vst v38  }
0x88d: {  	[tilespmem:s12+$0xFFFFFD30] =	vst v62  }
0x88e: {  	[tilespmem:s12+$0xFFFFFDB0] =	vst v36  }
0x88f: {  	[tilespmem:s12+$0xFFFFFE30] =	vst v63  }
0x890: {  	[tilespmem:s12+$0xFFFFFC30] =	vst v59  }
0x891: {  	v7 =	vld.idx.msk [tilespmem:v7+s15+$0x0], $0xffff;
	[tilespmem:s12+$0xFFFFFEB0] =	vst v42  }
0x892: {  	v8 =	vld.idx.msk [tilespmem:v8+s15+$0x0], $0xffff;
	[tilespmem:s12+$0xFFFFFF30] =	vst v33  }
0x893: {  	v6 =	vld.idx.msk [tilespmem:v6+s15+$0x0], $0xffff;
	[tilespmem:s12+$0xFFFFFFB0] =	vst v34  }
0x894: {  	[tilespmem:s29+$0xFFFFFF60] =	vst v22;
	v38 =	vld [tilespmem:s10+$0xFFFFFF50]  }
0x895: {  	v0 =	vld.idx.msk [tilespmem:v0+s15+$0x0], $0xffff;
	[tilespmem:s24+$0xFFFFFCF0] =	vst v1  }
0x896: {  	[tilespmem:s24+$0xFFFFFD70] =	vst v2  }
0x897: {  	[tilespmem:s12+$0x60] =	vst v41  }
0x898: {  	[tilespmem:s12+$0x1E0] =	vst v39  }
0x899: {  	v30 =	vld.idx.msk [tilespmem:v30+s15+$0x0], $0xffff;
	[tilespmem:s12+$0x260] =	vst v40;
	v54 =	vadd.s32 $0x3E8, v38  }
0x89a: {  	v31 =	vld.idx.msk [tilespmem:v31+s15+$0x0], $0xffff;
	[tilespmem:s12+$0x360] =	vst v43;
	v55 =	vadd.s32 $0x7D0, v38  }
0x89b: {  	v45 =	vld.idx.msk [tilespmem:v29+s15+$0x0], $0xffff;
	[tilespmem:s12+$0x3E0] =	vst v32;
	v56 =	vadd.s32 $0xBB8, v38  }
0x89c: {  	[tilespmem:s6+$0xFFFFFCD0] =	vst v27;
	v32 =	vld [tilespmem:s10+$0x0];
	v57 =	vadd.s32 $0xFA0, v38  }
0x89d: {  	[tilespmem:s6+$0xFFFFFD50] =	vst v23;
	v58 =	vadd.s32 $0x1388, v38;
	v63 =	vld.idx.msk [tilespmem:v38+s15+$0x0], $0xffff  }
0x89e: {  	[tilespmem:s6+$0xFFFFFDD0] =	vst v24;
	v59 =	vadd.s32 $0x1770, v38;
	v13 =	vld.idx.msk [tilespmem:v54+s15+$0x0], $0xffff  }
0x89f: {  	[tilespmem:s6+$0xFFFFFE50] =	vst v26;
	v60 =	vadd.s32 $0x1B58, v38;
	v16 =	vld.idx.msk [tilespmem:v55+s15+$0x0], $0xffff  }
0x8a0: {  	[tilespmem:s6+$0xFFFFFED0] =	vst v28;
	v61 =	vld.idx.msk [tilespmem:v56+s15+$0x0], $0xffff  }
0x8a1: {  	[tilespmem:s6+$0xFFFFFF50] =	vst v30;
	v62 =	vld.idx.msk [tilespmem:v57+s15+$0x0], $0xffff  }
0x8a2: {  	[tilespmem:s6+$0xFFFFFFD0] =	vst v31;
	v27 =	vld.idx.msk [tilespmem:v58+s15+$0x0], $0xffff  }
0x8a3: {  	[tilespmem:s6+$0xFFFFFC50] =	vst v45;
	v43 =	vadd.s32 $0x1B58, v32;
	v23 =	vld.idx.msk [tilespmem:v59+s15+$0x0], $0xffff  }
0x8a4: {  	v44 =	vadd.s32 $0x3E8, v32;
	v24 =	vld.idx.msk [tilespmem:v60+s15+$0x0], $0xffff;
	[tilespmem:s12+$0xFFFFFC40] =	vst v63  }
0x8a5: {  	v46 =	vadd.s32 $0x7D0, v32;
	[tilespmem:s12+$0xFFFFFCC0] =	vst v13  }
0x8a6: {  	v26 =	vld [tilespmem:s0+$0xFFFFFF70];
	v47 =	vadd.s32 $0xBB8, v32;
	[tilespmem:s12+$0xFFFFFD40] =	vst v16  }
0x8a7: {  	v29 =	vld.idx.msk [tilespmem:v32+s15+$0x0], $0xffff;
	[tilespmem:s12+$0xFFFFFDC0] =	vst v61  }
0x8a8: {  	v48 =	vadd.s32 $0xFA0, v32;
	v35 =	vld.idx.msk [tilespmem:v43+s15+$0x0], $0xffff;
	[tilespmem:s12+$0xFFFFFE40] =	vst v62  }
0x8a9: {  	v49 =	vadd.s32 $0x1388, v32;
	v50 =	vld.idx.msk [tilespmem:v44+s15+$0x0], $0xffff;
	[tilespmem:s12+$0xFFFFFEC0] =	vst v27  }
0x8aa: {  	v51 =	vld.idx.msk [tilespmem:v46+s15+$0x0], $0xffff;
	[tilespmem:s12+$0xFFFFFF40] =	vst v23  }
0x8ab: {  	v39 =	vadd.s32 $0x3E8, v26;
	v52 =	vld.idx.msk [tilespmem:v47+s15+$0x0], $0xffff;
	[tilespmem:s12+$0xFFFFFFC0] =	vst v24  }
0x8ac: {  	[tilespmem:s24+$0xFFFFFDF0] =	vst v3;
	v13 =	vld [tilespmem:s10+$0xFFFFFF60]  }
0x8ad: {  	[tilespmem:s24+$0xFFFFFE70] =	vst v4;
	v32 =	vadd.s32 $0x1770, v32;
	v53 =	vld.idx.msk [tilespmem:v48+s15+$0x0], $0xffff  }
0x8ae: {  	[tilespmem:s29+$0xFFFFFFE0] =	vst v25;
	v41 =	vadd.s32 $0x7D0, v26;
	v14 =	vld.idx.msk [tilespmem:v49+s15+$0x0], $0xffff  }
0x8af: {  	[tilespmem:s29+$0xFFFFFC60] =	vst v15;
	v2 =	vld.idx.msk [tilespmem:v26+s15+$0x0], $0xffff  }
0x8b0: {  	[tilespmem:s24+$0xFFFFFEF0] =	vst v7;
	v49 =	vld.idx.msk [tilespmem:v39+s15+$0x0], $0xffff  }
0x8b1: {  	[tilespmem:s24+$0xFFFFFF70] =	vst v8;
	v59 =	vld [tilespmem:s30+$0xFFFFFF80];
	v21 =	vadd.s32 $0x3E8, v13  }
0x8b2: {  	[tilespmem:s24+$0xFFFFFFF0] =	vst v6;
	v5 =	vld.idx.msk [tilespmem:v32+s15+$0x0], $0xffff;
	v22 =	vadd.s32 $0x7D0, v13  }
0x8b3: {  	[tilespmem:s12+$0x170] =	vst v51;
	v51 =	vld.idx.msk [tilespmem:v41+s15+$0x0], $0xffff;
	v23 =	vadd.s32 $0xBB8, v13  }
0x8b4: {  	[tilespmem:s24+$0xFFFFFC70] =	vst v0;
	v24 =	vld [tilespmem:s28+$0xFFFFFF80];
	v25 =	vadd.s32 $0xFA0, v13  }
0x8b5: {  	[tilespmem:s12+$0x70] =	vst v29;
	v27 =	vadd.s32 $0x1388, v13;
	v42 =	vld.idx.msk [tilespmem:v13+s15+$0x0], $0xffff  }
0x8b6: {  	[tilespmem:s12+$0x3F0] =	vst v35;
	v28 =	vadd.s32 $0x1770, v13;
	v30 =	vld.idx.msk [tilespmem:v21+s15+$0x0], $0xffff  }
0x8b7: {  	[tilespmem:s12+$0xF0] =	vst v50;
	v31 =	vadd.s32 $0x1B58, v13;
	v32 =	vld.idx.msk [tilespmem:v22+s15+$0x0], $0xffff  }
0x8b8: {  	v44 =	vadd.s32 $0xBB8, v26;
	[tilespmem:s12+$0x1F0] =	vst v52;
	v33 =	vld.idx.msk [tilespmem:v23+s15+$0x0], $0xffff  }
0x8b9: {  	v46 =	vadd.s32 $0xFA0, v26;
	[tilespmem:s12+$0x270] =	vst v53;
	v35 =	vld.idx.msk [tilespmem:v25+s15+$0x0], $0xffff  }
0x8ba: {  	v48 =	vadd.s32 $0x1388, v26;
	[tilespmem:s12+$0x2F0] =	vst v14;
	v37 =	vld.idx.msk [tilespmem:v27+s15+$0x0], $0xffff  }
0x8bb: {  	v50 =	vadd.s32 $0x1770, v26;
	[tilespmem:s12+$0x370] =	vst v5;
	v3 =	vld.idx.msk [tilespmem:v28+s15+$0x0], $0xffff  }
0x8bc: {  	v52 =	vadd.s32 $0x1B58, v26;
	v40 =	vld.idx.msk [tilespmem:v31+s15+$0x0], $0xffff;
	[tilespmem:s12+$0xFFFFFC50] =	vst v42  }
0x8bd: {  	v15 =	vld.idx.msk [tilespmem:v44+s15+$0x0], $0xffff;
	[tilespmem:s12+$0xFFFFFCD0] =	vst v30  }
0x8be: {  	v53 =	vld.idx.msk [tilespmem:v46+s15+$0x0], $0xffff;
	v34 =	vadd.s32 $0x3E8, v24;
	[tilespmem:s12+$0xFFFFFD50] =	vst v32  }
0x8bf: {  	v11 =	vld.idx.msk [tilespmem:v48+s15+$0x0], $0xffff;
	[tilespmem:s12+$0xFFFFFDD0] =	vst v33  }
0x8c0: {  	v6 =	vld.idx.msk [tilespmem:v50+s15+$0x0], $0xffff;
	v36 =	vadd.s32 $0x7D0, v24;
	[tilespmem:s12+$0xFFFFFE50] =	vst v35  }
0x8c1: {  	v57 =	vld.idx.msk [tilespmem:v52+s15+$0x0], $0xffff;
	v38 =	vadd.s32 $0xBB8, v24;
	[tilespmem:s12+$0xFFFFFED0] =	vst v37  }
0x8c2: {  	v54 =	vadd.s32 $0xFA0, v24;
	v1 =	vld.idx.msk [tilespmem:v24+s15+$0x0], $0xffff;
	[tilespmem:s12+$0xFFFFFF50] =	vst v3  }
0x8c3: {  	v55 =	vadd.s32 $0x1388, v24;
	v43 =	vld.idx.msk [tilespmem:v34+s15+$0x0], $0xffff;
	[tilespmem:s12+$0xFFFFFFD0] =	vst v40  }
0x8c4: {  	[tilespmem:s6+$0xFFFFFCE0] =	vst v49;
	v56 =	vadd.s32 $0x1770, v24;
	v9 =	vld [tilespmem:s10+$0xFFFFFF70]  }
0x8c5: {  	[tilespmem:s6+$0xFFFFFD60] =	vst v51;
	v58 =	vadd.s32 $0x1B58, v24;
	v45 =	vld.idx.msk [tilespmem:v36+s15+$0x0], $0xffff  }
0x8c6: {  	v26 =	vadd.s32 $0xBB8, v59;
	[tilespmem:s6+$0xFFFFFDE0] =	vst v15;
	v47 =	vld.idx.msk [tilespmem:v38+s15+$0x0], $0xffff  }
0x8c7: {  	[tilespmem:s6+$0xFFFFFE60] =	vst v53;
	v12 =	vld.idx.msk [tilespmem:v54+s15+$0x0], $0xffff  }
0x8c8: {  	[tilespmem:s6+$0xFFFFFEE0] =	vst v11;
	v14 =	vld.idx.msk [tilespmem:v55+s15+$0x0], $0xffff  }
0x8c9: {  	[tilespmem:s6+$0xFFFFFC60] =	vst v2;
	v5 =	vld.idx.msk [tilespmem:v56+s15+$0x0], $0xffff;
	v60 =	vadd.s32 $0x3E8, v9  }
0x8ca: {  	[tilespmem:s6+$0xFFFFFF60] =	vst v6;
	v16 =	vld.idx.msk [tilespmem:v58+s15+$0x0], $0xffff;
	v61 =	vadd.s32 $0x7D0, v9  }
0x8cb: {  	[tilespmem:s6+$0xFFFFFFE0] =	vst v57;
	v34 =	vld.idx.msk [tilespmem:v26+s15+$0x0], $0xffff;
	v62 =	vadd.s32 $0xBB8, v9  }
0x8cc: {  	v31 =	vld [tilespmem:s0+$0xFFFFFF80];
	[tilespmem:s26+$0xFFFFFC70] =	vst v1;
	v63 =	vadd.s32 $0xFA0, v9  }
0x8cd: {  	[tilespmem:s26+$0xFFFFFCF0] =	vst v43;
	v20 =	vadd.s32 $0x1388, v9;
	v29 =	vld.idx.msk [tilespmem:v9+s15+$0x0], $0xffff  }
0x8ce: {  	[tilespmem:s26+$0xFFFFFD70] =	vst v45;
	v21 =	vadd.s32 $0x1770, v9;
	v10 =	vld.idx.msk [tilespmem:v60+s15+$0x0], $0xffff  }
0x8cf: {  	[tilespmem:s26+$0xFFFFFDF0] =	vst v47;
	v22 =	vadd.s32 $0x1B58, v9;
	v23 =	vld.idx.msk [tilespmem:v61+s15+$0x0], $0xffff  }
0x8d0: {  	v24 =	vadd.s32 $0x3E8, v59;
	[tilespmem:s26+$0xFFFFFE70] =	vst v12;
	v3 =	vld.idx.msk [tilespmem:v62+s15+$0x0], $0xffff  }
0x8d1: {  	[tilespmem:s26+$0xFFFFFEF0] =	vst v14;
	v11 =	vld.idx.msk [tilespmem:v63+s15+$0x0], $0xffff  }
0x8d2: {  	v25 =	vadd.s32 $0x7D0, v59;
	[tilespmem:s26+$0xFFFFFF70] =	vst v5;
	v6 =	vld.idx.msk [tilespmem:v20+s15+$0x0], $0xffff  }
0x8d3: {  	v28 =	vadd.s32 $0xFA0, v59;
	[tilespmem:s26+$0xFFFFFFF0] =	vst v16;
	v0 =	vld.idx.msk [tilespmem:v21+s15+$0x0], $0xffff  }
0x8d4: {  	v30 =	vadd.s32 $0x1388, v59;
	v27 =	vld.idx.msk [tilespmem:v22+s15+$0x0], $0xffff;
	[tilespmem:s12+$0xFFFFFC60] =	vst v29  }
0x8d5: {  	v4 =	vld.idx.msk [tilespmem:v24+s15+$0x0], $0xffff;
	v32 =	vadd.s32 $0x1770, v59;
	[tilespmem:s12+$0xFFFFFCE0] =	vst v10  }
0x8d6: {  	v42 =	vld.idx.msk [tilespmem:v59+s15+$0x0], $0xffff;
	v33 =	vadd.s32 $0x1B58, v59;
	[tilespmem:s12+$0xFFFFFD60] =	vst v23  }
0x8d7: {  	v7 =	vld.idx.msk [tilespmem:v25+s15+$0x0], $0xffff;
	[tilespmem:s12+$0xFFFFFDE0] =	vst v3  }
0x8d8: {  	v35 =	vld.idx.msk [tilespmem:v28+s15+$0x0], $0xffff;
	[tilespmem:s12+$0xFFFFFE60] =	vst v11  }
0x8d9: {  	v40 =	vadd.s32 $0xBB8, v31;
	v36 =	vld.idx.msk [tilespmem:v30+s15+$0x0], $0xffff;
	[tilespmem:s12+$0xFFFFFEE0] =	vst v6  }
0x8da: {  	v37 =	vadd.s32 $0x3E8, v31;
	v38 =	vld.idx.msk [tilespmem:v32+s15+$0x0], $0xffff;
	[tilespmem:s12+$0xFFFFFF60] =	vst v0  }
0x8db: {  	v41 =	vadd.s32 $0xFA0, v31;
	v2 =	vld.idx.msk [tilespmem:v33+s15+$0x0], $0xffff;
	[tilespmem:s12+$0xFFFFFFE0] =	vst v27  }
0x8dc: {  	v43 =	vadd.s32 $0x1388, v31;
	[tilespmem:s29+$0xFFFFFCF0] =	vst v4;
	v13 =	vld [tilespmem:s10+$0xFFFFFF80]  }
0x8dd: {  	v44 =	vadd.s32 $0x1770, v31;
	v55 =	vld.idx.msk [tilespmem:v31+s15+$0x0], $0xffff;
	[tilespmem:s29+$0xFFFFFD70] =	vst v7  }
0x8de: {  	v45 =	vadd.s32 $0x1B58, v31;
	v46 =	vld.idx.msk [tilespmem:v40+s15+$0x0], $0xffff;
	[tilespmem:s29+$0xFFFFFDF0] =	vst v34  }
0x8df: {  	v39 =	vadd.s32 $0x7D0, v31;
	[tilespmem:s29+$0xFFFFFE70] =	vst v35;
	v9 =	vld.idx.msk [tilespmem:v37+s15+$0x0], $0xffff  }
0x8e0: {  	v47 =	vld.idx.msk [tilespmem:v41+s15+$0x0], $0xffff;
	[tilespmem:s29+$0xFFFFFC70] =	vst v42  }
0x8e1: {  	v49 =	vld.idx.msk [tilespmem:v43+s15+$0x0], $0xffff;
	[tilespmem:s29+$0xFFFFFEF0] =	vst v36;
	v48 =	vadd.s32 $0x3E8, v13  }
0x8e2: {  	v51 =	vld.idx.msk [tilespmem:v44+s15+$0x0], $0xffff;
	[tilespmem:s29+$0xFFFFFF70] =	vst v38;
	v50 =	vadd.s32 $0x7D0, v13  }
0x8e3: {  	v53 =	vld.idx.msk [tilespmem:v45+s15+$0x0], $0xffff;
	[tilespmem:s29+$0xFFFFFFF0] =	vst v2;
	v52 =	vadd.s32 $0xBB8, v13  }
0x8e4: {  	v10 =	vld.idx.msk [tilespmem:v39+s15+$0x0], $0xffff;
	[tilespmem:s6+$0xFFFFFCF0] =	vst v9;
	v54 =	vadd.s32 $0xFA0, v13  }
0x8e5: {  	[tilespmem:s6+$0xFFFFFDF0] =	vst v46;
	v56 =	vadd.s32 $0x1388, v13;
	v63 =	vld.idx.msk [tilespmem:v13+s15+$0x0], $0xffff  }
0x8e6: {  	[tilespmem:s6+$0xFFFFFE70] =	vst v47;
	v57 =	vadd.s32 $0x1770, v13;
	v5 =	vld.idx.msk [tilespmem:v48+s15+$0x0], $0xffff  }
0x8e7: {  	[tilespmem:s6+$0xFFFFFEF0] =	vst v49;
	v58 =	vadd.s32 $0x1B58, v13;
	v8 =	vld.idx.msk [tilespmem:v50+s15+$0x0], $0xffff  }
0x8e8: {  	[tilespmem:s6+$0xFFFFFF70] =	vst v51;
	v59 =	vld.idx.msk [tilespmem:v52+s15+$0x0], $0xffff  }
0x8e9: {  	[tilespmem:s6+$0xFFFFFFF0] =	vst v53;
	v4 =	vld.idx.msk [tilespmem:v54+s15+$0x0], $0xffff  }
0x8ea: {  	[tilespmem:s6+$0xFFFFFC70] =	vst v55;
	v60 =	vld.idx.msk [tilespmem:v56+s15+$0x0], $0xffff  }
0x8eb: {  	[tilespmem:s6+$0xFFFFFD70] =	vst v10;
	v61 =	vld.idx.msk [tilespmem:v57+s15+$0x0], $0xffff  }
0x8ec: {  	v62 =	vld.idx.msk [tilespmem:v58+s15+$0x0], $0xffff;
	[tilespmem:s12+$0xFFFFFC70] =	vst v63  }
0x8ed: {  	[tilespmem:s12+$0xFFFFFCF0] =	vst v5  }
0x8ee: {  	p1 =	seq.s32 s21, $0x0;
	[tilespmem:s12+$0xFFFFFD70] =	vst v8  }
.Ltmp9:
0x8ef: {  	[tilespmem:s12+$0xFFFFFDF0] =	vst v59;
	(pc) =	sbr.rel @p1 .LBB2_14-.Ltmp9, $4  }
0x8f0: {  	[tilespmem:s12+$0xFFFFFE70] =	vst v4  }
0x8f1: {  	[tilespmem:s12+$0xFFFFFEF0] =	vst v60  }
0x8f2: {  	[tilespmem:s12+$0xFFFFFF70] =	vst v61  }
0x8f3: {  	s0 =	smov.u32 s1;
	[tilespmem:s12+$0xFFFFFFF0] =	vst v62  }
0x8f4: {  	p1 =	seq.s32 s21, $0x2  }
.Ltmp10:
0x8f5: {  	_ = 	snop;
	(pc) =	sbr.rel @p1 .LBB2_13-.Ltmp10, $1  }
0x8f6: {  	_ =	sdelay $0x3  }
0x8f7: {  	p1 =	sne.s32 s21, $0x1  }
.Ltmp11:
0x8f8: {  	_ = 	snop;
	(pc) =	sbr.rel @p1 .LBB2_15-.Ltmp11, $4  }
.Ltmp12:
0x8f9: {  	_ = 	snop;
	(pc) =	sbr.rel @!p1 .LBB2_14-.Ltmp12, $4  }
0x8fa: {  	_ = 	snop  }
0x8fb: {  	_ = 	snop  }
0x8fc: {  	s0 =	smov.u32 s2  }
0x8fd: {  	_ = 	snop  }
.LBB2_17:
0x8fe: {  	_ =	sfence.sel $0x180000  }
0x8ff: {  	[bflag:$0x0] =	sbarrier.arrive $0xFFFF  }
0x900: {  	_ =	strace $0x90000047  }
0x901: {  	s0 =	stileid.u32;
	[bflag:$0x2] =	sbarrier.arrive $0xFFFF  }
0x902: {  	p0 =	sne.s32 s0, $0x0;
	s0 =	rddreg [dreg:$0x4]  }
0x903: {  	s0 =	sadd.s32 @!p0 $0x100000, s0  }
0x904: {  	[sflag:s0] =	ssyncadd.tile.s32 @!p0 $0x1;
	_ =	shalt  }
.Lfunc_end2:
_tile_overlayer_lowered:
.L_overlay_start_2:
0x905: {  	(tag) =	ssettag $0x2  }
0x906: {  	s0 =	rddreg [dreg:$0x0];
	s2 =	stileid.u32  }
0x907: {  	s1 =	rddreg [dreg:$0x1];
	p0 =	sne.s32 s2, $0x0  }
0x908: {  	s3 =	rddreg [dreg:$0x2];
	[bflag:$0x3] =	sbarrier.arrive $0xFFFF;
	s2 =	simm.s32 @!p0 $0x1C03  }
0x909: {  	[timem:s3], [sflag:s2] =	dma.local @!p0 [hbm:s0], s1  }
0x90a: {  	s0 =	simm.s32 @!p0 $0x3  }
0x90b: {  	_ =	swait.ge @!p0 [sflag:s0], s1  }
0x90c: {  	s1 =	ssub.s32 @!p0 $0x0, s1;
	[sflag:s0] =	ssyncset.done @!p0 $0x0  }
0x90d: {  	[sflag:s0] =	ssyncadd.s32 @!p0 s1  }
0x90e: {  	[bflag:$0x3] =	sbarrier.arrive $0xFFFF  }
0x90f: {  	_ =	shalt  }

</sc_bundles>
